<compile_context>
chip_gen: v7x
topology: tpu7x:2x2x1
jax: 0.10.2.dev20260603
libtpu: 0.0.44.dev20260713+nightly
codegen_flags: <defaults>
</compile_context>

<pallas_src>
import jax
import jax.numpy as jnp
from jax import lax
from jax.experimental import pallas as pl
from jax.experimental.pallas import tpu as pltpu
from jax.experimental.pallas import tpu_sc as plsc

N_NODES = 10000
E = 320000
D = 128
NC = 2
NS = 16
NW = NC * NS
CHUNK = 80
TOTAL_CH = E // CHUNK
NCHW = 125
MAIN = 124
NBUF = 4
IBUF = 8
DBUF = 3
CHUNKD = 128
NCHD = 78
TAILD = E // CHUNKD - NW * NCHD
N_PAD = 10112
RPT = N_PAD // NS
N_PAD_DEG = 10240
RPT_DEG = N_PAD_DEG // NS


def _sc_mesh():
    return plsc.VectorSubcoreMesh(
        core_axis_name="c", subcore_axis_name="s", num_cores=NC, num_subcores=NS
    )




def _deg_body(edges_hbm, zrow_hbm, deg_out, idx_v, ones_v, sem_i, sem_s,
              deg_sp):
    c = lax.axis_index("c")
    s = lax.axis_index("s")
    w = c * NS + s
    base = w * NCHD
    pltpu.sync_copy(zrow_hbm, deg_sp.at[pl.ds(s * RPT_DEG, RPT_DEG)])
    for i in range(CHUNKD // 16):
        ones_v[pl.ds(i * 16, 16)] = jnp.ones((16,), jnp.float32)

    def start_idx(j, b):
        pltpu.async_copy(
            edges_hbm.at[:, pl.ds((base + j) * CHUNKD, CHUNKD)],
            idx_v.at[b], sem_i.at[b])

    def wait_idx(j, b):
        pltpu.make_async_copy(
            edges_hbm.at[:, pl.ds((base + j) * CHUNKD, CHUNKD)],
            idx_v.at[b], sem_i.at[b]).wait()

    def start_scat(b):
        pltpu.async_copy(ones_v, deg_sp.at[idx_v.at[b, 1]], sem_s.at[b],
                         add=True)

    def wait_scat(b):
        pltpu.make_async_copy(ones_v, deg_sp.at[idx_v.at[b, 1]],
                              sem_s.at[b]).wait()

    start_idx(0, 0)
    start_idx(1, 1)
    plsc.subcore_barrier()

    @pl.loop(0, NCHD, step=DBUF)
    def _(g):
        for b in range(DBUF):
            j = g + b
            wait_idx(j, b)
            start_scat(b)

            @pl.when(j >= 1)
            def _():
                wait_scat((b - 1) % DBUF)

            @pl.when(j + 2 < NCHD)
            def _():
                start_idx(j + 2, (b + 2) % DBUF)

    wait_scat((NCHD - 1) % DBUF)

    @pl.when(w < TAILD)
    def _():
        pltpu.sync_copy(
            edges_hbm.at[:, pl.ds((NW * NCHD + w) * CHUNKD, CHUNKD)],
            idx_v.at[0])
        pltpu.sync_copy(ones_v, deg_sp.at[idx_v.at[0, 1]], add=True)

    plsc.subcore_barrier()
    pltpu.sync_copy(deg_sp.at[pl.ds(s * RPT_DEG, RPT_DEG)], deg_out.at[c, s])


def _degree_pass(edge_index):
    zrow = jnp.zeros((RPT_DEG,), jnp.float32)
    k = pl.kernel(
        _deg_body,
        out_type=jax.ShapeDtypeStruct((NC, NS, RPT_DEG), jnp.float32),
        mesh=_sc_mesh(),
        scratch_types=[
            pltpu.VMEM((DBUF, 2, CHUNKD), jnp.int32),
            pltpu.VMEM((CHUNKD,), jnp.float32),
            pltpu.SemaphoreType.DMA((DBUF,)),
            pltpu.SemaphoreType.DMA((DBUF,)),
            pltpu.VMEM_SHARED((N_PAD_DEG,), jnp.float32),
        ],
    )
    return k(edge_index, zrow)


def _scat_body(y_hbm, srcl_hbm, dstl_hbm, ztile_hbm, acc_out,
               src_v, dst_v, rows_v, sem_i, sem_g, sem_s, acc_sp):
    c = lax.axis_index("c")
    s = lax.axis_index("s")
    w = c * NS + s
    base = w * NCHW
    pltpu.sync_copy(ztile_hbm, acc_sp.at[pl.ds(s * RPT, RPT)])

    def start_idx(j):
        pltpu.async_copy(srcl_hbm.at[pl.ds((base + j) * CHUNK, CHUNK)],
                         src_v.at[j % IBUF], sem_i.at[j % NBUF])
        pltpu.async_copy(dstl_hbm.at[pl.ds((base + j) * CHUNK, CHUNK)],
                         dst_v.at[j % IBUF], sem_i.at[j % NBUF])

    def wait_idx(j):
        pltpu.make_async_copy(
            srcl_hbm.at[pl.ds((base + j) * CHUNK, CHUNK)],
            src_v.at[j % IBUF], sem_i.at[j % NBUF]).wait()
        pltpu.make_async_copy(
            dstl_hbm.at[pl.ds((base + j) * CHUNK, CHUNK)],
            dst_v.at[j % IBUF], sem_i.at[j % NBUF]).wait()

    def start_gather(j, r):
        pltpu.async_copy(y_hbm.at[src_v.at[j % IBUF]], rows_v.at[r],
                         sem_g.at[r])

    def wait_gather(j, r):
        pltpu.make_async_copy(y_hbm.at[src_v.at[j % IBUF]], rows_v.at[r],
                              sem_g.at[r]).wait()

    def start_scatter(j, r):
        pltpu.async_copy(rows_v.at[r], acc_sp.at[dst_v.at[j % IBUF]],
                         sem_s.at[r], add=True)

    def wait_scatter(j, r):
        pltpu.make_async_copy(rows_v.at[r], acc_sp.at[dst_v.at[j % IBUF]],
                              sem_s.at[r]).wait()

    for b in range(4):
        start_idx(b)
    for b in range(3):
        wait_idx(b)
        start_gather(b, b)
    plsc.subcore_barrier()

    @pl.loop(0, MAIN, step=NBUF)
    def _(g):
        for b in range(NBUF):
            j = g + b
            r = b
            wait_gather(j, r)
            start_scatter(j, r)

            @pl.when(j >= 1)
            def _():
                wait_scatter(j - 1, (r - 1) % NBUF)

            @pl.when(j + 3 < MAIN)
            def _():
                wait_idx(j + 3)
                start_gather(j + 3, (r + 3) % NBUF)

            @pl.when(j + 4 < MAIN)
            def _():
                start_idx(j + 4)

    wait_scatter(MAIN - 1, (MAIN - 1) % NBUF)

    ch = base + MAIN
    pltpu.sync_copy(srcl_hbm.at[pl.ds(ch * CHUNK, CHUNK)], src_v.at[0])
    pltpu.sync_copy(dstl_hbm.at[pl.ds(ch * CHUNK, CHUNK)], dst_v.at[0])
    pltpu.async_copy(y_hbm.at[src_v.at[0]], rows_v.at[0],
                     sem_g.at[0]).wait()
    pltpu.sync_copy(rows_v.at[0], acc_sp.at[dst_v.at[0]], add=True)

    plsc.subcore_barrier()
    pltpu.sync_copy(acc_sp.at[pl.ds(s * RPT, RPT)], acc_out.at[c, s])


def _scatter_pass(y, srcl, dstl):
    ztile = jnp.zeros((RPT, D), jnp.float32)
    k = pl.kernel(
        _scat_body,
        out_type=jax.ShapeDtypeStruct((NC, NS, RPT, D), jnp.float32),
        mesh=_sc_mesh(),
        scratch_types=[
            pltpu.VMEM((IBUF, CHUNK), jnp.int32),
            pltpu.VMEM((IBUF, CHUNK), jnp.int32),
            pltpu.VMEM((NBUF, CHUNK, D), jnp.float32),
            pltpu.SemaphoreType.DMA((IBUF,)),
            pltpu.SemaphoreType.DMA((NBUF,)),
            pltpu.SemaphoreType.DMA((NBUF,)),
            pltpu.VMEM_SHARED((N_PAD, D), jnp.float32),
        ],
    )
    return k(y, srcl, dstl, ztile)



BLK = 2000
DBLK = 1280


def _mm_body(x_ref, w_ref, xw_ref):
    xw_ref[...] = jnp.dot(x_ref[...], w_ref[...],
                          preferred_element_type=jnp.float32)


def _tc_mm(x, W):
    return pl.pallas_call(
        _mm_body,
        grid=(N_NODES // BLK,),
        in_specs=[
            pl.BlockSpec((BLK, D), lambda i: (i, 0)),
            pl.BlockSpec((D, D), lambda i: (0, 0)),
        ],
        out_specs=pl.BlockSpec((BLK, D), lambda i: (i, 0)),
        out_shape=jax.ShapeDtypeStruct((N_NODES, D), jnp.float32),
    )(x, W)


def _dinv_body(deg_ref, dinv_ref):
    d = deg_ref[0:1, :] + deg_ref[1:2, :] + 1.0
    dinv_ref[...] = lax.rsqrt(d).reshape(DBLK, 1)


def _tc_dinv(deg_parts):
    return pl.pallas_call(
        _dinv_body,
        grid=(N_PAD_DEG // DBLK,),
        in_specs=[pl.BlockSpec((NC, DBLK), lambda i: (0, i))],
        out_specs=pl.BlockSpec((DBLK, 1), lambda i: (i, 0)),
        out_shape=jax.ShapeDtypeStruct((N_PAD_DEG, 1), jnp.float32),
    )(deg_parts)


def _scale_body(xw_ref, dinv_ref, y_ref):
    y_ref[...] = dinv_ref[...] * xw_ref[...]


def _tc_scale(xw, dinv):
    return pl.pallas_call(
        _scale_body,
        grid=(N_NODES // BLK,),
        in_specs=[
            pl.BlockSpec((BLK, D), lambda i: (i, 0)),
            pl.BlockSpec((BLK, 1), lambda i: (i, 0)),
        ],
        out_specs=pl.BlockSpec((BLK, D), lambda i: (i, 0)),
        out_shape=jax.ShapeDtypeStruct((N_NODES, D), jnp.float32),
    )(xw, dinv)


def _mid_body(acc_ref, y1_ref, dinv_ref, b_ref, w_ref, y2_ref):
    dinv = dinv_ref[...]
    h = dinv * (acc_ref[0] + acc_ref[1] + y1_ref[...]) + b_ref[...]
    h = jnp.maximum(h, 0.0)
    y2_ref[...] = dinv * jnp.dot(h, w_ref[...],
                                 preferred_element_type=jnp.float32)


def _tc_mid(acc, y1, dinv, b1, W2):
    return pl.pallas_call(
        _mid_body,
        grid=(N_NODES // BLK,),
        in_specs=[
            pl.BlockSpec((NC, BLK, D), lambda i: (0, i, 0)),
            pl.BlockSpec((BLK, D), lambda i: (i, 0)),
            pl.BlockSpec((BLK, 1), lambda i: (i, 0)),
            pl.BlockSpec((1, D), lambda i: (0, 0)),
            pl.BlockSpec((D, D), lambda i: (0, 0)),
        ],
        out_specs=pl.BlockSpec((BLK, D), lambda i: (i, 0)),
        out_shape=jax.ShapeDtypeStruct((N_NODES, D), jnp.float32),
    )(acc, y1, dinv, b1, W2)


def _fin_body(acc_ref, y2_ref, dinv_ref, b_ref, z_ref):
    z_ref[...] = (dinv_ref[...] * (acc_ref[0] + acc_ref[1] + y2_ref[...])
                  + b_ref[...])


def _tc_final(acc, y2, dinv, b2):
    return pl.pallas_call(
        _fin_body,
        grid=(N_NODES // BLK,),
        in_specs=[
            pl.BlockSpec((NC, BLK, D), lambda i: (0, i, 0)),
            pl.BlockSpec((BLK, D), lambda i: (i, 0)),
            pl.BlockSpec((BLK, 1), lambda i: (i, 0)),
            pl.BlockSpec((1, D), lambda i: (0, 0)),
        ],
        out_specs=pl.BlockSpec((BLK, D), lambda i: (i, 0)),
        out_shape=jax.ShapeDtypeStruct((N_NODES, D), jnp.float32),
    )(acc, y2, dinv, b2)




def kernel(x, edge_index, W1, b1, W2, b2):
    b1r = b1.reshape(1, D)
    b2r = b2.reshape(1, D)

    srcl = edge_index[0]
    dstl = edge_index[1]
    deg_parts = _degree_pass(edge_index).reshape(NC, N_PAD_DEG)
    xw1 = _tc_mm(x, W1)
    dinv = _tc_dinv(deg_parts)
    y1 = _tc_scale(xw1, dinv)
    acc1 = _scatter_pass(y1, srcl, dstl).reshape(NC, N_PAD, D)
    y2 = _tc_mid(acc1, y1, dinv, b1r, W2)
    acc2 = _scatter_pass(y2, srcl, dstl).reshape(NC, N_PAD, D)
    return _tc_final(acc2, y2, dinv, b2r)

# --- scband reference (transcript-rebuilt; emitter-appended) ---
"""Pipeline reference for scband-net-180388626678 (READ-ONLY COPY).

The authoritative reference and input builder live on the scoring server;
editing this copy changes nothing except your own understanding.
"""

import jax, jax.numpy as jnp
import numpy as np

N = 10000
E = 320000
D_IN = 128
D_HID = 128
D_OUT = 128


def setup_inputs(seed: int = 0):
    key = jax.random.key(seed)
    k1, k2, k3, k4, k5, k6 = jax.random.split(key, 6)
    x = jax.random.normal(k1, (N, D_IN), dtype=jnp.float32)
    edge_index = jax.random.randint(k2, (2, E), 0, N, dtype=jnp.int32)
    W1 = jax.random.normal(k3, (D_IN, D_HID), dtype=jnp.float32) * (1.0 / np.sqrt(D_IN))
    b1 = jnp.zeros((D_HID,), dtype=jnp.float32)
    W2 = jax.random.normal(k4, (D_HID, D_OUT), dtype=jnp.float32) * (1.0 / np.sqrt(D_HID))
    b2 = jnp.zeros((D_OUT,), dtype=jnp.float32)
    return {"x": x, "edge_index": edge_index, "W1": W1, "b1": b1, "W2": W2, "b2": b2}


def gcn_conv(x, edge_index, W, b, num_nodes):
    # PyG GCNConv: linear transform first, then symmetric-normalized aggregation with self-loops, then bias.
    xw = x @ W
    loop = jnp.arange(num_nodes, dtype=edge_index.dtype)
    src = jnp.concatenate([edge_index[0], loop])
    dst = jnp.concatenate([edge_index[1], loop])
    deg = jnp.zeros((num_nodes,), dtype=xw.dtype).at[dst].add(1.0)
    dinv = jnp.where(deg > 0, jax.lax.rsqrt(jnp.maximum(deg, 1e-12)), 0.0)
    norm = dinv[src] * dinv[dst]
    msg = xw[src] * norm[:, None]
    out = jax.ops.segment_sum(msg, dst, num_segments=num_nodes)
    return out + b


def reference(x, edge_index, W1, b1, W2, b2):
    h = gcn_conv(x, edge_index, W1, b1, N)
    h = jax.nn.relu(h)
    z = gcn_conv(h, edge_index, W2, b2, N)
    return z

if __name__ == "__main__":
    import jax
    _d = setup_inputs()
    print(jax.jit(kernel)(*tuple(_d.values())))

</pallas_src>

<mosaic_0001>
#map = affine_map<(d0, d1) -> (0, 0)>
#map1 = affine_map<(d0, d1) -> (0)>
#map2 = affine_map<(d0, d1) -> (0, 0, 0)>
module attributes {stable_mosaic.version = 14 : i64} {
  func.func @_deg_body(%arg0: i32, %arg1: i32, %arg2: memref<2x320000xi32, #tpu.memory_space<hbm>>, %arg3: memref<640xf32, #tpu.memory_space<hbm>>, %arg4: memref<2x16x640xf32, #tpu.memory_space<hbm>>, %arg5: memref<3x2x128xi32, #tpu.memory_space<vmem>>, %arg6: memref<128xf32, #tpu.memory_space<vmem>>, %arg7: memref<3x!tpu.dma_semaphore, #tpu.memory_space<semaphore_mem>>, %arg8: memref<3x!tpu.dma_semaphore, #tpu.memory_space<semaphore_mem>>, %arg9: memref<10240xf32, #tpu.memory_space<vmem_shared>>) attributes {dimension_semantics = [#tpu.dimension_semantics<core_parallel>, #tpu.dimension_semantics<subcore_parallel>], iteration_bounds = array<i64: 2, 16>, scalar_prefetch = 0 : i64, scratch_operands = 5 : i64, tpu.core_type = #tpu.core_type<sc_vector_subcore>, window_params = [{transform_indices = #map}, {transform_indices = #map1}, {transform_indices = #map2}]} {
    %mul3A = arith.constant 16 : i32
    %mul3A_0 = arith.muli %arg0, %mul3A : i32
    %add3A = arith.addi %mul3A_0, %arg1 : i32
    %mul3A_1 = arith.constant 78 : i32
    %mul3A_2 = arith.muli %add3A, %mul3A_1 : i32
    %mul3A_3 = arith.constant 640 : i32
    %mul3A_4 = arith.muli %arg1, %mul3A_3 : i32
    "tpu.region"() ({
      %run_scoped3A = tpu.sem_alloc : memref<!tpu.dma_semaphore, #tpu.memory_space<semaphore_mem>>
      %dma_start3A_108 = tpu.memref_slice %arg9[%mul3A_4] : memref<10240xf32, #tpu.memory_space<vmem_shared>> -> memref<640xf32, #tpu.memory_space<vmem_shared>>
      tpu.enqueue_dma source(%arg3 : memref<640xf32, #tpu.memory_space<hbm>>) target(%dma_start3A_108 : memref<640xf32, #tpu.memory_space<vmem_shared>>) target_semaphore(%run_scoped3A : memref<!tpu.dma_semaphore, #tpu.memory_space<semaphore_mem>>)
      %dma_wait3A_109 = tpu.memref_slice %arg9[%mul3A_4] : memref<10240xf32, #tpu.memory_space<vmem_shared>> -> memref<640xf32, #tpu.memory_space<vmem_shared>>
      tpu.wait_dma2 semaphore(%run_scoped3A : memref<!tpu.dma_semaphore, #tpu.memory_space<semaphore_mem>>) src(%arg3 : memref<640xf32, #tpu.memory_space<hbm>>) dst(%dma_wait3A_109 : memref<640xf32, #tpu.memory_space<vmem_shared>>)
      tpu.yield
    }) : () -> ()
    %broadcast_in_dim3A = arith.constant 1.000000e+00 : f32
    %broadcast_in_dim3A_5 = vector.broadcast %broadcast_in_dim3A : f32 to vector<16xf32>
    %swap3A = arith.constant 0 : index
    %swap3A_6 = tpu.vector_load %arg6[%swap3A] {strides = array<i32>} : memref<128xf32, #tpu.memory_space<vmem>>, vector<16xf32>,
    %swap3A_7 = vector.shape_cast %swap3A_6 : vector<16xf32> to vector<16xf32>
    %swap3A_8 = vector.shape_cast %broadcast_in_dim3A_5 : vector<16xf32> to vector<16xf32>
    tpu.vector_store %arg6[%swap3A], %swap3A_8 {strides = array<i32>} : memref<128xf32, #tpu.memory_space<vmem>>, vector<16xf32>,
    %broadcast_in_dim3A_9 = arith.constant 1.000000e+00 : f32
    %broadcast_in_dim3A_10 = vector.broadcast %broadcast_in_dim3A_9 : f32 to vector<16xf32>
    %swap3A_11 = arith.constant 16 : index
    %swap3A_12 = tpu.vector_load %arg6[%swap3A_11] {strides = array<i32>} : memref<128xf32, #tpu.memory_space<vmem>>, vector<16xf32>,
    %swap3A_13 = vector.shape_cast %swap3A_12 : vector<16xf32> to vector<16xf32>
    %swap3A_14 = vector.shape_cast %broadcast_in_dim3A_10 : vector<16xf32> to vector<16xf32>
    tpu.vector_store %arg6[%swap3A_11], %swap3A_14 {strides = array<i32>} : memref<128xf32, #tpu.memory_space<vmem>>, vector<16xf32>,
    %broadcast_in_dim3A_15 = arith.constant 1.000000e+00 : f32
    %broadcast_in_dim3A_16 = vector.broadcast %broadcast_in_dim3A_15 : f32 to vector<16xf32>
    %swap3A_17 = arith.constant 32 : index
    %swap3A_18 = tpu.vector_load %arg6[%swap3A_17] {strides = array<i32>} : memref<128xf32, #tpu.memory_space<vmem>>, vector<16xf32>,
    %swap3A_19 = vector.shape_cast %swap3A_18 : vector<16xf32> to vector<16xf32>
    %swap3A_20 = vector.shape_cast %broadcast_in_dim3A_16 : vector<16xf32> to vector<16xf32>
    tpu.vector_store %arg6[%swap3A_17], %swap3A_20 {strides = array<i32>} : memref<128xf32, #tpu.memory_space<vmem>>, vector<16xf32>,
    %broadcast_in_dim3A_21 = arith.constant 1.000000e+00 : f32
    %broadcast_in_dim3A_22 = vector.broadcast %broadcast_in_dim3A_21 : f32 to vector<16xf32>
    %swap3A_23 = arith.constant 48 : index
    %swap3A_24 = tpu.vector_load %arg6[%swap3A_23] {strides = array<i32>} : memref<128xf32, #tpu.memory_space<vmem>>, vector<16xf32>,
    %swap3A_25 = vector.shape_cast %swap3A_24 : vector<16xf32> to vector<16xf32>
    %swap3A_26 = vector.shape_cast %broadcast_in_dim3A_22 : vector<16xf32> to vector<16xf32>
    tpu.vector_store %arg6[%swap3A_23], %swap3A_26 {strides = array<i32>} : memref<128xf32, #tpu.memory_space<vmem>>, vector<16xf32>,
    %broadcast_in_dim3A_27 = arith.constant 1.000000e+00 : f32
    %broadcast_in_dim3A_28 = vector.broadcast %broadcast_in_dim3A_27 : f32 to vector<16xf32>
    %swap3A_29 = arith.constant 64 : index
    %swap3A_30 = tpu.vector_load %arg6[%swap3A_29] {strides = array<i32>} : memref<128xf32, #tpu.memory_space<vmem>>, vector<16xf32>,
    %swap3A_31 = vector.shape_cast %swap3A_30 : vector<16xf32> to vector<16xf32>
    %swap3A_32 = vector.shape_cast %broadcast_in_dim3A_28 : vector<16xf32> to vector<16xf32>
    tpu.vector_store %arg6[%swap3A_29], %swap3A_32 {strides = array<i32>} : memref<128xf32, #tpu.memory_space<vmem>>, vector<16xf32>,
    %broadcast_in_dim3A_33 = arith.constant 1.000000e+00 : f32
    %broadcast_in_dim3A_34 = vector.broadcast %broadcast_in_dim3A_33 : f32 to vector<16xf32>
    %swap3A_35 = arith.constant 80 : index
    %swap3A_36 = tpu.vector_load %arg6[%swap3A_35] {strides = array<i32>} : memref<128xf32, #tpu.memory_space<vmem>>, vector<16xf32>,
    %swap3A_37 = vector.shape_cast %swap3A_36 : vector<16xf32> to vector<16xf32>
    %swap3A_38 = vector.shape_cast %broadcast_in_dim3A_34 : vector<16xf32> to vector<16xf32>
    tpu.vector_store %arg6[%swap3A_35], %swap3A_38 {strides = array<i32>} : memref<128xf32, #tpu.memory_space<vmem>>, vector<16xf32>,
    %broadcast_in_dim3A_39 = arith.constant 1.000000e+00 : f32
    %broadcast_in_dim3A_40 = vector.broadcast %broadcast_in_dim3A_39 : f32 to vector<16xf32>
    %swap3A_41 = arith.constant 96 : index
    %swap3A_42 = tpu.vector_load %arg6[%swap3A_41] {strides = array<i32>} : memref<128xf32, #tpu.memory_space<vmem>>, vector<16xf32>,
    %swap3A_43 = vector.shape_cast %swap3A_42 : vector<16xf32> to vector<16xf32>
    %swap3A_44 = vector.shape_cast %broadcast_in_dim3A_40 : vector<16xf32> to vector<16xf32>
    tpu.vector_store %arg6[%swap3A_41], %swap3A_44 {strides = array<i32>} : memref<128xf32, #tpu.memory_space<vmem>>, vector<16xf32>,
    %broadcast_in_dim3A_45 = arith.constant 1.000000e+00 : f32
    %broadcast_in_dim3A_46 = vector.broadcast %broadcast_in_dim3A_45 : f32 to vector<16xf32>
    %swap3A_47 = arith.constant 112 : index
    %swap3A_48 = tpu.vector_load %arg6[%swap3A_47] {strides = array<i32>} : memref<128xf32, #tpu.memory_space<vmem>>, vector<16xf32>,
    %swap3A_49 = vector.shape_cast %swap3A_48 : vector<16xf32> to vector<16xf32>
    %swap3A_50 = vector.shape_cast %broadcast_in_dim3A_46 : vector<16xf32> to vector<16xf32>
    tpu.vector_store %arg6[%swap3A_47], %swap3A_50 {strides = array<i32>} : memref<128xf32, #tpu.memory_space<vmem>>, vector<16xf32>,
    %add3A_51 = arith.constant 0 : i32
    %add3A_52 = arith.addi %mul3A_2, %add3A_51 : i32
    %mul3A_53 = arith.constant 128 : i32
    %mul3A_54 = arith.muli %add3A_52, %mul3A_53 : i32
    %dma_start3A = arith.constant 0 : i32
    %dma_start3A_55 = arith.constant 0 : i32
    %dma_start3A_56 = arith.constant 0 : i32
    %dma_start3A_57 = arith.constant 0 : i32
    %dma_start3A_58 = tpu.memref_slice %arg5[%dma_start3A, %dma_start3A_56, %dma_start3A_57] : memref<3x2x128xi32, #tpu.memory_space<vmem>> -> memref<1x2x128xi32, #tpu.memory_space<vmem>>
    %dma_start3A_59 = tpu.memref_squeeze %dma_start3A_58 : memref<1x2x128xi32, #tpu.memory_space<vmem>> -> memref<2x128xi32, #tpu.memory_space<vmem>>
    %dma_start3A_60 = arith.constant 0 : i32
    %dma_start3A_61 = tpu.memref_slice %arg2[%dma_start3A_60, %mul3A_54] : memref<2x320000xi32, #tpu.memory_space<hbm>> -> memref<2x128xi32, #tpu.memory_space<hbm>>
    %dma_start3A_62 = tpu.memref_slice %arg7[%dma_start3A_55] : memref<3x!tpu.dma_semaphore, #tpu.memory_space<semaphore_mem>> -> memref<1x!tpu.dma_semaphore, #tpu.memory_space<semaphore_mem>>
    %dma_start3A_63 = tpu.memref_squeeze %dma_start3A_62 : memref<1x!tpu.dma_semaphore, #tpu.memory_space<semaphore_mem>> -> memref<!tpu.dma_semaphore, #tpu.memory_space<semaphore_mem>>
    %dma_start3A_64 = arith.constant 0 : i32
    %dma_start3A_65 = arith.constant 0 : i32
    %dma_start3A_66 = tpu.memref_slice %arg5[%dma_start3A, %dma_start3A_64, %dma_start3A_65] : memref<3x2x128xi32, #tpu.memory_space<vmem>> -> memref<1x2x128xi32, #tpu.memory_space<vmem>>
    %dma_start3A_67 = tpu.memref_squeeze %dma_start3A_66 : memref<1x2x128xi32, #tpu.memory_space<vmem>> -> memref<2x128xi32, #tpu.memory_space<vmem>>
    %dma_start3A_68 = arith.constant 0 : i32
    %dma_start3A_69 = tpu.memref_slice %arg2[%dma_start3A_68, %mul3A_54] : memref<2x320000xi32, #tpu.memory_space<hbm>> -> memref<2x128xi32, #tpu.memory_space<hbm>>
    tpu.enqueue_dma source(%dma_start3A_69 : memref<2x128xi32, #tpu.memory_space<hbm>>) target(%dma_start3A_67 : memref<2x128xi32, #tpu.memory_space<vmem>>) target_semaphore(%dma_start3A_63 : memref<!tpu.dma_semaphore, #tpu.memory_space<semaphore_mem>>)
    %add3A_70 = arith.constant 1 : i32
    %add3A_71 = arith.addi %mul3A_2, %add3A_70 : i32
    %mul3A_72 = arith.constant 128 : i32
    %mul3A_73 = arith.muli %add3A_71, %mul3A_72 : i32
    %dma_start3A_74 = arith.constant 1 : i32
    %dma_start3A_75 = arith.constant 1 : i32
    %dma_start3A_76 = arith.constant 0 : i32
    %dma_start3A_77 = arith.constant 0 : i32
    %dma_start3A_78 = tpu.memref_slice %arg5[%dma_start3A_74, %dma_start3A_76, %dma_start3A_77] : memref<3x2x128xi32, #tpu.memory_space<vmem>> -> memref<1x2x128xi32, #tpu.memory_space<vmem>>
    %dma_start3A_79 = tpu.memref_squeeze %dma_start3A_78 : memref<1x2x128xi32, #tpu.memory_space<vmem>> -> memref<2x128xi32, #tpu.memory_space<vmem>>
    %dma_start3A_80 = arith.constant 0 : i32
    %dma_start3A_81 = tpu.memref_slice %arg2[%dma_start3A_80, %mul3A_73] : memref<2x320000xi32, #tpu.memory_space<hbm>> -> memref<2x128xi32, #tpu.memory_space<hbm>>
    %dma_start3A_82 = tpu.memref_slice %arg7[%dma_start3A_75] : memref<3x!tpu.dma_semaphore, #tpu.memory_space<semaphore_mem>> -> memref<1x!tpu.dma_semaphore, #tpu.memory_space<semaphore_mem>>
    %dma_start3A_83 = tpu.memref_squeeze %dma_start3A_82 : memref<1x!tpu.dma_semaphore, #tpu.memory_space<semaphore_mem>> -> memref<!tpu.dma_semaphore, #tpu.memory_space<semaphore_mem>>
    %dma_start3A_84 = arith.constant 0 : i32
    %dma_start3A_85 = arith.constant 0 : i32
    %dma_start3A_86 = tpu.memref_slice %arg5[%dma_start3A_74, %dma_start3A_84, %dma_start3A_85] : memref<3x2x128xi32, #tpu.memory_space<vmem>> -> memref<1x2x128xi32, #tpu.memory_space<vmem>>
    %dma_start3A_87 = tpu.memref_squeeze %dma_start3A_86 : memref<1x2x128xi32, #tpu.memory_space<vmem>> -> memref<2x128xi32, #tpu.memory_space<vmem>>
    %dma_start3A_88 = arith.constant 0 : i32
    %dma_start3A_89 = tpu.memref_slice %arg2[%dma_start3A_88, %mul3A_73] : memref<2x320000xi32, #tpu.memory_space<hbm>> -> memref<2x128xi32, #tpu.memory_space<hbm>>
    tpu.enqueue_dma source(%dma_start3A_89 : memref<2x128xi32, #tpu.memory_space<hbm>>) target(%dma_start3A_87 : memref<2x128xi32, #tpu.memory_space<vmem>>) target_semaphore(%dma_start3A_83 : memref<!tpu.dma_semaphore, #tpu.memory_space<semaphore_mem>>)
    %barrier3A = arith.constant 0 : index
    tpu.barrier barrier_id(%barrier3A)
    %scan3A = arith.constant 0 : i32
    %scan3A_90 = arith.constant 26 : i32
    %scan3A_91 = arith.addi %scan3A, %scan3A_90 : i32
    %scan3A_92 = arith.constant 1 : i32
    scf.for %scan3A_108 = %scan3A to %scan3A_91 step %scan3A_92  : i32 {
      %mul3A_109 = arith.constant 3 : i32
      %mul3A_110 = arith.muli %scan3A_108, %mul3A_109 : i32
      %add3A_111 = arith.constant 0 : i32
      %add3A_112 = arith.addi %add3A_111, %mul3A_110 : i32
      %add3A_113 = arith.constant 0 : i32
      %add3A_114 = arith.addi %add3A_112, %add3A_113 : i32
      %add3A_115 = arith.addi %mul3A_2, %add3A_114 : i32
      %mul3A_116 = arith.constant 128 : i32
      %mul3A_117 = arith.muli %add3A_115, %mul3A_116 : i32
      %dma_wait3A_118 = arith.constant 0 : i32
      %dma_wait3A_119 = arith.constant 0 : i32
      %dma_wait3A_120 = arith.constant 0 : i32
      %dma_wait3A_121 = arith.constant 0 : i32
      %dma_wait3A_122 = tpu.memref_slice %arg5[%dma_wait3A_118, %dma_wait3A_120, %dma_wait3A_121] : memref<3x2x128xi32, #tpu.memory_space<vmem>> -> memref<1x2x128xi32, #tpu.memory_space<vmem>>
      %dma_wait3A_123 = tpu.memref_squeeze %dma_wait3A_122 : memref<1x2x128xi32, #tpu.memory_space<vmem>> -> memref<2x128xi32, #tpu.memory_space<vmem>>
      %dma_wait3A_124 = arith.constant 0 : i32
      %dma_wait3A_125 = tpu.memref_slice %arg2[%dma_wait3A_124, %mul3A_117] : memref<2x320000xi32, #tpu.memory_space<hbm>> -> memref<2x128xi32, #tpu.memory_space<hbm>>
      %dma_wait3A_126 = tpu.memref_slice %arg7[%dma_wait3A_119] : memref<3x!tpu.dma_semaphore, #tpu.memory_space<semaphore_mem>> -> memref<1x!tpu.dma_semaphore, #tpu.memory_space<semaphore_mem>>
      %dma_wait3A_127 = tpu.memref_squeeze %dma_wait3A_126 : memref<1x!tpu.dma_semaphore, #tpu.memory_space<semaphore_mem>> -> memref<!tpu.dma_semaphore, #tpu.memory_space<semaphore_mem>>
      %dma_wait3A_128 = arith.constant 0 : i32
      %dma_wait3A_129 = arith.constant 0 : i32
      %dma_wait3A_130 = tpu.memref_slice %arg5[%dma_wait3A_118, %dma_wait3A_128, %dma_wait3A_129] : memref<3x2x128xi32, #tpu.memory_space<vmem>> -> memref<1x2x128xi32, #tpu.memory_space<vmem>>
      %dma_wait3A_131 = tpu.memref_squeeze %dma_wait3A_130 : memref<1x2x128xi32, #tpu.memory_space<vmem>> -> memref<2x128xi32, #tpu.memory_space<vmem>>
      %dma_wait3A_132 = arith.constant 0 : i32
      %dma_wait3A_133 = tpu.memref_slice %arg2[%dma_wait3A_132, %mul3A_117] : memref<2x320000xi32, #tpu.memory_space<hbm>> -> memref<2x128xi32, #tpu.memory_space<hbm>>
      tpu.wait_dma2 semaphore(%dma_wait3A_127 : memref<!tpu.dma_semaphore, #tpu.memory_space<semaphore_mem>>) src(%dma_wait3A_133 : memref<2x128xi32, #tpu.memory_space<hbm>>) dst(%dma_wait3A_131 : memref<2x128xi32, #tpu.memory_space<vmem>>)
      %dma_start3A_134 = arith.constant 0 : i32
      %dma_start3A_135 = arith.constant 1 : i32
      %dma_start3A_136 = arith.constant 0 : i32
      %dma_start3A_137 = arith.constant 0 : i32
      %dma_start3A_138 = tpu.memref_slice %arg5[%dma_start3A_134, %dma_start3A_135, %dma_start3A_137] : memref<3x2x128xi32, #tpu.memory_space<vmem>> -> memref<1x1x128xi32, #tpu.memory_space<vmem>>
      %dma_start3A_139 = tpu.memref_squeeze %dma_start3A_138 : memref<1x1x128xi32, #tpu.memory_space<vmem>> -> memref<128xi32, #tpu.memory_space<vmem>>
      %dma_start3A_140 = arith.constant 0 : i32
      %dma_start3A_141 = tpu.memref_slice %arg9[%dma_start3A_140] : memref<10240xf32, #tpu.memory_space<vmem_shared>> -> memref<10240xf32, #tpu.memory_space<vmem_shared>>
      %dma_start3A_142 = tpu.memref_slice %arg8[%dma_start3A_136] : memref<3x!tpu.dma_semaphore, #tpu.memory_space<semaphore_mem>> -> memref<1x!tpu.dma_semaphore, #tpu.memory_space<semaphore_mem>>
      %dma_start3A_143 = tpu.memref_squeeze %dma_start3A_142 : memref<1x!tpu.dma_semaphore, #tpu.memory_space<semaphore_mem>> -> memref<!tpu.dma_semaphore, #tpu.memory_space<semaphore_mem>>
      tpu.enqueue_indirect_dma source(%arg6 : memref<128xf32, #tpu.memory_space<vmem>>) target(%dma_start3A_141 : memref<10240xf32, #tpu.memory_space<vmem_shared>>) offsets(%dma_start3A_139 : memref<128xi32, #tpu.memory_space<vmem>>) semaphore(%dma_start3A_143 : memref<!tpu.dma_semaphore, #tpu.memory_space<semaphore_mem>>) {add = true}
      %ge3A = arith.constant 1 : i32
      %ge3A_144 = arith.cmpi sge, %add3A_114, %ge3A : i32
      %convert_element_type3A_145 = arith.extui %ge3A_144 : i1 to i32
      %cond3A_146 = arith.constant 0 : i32
      %cond3A_147 = arith.cmpi ne, %convert_element_type3A_145, %cond3A_146 : i32
      scf.if %cond3A_147 {
        %dma_wait3A_241 = arith.constant 2 : i32
        %dma_wait3A_242 = arith.constant 1 : i32
        %dma_wait3A_243 = arith.constant 2 : i32
        %dma_wait3A_244 = arith.constant 0 : i32
        %dma_wait3A_245 = tpu.memref_slice %arg5[%dma_wait3A_241, %dma_wait3A_242, %dma_wait3A_244] : memref<3x2x128xi32, #tpu.memory_space<vmem>> -> memref<1x1x128xi32, #tpu.memory_space<vmem>>
        %dma_wait3A_246 = tpu.memref_squeeze %dma_wait3A_245 : memref<1x1x128xi32, #tpu.memory_space<vmem>> -> memref<128xi32, #tpu.memory_space<vmem>>
        %dma_wait3A_247 = arith.constant 0 : i32
        %dma_wait3A_248 = tpu.memref_slice %arg9[%dma_wait3A_247] : memref<10240xf32, #tpu.memory_space<vmem_shared>> -> memref<10240xf32, #tpu.memory_space<vmem_shared>>
        %dma_wait3A_249 = tpu.memref_slice %arg8[%dma_wait3A_243] : memref<3x!tpu.dma_semaphore, #tpu.memory_space<semaphore_mem>> -> memref<1x!tpu.dma_semaphore, #tpu.memory_space<semaphore_mem>>
        %dma_wait3A_250 = tpu.memref_squeeze %dma_wait3A_249 : memref<1x!tpu.dma_semaphore, #tpu.memory_space<semaphore_mem>> -> memref<!tpu.dma_semaphore, #tpu.memory_space<semaphore_mem>>
        tpu.wait_indirect_dma semaphore(%dma_wait3A_250 : memref<!tpu.dma_semaphore, #tpu.memory_space<semaphore_mem>>) src(%arg6 : memref<128xf32, #tpu.memory_space<vmem>>) dst(%dma_wait3A_248 : memref<10240xf32, #tpu.memory_space<vmem_shared>>)
      } else {
      }
      %add3A_148 = arith.constant 2 : i32
      %add3A_149 = arith.addi %add3A_114, %add3A_148 : i32
      %lt3A_150 = arith.constant 78 : i32
      %lt3A_151 = arith.cmpi slt, %add3A_149, %lt3A_150 : i32
      %convert_element_type3A_152 = arith.extui %lt3A_151 : i1 to i32
      %cond3A_153 = arith.constant 0 : i32
      %cond3A_154 = arith.cmpi ne, %convert_element_type3A_152, %cond3A_153 : i32
      scf.if %cond3A_154 {
        %add3A_241 = arith.constant 2 : i32
        %add3A_242 = arith.addi %add3A_114, %add3A_241 : i32
        %add3A_243 = arith.addi %mul3A_2, %add3A_242 : i32
        %mul3A_244 = arith.constant 128 : i32
        %mul3A_245 = arith.muli %add3A_243, %mul3A_244 : i32
        %dma_start3A_246 = arith.constant 2 : i32
        %dma_start3A_247 = arith.constant 2 : i32
        %dma_start3A_248 = arith.constant 0 : i32
        %dma_start3A_249 = arith.constant 0 : i32
        %dma_start3A_250 = tpu.memref_slice %arg5[%dma_start3A_246, %dma_start3A_248, %dma_start3A_249] : memref<3x2x128xi32, #tpu.memory_space<vmem>> -> memref<1x2x128xi32, #tpu.memory_space<vmem>>
        %dma_start3A_251 = tpu.memref_squeeze %dma_start3A_250 : memref<1x2x128xi32, #tpu.memory_space<vmem>> -> memref<2x128xi32, #tpu.memory_space<vmem>>
        %dma_start3A_252 = arith.constant 0 : i32
        %dma_start3A_253 = tpu.memref_slice %arg2[%dma_start3A_252, %mul3A_245] : memref<2x320000xi32, #tpu.memory_space<hbm>> -> memref<2x128xi32, #tpu.memory_space<hbm>>
        %dma_start3A_254 = tpu.memref_slice %arg7[%dma_start3A_247] : memref<3x!tpu.dma_semaphore, #tpu.memory_space<semaphore_mem>> -> memref<1x!tpu.dma_semaphore, #tpu.memory_space<semaphore_mem>>
        %dma_start3A_255 = tpu.memref_squeeze %dma_start3A_254 : memref<1x!tpu.dma_semaphore, #tpu.memory_space<semaphore_mem>> -> memref<!tpu.dma_semaphore, #tpu.memory_space<semaphore_mem>>
        %dma_start3A_256 = arith.constant 0 : i32
        %dma_start3A_257 = arith.constant 0 : i32
        %dma_start3A_258 = tpu.memref_slice %arg5[%dma_start3A_246, %dma_start3A_256, %dma_start3A_257] : memref<3x2x128xi32, #tpu.memory_space<vmem>> -> memref<1x2x128xi32, #tpu.memory_space<vmem>>
        %dma_start3A_259 = tpu.memref_squeeze %dma_start3A_258 : memref<1x2x128xi32, #tpu.memory_space<vmem>> -> memref<2x128xi32, #tpu.memory_space<vmem>>
        %dma_start3A_260 = arith.constant 0 : i32
        %dma_start3A_261 = tpu.memref_slice %arg2[%dma_start3A_260, %mul3A_245] : memref<2x320000xi32, #tpu.memory_space<hbm>> -> memref<2x128xi32, #tpu.memory_space<hbm>>
        tpu.enqueue_dma source(%dma_start3A_261 : memref<2x128xi32, #tpu.memory_space<hbm>>) target(%dma_start3A_259 : memref<2x128xi32, #tpu.memory_space<vmem>>) target_semaphore(%dma_start3A_255 : memref<!tpu.dma_semaphore, #tpu.memory_space<semaphore_mem>>)
      } else {
      }
      %add3A_155 = arith.constant 1 : i32
      %add3A_156 = arith.addi %add3A_112, %add3A_155 : i32
      %add3A_157 = arith.addi %mul3A_2, %add3A_156 : i32
      %mul3A_158 = arith.constant 128 : i32
      %mul3A_159 = arith.muli %add3A_157, %mul3A_158 : i32
      %dma_wait3A_160 = arith.constant 1 : i32
      %dma_wait3A_161 = arith.constant 1 : i32
      %dma_wait3A_162 = arith.constant 0 : i32
      %dma_wait3A_163 = arith.constant 0 : i32
      %dma_wait3A_164 = tpu.memref_slice %arg5[%dma_wait3A_160, %dma_wait3A_162, %dma_wait3A_163] : memref<3x2x128xi32, #tpu.memory_space<vmem>> -> memref<1x2x128xi32, #tpu.memory_space<vmem>>
      %dma_wait3A_165 = tpu.memref_squeeze %dma_wait3A_164 : memref<1x2x128xi32, #tpu.memory_space<vmem>> -> memref<2x128xi32, #tpu.memory_space<vmem>>
      %dma_wait3A_166 = arith.constant 0 : i32
      %dma_wait3A_167 = tpu.memref_slice %arg2[%dma_wait3A_166, %mul3A_159] : memref<2x320000xi32, #tpu.memory_space<hbm>> -> memref<2x128xi32, #tpu.memory_space<hbm>>
      %dma_wait3A_168 = tpu.memref_slice %arg7[%dma_wait3A_161] : memref<3x!tpu.dma_semaphore, #tpu.memory_space<semaphore_mem>> -> memref<1x!tpu.dma_semaphore, #tpu.memory_space<semaphore_mem>>
      %dma_wait3A_169 = tpu.memref_squeeze %dma_wait3A_168 : memref<1x!tpu.dma_semaphore, #tpu.memory_space<semaphore_mem>> -> memref<!tpu.dma_semaphore, #tpu.memory_space<semaphore_mem>>
      %dma_wait3A_170 = arith.constant 0 : i32
      %dma_wait3A_171 = arith.constant 0 : i32
      %dma_wait3A_172 = tpu.memref_slice %arg5[%dma_wait3A_160, %dma_wait3A_170, %dma_wait3A_171] : memref<3x2x128xi32, #tpu.memory_space<vmem>> -> memref<1x2x128xi32, #tpu.memory_space<vmem>>
      %dma_wait3A_173 = tpu.memref_squeeze %dma_wait3A_172 : memref<1x2x128xi32, #tpu.memory_space<vmem>> -> memref<2x128xi32, #tpu.memory_space<vmem>>
      %dma_wait3A_174 = arith.constant 0 : i32
      %dma_wait3A_175 = tpu.memref_slice %arg2[%dma_wait3A_174, %mul3A_159] : memref<2x320000xi32, #tpu.memory_space<hbm>> -> memref<2x128xi32, #tpu.memory_space<hbm>>
      tpu.wait_dma2 semaphore(%dma_wait3A_169 : memref<!tpu.dma_semaphore, #tpu.memory_space<semaphore_mem>>) src(%dma_wait3A_175 : memref<2x128xi32, #tpu.memory_space<hbm>>) dst(%dma_wait3A_173 : memref<2x128xi32, #tpu.memory_space<vmem>>)
      %dma_start3A_176 = arith.constant 1 : i32
      %dma_start3A_177 = arith.constant 1 : i32
      %dma_start3A_178 = arith.constant 1 : i32
      %dma_start3A_179 = arith.constant 0 : i32
      %dma_start3A_180 = tpu.memref_slice %arg5[%dma_start3A_176, %dma_start3A_177, %dma_start3A_179] : memref<3x2x128xi32, #tpu.memory_space<vmem>> -> memref<1x1x128xi32, #tpu.memory_space<vmem>>
      %dma_start3A_181 = tpu.memref_squeeze %dma_start3A_180 : memref<1x1x128xi32, #tpu.memory_space<vmem>> -> memref<128xi32, #tpu.memory_space<vmem>>
      %dma_start3A_182 = arith.constant 0 : i32
      %dma_start3A_183 = tpu.memref_slice %arg9[%dma_start3A_182] : memref<10240xf32, #tpu.memory_space<vmem_shared>> -> memref<10240xf32, #tpu.memory_space<vmem_shared>>
      %dma_start3A_184 = tpu.memref_slice %arg8[%dma_start3A_178] : memref<3x!tpu.dma_semaphore, #tpu.memory_space<semaphore_mem>> -> memref<1x!tpu.dma_semaphore, #tpu.memory_space<semaphore_mem>>
      %dma_start3A_185 = tpu.memref_squeeze %dma_start3A_184 : memref<1x!tpu.dma_semaphore, #tpu.memory_space<semaphore_mem>> -> memref<!tpu.dma_semaphore, #tpu.memory_space<semaphore_mem>>
      tpu.enqueue_indirect_dma source(%arg6 : memref<128xf32, #tpu.memory_space<vmem>>) target(%dma_start3A_183 : memref<10240xf32, #tpu.memory_space<vmem_shared>>) offsets(%dma_start3A_181 : memref<128xi32, #tpu.memory_space<vmem>>) semaphore(%dma_start3A_185 : memref<!tpu.dma_semaphore, #tpu.memory_space<semaphore_mem>>) {add = true}
      %ge3A_186 = arith.constant 1 : i32
      %ge3A_187 = arith.cmpi sge, %add3A_156, %ge3A_186 : i32
      %convert_element_type3A_188 = arith.extui %ge3A_187 : i1 to i32
      %cond3A_189 = arith.constant 0 : i32
      %cond3A_190 = arith.cmpi ne, %convert_element_type3A_188, %cond3A_189 : i32
      scf.if %cond3A_190 {
        %dma_wait3A_241 = arith.constant 0 : i32
        %dma_wait3A_242 = arith.constant 1 : i32
        %dma_wait3A_243 = arith.constant 0 : i32
        %dma_wait3A_244 = arith.constant 0 : i32
        %dma_wait3A_245 = tpu.memref_slice %arg5[%dma_wait3A_241, %dma_wait3A_242, %dma_wait3A_244] : memref<3x2x128xi32, #tpu.memory_space<vmem>> -> memref<1x1x128xi32, #tpu.memory_space<vmem>>
        %dma_wait3A_246 = tpu.memref_squeeze %dma_wait3A_245 : memref<1x1x128xi32, #tpu.memory_space<vmem>> -> memref<128xi32, #tpu.memory_space<vmem>>
        %dma_wait3A_247 = arith.constant 0 : i32
        %dma_wait3A_248 = tpu.memref_slice %arg9[%dma_wait3A_247] : memref<10240xf32, #tpu.memory_space<vmem_shared>> -> memref<10240xf32, #tpu.memory_space<vmem_shared>>
        %dma_wait3A_249 = tpu.memref_slice %arg8[%dma_wait3A_243] : memref<3x!tpu.dma_semaphore, #tpu.memory_space<semaphore_mem>> -> memref<1x!tpu.dma_semaphore, #tpu.memory_space<semaphore_mem>>
        %dma_wait3A_250 = tpu.memref_squeeze %dma_wait3A_249 : memref<1x!tpu.dma_semaphore, #tpu.memory_space<semaphore_mem>> -> memref<!tpu.dma_semaphore, #tpu.memory_space<semaphore_mem>>
        tpu.wait_indirect_dma semaphore(%dma_wait3A_250 : memref<!tpu.dma_semaphore, #tpu.memory_space<semaphore_mem>>) src(%arg6 : memref<128xf32, #tpu.memory_space<vmem>>) dst(%dma_wait3A_248 : memref<10240xf32, #tpu.memory_space<vmem_shared>>)
      } else {
      }
      %add3A_191 = arith.constant 2 : i32
      %add3A_192 = arith.addi %add3A_156, %add3A_191 : i32
      %lt3A_193 = arith.constant 78 : i32
      %lt3A_194 = arith.cmpi slt, %add3A_192, %lt3A_193 : i32
      %convert_element_type3A_195 = arith.extui %lt3A_194 : i1 to i32
      %cond3A_196 = arith.constant 0 : i32
      %cond3A_197 = arith.cmpi ne, %convert_element_type3A_195, %cond3A_196 : i32
      scf.if %cond3A_197 {
        %add3A_241 = arith.constant 2 : i32
        %add3A_242 = arith.addi %add3A_156, %add3A_241 : i32
        %add3A_243 = arith.addi %mul3A_2, %add3A_242 : i32
        %mul3A_244 = arith.constant 128 : i32
        %mul3A_245 = arith.muli %add3A_243, %mul3A_244 : i32
        %dma_start3A_246 = arith.constant 0 : i32
        %dma_start3A_247 = arith.constant 0 : i32
        %dma_start3A_248 = arith.constant 0 : i32
        %dma_start3A_249 = arith.constant 0 : i32
        %dma_start3A_250 = tpu.memref_slice %arg5[%dma_start3A_246, %dma_start3A_248, %dma_start3A_249] : memref<3x2x128xi32, #tpu.memory_space<vmem>> -> memref<1x2x128xi32, #tpu.memory_space<vmem>>
        %dma_start3A_251 = tpu.memref_squeeze %dma_start3A_250 : memref<1x2x128xi32, #tpu.memory_space<vmem>> -> memref<2x128xi32, #tpu.memory_space<vmem>>
        %dma_start3A_252 = arith.constant 0 : i32
        %dma_start3A_253 = tpu.memref_slice %arg2[%dma_start3A_252, %mul3A_245] : memref<2x320000xi32, #tpu.memory_space<hbm>> -> memref<2x128xi32, #tpu.memory_space<hbm>>
        %dma_start3A_254 = tpu.memref_slice %arg7[%dma_start3A_247] : memref<3x!tpu.dma_semaphore, #tpu.memory_space<semaphore_mem>> -> memref<1x!tpu.dma_semaphore, #tpu.memory_space<semaphore_mem>>
        %dma_start3A_255 = tpu.memref_squeeze %dma_start3A_254 : memref<1x!tpu.dma_semaphore, #tpu.memory_space<semaphore_mem>> -> memref<!tpu.dma_semaphore, #tpu.memory_space<semaphore_mem>>
        %dma_start3A_256 = arith.constant 0 : i32
        %dma_start3A_257 = arith.constant 0 : i32
        %dma_start3A_258 = tpu.memref_slice %arg5[%dma_start3A_246, %dma_start3A_256, %dma_start3A_257] : memref<3x2x128xi32, #tpu.memory_space<vmem>> -> memref<1x2x128xi32, #tpu.memory_space<vmem>>
        %dma_start3A_259 = tpu.memref_squeeze %dma_start3A_258 : memref<1x2x128xi32, #tpu.memory_space<vmem>> -> memref<2x128xi32, #tpu.memory_space<vmem>>
        %dma_start3A_260 = arith.constant 0 : i32
        %dma_start3A_261 = tpu.memref_slice %arg2[%dma_start3A_260, %mul3A_245] : memref<2x320000xi32, #tpu.memory_space<hbm>> -> memref<2x128xi32, #tpu.memory_space<hbm>>
        tpu.enqueue_dma source(%dma_start3A_261 : memref<2x128xi32, #tpu.memory_space<hbm>>) target(%dma_start3A_259 : memref<2x128xi32, #tpu.memory_space<vmem>>) target_semaphore(%dma_start3A_255 : memref<!tpu.dma_semaphore, #tpu.memory_space<semaphore_mem>>)
      } else {
      }
      %add3A_198 = arith.constant 2 : i32
      %add3A_199 = arith.addi %add3A_112, %add3A_198 : i32
      %add3A_200 = arith.addi %mul3A_2, %add3A_199 : i32
      %mul3A_201 = arith.constant 128 : i32
      %mul3A_202 = arith.muli %add3A_200, %mul3A_201 : i32
      %dma_wait3A_203 = arith.constant 2 : i32
      %dma_wait3A_204 = arith.constant 2 : i32
      %dma_wait3A_205 = arith.constant 0 : i32
      %dma_wait3A_206 = arith.constant 0 : i32
      %dma_wait3A_207 = tpu.memref_slice %arg5[%dma_wait3A_203, %dma_wait3A_205, %dma_wait3A_206] : memref<3x2x128xi32, #tpu.memory_space<vmem>> -> memref<1x2x128xi32, #tpu.memory_space<vmem>>
      %dma_wait3A_208 = tpu.memref_squeeze %dma_wait3A_207 : memref<1x2x128xi32, #tpu.memory_space<vmem>> -> memref<2x128xi32, #tpu.memory_space<vmem>>
      %dma_wait3A_209 = arith.constant 0 : i32
      %dma_wait3A_210 = tpu.memref_slice %arg2[%dma_wait3A_209, %mul3A_202] : memref<2x320000xi32, #tpu.memory_space<hbm>> -> memref<2x128xi32, #tpu.memory_space<hbm>>
      %dma_wait3A_211 = tpu.memref_slice %arg7[%dma_wait3A_204] : memref<3x!tpu.dma_semaphore, #tpu.memory_space<semaphore_mem>> -> memref<1x!tpu.dma_semaphore, #tpu.memory_space<semaphore_mem>>
      %dma_wait3A_212 = tpu.memref_squeeze %dma_wait3A_211 : memref<1x!tpu.dma_semaphore, #tpu.memory_space<semaphore_mem>> -> memref<!tpu.dma_semaphore, #tpu.memory_space<semaphore_mem>>
      %dma_wait3A_213 = arith.constant 0 : i32
      %dma_wait3A_214 = arith.constant 0 : i32
      %dma_wait3A_215 = tpu.memref_slice %arg5[%dma_wait3A_203, %dma_wait3A_213, %dma_wait3A_214] : memref<3x2x128xi32, #tpu.memory_space<vmem>> -> memref<1x2x128xi32, #tpu.memory_space<vmem>>
      %dma_wait3A_216 = tpu.memref_squeeze %dma_wait3A_215 : memref<1x2x128xi32, #tpu.memory_space<vmem>> -> memref<2x128xi32, #tpu.memory_space<vmem>>
      %dma_wait3A_217 = arith.constant 0 : i32
      %dma_wait3A_218 = tpu.memref_slice %arg2[%dma_wait3A_217, %mul3A_202] : memref<2x320000xi32, #tpu.memory_space<hbm>> -> memref<2x128xi32, #tpu.memory_space<hbm>>
      tpu.wait_dma2 semaphore(%dma_wait3A_212 : memref<!tpu.dma_semaphore, #tpu.memory_space<semaphore_mem>>) src(%dma_wait3A_218 : memref<2x128xi32, #tpu.memory_space<hbm>>) dst(%dma_wait3A_216 : memref<2x128xi32, #tpu.memory_space<vmem>>)
      %dma_start3A_219 = arith.constant 2 : i32
      %dma_start3A_220 = arith.constant 1 : i32
      %dma_start3A_221 = arith.constant 2 : i32
      %dma_start3A_222 = arith.constant 0 : i32
      %dma_start3A_223 = tpu.memref_slice %arg5[%dma_start3A_219, %dma_start3A_220, %dma_start3A_222] : memref<3x2x128xi32, #tpu.memory_space<vmem>> -> memref<1x1x128xi32, #tpu.memory_space<vmem>>
      %dma_start3A_224 = tpu.memref_squeeze %dma_start3A_223 : memref<1x1x128xi32, #tpu.memory_space<vmem>> -> memref<128xi32, #tpu.memory_space<vmem>>
      %dma_start3A_225 = arith.constant 0 : i32
      %dma_start3A_226 = tpu.memref_slice %arg9[%dma_start3A_225] : memref<10240xf32, #tpu.memory_space<vmem_shared>> -> memref<10240xf32, #tpu.memory_space<vmem_shared>>
      %dma_start3A_227 = tpu.memref_slice %arg8[%dma_start3A_221] : memref<3x!tpu.dma_semaphore, #tpu.memory_space<semaphore_mem>> -> memref<1x!tpu.dma_semaphore, #tpu.memory_space<semaphore_mem>>
      %dma_start3A_228 = tpu.memref_squeeze %dma_start3A_227 : memref<1x!tpu.dma_semaphore, #tpu.memory_space<semaphore_mem>> -> memref<!tpu.dma_semaphore, #tpu.memory_space<semaphore_mem>>
      tpu.enqueue_indirect_dma source(%arg6 : memref<128xf32, #tpu.memory_space<vmem>>) target(%dma_start3A_226 : memref<10240xf32, #tpu.memory_space<vmem_shared>>) offsets(%dma_start3A_224 : memref<128xi32, #tpu.memory_space<vmem>>) semaphore(%dma_start3A_228 : memref<!tpu.dma_semaphore, #tpu.memory_space<semaphore_mem>>) {add = true}
      %ge3A_229 = arith.constant 1 : i32
      %ge3A_230 = arith.cmpi sge, %add3A_199, %ge3A_229 : i32
      %convert_element_type3A_231 = arith.extui %ge3A_230 : i1 to i32
      %cond3A_232 = arith.constant 0 : i32
      %cond3A_233 = arith.cmpi ne, %convert_element_type3A_231, %cond3A_232 : i32
      scf.if %cond3A_233 {
        %dma_wait3A_241 = arith.constant 1 : i32
        %dma_wait3A_242 = arith.constant 1 : i32
        %dma_wait3A_243 = arith.constant 1 : i32
        %dma_wait3A_244 = arith.constant 0 : i32
        %dma_wait3A_245 = tpu.memref_slice %arg5[%dma_wait3A_241, %dma_wait3A_242, %dma_wait3A_244] : memref<3x2x128xi32, #tpu.memory_space<vmem>> -> memref<1x1x128xi32, #tpu.memory_space<vmem>>
        %dma_wait3A_246 = tpu.memref_squeeze %dma_wait3A_245 : memref<1x1x128xi32, #tpu.memory_space<vmem>> -> memref<128xi32, #tpu.memory_space<vmem>>
        %dma_wait3A_247 = arith.constant 0 : i32
        %dma_wait3A_248 = tpu.memref_slice %arg9[%dma_wait3A_247] : memref<10240xf32, #tpu.memory_space<vmem_shared>> -> memref<10240xf32, #tpu.memory_space<vmem_shared>>
        %dma_wait3A_249 = tpu.memref_slice %arg8[%dma_wait3A_243] : memref<3x!tpu.dma_semaphore, #tpu.memory_space<semaphore_mem>> -> memref<1x!tpu.dma_semaphore, #tpu.memory_space<semaphore_mem>>
        %dma_wait3A_250 = tpu.memref_squeeze %dma_wait3A_249 : memref<1x!tpu.dma_semaphore, #tpu.memory_space<semaphore_mem>> -> memref<!tpu.dma_semaphore, #tpu.memory_space<semaphore_mem>>
        tpu.wait_indirect_dma semaphore(%dma_wait3A_250 : memref<!tpu.dma_semaphore, #tpu.memory_space<semaphore_mem>>) src(%arg6 : memref<128xf32, #tpu.memory_space<vmem>>) dst(%dma_wait3A_248 : memref<10240xf32, #tpu.memory_space<vmem_shared>>)
      } else {
      }
      %add3A_234 = arith.constant 2 : i32
      %add3A_235 = arith.addi %add3A_199, %add3A_234 : i32
      %lt3A_236 = arith.constant 78 : i32
      %lt3A_237 = arith.cmpi slt, %add3A_235, %lt3A_236 : i32
      %convert_element_type3A_238 = arith.extui %lt3A_237 : i1 to i32
      %cond3A_239 = arith.constant 0 : i32
      %cond3A_240 = arith.cmpi ne, %convert_element_type3A_238, %cond3A_239 : i32
      scf.if %cond3A_240 {
        %add3A_241 = arith.constant 2 : i32
        %add3A_242 = arith.addi %add3A_199, %add3A_241 : i32
        %add3A_243 = arith.addi %mul3A_2, %add3A_242 : i32
        %mul3A_244 = arith.constant 128 : i32
        %mul3A_245 = arith.muli %add3A_243, %mul3A_244 : i32
        %dma_start3A_246 = arith.constant 1 : i32
        %dma_start3A_247 = arith.constant 1 : i32
        %dma_start3A_248 = arith.constant 0 : i32
        %dma_start3A_249 = arith.constant 0 : i32
        %dma_start3A_250 = tpu.memref_slice %arg5[%dma_start3A_246, %dma_start3A_248, %dma_start3A_249] : memref<3x2x128xi32, #tpu.memory_space<vmem>> -> memref<1x2x128xi32, #tpu.memory_space<vmem>>
        %dma_start3A_251 = tpu.memref_squeeze %dma_start3A_250 : memref<1x2x128xi32, #tpu.memory_space<vmem>> -> memref<2x128xi32, #tpu.memory_space<vmem>>
        %dma_start3A_252 = arith.constant 0 : i32
        %dma_start3A_253 = tpu.memref_slice %arg2[%dma_start3A_252, %mul3A_245] : memref<2x320000xi32, #tpu.memory_space<hbm>> -> memref<2x128xi32, #tpu.memory_space<hbm>>
        %dma_start3A_254 = tpu.memref_slice %arg7[%dma_start3A_247] : memref<3x!tpu.dma_semaphore, #tpu.memory_space<semaphore_mem>> -> memref<1x!tpu.dma_semaphore, #tpu.memory_space<semaphore_mem>>
        %dma_start3A_255 = tpu.memref_squeeze %dma_start3A_254 : memref<1x!tpu.dma_semaphore, #tpu.memory_space<semaphore_mem>> -> memref<!tpu.dma_semaphore, #tpu.memory_space<semaphore_mem>>
        %dma_start3A_256 = arith.constant 0 : i32
        %dma_start3A_257 = arith.constant 0 : i32
        %dma_start3A_258 = tpu.memref_slice %arg5[%dma_start3A_246, %dma_start3A_256, %dma_start3A_257] : memref<3x2x128xi32, #tpu.memory_space<vmem>> -> memref<1x2x128xi32, #tpu.memory_space<vmem>>
        %dma_start3A_259 = tpu.memref_squeeze %dma_start3A_258 : memref<1x2x128xi32, #tpu.memory_space<vmem>> -> memref<2x128xi32, #tpu.memory_space<vmem>>
        %dma_start3A_260 = arith.constant 0 : i32
        %dma_start3A_261 = tpu.memref_slice %arg2[%dma_start3A_260, %mul3A_245] : memref<2x320000xi32, #tpu.memory_space<hbm>> -> memref<2x128xi32, #tpu.memory_space<hbm>>
        tpu.enqueue_dma source(%dma_start3A_261 : memref<2x128xi32, #tpu.memory_space<hbm>>) target(%dma_start3A_259 : memref<2x128xi32, #tpu.memory_space<vmem>>) target_semaphore(%dma_start3A_255 : memref<!tpu.dma_semaphore, #tpu.memory_space<semaphore_mem>>)
      } else {
      }
    }
    %scan3A_93 = arith.constant 26 : i32
    %dma_wait3A = arith.constant 2 : i32
    %dma_wait3A_94 = arith.constant 1 : i32
    %dma_wait3A_95 = arith.constant 2 : i32
    %dma_wait3A_96 = arith.constant 0 : i32
    %dma_wait3A_97 = tpu.memref_slice %arg5[%dma_wait3A, %dma_wait3A_94, %dma_wait3A_96] : memref<3x2x128xi32, #tpu.memory_space<vmem>> -> memref<1x1x128xi32, #tpu.memory_space<vmem>>
    %dma_wait3A_98 = tpu.memref_squeeze %dma_wait3A_97 : memref<1x1x128xi32, #tpu.memory_space<vmem>> -> memref<128xi32, #tpu.memory_space<vmem>>
    %dma_wait3A_99 = arith.constant 0 : i32
    %dma_wait3A_100 = tpu.memref_slice %arg9[%dma_wait3A_99] : memref<10240xf32, #tpu.memory_space<vmem_shared>> -> memref<10240xf32, #tpu.memory_space<vmem_shared>>
    %dma_wait3A_101 = tpu.memref_slice %arg8[%dma_wait3A_95] : memref<3x!tpu.dma_semaphore, #tpu.memory_space<semaphore_mem>> -> memref<1x!tpu.dma_semaphore, #tpu.memory_space<semaphore_mem>>
    %dma_wait3A_102 = tpu.memref_squeeze %dma_wait3A_101 : memref<1x!tpu.dma_semaphore, #tpu.memory_space<semaphore_mem>> -> memref<!tpu.dma_semaphore, #tpu.memory_space<semaphore_mem>>
    tpu.wait_indirect_dma semaphore(%dma_wait3A_102 : memref<!tpu.dma_semaphore, #tpu.memory_space<semaphore_mem>>) src(%arg6 : memref<128xf32, #tpu.memory_space<vmem>>) dst(%dma_wait3A_100 : memref<10240xf32, #tpu.memory_space<vmem_shared>>)
    %lt3A = arith.constant 4 : i32
    %lt3A_103 = arith.cmpi slt, %add3A, %lt3A : i32
    %convert_element_type3A = arith.extui %lt3A_103 : i1 to i32
    %cond3A = arith.constant 0 : i32
    %cond3A_104 = arith.cmpi ne, %convert_element_type3A, %cond3A : i32
    scf.if %cond3A_104 {
      %add3A_108 = arith.constant 2496 : i32
      %add3A_109 = arith.addi %add3A_108, %add3A : i32
      %mul3A_110 = arith.constant 128 : i32
      %mul3A_111 = arith.muli %add3A_109, %mul3A_110 : i32
      %run_scoped3A = arith.constant 0 : i32
      "tpu.region"() ({
        %run_scoped3A_114 = tpu.sem_alloc : memref<!tpu.dma_semaphore, #tpu.memory_space<semaphore_mem>>
        %dma_start3A_115 = arith.constant 0 : i32
        %dma_start3A_116 = arith.constant 0 : i32
        %dma_start3A_117 = tpu.memref_slice %arg5[%run_scoped3A, %dma_start3A_115, %dma_start3A_116] : memref<3x2x128xi32, #tpu.memory_space<vmem>> -> memref<1x2x128xi32, #tpu.memory_space<vmem>>
        %dma_start3A_118 = tpu.memref_squeeze %dma_start3A_117 : memref<1x2x128xi32, #tpu.memory_space<vmem>> -> memref<2x128xi32, #tpu.memory_space<vmem>>
        %dma_start3A_119 = arith.constant 0 : i32
        %dma_start3A_120 = tpu.memref_slice %arg2[%dma_start3A_119, %mul3A_111] : memref<2x320000xi32, #tpu.memory_space<hbm>> -> memref<2x128xi32, #tpu.memory_space<hbm>>
        %dma_start3A_121 = arith.constant 0 : i32
        %dma_start3A_122 = arith.constant 0 : i32
        %dma_start3A_123 = tpu.memref_slice %arg5[%run_scoped3A, %dma_start3A_121, %dma_start3A_122] : memref<3x2x128xi32, #tpu.memory_space<vmem>> -> memref<1x2x128xi32, #tpu.memory_space<vmem>>
        %dma_start3A_124 = tpu.memref_squeeze %dma_start3A_123 : memref<1x2x128xi32, #tpu.memory_space<vmem>> -> memref<2x128xi32, #tpu.memory_space<vmem>>
        %dma_start3A_125 = arith.constant 0 : i32
        %dma_start3A_126 = tpu.memref_slice %arg2[%dma_start3A_125, %mul3A_111] : memref<2x320000xi32, #tpu.memory_space<hbm>> -> memref<2x128xi32, #tpu.memory_space<hbm>>
        tpu.enqueue_dma source(%dma_start3A_126 : memref<2x128xi32, #tpu.memory_space<hbm>>) target(%dma_start3A_124 : memref<2x128xi32, #tpu.memory_space<vmem>>) target_semaphore(%run_scoped3A_114 : memref<!tpu.dma_semaphore, #tpu.memory_space<semaphore_mem>>)
        %dma_wait3A_127 = arith.constant 0 : i32
        %dma_wait3A_128 = arith.constant 0 : i32
        %dma_wait3A_129 = tpu.memref_slice %arg5[%run_scoped3A, %dma_wait3A_127, %dma_wait3A_128] : memref<3x2x128xi32, #tpu.memory_space<vmem>> -> memref<1x2x128xi32, #tpu.memory_space<vmem>>
        %dma_wait3A_130 = tpu.memref_squeeze %dma_wait3A_129 : memref<1x2x128xi32, #tpu.memory_space<vmem>> -> memref<2x128xi32, #tpu.memory_space<vmem>>
        %dma_wait3A_131 = arith.constant 0 : i32
        %dma_wait3A_132 = tpu.memref_slice %arg2[%dma_wait3A_131, %mul3A_111] : memref<2x320000xi32, #tpu.memory_space<hbm>> -> memref<2x128xi32, #tpu.memory_space<hbm>>
        %dma_wait3A_133 = arith.constant 0 : i32
        %dma_wait3A_134 = arith.constant 0 : i32
        %dma_wait3A_135 = tpu.memref_slice %arg5[%run_scoped3A, %dma_wait3A_133, %dma_wait3A_134] : memref<3x2x128xi32, #tpu.memory_space<vmem>> -> memref<1x2x128xi32, #tpu.memory_space<vmem>>
        %dma_wait3A_136 = tpu.memref_squeeze %dma_wait3A_135 : memref<1x2x128xi32, #tpu.memory_space<vmem>> -> memref<2x128xi32, #tpu.memory_space<vmem>>
        %dma_wait3A_137 = arith.constant 0 : i32
        %dma_wait3A_138 = tpu.memref_slice %arg2[%dma_wait3A_137, %mul3A_111] : memref<2x320000xi32, #tpu.memory_space<hbm>> -> memref<2x128xi32, #tpu.memory_space<hbm>>
        tpu.wait_dma2 semaphore(%run_scoped3A_114 : memref<!tpu.dma_semaphore, #tpu.memory_space<semaphore_mem>>) src(%dma_wait3A_138 : memref<2x128xi32, #tpu.memory_space<hbm>>) dst(%dma_wait3A_136 : memref<2x128xi32, #tpu.memory_space<vmem>>)
        tpu.yield
      }) : () -> ()
      %run_scoped3A_112 = arith.constant 0 : i32
      %run_scoped3A_113 = arith.constant 1 : i32
      "tpu.region"() ({
        %run_scoped3A_114 = tpu.sem_alloc : memref<!tpu.dma_semaphore, #tpu.memory_space<semaphore_mem>>
        %dma_start3A_115 = arith.constant 0 : i32
        %dma_start3A_116 = tpu.memref_slice %arg5[%run_scoped3A_112, %run_scoped3A_113, %dma_start3A_115] : memref<3x2x128xi32, #tpu.memory_space<vmem>> -> memref<1x1x128xi32, #tpu.memory_space<vmem>>
        %dma_start3A_117 = tpu.memref_squeeze %dma_start3A_116 : memref<1x1x128xi32, #tpu.memory_space<vmem>> -> memref<128xi32, #tpu.memory_space<vmem>>
        %dma_start3A_118 = arith.constant 0 : i32
        %dma_start3A_119 = tpu.memref_slice %arg9[%dma_start3A_118] : memref<10240xf32, #tpu.memory_space<vmem_shared>> -> memref<10240xf32, #tpu.memory_space<vmem_shared>>
        tpu.enqueue_indirect_dma source(%arg6 : memref<128xf32, #tpu.memory_space<vmem>>) target(%dma_start3A_119 : memref<10240xf32, #tpu.memory_space<vmem_shared>>) offsets(%dma_start3A_117 : memref<128xi32, #tpu.memory_space<vmem>>) semaphore(%run_scoped3A_114 : memref<!tpu.dma_semaphore, #tpu.memory_space<semaphore_mem>>) {add = true}
        %dma_wait3A_120 = arith.constant 0 : i32
        %dma_wait3A_121 = tpu.memref_slice %arg5[%run_scoped3A_112, %run_scoped3A_113, %dma_wait3A_120] : memref<3x2x128xi32, #tpu.memory_space<vmem>> -> memref<1x1x128xi32, #tpu.memory_space<vmem>>
        %dma_wait3A_122 = tpu.memref_squeeze %dma_wait3A_121 : memref<1x1x128xi32, #tpu.memory_space<vmem>> -> memref<128xi32, #tpu.memory_space<vmem>>
        %dma_wait3A_123 = arith.constant 0 : i32
        %dma_wait3A_124 = tpu.memref_slice %arg9[%dma_wait3A_123] : memref<10240xf32, #tpu.memory_space<vmem_shared>> -> memref<10240xf32, #tpu.memory_space<vmem_shared>>
        tpu.wait_indirect_dma semaphore(%run_scoped3A_114 : memref<!tpu.dma_semaphore, #tpu.memory_space<semaphore_mem>>) src(%arg6 : memref<128xf32, #tpu.memory_space<vmem>>) dst(%dma_wait3A_124 : memref<10240xf32, #tpu.memory_space<vmem_shared>>)
        tpu.yield
      }) : () -> ()
    } else {
    }
    %barrier3A_105 = arith.constant 0 : index
    tpu.barrier barrier_id(%barrier3A_105)
    %mul3A_106 = arith.constant 640 : i32
    %mul3A_107 = arith.muli %arg1, %mul3A_106 : i32
    "tpu.region"() ({
      %run_scoped3A = tpu.sem_alloc : memref<!tpu.dma_semaphore, #tpu.memory_space<semaphore_mem>>
      %dma_start3A_108 = arith.constant 0 : i32
      %dma_start3A_109 = tpu.memref_slice %arg4[%arg0, %arg1, %dma_start3A_108] : memref<2x16x640xf32, #tpu.memory_space<hbm>> -> memref<1x1x640xf32, #tpu.memory_space<hbm>>
      %dma_start3A_110 = tpu.memref_squeeze %dma_start3A_109 : memref<1x1x640xf32, #tpu.memory_space<hbm>> -> memref<640xf32, #tpu.memory_space<hbm>>
      %dma_start3A_111 = tpu.memref_slice %arg9[%mul3A_107] : memref<10240xf32, #tpu.memory_space<vmem_shared>> -> memref<640xf32, #tpu.memory_space<vmem_shared>>
      tpu.enqueue_dma source(%dma_start3A_111 : memref<640xf32, #tpu.memory_space<vmem_shared>>) target(%dma_start3A_110 : memref<640xf32, #tpu.memory_space<hbm>>) target_semaphore(%run_scoped3A : memref<!tpu.dma_semaphore, #tpu.memory_space<semaphore_mem>>)
      %dma_wait3A_112 = arith.constant 0 : i32
      %dma_wait3A_113 = tpu.memref_slice %arg4[%arg0, %arg1, %dma_wait3A_112] : memref<2x16x640xf32, #tpu.memory_space<hbm>> -> memref<1x1x640xf32, #tpu.memory_space<hbm>>
      %dma_wait3A_114 = tpu.memref_squeeze %dma_wait3A_113 : memref<1x1x640xf32, #tpu.memory_space<hbm>> -> memref<640xf32, #tpu.memory_space<hbm>>
      %dma_wait3A_115 = tpu.memref_slice %arg9[%mul3A_107] : memref<10240xf32, #tpu.memory_space<vmem_shared>> -> memref<640xf32, #tpu.memory_space<vmem_shared>>
      tpu.wait_dma2 semaphore(%run_scoped3A : memref<!tpu.dma_semaphore, #tpu.memory_space<semaphore_mem>>) src(%dma_wait3A_115 : memref<640xf32, #tpu.memory_space<vmem_shared>>) dst(%dma_wait3A_114 : memref<640xf32, #tpu.memory_space<hbm>>)
      tpu.yield
    }) : () -> ()
    return
  }
}

#map = affine_map<(d0, d1) -> (0, 0)>
#map1 = affine_map<(d0, d1) -> (0)>
#map2 = affine_map<(d0, d1) -> (0, 0, 0, 0)>
module attributes {stable_mosaic.version = 14 : i64} {
  func.func @_scat_body(%arg0: i32, %arg1: i32, %arg2: memref<10000x128xf32, #tpu.memory_space<hbm>>, %arg3: memref<320000xi32, #tpu.memory_space<hbm>>, %arg4: memref<320000xi32, #tpu.memory_space<hbm>>, %arg5: memref<632x128xf32, #tpu.memory_space<hbm>>, %arg6: memref<2x16x632x128xf32, #tpu.memory_space<hbm>>, %arg7: memref<8x80xi32, #tpu.memory_space<vmem>>, %arg8: memref<8x80xi32, #tpu.memory_space<vmem>>, %arg9: memref<4x80x128xf32, #tpu.memory_space<vmem>>, %arg10: memref<8x!tpu.dma_semaphore, #tpu.memory_space<semaphore_mem>>, %arg11: memref<4x!tpu.dma_semaphore, #tpu.memory_space<semaphore_mem>>, %arg12: memref<4x!tpu.dma_semaphore, #tpu.memory_space<semaphore_mem>>, %arg13: memref<10112x128xf32, #tpu.memory_space<vmem_shared>>) attributes {dimension_semantics = [#tpu.dimension_semantics<core_parallel>, #tpu.dimension_semantics<subcore_parallel>], iteration_bounds = array<i64: 2, 16>, scalar_prefetch = 0 : i64, scratch_operands = 7 : i64, tpu.core_type = #tpu.core_type<sc_vector_subcore>, window_params = [{transform_indices = #map}, {transform_indices = #map1}, {transform_indices = #map1}, {transform_indices = #map}, {transform_indices = #map2}]} {
    %mul3A = arith.constant 16 : i32
    %mul3A_0 = arith.muli %arg0, %mul3A : i32
    %add3A = arith.addi %mul3A_0, %arg1 : i32
    %mul3A_1 = arith.constant 125 : i32
    %mul3A_2 = arith.muli %add3A, %mul3A_1 : i32
    %mul3A_3 = arith.constant 632 : i32
    %mul3A_4 = arith.muli %arg1, %mul3A_3 : i32
    "tpu.region"() ({
      %run_scoped3A_333 = tpu.sem_alloc : memref<!tpu.dma_semaphore, #tpu.memory_space<semaphore_mem>>
      %dma_start3A_334 = arith.constant 0 : i32
      %dma_start3A_335 = tpu.memref_slice %arg13[%mul3A_4, %dma_start3A_334] : memref<10112x128xf32, #tpu.memory_space<vmem_shared>> -> memref<632x128xf32, #tpu.memory_space<vmem_shared>>
      tpu.enqueue_dma source(%arg5 : memref<632x128xf32, #tpu.memory_space<hbm>>) target(%dma_start3A_335 : memref<632x128xf32, #tpu.memory_space<vmem_shared>>) target_semaphore(%run_scoped3A_333 : memref<!tpu.dma_semaphore, #tpu.memory_space<semaphore_mem>>)
      %dma_wait3A_336 = arith.constant 0 : i32
      %dma_wait3A_337 = tpu.memref_slice %arg13[%mul3A_4, %dma_wait3A_336] : memref<10112x128xf32, #tpu.memory_space<vmem_shared>> -> memref<632x128xf32, #tpu.memory_space<vmem_shared>>
      tpu.wait_dma2 semaphore(%run_scoped3A_333 : memref<!tpu.dma_semaphore, #tpu.memory_space<semaphore_mem>>) src(%arg5 : memref<632x128xf32, #tpu.memory_space<hbm>>) dst(%dma_wait3A_337 : memref<632x128xf32, #tpu.memory_space<vmem_shared>>)
      tpu.yield
    }) : () -> ()
    %add3A_5 = arith.constant 0 : i32
    %add3A_6 = arith.addi %mul3A_2, %add3A_5 : i32
    %mul3A_7 = arith.constant 80 : i32
    %mul3A_8 = arith.muli %add3A_6, %mul3A_7 : i32
    %dma_start3A = arith.constant 0 : i32
    %dma_start3A_9 = arith.constant 0 : i32
    %dma_start3A_10 = arith.constant 0 : i32
    %dma_start3A_11 = tpu.memref_slice %arg7[%dma_start3A, %dma_start3A_10] : memref<8x80xi32, #tpu.memory_space<vmem>> -> memref<1x80xi32, #tpu.memory_space<vmem>>
    %dma_start3A_12 = tpu.memref_squeeze %dma_start3A_11 : memref<1x80xi32, #tpu.memory_space<vmem>> -> memref<80xi32, #tpu.memory_space<vmem>>
    %dma_start3A_13 = tpu.memref_slice %arg3[%mul3A_8] : memref<320000xi32, #tpu.memory_space<hbm>> -> memref<80xi32, #tpu.memory_space<hbm>>
    %dma_start3A_14 = tpu.memref_slice %arg10[%dma_start3A_9] : memref<8x!tpu.dma_semaphore, #tpu.memory_space<semaphore_mem>> -> memref<1x!tpu.dma_semaphore, #tpu.memory_space<semaphore_mem>>
    %dma_start3A_15 = tpu.memref_squeeze %dma_start3A_14 : memref<1x!tpu.dma_semaphore, #tpu.memory_space<semaphore_mem>> -> memref<!tpu.dma_semaphore, #tpu.memory_space<semaphore_mem>>
    %dma_start3A_16 = arith.constant 0 : i32
    %dma_start3A_17 = tpu.memref_slice %arg7[%dma_start3A, %dma_start3A_16] : memref<8x80xi32, #tpu.memory_space<vmem>> -> memref<1x80xi32, #tpu.memory_space<vmem>>
    %dma_start3A_18 = tpu.memref_squeeze %dma_start3A_17 : memref<1x80xi32, #tpu.memory_space<vmem>> -> memref<80xi32, #tpu.memory_space<vmem>>
    %dma_start3A_19 = tpu.memref_slice %arg3[%mul3A_8] : memref<320000xi32, #tpu.memory_space<hbm>> -> memref<80xi32, #tpu.memory_space<hbm>>
    tpu.enqueue_dma source(%dma_start3A_19 : memref<80xi32, #tpu.memory_space<hbm>>) target(%dma_start3A_18 : memref<80xi32, #tpu.memory_space<vmem>>) target_semaphore(%dma_start3A_15 : memref<!tpu.dma_semaphore, #tpu.memory_space<semaphore_mem>>)
    %add3A_20 = arith.constant 0 : i32
    %add3A_21 = arith.addi %mul3A_2, %add3A_20 : i32
    %mul3A_22 = arith.constant 80 : i32
    %mul3A_23 = arith.muli %add3A_21, %mul3A_22 : i32
    %dma_start3A_24 = arith.constant 0 : i32
    %dma_start3A_25 = arith.constant 0 : i32
    %dma_start3A_26 = arith.constant 0 : i32
    %dma_start3A_27 = tpu.memref_slice %arg8[%dma_start3A_24, %dma_start3A_26] : memref<8x80xi32, #tpu.memory_space<vmem>> -> memref<1x80xi32, #tpu.memory_space<vmem>>
    %dma_start3A_28 = tpu.memref_squeeze %dma_start3A_27 : memref<1x80xi32, #tpu.memory_space<vmem>> -> memref<80xi32, #tpu.memory_space<vmem>>
    %dma_start3A_29 = tpu.memref_slice %arg4[%mul3A_23] : memref<320000xi32, #tpu.memory_space<hbm>> -> memref<80xi32, #tpu.memory_space<hbm>>
    %dma_start3A_30 = tpu.memref_slice %arg10[%dma_start3A_25] : memref<8x!tpu.dma_semaphore, #tpu.memory_space<semaphore_mem>> -> memref<1x!tpu.dma_semaphore, #tpu.memory_space<semaphore_mem>>
    %dma_start3A_31 = tpu.memref_squeeze %dma_start3A_30 : memref<1x!tpu.dma_semaphore, #tpu.memory_space<semaphore_mem>> -> memref<!tpu.dma_semaphore, #tpu.memory_space<semaphore_mem>>
    %dma_start3A_32 = arith.constant 0 : i32
    %dma_start3A_33 = tpu.memref_slice %arg8[%dma_start3A_24, %dma_start3A_32] : memref<8x80xi32, #tpu.memory_space<vmem>> -> memref<1x80xi32, #tpu.memory_space<vmem>>
    %dma_start3A_34 = tpu.memref_squeeze %dma_start3A_33 : memref<1x80xi32, #tpu.memory_space<vmem>> -> memref<80xi32, #tpu.memory_space<vmem>>
    %dma_start3A_35 = tpu.memref_slice %arg4[%mul3A_23] : memref<320000xi32, #tpu.memory_space<hbm>> -> memref<80xi32, #tpu.memory_space<hbm>>
    tpu.enqueue_dma source(%dma_start3A_35 : memref<80xi32, #tpu.memory_space<hbm>>) target(%dma_start3A_34 : memref<80xi32, #tpu.memory_space<vmem>>) target_semaphore(%dma_start3A_31 : memref<!tpu.dma_semaphore, #tpu.memory_space<semaphore_mem>>)
    %add3A_36 = arith.constant 1 : i32
    %add3A_37 = arith.addi %mul3A_2, %add3A_36 : i32
    %mul3A_38 = arith.constant 80 : i32
    %mul3A_39 = arith.muli %add3A_37, %mul3A_38 : i32
    %dma_start3A_40 = arith.constant 1 : i32
    %dma_start3A_41 = arith.constant 1 : i32
    %dma_start3A_42 = arith.constant 0 : i32
    %dma_start3A_43 = tpu.memref_slice %arg7[%dma_start3A_40, %dma_start3A_42] : memref<8x80xi32, #tpu.memory_space<vmem>> -> memref<1x80xi32, #tpu.memory_space<vmem>>
    %dma_start3A_44 = tpu.memref_squeeze %dma_start3A_43 : memref<1x80xi32, #tpu.memory_space<vmem>> -> memref<80xi32, #tpu.memory_space<vmem>>
    %dma_start3A_45 = tpu.memref_slice %arg3[%mul3A_39] : memref<320000xi32, #tpu.memory_space<hbm>> -> memref<80xi32, #tpu.memory_space<hbm>>
    %dma_start3A_46 = tpu.memref_slice %arg10[%dma_start3A_41] : memref<8x!tpu.dma_semaphore, #tpu.memory_space<semaphore_mem>> -> memref<1x!tpu.dma_semaphore, #tpu.memory_space<semaphore_mem>>
    %dma_start3A_47 = tpu.memref_squeeze %dma_start3A_46 : memref<1x!tpu.dma_semaphore, #tpu.memory_space<semaphore_mem>> -> memref<!tpu.dma_semaphore, #tpu.memory_space<semaphore_mem>>
    %dma_start3A_48 = arith.constant 0 : i32
    %dma_start3A_49 = tpu.memref_slice %arg7[%dma_start3A_40, %dma_start3A_48] : memref<8x80xi32, #tpu.memory_space<vmem>> -> memref<1x80xi32, #tpu.memory_space<vmem>>
    %dma_start3A_50 = tpu.memref_squeeze %dma_start3A_49 : memref<1x80xi32, #tpu.memory_space<vmem>> -> memref<80xi32, #tpu.memory_space<vmem>>
    %dma_start3A_51 = tpu.memref_slice %arg3[%mul3A_39] : memref<320000xi32, #tpu.memory_space<hbm>> -> memref<80xi32, #tpu.memory_space<hbm>>
    tpu.enqueue_dma source(%dma_start3A_51 : memref<80xi32, #tpu.memory_space<hbm>>) target(%dma_start3A_50 : memref<80xi32, #tpu.memory_space<vmem>>) target_semaphore(%dma_start3A_47 : memref<!tpu.dma_semaphore, #tpu.memory_space<semaphore_mem>>)
    %add3A_52 = arith.constant 1 : i32
    %add3A_53 = arith.addi %mul3A_2, %add3A_52 : i32
    %mul3A_54 = arith.constant 80 : i32
    %mul3A_55 = arith.muli %add3A_53, %mul3A_54 : i32
    %dma_start3A_56 = arith.constant 1 : i32
    %dma_start3A_57 = arith.constant 1 : i32
    %dma_start3A_58 = arith.constant 0 : i32
    %dma_start3A_59 = tpu.memref_slice %arg8[%dma_start3A_56, %dma_start3A_58] : memref<8x80xi32, #tpu.memory_space<vmem>> -> memref<1x80xi32, #tpu.memory_space<vmem>>
    %dma_start3A_60 = tpu.memref_squeeze %dma_start3A_59 : memref<1x80xi32, #tpu.memory_space<vmem>> -> memref<80xi32, #tpu.memory_space<vmem>>
    %dma_start3A_61 = tpu.memref_slice %arg4[%mul3A_55] : memref<320000xi32, #tpu.memory_space<hbm>> -> memref<80xi32, #tpu.memory_space<hbm>>
    %dma_start3A_62 = tpu.memref_slice %arg10[%dma_start3A_57] : memref<8x!tpu.dma_semaphore, #tpu.memory_space<semaphore_mem>> -> memref<1x!tpu.dma_semaphore, #tpu.memory_space<semaphore_mem>>
    %dma_start3A_63 = tpu.memref_squeeze %dma_start3A_62 : memref<1x!tpu.dma_semaphore, #tpu.memory_space<semaphore_mem>> -> memref<!tpu.dma_semaphore, #tpu.memory_space<semaphore_mem>>
    %dma_start3A_64 = arith.constant 0 : i32
    %dma_start3A_65 = tpu.memref_slice %arg8[%dma_start3A_56, %dma_start3A_64] : memref<8x80xi32, #tpu.memory_space<vmem>> -> memref<1x80xi32, #tpu.memory_space<vmem>>
    %dma_start3A_66 = tpu.memref_squeeze %dma_start3A_65 : memref<1x80xi32, #tpu.memory_space<vmem>> -> memref<80xi32, #tpu.memory_space<vmem>>
    %dma_start3A_67 = tpu.memref_slice %arg4[%mul3A_55] : memref<320000xi32, #tpu.memory_space<hbm>> -> memref<80xi32, #tpu.memory_space<hbm>>
    tpu.enqueue_dma source(%dma_start3A_67 : memref<80xi32, #tpu.memory_space<hbm>>) target(%dma_start3A_66 : memref<80xi32, #tpu.memory_space<vmem>>) target_semaphore(%dma_start3A_63 : memref<!tpu.dma_semaphore, #tpu.memory_space<semaphore_mem>>)
    %add3A_68 = arith.constant 2 : i32
    %add3A_69 = arith.addi %mul3A_2, %add3A_68 : i32
    %mul3A_70 = arith.constant 80 : i32
    %mul3A_71 = arith.muli %add3A_69, %mul3A_70 : i32
    %dma_start3A_72 = arith.constant 2 : i32
    %dma_start3A_73 = arith.constant 2 : i32
    %dma_start3A_74 = arith.constant 0 : i32
    %dma_start3A_75 = tpu.memref_slice %arg7[%dma_start3A_72, %dma_start3A_74] : memref<8x80xi32, #tpu.memory_space<vmem>> -> memref<1x80xi32, #tpu.memory_space<vmem>>
    %dma_start3A_76 = tpu.memref_squeeze %dma_start3A_75 : memref<1x80xi32, #tpu.memory_space<vmem>> -> memref<80xi32, #tpu.memory_space<vmem>>
    %dma_start3A_77 = tpu.memref_slice %arg3[%mul3A_71] : memref<320000xi32, #tpu.memory_space<hbm>> -> memref<80xi32, #tpu.memory_space<hbm>>
    %dma_start3A_78 = tpu.memref_slice %arg10[%dma_start3A_73] : memref<8x!tpu.dma_semaphore, #tpu.memory_space<semaphore_mem>> -> memref<1x!tpu.dma_semaphore, #tpu.memory_space<semaphore_mem>>
    %dma_start3A_79 = tpu.memref_squeeze %dma_start3A_78 : memref<1x!tpu.dma_semaphore, #tpu.memory_space<semaphore_mem>> -> memref<!tpu.dma_semaphore, #tpu.memory_space<semaphore_mem>>
    %dma_start3A_80 = arith.constant 0 : i32
    %dma_start3A_81 = tpu.memref_slice %arg7[%dma_start3A_72, %dma_start3A_80] : memref<8x80xi32, #tpu.memory_space<vmem>> -> memref<1x80xi32, #tpu.memory_space<vmem>>
    %dma_start3A_82 = tpu.memref_squeeze %dma_start3A_81 : memref<1x80xi32, #tpu.memory_space<vmem>> -> memref<80xi32, #tpu.memory_space<vmem>>
    %dma_start3A_83 = tpu.memref_slice %arg3[%mul3A_71] : memref<320000xi32, #tpu.memory_space<hbm>> -> memref<80xi32, #tpu.memory_space<hbm>>
    tpu.enqueue_dma source(%dma_start3A_83 : memref<80xi32, #tpu.memory_space<hbm>>) target(%dma_start3A_82 : memref<80xi32, #tpu.memory_space<vmem>>) target_semaphore(%dma_start3A_79 : memref<!tpu.dma_semaphore, #tpu.memory_space<semaphore_mem>>)
    %add3A_84 = arith.constant 2 : i32
    %add3A_85 = arith.addi %mul3A_2, %add3A_84 : i32
    %mul3A_86 = arith.constant 80 : i32
    %mul3A_87 = arith.muli %add3A_85, %mul3A_86 : i32
    %dma_start3A_88 = arith.constant 2 : i32
    %dma_start3A_89 = arith.constant 2 : i32
    %dma_start3A_90 = arith.constant 0 : i32
    %dma_start3A_91 = tpu.memref_slice %arg8[%dma_start3A_88, %dma_start3A_90] : memref<8x80xi32, #tpu.memory_space<vmem>> -> memref<1x80xi32, #tpu.memory_space<vmem>>
    %dma_start3A_92 = tpu.memref_squeeze %dma_start3A_91 : memref<1x80xi32, #tpu.memory_space<vmem>> -> memref<80xi32, #tpu.memory_space<vmem>>
    %dma_start3A_93 = tpu.memref_slice %arg4[%mul3A_87] : memref<320000xi32, #tpu.memory_space<hbm>> -> memref<80xi32, #tpu.memory_space<hbm>>
    %dma_start3A_94 = tpu.memref_slice %arg10[%dma_start3A_89] : memref<8x!tpu.dma_semaphore, #tpu.memory_space<semaphore_mem>> -> memref<1x!tpu.dma_semaphore, #tpu.memory_space<semaphore_mem>>
    %dma_start3A_95 = tpu.memref_squeeze %dma_start3A_94 : memref<1x!tpu.dma_semaphore, #tpu.memory_space<semaphore_mem>> -> memref<!tpu.dma_semaphore, #tpu.memory_space<semaphore_mem>>
    %dma_start3A_96 = arith.constant 0 : i32
    %dma_start3A_97 = tpu.memref_slice %arg8[%dma_start3A_88, %dma_start3A_96] : memref<8x80xi32, #tpu.memory_space<vmem>> -> memref<1x80xi32, #tpu.memory_space<vmem>>
    %dma_start3A_98 = tpu.memref_squeeze %dma_start3A_97 : memref<1x80xi32, #tpu.memory_space<vmem>> -> memref<80xi32, #tpu.memory_space<vmem>>
    %dma_start3A_99 = tpu.memref_slice %arg4[%mul3A_87] : memref<320000xi32, #tpu.memory_space<hbm>> -> memref<80xi32, #tpu.memory_space<hbm>>
    tpu.enqueue_dma source(%dma_start3A_99 : memref<80xi32, #tpu.memory_space<hbm>>) target(%dma_start3A_98 : memref<80xi32, #tpu.memory_space<vmem>>) target_semaphore(%dma_start3A_95 : memref<!tpu.dma_semaphore, #tpu.memory_space<semaphore_mem>>)
    %add3A_100 = arith.constant 3 : i32
    %add3A_101 = arith.addi %mul3A_2, %add3A_100 : i32
    %mul3A_102 = arith.constant 80 : i32
    %mul3A_103 = arith.muli %add3A_101, %mul3A_102 : i32
    %dma_start3A_104 = arith.constant 3 : i32
    %dma_start3A_105 = arith.constant 3 : i32
    %dma_start3A_106 = arith.constant 0 : i32
    %dma_start3A_107 = tpu.memref_slice %arg7[%dma_start3A_104, %dma_start3A_106] : memref<8x80xi32, #tpu.memory_space<vmem>> -> memref<1x80xi32, #tpu.memory_space<vmem>>
    %dma_start3A_108 = tpu.memref_squeeze %dma_start3A_107 : memref<1x80xi32, #tpu.memory_space<vmem>> -> memref<80xi32, #tpu.memory_space<vmem>>
    %dma_start3A_109 = tpu.memref_slice %arg3[%mul3A_103] : memref<320000xi32, #tpu.memory_space<hbm>> -> memref<80xi32, #tpu.memory_space<hbm>>
    %dma_start3A_110 = tpu.memref_slice %arg10[%dma_start3A_105] : memref<8x!tpu.dma_semaphore, #tpu.memory_space<semaphore_mem>> -> memref<1x!tpu.dma_semaphore, #tpu.memory_space<semaphore_mem>>
    %dma_start3A_111 = tpu.memref_squeeze %dma_start3A_110 : memref<1x!tpu.dma_semaphore, #tpu.memory_space<semaphore_mem>> -> memref<!tpu.dma_semaphore, #tpu.memory_space<semaphore_mem>>
    %dma_start3A_112 = arith.constant 0 : i32
    %dma_start3A_113 = tpu.memref_slice %arg7[%dma_start3A_104, %dma_start3A_112] : memref<8x80xi32, #tpu.memory_space<vmem>> -> memref<1x80xi32, #tpu.memory_space<vmem>>
    %dma_start3A_114 = tpu.memref_squeeze %dma_start3A_113 : memref<1x80xi32, #tpu.memory_space<vmem>> -> memref<80xi32, #tpu.memory_space<vmem>>
    %dma_start3A_115 = tpu.memref_slice %arg3[%mul3A_103] : memref<320000xi32, #tpu.memory_space<hbm>> -> memref<80xi32, #tpu.memory_space<hbm>>
    tpu.enqueue_dma source(%dma_start3A_115 : memref<80xi32, #tpu.memory_space<hbm>>) target(%dma_start3A_114 : memref<80xi32, #tpu.memory_space<vmem>>) target_semaphore(%dma_start3A_111 : memref<!tpu.dma_semaphore, #tpu.memory_space<semaphore_mem>>)
    %add3A_116 = arith.constant 3 : i32
    %add3A_117 = arith.addi %mul3A_2, %add3A_116 : i32
    %mul3A_118 = arith.constant 80 : i32
    %mul3A_119 = arith.muli %add3A_117, %mul3A_118 : i32
    %dma_start3A_120 = arith.constant 3 : i32
    %dma_start3A_121 = arith.constant 3 : i32
    %dma_start3A_122 = arith.constant 0 : i32
    %dma_start3A_123 = tpu.memref_slice %arg8[%dma_start3A_120, %dma_start3A_122] : memref<8x80xi32, #tpu.memory_space<vmem>> -> memref<1x80xi32, #tpu.memory_space<vmem>>
    %dma_start3A_124 = tpu.memref_squeeze %dma_start3A_123 : memref<1x80xi32, #tpu.memory_space<vmem>> -> memref<80xi32, #tpu.memory_space<vmem>>
    %dma_start3A_125 = tpu.memref_slice %arg4[%mul3A_119] : memref<320000xi32, #tpu.memory_space<hbm>> -> memref<80xi32, #tpu.memory_space<hbm>>
    %dma_start3A_126 = tpu.memref_slice %arg10[%dma_start3A_121] : memref<8x!tpu.dma_semaphore, #tpu.memory_space<semaphore_mem>> -> memref<1x!tpu.dma_semaphore, #tpu.memory_space<semaphore_mem>>
    %dma_start3A_127 = tpu.memref_squeeze %dma_start3A_126 : memref<1x!tpu.dma_semaphore, #tpu.memory_space<semaphore_mem>> -> memref<!tpu.dma_semaphore, #tpu.memory_space<semaphore_mem>>
    %dma_start3A_128 = arith.constant 0 : i32
    %dma_start3A_129 = tpu.memref_slice %arg8[%dma_start3A_120, %dma_start3A_128] : memref<8x80xi32, #tpu.memory_space<vmem>> -> memref<1x80xi32, #tpu.memory_space<vmem>>
    %dma_start3A_130 = tpu.memref_squeeze %dma_start3A_129 : memref<1x80xi32, #tpu.memory_space<vmem>> -> memref<80xi32, #tpu.memory_space<vmem>>
    %dma_start3A_131 = tpu.memref_slice %arg4[%mul3A_119] : memref<320000xi32, #tpu.memory_space<hbm>> -> memref<80xi32, #tpu.memory_space<hbm>>
    tpu.enqueue_dma source(%dma_start3A_131 : memref<80xi32, #tpu.memory_space<hbm>>) target(%dma_start3A_130 : memref<80xi32, #tpu.memory_space<vmem>>) target_semaphore(%dma_start3A_127 : memref<!tpu.dma_semaphore, #tpu.memory_space<semaphore_mem>>)
    %add3A_132 = arith.constant 0 : i32
    %add3A_133 = arith.addi %mul3A_2, %add3A_132 : i32
    %mul3A_134 = arith.constant 80 : i32
    %mul3A_135 = arith.muli %add3A_133, %mul3A_134 : i32
    %dma_wait3A = arith.constant 0 : i32
    %dma_wait3A_136 = arith.constant 0 : i32
    %dma_wait3A_137 = arith.constant 0 : i32
    %dma_wait3A_138 = tpu.memref_slice %arg7[%dma_wait3A, %dma_wait3A_137] : memref<8x80xi32, #tpu.memory_space<vmem>> -> memref<1x80xi32, #tpu.memory_space<vmem>>
    %dma_wait3A_139 = tpu.memref_squeeze %dma_wait3A_138 : memref<1x80xi32, #tpu.memory_space<vmem>> -> memref<80xi32, #tpu.memory_space<vmem>>
    %dma_wait3A_140 = tpu.memref_slice %arg3[%mul3A_135] : memref<320000xi32, #tpu.memory_space<hbm>> -> memref<80xi32, #tpu.memory_space<hbm>>
    %dma_wait3A_141 = tpu.memref_slice %arg10[%dma_wait3A_136] : memref<8x!tpu.dma_semaphore, #tpu.memory_space<semaphore_mem>> -> memref<1x!tpu.dma_semaphore, #tpu.memory_space<semaphore_mem>>
    %dma_wait3A_142 = tpu.memref_squeeze %dma_wait3A_141 : memref<1x!tpu.dma_semaphore, #tpu.memory_space<semaphore_mem>> -> memref<!tpu.dma_semaphore, #tpu.memory_space<semaphore_mem>>
    %dma_wait3A_143 = arith.constant 0 : i32
    %dma_wait3A_144 = tpu.memref_slice %arg7[%dma_wait3A, %dma_wait3A_143] : memref<8x80xi32, #tpu.memory_space<vmem>> -> memref<1x80xi32, #tpu.memory_space<vmem>>
    %dma_wait3A_145 = tpu.memref_squeeze %dma_wait3A_144 : memref<1x80xi32, #tpu.memory_space<vmem>> -> memref<80xi32, #tpu.memory_space<vmem>>
    %dma_wait3A_146 = tpu.memref_slice %arg3[%mul3A_135] : memref<320000xi32, #tpu.memory_space<hbm>> -> memref<80xi32, #tpu.memory_space<hbm>>
    tpu.wait_dma2 semaphore(%dma_wait3A_142 : memref<!tpu.dma_semaphore, #tpu.memory_space<semaphore_mem>>) src(%dma_wait3A_146 : memref<80xi32, #tpu.memory_space<hbm>>) dst(%dma_wait3A_145 : memref<80xi32, #tpu.memory_space<vmem>>)
    %add3A_147 = arith.constant 0 : i32
    %add3A_148 = arith.addi %mul3A_2, %add3A_147 : i32
    %mul3A_149 = arith.constant 80 : i32
    %mul3A_150 = arith.muli %add3A_148, %mul3A_149 : i32
    %dma_wait3A_151 = arith.constant 0 : i32
    %dma_wait3A_152 = arith.constant 0 : i32
    %dma_wait3A_153 = arith.constant 0 : i32
    %dma_wait3A_154 = tpu.memref_slice %arg8[%dma_wait3A_151, %dma_wait3A_153] : memref<8x80xi32, #tpu.memory_space<vmem>> -> memref<1x80xi32, #tpu.memory_space<vmem>>
    %dma_wait3A_155 = tpu.memref_squeeze %dma_wait3A_154 : memref<1x80xi32, #tpu.memory_space<vmem>> -> memref<80xi32, #tpu.memory_space<vmem>>
    %dma_wait3A_156 = tpu.memref_slice %arg4[%mul3A_150] : memref<320000xi32, #tpu.memory_space<hbm>> -> memref<80xi32, #tpu.memory_space<hbm>>
    %dma_wait3A_157 = tpu.memref_slice %arg10[%dma_wait3A_152] : memref<8x!tpu.dma_semaphore, #tpu.memory_space<semaphore_mem>> -> memref<1x!tpu.dma_semaphore, #tpu.memory_space<semaphore_mem>>
    %dma_wait3A_158 = tpu.memref_squeeze %dma_wait3A_157 : memref<1x!tpu.dma_semaphore, #tpu.memory_space<semaphore_mem>> -> memref<!tpu.dma_semaphore, #tpu.memory_space<semaphore_mem>>
    %dma_wait3A_159 = arith.constant 0 : i32
    %dma_wait3A_160 = tpu.memref_slice %arg8[%dma_wait3A_151, %dma_wait3A_159] : memref<8x80xi32, #tpu.memory_space<vmem>> -> memref<1x80xi32, #tpu.memory_space<vmem>>
    %dma_wait3A_161 = tpu.memref_squeeze %dma_wait3A_160 : memref<1x80xi32, #tpu.memory_space<vmem>> -> memref<80xi32, #tpu.memory_space<vmem>>
    %dma_wait3A_162 = tpu.memref_slice %arg4[%mul3A_150] : memref<320000xi32, #tpu.memory_space<hbm>> -> memref<80xi32, #tpu.memory_space<hbm>>
    tpu.wait_dma2 semaphore(%dma_wait3A_158 : memref<!tpu.dma_semaphore, #tpu.memory_space<semaphore_mem>>) src(%dma_wait3A_162 : memref<80xi32, #tpu.memory_space<hbm>>) dst(%dma_wait3A_161 : memref<80xi32, #tpu.memory_space<vmem>>)
    %dma_start3A_163 = arith.constant 0 : i32
    %dma_start3A_164 = arith.constant 0 : i32
    %dma_start3A_165 = arith.constant 0 : i32
    %dma_start3A_166 = arith.constant 0 : i32
    %dma_start3A_167 = arith.constant 0 : i32
    %dma_start3A_168 = tpu.memref_slice %arg9[%dma_start3A_164, %dma_start3A_166, %dma_start3A_167] : memref<4x80x128xf32, #tpu.memory_space<vmem>> -> memref<1x80x128xf32, #tpu.memory_space<vmem>>
    %dma_start3A_169 = tpu.memref_squeeze %dma_start3A_168 : memref<1x80x128xf32, #tpu.memory_space<vmem>> -> memref<80x128xf32, #tpu.memory_space<vmem>>
    %dma_start3A_170 = arith.constant 0 : i32
    %dma_start3A_171 = tpu.memref_slice %arg7[%dma_start3A_163, %dma_start3A_170] : memref<8x80xi32, #tpu.memory_space<vmem>> -> memref<1x80xi32, #tpu.memory_space<vmem>>
    %dma_start3A_172 = tpu.memref_squeeze %dma_start3A_171 : memref<1x80xi32, #tpu.memory_space<vmem>> -> memref<80xi32, #tpu.memory_space<vmem>>
    %dma_start3A_173 = arith.constant 0 : i32
    %dma_start3A_174 = arith.constant 0 : i32
    %dma_start3A_175 = tpu.memref_slice %arg2[%dma_start3A_173, %dma_start3A_174] : memref<10000x128xf32, #tpu.memory_space<hbm>> -> memref<10000x128xf32, #tpu.memory_space<hbm>>
    %dma_start3A_176 = tpu.memref_slice %arg11[%dma_start3A_165] : memref<4x!tpu.dma_semaphore, #tpu.memory_space<semaphore_mem>> -> memref<1x!tpu.dma_semaphore, #tpu.memory_space<semaphore_mem>>
    %dma_start3A_177 = tpu.memref_squeeze %dma_start3A_176 : memref<1x!tpu.dma_semaphore, #tpu.memory_space<semaphore_mem>> -> memref<!tpu.dma_semaphore, #tpu.memory_space<semaphore_mem>>
    tpu.enqueue_indirect_dma source(%dma_start3A_175 : memref<10000x128xf32, #tpu.memory_space<hbm>>) target(%dma_start3A_169 : memref<80x128xf32, #tpu.memory_space<vmem>>) offsets(%dma_start3A_172 : memref<80xi32, #tpu.memory_space<vmem>>) semaphore(%dma_start3A_177 : memref<!tpu.dma_semaphore, #tpu.memory_space<semaphore_mem>>)
    %add3A_178 = arith.constant 1 : i32
    %add3A_179 = arith.addi %mul3A_2, %add3A_178 : i32
    %mul3A_180 = arith.constant 80 : i32
    %mul3A_181 = arith.muli %add3A_179, %mul3A_180 : i32
    %dma_wait3A_182 = arith.constant 1 : i32
    %dma_wait3A_183 = arith.constant 1 : i32
    %dma_wait3A_184 = arith.constant 0 : i32
    %dma_wait3A_185 = tpu.memref_slice %arg7[%dma_wait3A_182, %dma_wait3A_184] : memref<8x80xi32, #tpu.memory_space<vmem>> -> memref<1x80xi32, #tpu.memory_space<vmem>>
    %dma_wait3A_186 = tpu.memref_squeeze %dma_wait3A_185 : memref<1x80xi32, #tpu.memory_space<vmem>> -> memref<80xi32, #tpu.memory_space<vmem>>
    %dma_wait3A_187 = tpu.memref_slice %arg3[%mul3A_181] : memref<320000xi32, #tpu.memory_space<hbm>> -> memref<80xi32, #tpu.memory_space<hbm>>
    %dma_wait3A_188 = tpu.memref_slice %arg10[%dma_wait3A_183] : memref<8x!tpu.dma_semaphore, #tpu.memory_space<semaphore_mem>> -> memref<1x!tpu.dma_semaphore, #tpu.memory_space<semaphore_mem>>
    %dma_wait3A_189 = tpu.memref_squeeze %dma_wait3A_188 : memref<1x!tpu.dma_semaphore, #tpu.memory_space<semaphore_mem>> -> memref<!tpu.dma_semaphore, #tpu.memory_space<semaphore_mem>>
    %dma_wait3A_190 = arith.constant 0 : i32
    %dma_wait3A_191 = tpu.memref_slice %arg7[%dma_wait3A_182, %dma_wait3A_190] : memref<8x80xi32, #tpu.memory_space<vmem>> -> memref<1x80xi32, #tpu.memory_space<vmem>>
    %dma_wait3A_192 = tpu.memref_squeeze %dma_wait3A_191 : memref<1x80xi32, #tpu.memory_space<vmem>> -> memref<80xi32, #tpu.memory_space<vmem>>
    %dma_wait3A_193 = tpu.memref_slice %arg3[%mul3A_181] : memref<320000xi32, #tpu.memory_space<hbm>> -> memref<80xi32, #tpu.memory_space<hbm>>
    tpu.wait_dma2 semaphore(%dma_wait3A_189 : memref<!tpu.dma_semaphore, #tpu.memory_space<semaphore_mem>>) src(%dma_wait3A_193 : memref<80xi32, #tpu.memory_space<hbm>>) dst(%dma_wait3A_192 : memref<80xi32, #tpu.memory_space<vmem>>)
    %add3A_194 = arith.constant 1 : i32
    %add3A_195 = arith.addi %mul3A_2, %add3A_194 : i32
    %mul3A_196 = arith.constant 80 : i32
    %mul3A_197 = arith.muli %add3A_195, %mul3A_196 : i32
    %dma_wait3A_198 = arith.constant 1 : i32
    %dma_wait3A_199 = arith.constant 1 : i32
    %dma_wait3A_200 = arith.constant 0 : i32
    %dma_wait3A_201 = tpu.memref_slice %arg8[%dma_wait3A_198, %dma_wait3A_200] : memref<8x80xi32, #tpu.memory_space<vmem>> -> memref<1x80xi32, #tpu.memory_space<vmem>>
    %dma_wait3A_202 = tpu.memref_squeeze %dma_wait3A_201 : memref<1x80xi32, #tpu.memory_space<vmem>> -> memref<80xi32, #tpu.memory_space<vmem>>
    %dma_wait3A_203 = tpu.memref_slice %arg4[%mul3A_197] : memref<320000xi32, #tpu.memory_space<hbm>> -> memref<80xi32, #tpu.memory_space<hbm>>
    %dma_wait3A_204 = tpu.memref_slice %arg10[%dma_wait3A_199] : memref<8x!tpu.dma_semaphore, #tpu.memory_space<semaphore_mem>> -> memref<1x!tpu.dma_semaphore, #tpu.memory_space<semaphore_mem>>
    %dma_wait3A_205 = tpu.memref_squeeze %dma_wait3A_204 : memref<1x!tpu.dma_semaphore, #tpu.memory_space<semaphore_mem>> -> memref<!tpu.dma_semaphore, #tpu.memory_space<semaphore_mem>>
    %dma_wait3A_206 = arith.constant 0 : i32
    %dma_wait3A_207 = tpu.memref_slice %arg8[%dma_wait3A_198, %dma_wait3A_206] : memref<8x80xi32, #tpu.memory_space<vmem>> -> memref<1x80xi32, #tpu.memory_space<vmem>>
    %dma_wait3A_208 = tpu.memref_squeeze %dma_wait3A_207 : memref<1x80xi32, #tpu.memory_space<vmem>> -> memref<80xi32, #tpu.memory_space<vmem>>
    %dma_wait3A_209 = tpu.memref_slice %arg4[%mul3A_197] : memref<320000xi32, #tpu.memory_space<hbm>> -> memref<80xi32, #tpu.memory_space<hbm>>
    tpu.wait_dma2 semaphore(%dma_wait3A_205 : memref<!tpu.dma_semaphore, #tpu.memory_space<semaphore_mem>>) src(%dma_wait3A_209 : memref<80xi32, #tpu.memory_space<hbm>>) dst(%dma_wait3A_208 : memref<80xi32, #tpu.memory_space<vmem>>)
    %dma_start3A_210 = arith.constant 1 : i32
    %dma_start3A_211 = arith.constant 1 : i32
    %dma_start3A_212 = arith.constant 1 : i32
    %dma_start3A_213 = arith.constant 0 : i32
    %dma_start3A_214 = arith.constant 0 : i32
    %dma_start3A_215 = tpu.memref_slice %arg9[%dma_start3A_211, %dma_start3A_213, %dma_start3A_214] : memref<4x80x128xf32, #tpu.memory_space<vmem>> -> memref<1x80x128xf32, #tpu.memory_space<vmem>>
    %dma_start3A_216 = tpu.memref_squeeze %dma_start3A_215 : memref<1x80x128xf32, #tpu.memory_space<vmem>> -> memref<80x128xf32, #tpu.memory_space<vmem>>
    %dma_start3A_217 = arith.constant 0 : i32
    %dma_start3A_218 = tpu.memref_slice %arg7[%dma_start3A_210, %dma_start3A_217] : memref<8x80xi32, #tpu.memory_space<vmem>> -> memref<1x80xi32, #tpu.memory_space<vmem>>
    %dma_start3A_219 = tpu.memref_squeeze %dma_start3A_218 : memref<1x80xi32, #tpu.memory_space<vmem>> -> memref<80xi32, #tpu.memory_space<vmem>>
    %dma_start3A_220 = arith.constant 0 : i32
    %dma_start3A_221 = arith.constant 0 : i32
    %dma_start3A_222 = tpu.memref_slice %arg2[%dma_start3A_220, %dma_start3A_221] : memref<10000x128xf32, #tpu.memory_space<hbm>> -> memref<10000x128xf32, #tpu.memory_space<hbm>>
    %dma_start3A_223 = tpu.memref_slice %arg11[%dma_start3A_212] : memref<4x!tpu.dma_semaphore, #tpu.memory_space<semaphore_mem>> -> memref<1x!tpu.dma_semaphore, #tpu.memory_space<semaphore_mem>>
    %dma_start3A_224 = tpu.memref_squeeze %dma_start3A_223 : memref<1x!tpu.dma_semaphore, #tpu.memory_space<semaphore_mem>> -> memref<!tpu.dma_semaphore, #tpu.memory_space<semaphore_mem>>
    tpu.enqueue_indirect_dma source(%dma_start3A_222 : memref<10000x128xf32, #tpu.memory_space<hbm>>) target(%dma_start3A_216 : memref<80x128xf32, #tpu.memory_space<vmem>>) offsets(%dma_start3A_219 : memref<80xi32, #tpu.memory_space<vmem>>) semaphore(%dma_start3A_224 : memref<!tpu.dma_semaphore, #tpu.memory_space<semaphore_mem>>)
    %add3A_225 = arith.constant 2 : i32
    %add3A_226 = arith.addi %mul3A_2, %add3A_225 : i32
    %mul3A_227 = arith.constant 80 : i32
    %mul3A_228 = arith.muli %add3A_226, %mul3A_227 : i32
    %dma_wait3A_229 = arith.constant 2 : i32
    %dma_wait3A_230 = arith.constant 2 : i32
    %dma_wait3A_231 = arith.constant 0 : i32
    %dma_wait3A_232 = tpu.memref_slice %arg7[%dma_wait3A_229, %dma_wait3A_231] : memref<8x80xi32, #tpu.memory_space<vmem>> -> memref<1x80xi32, #tpu.memory_space<vmem>>
    %dma_wait3A_233 = tpu.memref_squeeze %dma_wait3A_232 : memref<1x80xi32, #tpu.memory_space<vmem>> -> memref<80xi32, #tpu.memory_space<vmem>>
    %dma_wait3A_234 = tpu.memref_slice %arg3[%mul3A_228] : memref<320000xi32, #tpu.memory_space<hbm>> -> memref<80xi32, #tpu.memory_space<hbm>>
    %dma_wait3A_235 = tpu.memref_slice %arg10[%dma_wait3A_230] : memref<8x!tpu.dma_semaphore, #tpu.memory_space<semaphore_mem>> -> memref<1x!tpu.dma_semaphore, #tpu.memory_space<semaphore_mem>>
    %dma_wait3A_236 = tpu.memref_squeeze %dma_wait3A_235 : memref<1x!tpu.dma_semaphore, #tpu.memory_space<semaphore_mem>> -> memref<!tpu.dma_semaphore, #tpu.memory_space<semaphore_mem>>
    %dma_wait3A_237 = arith.constant 0 : i32
    %dma_wait3A_238 = tpu.memref_slice %arg7[%dma_wait3A_229, %dma_wait3A_237] : memref<8x80xi32, #tpu.memory_space<vmem>> -> memref<1x80xi32, #tpu.memory_space<vmem>>
    %dma_wait3A_239 = tpu.memref_squeeze %dma_wait3A_238 : memref<1x80xi32, #tpu.memory_space<vmem>> -> memref<80xi32, #tpu.memory_space<vmem>>
    %dma_wait3A_240 = tpu.memref_slice %arg3[%mul3A_228] : memref<320000xi32, #tpu.memory_space<hbm>> -> memref<80xi32, #tpu.memory_space<hbm>>
    tpu.wait_dma2 semaphore(%dma_wait3A_236 : memref<!tpu.dma_semaphore, #tpu.memory_space<semaphore_mem>>) src(%dma_wait3A_240 : memref<80xi32, #tpu.memory_space<hbm>>) dst(%dma_wait3A_239 : memref<80xi32, #tpu.memory_space<vmem>>)
    %add3A_241 = arith.constant 2 : i32
    %add3A_242 = arith.addi %mul3A_2, %add3A_241 : i32
    %mul3A_243 = arith.constant 80 : i32
    %mul3A_244 = arith.muli %add3A_242, %mul3A_243 : i32
    %dma_wait3A_245 = arith.constant 2 : i32
    %dma_wait3A_246 = arith.constant 2 : i32
    %dma_wait3A_247 = arith.constant 0 : i32
    %dma_wait3A_248 = tpu.memref_slice %arg8[%dma_wait3A_245, %dma_wait3A_247] : memref<8x80xi32, #tpu.memory_space<vmem>> -> memref<1x80xi32, #tpu.memory_space<vmem>>
    %dma_wait3A_249 = tpu.memref_squeeze %dma_wait3A_248 : memref<1x80xi32, #tpu.memory_space<vmem>> -> memref<80xi32, #tpu.memory_space<vmem>>
    %dma_wait3A_250 = tpu.memref_slice %arg4[%mul3A_244] : memref<320000xi32, #tpu.memory_space<hbm>> -> memref<80xi32, #tpu.memory_space<hbm>>
    %dma_wait3A_251 = tpu.memref_slice %arg10[%dma_wait3A_246] : memref<8x!tpu.dma_semaphore, #tpu.memory_space<semaphore_mem>> -> memref<1x!tpu.dma_semaphore, #tpu.memory_space<semaphore_mem>>
    %dma_wait3A_252 = tpu.memref_squeeze %dma_wait3A_251 : memref<1x!tpu.dma_semaphore, #tpu.memory_space<semaphore_mem>> -> memref<!tpu.dma_semaphore, #tpu.memory_space<semaphore_mem>>
    %dma_wait3A_253 = arith.constant 0 : i32
    %dma_wait3A_254 = tpu.memref_slice %arg8[%dma_wait3A_245, %dma_wait3A_253] : memref<8x80xi32, #tpu.memory_space<vmem>> -> memref<1x80xi32, #tpu.memory_space<vmem>>
    %dma_wait3A_255 = tpu.memref_squeeze %dma_wait3A_254 : memref<1x80xi32, #tpu.memory_space<vmem>> -> memref<80xi32, #tpu.memory_space<vmem>>
    %dma_wait3A_256 = tpu.memref_slice %arg4[%mul3A_244] : memref<320000xi32, #tpu.memory_space<hbm>> -> memref<80xi32, #tpu.memory_space<hbm>>
    tpu.wait_dma2 semaphore(%dma_wait3A_252 : memref<!tpu.dma_semaphore, #tpu.memory_space<semaphore_mem>>) src(%dma_wait3A_256 : memref<80xi32, #tpu.memory_space<hbm>>) dst(%dma_wait3A_255 : memref<80xi32, #tpu.memory_space<vmem>>)
    %dma_start3A_257 = arith.constant 2 : i32
    %dma_start3A_258 = arith.constant 2 : i32
    %dma_start3A_259 = arith.constant 2 : i32
    %dma_start3A_260 = arith.constant 0 : i32
    %dma_start3A_261 = arith.constant 0 : i32
    %dma_start3A_262 = tpu.memref_slice %arg9[%dma_start3A_258, %dma_start3A_260, %dma_start3A_261] : memref<4x80x128xf32, #tpu.memory_space<vmem>> -> memref<1x80x128xf32, #tpu.memory_space<vmem>>
    %dma_start3A_263 = tpu.memref_squeeze %dma_start3A_262 : memref<1x80x128xf32, #tpu.memory_space<vmem>> -> memref<80x128xf32, #tpu.memory_space<vmem>>
    %dma_start3A_264 = arith.constant 0 : i32
    %dma_start3A_265 = tpu.memref_slice %arg7[%dma_start3A_257, %dma_start3A_264] : memref<8x80xi32, #tpu.memory_space<vmem>> -> memref<1x80xi32, #tpu.memory_space<vmem>>
    %dma_start3A_266 = tpu.memref_squeeze %dma_start3A_265 : memref<1x80xi32, #tpu.memory_space<vmem>> -> memref<80xi32, #tpu.memory_space<vmem>>
    %dma_start3A_267 = arith.constant 0 : i32
    %dma_start3A_268 = arith.constant 0 : i32
    %dma_start3A_269 = tpu.memref_slice %arg2[%dma_start3A_267, %dma_start3A_268] : memref<10000x128xf32, #tpu.memory_space<hbm>> -> memref<10000x128xf32, #tpu.memory_space<hbm>>
    %dma_start3A_270 = tpu.memref_slice %arg11[%dma_start3A_259] : memref<4x!tpu.dma_semaphore, #tpu.memory_space<semaphore_mem>> -> memref<1x!tpu.dma_semaphore, #tpu.memory_space<semaphore_mem>>
    %dma_start3A_271 = tpu.memref_squeeze %dma_start3A_270 : memref<1x!tpu.dma_semaphore, #tpu.memory_space<semaphore_mem>> -> memref<!tpu.dma_semaphore, #tpu.memory_space<semaphore_mem>>
    tpu.enqueue_indirect_dma source(%dma_start3A_269 : memref<10000x128xf32, #tpu.memory_space<hbm>>) target(%dma_start3A_263 : memref<80x128xf32, #tpu.memory_space<vmem>>) offsets(%dma_start3A_266 : memref<80xi32, #tpu.memory_space<vmem>>) semaphore(%dma_start3A_271 : memref<!tpu.dma_semaphore, #tpu.memory_space<semaphore_mem>>)
    %barrier3A = arith.constant 0 : index
    tpu.barrier barrier_id(%barrier3A)
    %scan3A = arith.constant 0 : i32
    %scan3A_272 = arith.constant 31 : i32
    %scan3A_273 = arith.addi %scan3A, %scan3A_272 : i32
    %scan3A_274 = arith.constant 1 : i32
    scf.for %scan3A_333 = %scan3A to %scan3A_273 step %scan3A_274  : i32 {
      %mul3A_334 = arith.constant 4 : i32
      %mul3A_335 = arith.muli %scan3A_333, %mul3A_334 : i32
      %add3A_336 = arith.constant 0 : i32
      %add3A_337 = arith.addi %add3A_336, %mul3A_335 : i32
      %add3A_338 = arith.constant 0 : i32
      %add3A_339 = arith.addi %add3A_337, %add3A_338 : i32
      %jit3A = arith.constant 8 : i32
      %eq3A = arith.constant 0 : i32
      %eq3A_340 = arith.cmpi eq, %jit3A, %eq3A : i32
      %jit3A_341 = arith.constant 1 : i32
      %select_n3A = arith.select %eq3A_340, %jit3A_341, %jit3A : i32
      %rem3A = arith.remsi %add3A_339, %select_n3A : i32
      %ne3A = arith.constant 0 : i32
      %ne3A_342 = arith.cmpi ne, %rem3A, %ne3A : i32
      %lt3A = arith.constant 0 : i32
      %lt3A_343 = arith.cmpi slt, %rem3A, %lt3A : i32
      %lt3A_344 = arith.constant 0 : i32
      %lt3A_345 = arith.cmpi slt, %select_n3A, %lt3A_344 : i32
      %ne3A_346 = arith.xori %lt3A_343, %lt3A_345 : i1
      %and3A = arith.andi %ne3A_346, %ne3A_342 : i1
      %add3A_347 = arith.addi %rem3A, %select_n3A : i32
      %select_n3A_348 = arith.select %and3A, %add3A_347, %rem3A : i32
      %dma_wait3A_349 = arith.constant 0 : i32
      %dma_wait3A_350 = arith.constant 0 : i32
      %dma_wait3A_351 = arith.constant 0 : i32
      %dma_wait3A_352 = arith.constant 0 : i32
      %dma_wait3A_353 = tpu.memref_slice %arg9[%dma_wait3A_349, %dma_wait3A_351, %dma_wait3A_352] : memref<4x80x128xf32, #tpu.memory_space<vmem>> -> memref<1x80x128xf32, #tpu.memory_space<vmem>>
      %dma_wait3A_354 = tpu.memref_squeeze %dma_wait3A_353 : memref<1x80x128xf32, #tpu.memory_space<vmem>> -> memref<80x128xf32, #tpu.memory_space<vmem>>
      %dma_wait3A_355 = arith.constant 0 : i32
      %dma_wait3A_356 = tpu.memref_slice %arg7[%select_n3A_348, %dma_wait3A_355] : memref<8x80xi32, #tpu.memory_space<vmem>> -> memref<1x80xi32, #tpu.memory_space<vmem>>
      %dma_wait3A_357 = tpu.memref_squeeze %dma_wait3A_356 : memref<1x80xi32, #tpu.memory_space<vmem>> -> memref<80xi32, #tpu.memory_space<vmem>>
      %dma_wait3A_358 = arith.constant 0 : i32
      %dma_wait3A_359 = arith.constant 0 : i32
      %dma_wait3A_360 = tpu.memref_slice %arg2[%dma_wait3A_358, %dma_wait3A_359] : memref<10000x128xf32, #tpu.memory_space<hbm>> -> memref<10000x128xf32, #tpu.memory_space<hbm>>
      %dma_wait3A_361 = tpu.memref_slice %arg11[%dma_wait3A_350] : memref<4x!tpu.dma_semaphore, #tpu.memory_space<semaphore_mem>> -> memref<1x!tpu.dma_semaphore, #tpu.memory_space<semaphore_mem>>
      %dma_wait3A_362 = tpu.memref_squeeze %dma_wait3A_361 : memref<1x!tpu.dma_semaphore, #tpu.memory_space<semaphore_mem>> -> memref<!tpu.dma_semaphore, #tpu.memory_space<semaphore_mem>>
      tpu.wait_indirect_dma semaphore(%dma_wait3A_362 : memref<!tpu.dma_semaphore, #tpu.memory_space<semaphore_mem>>) src(%dma_wait3A_360 : memref<10000x128xf32, #tpu.memory_space<hbm>>) dst(%dma_wait3A_354 : memref<80x128xf32, #tpu.memory_space<vmem>>)
      %jit3A_363 = arith.constant 8 : i32
      %eq3A_364 = arith.constant 0 : i32
      %eq3A_365 = arith.cmpi eq, %jit3A_363, %eq3A_364 : i32
      %jit3A_366 = arith.constant 1 : i32
      %select_n3A_367 = arith.select %eq3A_365, %jit3A_366, %jit3A_363 : i32
      %rem3A_368 = arith.remsi %add3A_339, %select_n3A_367 : i32
      %ne3A_369 = arith.constant 0 : i32
      %ne3A_370 = arith.cmpi ne, %rem3A_368, %ne3A_369 : i32
      %lt3A_371 = arith.constant 0 : i32
      %lt3A_372 = arith.cmpi slt, %rem3A_368, %lt3A_371 : i32
      %lt3A_373 = arith.constant 0 : i32
      %lt3A_374 = arith.cmpi slt, %select_n3A_367, %lt3A_373 : i32
      %ne3A_375 = arith.xori %lt3A_372, %lt3A_374 : i1
      %and3A_376 = arith.andi %ne3A_375, %ne3A_370 : i1
      %add3A_377 = arith.addi %rem3A_368, %select_n3A_367 : i32
      %select_n3A_378 = arith.select %and3A_376, %add3A_377, %rem3A_368 : i32
      %dma_start3A_379 = arith.constant 0 : i32
      %dma_start3A_380 = arith.constant 0 : i32
      %dma_start3A_381 = arith.constant 0 : i32
      %dma_start3A_382 = arith.constant 0 : i32
      %dma_start3A_383 = tpu.memref_slice %arg9[%dma_start3A_379, %dma_start3A_381, %dma_start3A_382] : memref<4x80x128xf32, #tpu.memory_space<vmem>> -> memref<1x80x128xf32, #tpu.memory_space<vmem>>
      %dma_start3A_384 = tpu.memref_squeeze %dma_start3A_383 : memref<1x80x128xf32, #tpu.memory_space<vmem>> -> memref<80x128xf32, #tpu.memory_space<vmem>>
      %dma_start3A_385 = arith.constant 0 : i32
      %dma_start3A_386 = tpu.memref_slice %arg8[%select_n3A_378, %dma_start3A_385] : memref<8x80xi32, #tpu.memory_space<vmem>> -> memref<1x80xi32, #tpu.memory_space<vmem>>
      %dma_start3A_387 = tpu.memref_squeeze %dma_start3A_386 : memref<1x80xi32, #tpu.memory_space<vmem>> -> memref<80xi32, #tpu.memory_space<vmem>>
      %dma_start3A_388 = arith.constant 0 : i32
      %dma_start3A_389 = arith.constant 0 : i32
      %dma_start3A_390 = tpu.memref_slice %arg13[%dma_start3A_388, %dma_start3A_389] : memref<10112x128xf32, #tpu.memory_space<vmem_shared>> -> memref<10112x128xf32, #tpu.memory_space<vmem_shared>>
      %dma_start3A_391 = tpu.memref_slice %arg12[%dma_start3A_380] : memref<4x!tpu.dma_semaphore, #tpu.memory_space<semaphore_mem>> -> memref<1x!tpu.dma_semaphore, #tpu.memory_space<semaphore_mem>>
      %dma_start3A_392 = tpu.memref_squeeze %dma_start3A_391 : memref<1x!tpu.dma_semaphore, #tpu.memory_space<semaphore_mem>> -> memref<!tpu.dma_semaphore, #tpu.memory_space<semaphore_mem>>
      tpu.enqueue_indirect_dma source(%dma_start3A_384 : memref<80x128xf32, #tpu.memory_space<vmem>>) target(%dma_start3A_390 : memref<10112x128xf32, #tpu.memory_space<vmem_shared>>) offsets(%dma_start3A_387 : memref<80xi32, #tpu.memory_space<vmem>>) semaphore(%dma_start3A_392 : memref<!tpu.dma_semaphore, #tpu.memory_space<semaphore_mem>>) {add = true}
      %ge3A = arith.constant 1 : i32
      %ge3A_393 = arith.cmpi sge, %add3A_339, %ge3A : i32
      %convert_element_type3A = arith.extui %ge3A_393 : i1 to i32
      %cond3A = arith.constant 0 : i32
      %cond3A_394 = arith.cmpi ne, %convert_element_type3A, %cond3A : i32
      scf.if %cond3A_394 {
        %sub3A = arith.constant 1 : i32
        %sub3A_652 = arith.subi %add3A_339, %sub3A : i32
        %jit3A_653 = arith.constant 8 : i32
        %eq3A_654 = arith.constant 0 : i32
        %eq3A_655 = arith.cmpi eq, %jit3A_653, %eq3A_654 : i32
        %jit3A_656 = arith.constant 1 : i32
        %select_n3A_657 = arith.select %eq3A_655, %jit3A_656, %jit3A_653 : i32
        %rem3A_658 = arith.remsi %sub3A_652, %select_n3A_657 : i32
        %ne3A_659 = arith.constant 0 : i32
        %ne3A_660 = arith.cmpi ne, %rem3A_658, %ne3A_659 : i32
        %lt3A_661 = arith.constant 0 : i32
        %lt3A_662 = arith.cmpi slt, %rem3A_658, %lt3A_661 : i32
        %lt3A_663 = arith.constant 0 : i32
        %lt3A_664 = arith.cmpi slt, %select_n3A_657, %lt3A_663 : i32
        %ne3A_665 = arith.xori %lt3A_662, %lt3A_664 : i1
        %and3A_666 = arith.andi %ne3A_665, %ne3A_660 : i1
        %add3A_667 = arith.addi %rem3A_658, %select_n3A_657 : i32
        %select_n3A_668 = arith.select %and3A_666, %add3A_667, %rem3A_658 : i32
        %dma_wait3A_669 = arith.constant 3 : i32
        %dma_wait3A_670 = arith.constant 3 : i32
        %dma_wait3A_671 = arith.constant 0 : i32
        %dma_wait3A_672 = arith.constant 0 : i32
        %dma_wait3A_673 = tpu.memref_slice %arg9[%dma_wait3A_669, %dma_wait3A_671, %dma_wait3A_672] : memref<4x80x128xf32, #tpu.memory_space<vmem>> -> memref<1x80x128xf32, #tpu.memory_space<vmem>>
        %dma_wait3A_674 = tpu.memref_squeeze %dma_wait3A_673 : memref<1x80x128xf32, #tpu.memory_space<vmem>> -> memref<80x128xf32, #tpu.memory_space<vmem>>
        %dma_wait3A_675 = arith.constant 0 : i32
        %dma_wait3A_676 = tpu.memref_slice %arg8[%select_n3A_668, %dma_wait3A_675] : memref<8x80xi32, #tpu.memory_space<vmem>> -> memref<1x80xi32, #tpu.memory_space<vmem>>
        %dma_wait3A_677 = tpu.memref_squeeze %dma_wait3A_676 : memref<1x80xi32, #tpu.memory_space<vmem>> -> memref<80xi32, #tpu.memory_space<vmem>>
        %dma_wait3A_678 = arith.constant 0 : i32
        %dma_wait3A_679 = arith.constant 0 : i32
        %dma_wait3A_680 = tpu.memref_slice %arg13[%dma_wait3A_678, %dma_wait3A_679] : memref<10112x128xf32, #tpu.memory_space<vmem_shared>> -> memref<10112x128xf32, #tpu.memory_space<vmem_shared>>
        %dma_wait3A_681 = tpu.memref_slice %arg12[%dma_wait3A_670] : memref<4x!tpu.dma_semaphore, #tpu.memory_space<semaphore_mem>> -> memref<1x!tpu.dma_semaphore, #tpu.memory_space<semaphore_mem>>
        %dma_wait3A_682 = tpu.memref_squeeze %dma_wait3A_681 : memref<1x!tpu.dma_semaphore, #tpu.memory_space<semaphore_mem>> -> memref<!tpu.dma_semaphore, #tpu.memory_space<semaphore_mem>>
        tpu.wait_indirect_dma semaphore(%dma_wait3A_682 : memref<!tpu.dma_semaphore, #tpu.memory_space<semaphore_mem>>) src(%dma_wait3A_674 : memref<80x128xf32, #tpu.memory_space<vmem>>) dst(%dma_wait3A_680 : memref<10112x128xf32, #tpu.memory_space<vmem_shared>>)
      } else {
      }
      %add3A_395 = arith.constant 3 : i32
      %add3A_396 = arith.addi %add3A_339, %add3A_395 : i32
      %lt3A_397 = arith.constant 124 : i32
      %lt3A_398 = arith.cmpi slt, %add3A_396, %lt3A_397 : i32
      %convert_element_type3A_399 = arith.extui %lt3A_398 : i1 to i32
      %cond3A_400 = arith.constant 0 : i32
      %cond3A_401 = arith.cmpi ne, %convert_element_type3A_399, %cond3A_400 : i32
      scf.if %cond3A_401 {
        %add3A_652 = arith.constant 3 : i32
        %add3A_653 = arith.addi %add3A_339, %add3A_652 : i32
        %add3A_654 = arith.addi %mul3A_2, %add3A_653 : i32
        %mul3A_655 = arith.constant 80 : i32
        %mul3A_656 = arith.muli %add3A_654, %mul3A_655 : i32
        %jit3A_657 = arith.constant 8 : i32
        %eq3A_658 = arith.constant 0 : i32
        %eq3A_659 = arith.cmpi eq, %jit3A_657, %eq3A_658 : i32
        %jit3A_660 = arith.constant 1 : i32
        %select_n3A_661 = arith.select %eq3A_659, %jit3A_660, %jit3A_657 : i32
        %rem3A_662 = arith.remsi %add3A_653, %select_n3A_661 : i32
        %ne3A_663 = arith.constant 0 : i32
        %ne3A_664 = arith.cmpi ne, %rem3A_662, %ne3A_663 : i32
        %lt3A_665 = arith.constant 0 : i32
        %lt3A_666 = arith.cmpi slt, %rem3A_662, %lt3A_665 : i32
        %lt3A_667 = arith.constant 0 : i32
        %lt3A_668 = arith.cmpi slt, %select_n3A_661, %lt3A_667 : i32
        %ne3A_669 = arith.xori %lt3A_666, %lt3A_668 : i1
        %and3A_670 = arith.andi %ne3A_669, %ne3A_664 : i1
        %add3A_671 = arith.addi %rem3A_662, %select_n3A_661 : i32
        %select_n3A_672 = arith.select %and3A_670, %add3A_671, %rem3A_662 : i32
        %jit3A_673 = arith.constant 4 : i32
        %eq3A_674 = arith.constant 0 : i32
        %eq3A_675 = arith.cmpi eq, %jit3A_673, %eq3A_674 : i32
        %jit3A_676 = arith.constant 1 : i32
        %select_n3A_677 = arith.select %eq3A_675, %jit3A_676, %jit3A_673 : i32
        %rem3A_678 = arith.remsi %add3A_653, %select_n3A_677 : i32
        %ne3A_679 = arith.constant 0 : i32
        %ne3A_680 = arith.cmpi ne, %rem3A_678, %ne3A_679 : i32
        %lt3A_681 = arith.constant 0 : i32
        %lt3A_682 = arith.cmpi slt, %rem3A_678, %lt3A_681 : i32
        %lt3A_683 = arith.constant 0 : i32
        %lt3A_684 = arith.cmpi slt, %select_n3A_677, %lt3A_683 : i32
        %ne3A_685 = arith.xori %lt3A_682, %lt3A_684 : i1
        %and3A_686 = arith.andi %ne3A_685, %ne3A_680 : i1
        %add3A_687 = arith.addi %rem3A_678, %select_n3A_677 : i32
        %select_n3A_688 = arith.select %and3A_686, %add3A_687, %rem3A_678 : i32
        %dma_wait3A_689 = arith.constant 0 : i32
        %dma_wait3A_690 = tpu.memref_slice %arg7[%select_n3A_672, %dma_wait3A_689] : memref<8x80xi32, #tpu.memory_space<vmem>> -> memref<1x80xi32, #tpu.memory_space<vmem>>
        %dma_wait3A_691 = tpu.memref_squeeze %dma_wait3A_690 : memref<1x80xi32, #tpu.memory_space<vmem>> -> memref<80xi32, #tpu.memory_space<vmem>>
        %dma_wait3A_692 = tpu.memref_slice %arg3[%mul3A_656] : memref<320000xi32, #tpu.memory_space<hbm>> -> memref<80xi32, #tpu.memory_space<hbm>>
        %dma_wait3A_693 = tpu.memref_slice %arg10[%select_n3A_688] : memref<8x!tpu.dma_semaphore, #tpu.memory_space<semaphore_mem>> -> memref<1x!tpu.dma_semaphore, #tpu.memory_space<semaphore_mem>>
        %dma_wait3A_694 = tpu.memref_squeeze %dma_wait3A_693 : memref<1x!tpu.dma_semaphore, #tpu.memory_space<semaphore_mem>> -> memref<!tpu.dma_semaphore, #tpu.memory_space<semaphore_mem>>
        %dma_wait3A_695 = arith.constant 0 : i32
        %dma_wait3A_696 = tpu.memref_slice %arg7[%select_n3A_672, %dma_wait3A_695] : memref<8x80xi32, #tpu.memory_space<vmem>> -> memref<1x80xi32, #tpu.memory_space<vmem>>
        %dma_wait3A_697 = tpu.memref_squeeze %dma_wait3A_696 : memref<1x80xi32, #tpu.memory_space<vmem>> -> memref<80xi32, #tpu.memory_space<vmem>>
        %dma_wait3A_698 = tpu.memref_slice %arg3[%mul3A_656] : memref<320000xi32, #tpu.memory_space<hbm>> -> memref<80xi32, #tpu.memory_space<hbm>>
        tpu.wait_dma2 semaphore(%dma_wait3A_694 : memref<!tpu.dma_semaphore, #tpu.memory_space<semaphore_mem>>) src(%dma_wait3A_698 : memref<80xi32, #tpu.memory_space<hbm>>) dst(%dma_wait3A_697 : memref<80xi32, #tpu.memory_space<vmem>>)
        %add3A_699 = arith.addi %mul3A_2, %add3A_653 : i32
        %mul3A_700 = arith.constant 80 : i32
        %mul3A_701 = arith.muli %add3A_699, %mul3A_700 : i32
        %jit3A_702 = arith.constant 8 : i32
        %eq3A_703 = arith.constant 0 : i32
        %eq3A_704 = arith.cmpi eq, %jit3A_702, %eq3A_703 : i32
        %jit3A_705 = arith.constant 1 : i32
        %select_n3A_706 = arith.select %eq3A_704, %jit3A_705, %jit3A_702 : i32
        %rem3A_707 = arith.remsi %add3A_653, %select_n3A_706 : i32
        %ne3A_708 = arith.constant 0 : i32
        %ne3A_709 = arith.cmpi ne, %rem3A_707, %ne3A_708 : i32
        %lt3A_710 = arith.constant 0 : i32
        %lt3A_711 = arith.cmpi slt, %rem3A_707, %lt3A_710 : i32
        %lt3A_712 = arith.constant 0 : i32
        %lt3A_713 = arith.cmpi slt, %select_n3A_706, %lt3A_712 : i32
        %ne3A_714 = arith.xori %lt3A_711, %lt3A_713 : i1
        %and3A_715 = arith.andi %ne3A_714, %ne3A_709 : i1
        %add3A_716 = arith.addi %rem3A_707, %select_n3A_706 : i32
        %select_n3A_717 = arith.select %and3A_715, %add3A_716, %rem3A_707 : i32
        %jit3A_718 = arith.constant 4 : i32
        %eq3A_719 = arith.constant 0 : i32
        %eq3A_720 = arith.cmpi eq, %jit3A_718, %eq3A_719 : i32
        %jit3A_721 = arith.constant 1 : i32
        %select_n3A_722 = arith.select %eq3A_720, %jit3A_721, %jit3A_718 : i32
        %rem3A_723 = arith.remsi %add3A_653, %select_n3A_722 : i32
        %ne3A_724 = arith.constant 0 : i32
        %ne3A_725 = arith.cmpi ne, %rem3A_723, %ne3A_724 : i32
        %lt3A_726 = arith.constant 0 : i32
        %lt3A_727 = arith.cmpi slt, %rem3A_723, %lt3A_726 : i32
        %lt3A_728 = arith.constant 0 : i32
        %lt3A_729 = arith.cmpi slt, %select_n3A_722, %lt3A_728 : i32
        %ne3A_730 = arith.xori %lt3A_727, %lt3A_729 : i1
        %and3A_731 = arith.andi %ne3A_730, %ne3A_725 : i1
        %add3A_732 = arith.addi %rem3A_723, %select_n3A_722 : i32
        %select_n3A_733 = arith.select %and3A_731, %add3A_732, %rem3A_723 : i32
        %dma_wait3A_734 = arith.constant 0 : i32
        %dma_wait3A_735 = tpu.memref_slice %arg8[%select_n3A_717, %dma_wait3A_734] : memref<8x80xi32, #tpu.memory_space<vmem>> -> memref<1x80xi32, #tpu.memory_space<vmem>>
        %dma_wait3A_736 = tpu.memref_squeeze %dma_wait3A_735 : memref<1x80xi32, #tpu.memory_space<vmem>> -> memref<80xi32, #tpu.memory_space<vmem>>
        %dma_wait3A_737 = tpu.memref_slice %arg4[%mul3A_701] : memref<320000xi32, #tpu.memory_space<hbm>> -> memref<80xi32, #tpu.memory_space<hbm>>
        %dma_wait3A_738 = tpu.memref_slice %arg10[%select_n3A_733] : memref<8x!tpu.dma_semaphore, #tpu.memory_space<semaphore_mem>> -> memref<1x!tpu.dma_semaphore, #tpu.memory_space<semaphore_mem>>
        %dma_wait3A_739 = tpu.memref_squeeze %dma_wait3A_738 : memref<1x!tpu.dma_semaphore, #tpu.memory_space<semaphore_mem>> -> memref<!tpu.dma_semaphore, #tpu.memory_space<semaphore_mem>>
        %dma_wait3A_740 = arith.constant 0 : i32
        %dma_wait3A_741 = tpu.memref_slice %arg8[%select_n3A_717, %dma_wait3A_740] : memref<8x80xi32, #tpu.memory_space<vmem>> -> memref<1x80xi32, #tpu.memory_space<vmem>>
        %dma_wait3A_742 = tpu.memref_squeeze %dma_wait3A_741 : memref<1x80xi32, #tpu.memory_space<vmem>> -> memref<80xi32, #tpu.memory_space<vmem>>
        %dma_wait3A_743 = tpu.memref_slice %arg4[%mul3A_701] : memref<320000xi32, #tpu.memory_space<hbm>> -> memref<80xi32, #tpu.memory_space<hbm>>
        tpu.wait_dma2 semaphore(%dma_wait3A_739 : memref<!tpu.dma_semaphore, #tpu.memory_space<semaphore_mem>>) src(%dma_wait3A_743 : memref<80xi32, #tpu.memory_space<hbm>>) dst(%dma_wait3A_742 : memref<80xi32, #tpu.memory_space<vmem>>)
        %add3A_744 = arith.constant 3 : i32
        %add3A_745 = arith.addi %add3A_339, %add3A_744 : i32
        %jit3A_746 = arith.constant 8 : i32
        %eq3A_747 = arith.constant 0 : i32
        %eq3A_748 = arith.cmpi eq, %jit3A_746, %eq3A_747 : i32
        %jit3A_749 = arith.constant 1 : i32
        %select_n3A_750 = arith.select %eq3A_748, %jit3A_749, %jit3A_746 : i32
        %rem3A_751 = arith.remsi %add3A_745, %select_n3A_750 : i32
        %ne3A_752 = arith.constant 0 : i32
        %ne3A_753 = arith.cmpi ne, %rem3A_751, %ne3A_752 : i32
        %lt3A_754 = arith.constant 0 : i32
        %lt3A_755 = arith.cmpi slt, %rem3A_751, %lt3A_754 : i32
        %lt3A_756 = arith.constant 0 : i32
        %lt3A_757 = arith.cmpi slt, %select_n3A_750, %lt3A_756 : i32
        %ne3A_758 = arith.xori %lt3A_755, %lt3A_757 : i1
        %and3A_759 = arith.andi %ne3A_758, %ne3A_753 : i1
        %add3A_760 = arith.addi %rem3A_751, %select_n3A_750 : i32
        %select_n3A_761 = arith.select %and3A_759, %add3A_760, %rem3A_751 : i32
        %dma_start3A_762 = arith.constant 3 : i32
        %dma_start3A_763 = arith.constant 3 : i32
        %dma_start3A_764 = arith.constant 0 : i32
        %dma_start3A_765 = arith.constant 0 : i32
        %dma_start3A_766 = tpu.memref_slice %arg9[%dma_start3A_762, %dma_start3A_764, %dma_start3A_765] : memref<4x80x128xf32, #tpu.memory_space<vmem>> -> memref<1x80x128xf32, #tpu.memory_space<vmem>>
        %dma_start3A_767 = tpu.memref_squeeze %dma_start3A_766 : memref<1x80x128xf32, #tpu.memory_space<vmem>> -> memref<80x128xf32, #tpu.memory_space<vmem>>
        %dma_start3A_768 = arith.constant 0 : i32
        %dma_start3A_769 = tpu.memref_slice %arg7[%select_n3A_761, %dma_start3A_768] : memref<8x80xi32, #tpu.memory_space<vmem>> -> memref<1x80xi32, #tpu.memory_space<vmem>>
        %dma_start3A_770 = tpu.memref_squeeze %dma_start3A_769 : memref<1x80xi32, #tpu.memory_space<vmem>> -> memref<80xi32, #tpu.memory_space<vmem>>
        %dma_start3A_771 = arith.constant 0 : i32
        %dma_start3A_772 = arith.constant 0 : i32
        %dma_start3A_773 = tpu.memref_slice %arg2[%dma_start3A_771, %dma_start3A_772] : memref<10000x128xf32, #tpu.memory_space<hbm>> -> memref<10000x128xf32, #tpu.memory_space<hbm>>
        %dma_start3A_774 = tpu.memref_slice %arg11[%dma_start3A_763] : memref<4x!tpu.dma_semaphore, #tpu.memory_space<semaphore_mem>> -> memref<1x!tpu.dma_semaphore, #tpu.memory_space<semaphore_mem>>
        %dma_start3A_775 = tpu.memref_squeeze %dma_start3A_774 : memref<1x!tpu.dma_semaphore, #tpu.memory_space<semaphore_mem>> -> memref<!tpu.dma_semaphore, #tpu.memory_space<semaphore_mem>>
        tpu.enqueue_indirect_dma source(%dma_start3A_773 : memref<10000x128xf32, #tpu.memory_space<hbm>>) target(%dma_start3A_767 : memref<80x128xf32, #tpu.memory_space<vmem>>) offsets(%dma_start3A_770 : memref<80xi32, #tpu.memory_space<vmem>>) semaphore(%dma_start3A_775 : memref<!tpu.dma_semaphore, #tpu.memory_space<semaphore_mem>>)
      } else {
      }
      %add3A_402 = arith.constant 4 : i32
      %add3A_403 = arith.addi %add3A_339, %add3A_402 : i32
      %lt3A_404 = arith.constant 124 : i32
      %lt3A_405 = arith.cmpi slt, %add3A_403, %lt3A_404 : i32
      %convert_element_type3A_406 = arith.extui %lt3A_405 : i1 to i32
      %cond3A_407 = arith.constant 0 : i32
      %cond3A_408 = arith.cmpi ne, %convert_element_type3A_406, %cond3A_407 : i32
      scf.if %cond3A_408 {
        %add3A_652 = arith.constant 4 : i32
        %add3A_653 = arith.addi %add3A_339, %add3A_652 : i32
        %add3A_654 = arith.addi %mul3A_2, %add3A_653 : i32
        %mul3A_655 = arith.constant 80 : i32
        %mul3A_656 = arith.muli %add3A_654, %mul3A_655 : i32
        %jit3A_657 = arith.constant 8 : i32
        %eq3A_658 = arith.constant 0 : i32
        %eq3A_659 = arith.cmpi eq, %jit3A_657, %eq3A_658 : i32
        %jit3A_660 = arith.constant 1 : i32
        %select_n3A_661 = arith.select %eq3A_659, %jit3A_660, %jit3A_657 : i32
        %rem3A_662 = arith.remsi %add3A_653, %select_n3A_661 : i32
        %ne3A_663 = arith.constant 0 : i32
        %ne3A_664 = arith.cmpi ne, %rem3A_662, %ne3A_663 : i32
        %lt3A_665 = arith.constant 0 : i32
        %lt3A_666 = arith.cmpi slt, %rem3A_662, %lt3A_665 : i32
        %lt3A_667 = arith.constant 0 : i32
        %lt3A_668 = arith.cmpi slt, %select_n3A_661, %lt3A_667 : i32
        %ne3A_669 = arith.xori %lt3A_666, %lt3A_668 : i1
        %and3A_670 = arith.andi %ne3A_669, %ne3A_664 : i1
        %add3A_671 = arith.addi %rem3A_662, %select_n3A_661 : i32
        %select_n3A_672 = arith.select %and3A_670, %add3A_671, %rem3A_662 : i32
        %jit3A_673 = arith.constant 4 : i32
        %eq3A_674 = arith.constant 0 : i32
        %eq3A_675 = arith.cmpi eq, %jit3A_673, %eq3A_674 : i32
        %jit3A_676 = arith.constant 1 : i32
        %select_n3A_677 = arith.select %eq3A_675, %jit3A_676, %jit3A_673 : i32
        %rem3A_678 = arith.remsi %add3A_653, %select_n3A_677 : i32
        %ne3A_679 = arith.constant 0 : i32
        %ne3A_680 = arith.cmpi ne, %rem3A_678, %ne3A_679 : i32
        %lt3A_681 = arith.constant 0 : i32
        %lt3A_682 = arith.cmpi slt, %rem3A_678, %lt3A_681 : i32
        %lt3A_683 = arith.constant 0 : i32
        %lt3A_684 = arith.cmpi slt, %select_n3A_677, %lt3A_683 : i32
        %ne3A_685 = arith.xori %lt3A_682, %lt3A_684 : i1
        %and3A_686 = arith.andi %ne3A_685, %ne3A_680 : i1
        %add3A_687 = arith.addi %rem3A_678, %select_n3A_677 : i32
        %select_n3A_688 = arith.select %and3A_686, %add3A_687, %rem3A_678 : i32
        %dma_start3A_689 = arith.constant 0 : i32
        %dma_start3A_690 = tpu.memref_slice %arg7[%select_n3A_672, %dma_start3A_689] : memref<8x80xi32, #tpu.memory_space<vmem>> -> memref<1x80xi32, #tpu.memory_space<vmem>>
        %dma_start3A_691 = tpu.memref_squeeze %dma_start3A_690 : memref<1x80xi32, #tpu.memory_space<vmem>> -> memref<80xi32, #tpu.memory_space<vmem>>
        %dma_start3A_692 = tpu.memref_slice %arg3[%mul3A_656] : memref<320000xi32, #tpu.memory_space<hbm>> -> memref<80xi32, #tpu.memory_space<hbm>>
        %dma_start3A_693 = tpu.memref_slice %arg10[%select_n3A_688] : memref<8x!tpu.dma_semaphore, #tpu.memory_space<semaphore_mem>> -> memref<1x!tpu.dma_semaphore, #tpu.memory_space<semaphore_mem>>
        %dma_start3A_694 = tpu.memref_squeeze %dma_start3A_693 : memref<1x!tpu.dma_semaphore, #tpu.memory_space<semaphore_mem>> -> memref<!tpu.dma_semaphore, #tpu.memory_space<semaphore_mem>>
        %dma_start3A_695 = arith.constant 0 : i32
        %dma_start3A_696 = tpu.memref_slice %arg7[%select_n3A_672, %dma_start3A_695] : memref<8x80xi32, #tpu.memory_space<vmem>> -> memref<1x80xi32, #tpu.memory_space<vmem>>
        %dma_start3A_697 = tpu.memref_squeeze %dma_start3A_696 : memref<1x80xi32, #tpu.memory_space<vmem>> -> memref<80xi32, #tpu.memory_space<vmem>>
        %dma_start3A_698 = tpu.memref_slice %arg3[%mul3A_656] : memref<320000xi32, #tpu.memory_space<hbm>> -> memref<80xi32, #tpu.memory_space<hbm>>
        tpu.enqueue_dma source(%dma_start3A_698 : memref<80xi32, #tpu.memory_space<hbm>>) target(%dma_start3A_697 : memref<80xi32, #tpu.memory_space<vmem>>) target_semaphore(%dma_start3A_694 : memref<!tpu.dma_semaphore, #tpu.memory_space<semaphore_mem>>)
        %add3A_699 = arith.addi %mul3A_2, %add3A_653 : i32
        %mul3A_700 = arith.constant 80 : i32
        %mul3A_701 = arith.muli %add3A_699, %mul3A_700 : i32
        %jit3A_702 = arith.constant 8 : i32
        %eq3A_703 = arith.constant 0 : i32
        %eq3A_704 = arith.cmpi eq, %jit3A_702, %eq3A_703 : i32
        %jit3A_705 = arith.constant 1 : i32
        %select_n3A_706 = arith.select %eq3A_704, %jit3A_705, %jit3A_702 : i32
        %rem3A_707 = arith.remsi %add3A_653, %select_n3A_706 : i32
        %ne3A_708 = arith.constant 0 : i32
        %ne3A_709 = arith.cmpi ne, %rem3A_707, %ne3A_708 : i32
        %lt3A_710 = arith.constant 0 : i32
        %lt3A_711 = arith.cmpi slt, %rem3A_707, %lt3A_710 : i32
        %lt3A_712 = arith.constant 0 : i32
        %lt3A_713 = arith.cmpi slt, %select_n3A_706, %lt3A_712 : i32
        %ne3A_714 = arith.xori %lt3A_711, %lt3A_713 : i1
        %and3A_715 = arith.andi %ne3A_714, %ne3A_709 : i1
        %add3A_716 = arith.addi %rem3A_707, %select_n3A_706 : i32
        %select_n3A_717 = arith.select %and3A_715, %add3A_716, %rem3A_707 : i32
        %jit3A_718 = arith.constant 4 : i32
        %eq3A_719 = arith.constant 0 : i32
        %eq3A_720 = arith.cmpi eq, %jit3A_718, %eq3A_719 : i32
        %jit3A_721 = arith.constant 1 : i32
        %select_n3A_722 = arith.select %eq3A_720, %jit3A_721, %jit3A_718 : i32
        %rem3A_723 = arith.remsi %add3A_653, %select_n3A_722 : i32
        %ne3A_724 = arith.constant 0 : i32
        %ne3A_725 = arith.cmpi ne, %rem3A_723, %ne3A_724 : i32
        %lt3A_726 = arith.constant 0 : i32
        %lt3A_727 = arith.cmpi slt, %rem3A_723, %lt3A_726 : i32
        %lt3A_728 = arith.constant 0 : i32
        %lt3A_729 = arith.cmpi slt, %select_n3A_722, %lt3A_728 : i32
        %ne3A_730 = arith.xori %lt3A_727, %lt3A_729 : i1
        %and3A_731 = arith.andi %ne3A_730, %ne3A_725 : i1
        %add3A_732 = arith.addi %rem3A_723, %select_n3A_722 : i32
        %select_n3A_733 = arith.select %and3A_731, %add3A_732, %rem3A_723 : i32
        %dma_start3A_734 = arith.constant 0 : i32
        %dma_start3A_735 = tpu.memref_slice %arg8[%select_n3A_717, %dma_start3A_734] : memref<8x80xi32, #tpu.memory_space<vmem>> -> memref<1x80xi32, #tpu.memory_space<vmem>>
        %dma_start3A_736 = tpu.memref_squeeze %dma_start3A_735 : memref<1x80xi32, #tpu.memory_space<vmem>> -> memref<80xi32, #tpu.memory_space<vmem>>
        %dma_start3A_737 = tpu.memref_slice %arg4[%mul3A_701] : memref<320000xi32, #tpu.memory_space<hbm>> -> memref<80xi32, #tpu.memory_space<hbm>>
        %dma_start3A_738 = tpu.memref_slice %arg10[%select_n3A_733] : memref<8x!tpu.dma_semaphore, #tpu.memory_space<semaphore_mem>> -> memref<1x!tpu.dma_semaphore, #tpu.memory_space<semaphore_mem>>
        %dma_start3A_739 = tpu.memref_squeeze %dma_start3A_738 : memref<1x!tpu.dma_semaphore, #tpu.memory_space<semaphore_mem>> -> memref<!tpu.dma_semaphore, #tpu.memory_space<semaphore_mem>>
        %dma_start3A_740 = arith.constant 0 : i32
        %dma_start3A_741 = tpu.memref_slice %arg8[%select_n3A_717, %dma_start3A_740] : memref<8x80xi32, #tpu.memory_space<vmem>> -> memref<1x80xi32, #tpu.memory_space<vmem>>
        %dma_start3A_742 = tpu.memref_squeeze %dma_start3A_741 : memref<1x80xi32, #tpu.memory_space<vmem>> -> memref<80xi32, #tpu.memory_space<vmem>>
        %dma_start3A_743 = tpu.memref_slice %arg4[%mul3A_701] : memref<320000xi32, #tpu.memory_space<hbm>> -> memref<80xi32, #tpu.memory_space<hbm>>
        tpu.enqueue_dma source(%dma_start3A_743 : memref<80xi32, #tpu.memory_space<hbm>>) target(%dma_start3A_742 : memref<80xi32, #tpu.memory_space<vmem>>) target_semaphore(%dma_start3A_739 : memref<!tpu.dma_semaphore, #tpu.memory_space<semaphore_mem>>)
      } else {
      }
      %add3A_409 = arith.constant 1 : i32
      %add3A_410 = arith.addi %add3A_337, %add3A_409 : i32
      %jit3A_411 = arith.constant 8 : i32
      %eq3A_412 = arith.constant 0 : i32
      %eq3A_413 = arith.cmpi eq, %jit3A_411, %eq3A_412 : i32
      %jit3A_414 = arith.constant 1 : i32
      %select_n3A_415 = arith.select %eq3A_413, %jit3A_414, %jit3A_411 : i32
      %rem3A_416 = arith.remsi %add3A_410, %select_n3A_415 : i32
      %ne3A_417 = arith.constant 0 : i32
      %ne3A_418 = arith.cmpi ne, %rem3A_416, %ne3A_417 : i32
      %lt3A_419 = arith.constant 0 : i32
      %lt3A_420 = arith.cmpi slt, %rem3A_416, %lt3A_419 : i32
      %lt3A_421 = arith.constant 0 : i32
      %lt3A_422 = arith.cmpi slt, %select_n3A_415, %lt3A_421 : i32
      %ne3A_423 = arith.xori %lt3A_420, %lt3A_422 : i1
      %and3A_424 = arith.andi %ne3A_423, %ne3A_418 : i1
      %add3A_425 = arith.addi %rem3A_416, %select_n3A_415 : i32
      %select_n3A_426 = arith.select %and3A_424, %add3A_425, %rem3A_416 : i32
      %dma_wait3A_427 = arith.constant 1 : i32
      %dma_wait3A_428 = arith.constant 1 : i32
      %dma_wait3A_429 = arith.constant 0 : i32
      %dma_wait3A_430 = arith.constant 0 : i32
      %dma_wait3A_431 = tpu.memref_slice %arg9[%dma_wait3A_427, %dma_wait3A_429, %dma_wait3A_430] : memref<4x80x128xf32, #tpu.memory_space<vmem>> -> memref<1x80x128xf32, #tpu.memory_space<vmem>>
      %dma_wait3A_432 = tpu.memref_squeeze %dma_wait3A_431 : memref<1x80x128xf32, #tpu.memory_space<vmem>> -> memref<80x128xf32, #tpu.memory_space<vmem>>
      %dma_wait3A_433 = arith.constant 0 : i32
      %dma_wait3A_434 = tpu.memref_slice %arg7[%select_n3A_426, %dma_wait3A_433] : memref<8x80xi32, #tpu.memory_space<vmem>> -> memref<1x80xi32, #tpu.memory_space<vmem>>
      %dma_wait3A_435 = tpu.memref_squeeze %dma_wait3A_434 : memref<1x80xi32, #tpu.memory_space<vmem>> -> memref<80xi32, #tpu.memory_space<vmem>>
      %dma_wait3A_436 = arith.constant 0 : i32
      %dma_wait3A_437 = arith.constant 0 : i32
      %dma_wait3A_438 = tpu.memref_slice %arg2[%dma_wait3A_436, %dma_wait3A_437] : memref<10000x128xf32, #tpu.memory_space<hbm>> -> memref<10000x128xf32, #tpu.memory_space<hbm>>
      %dma_wait3A_439 = tpu.memref_slice %arg11[%dma_wait3A_428] : memref<4x!tpu.dma_semaphore, #tpu.memory_space<semaphore_mem>> -> memref<1x!tpu.dma_semaphore, #tpu.memory_space<semaphore_mem>>
      %dma_wait3A_440 = tpu.memref_squeeze %dma_wait3A_439 : memref<1x!tpu.dma_semaphore, #tpu.memory_space<semaphore_mem>> -> memref<!tpu.dma_semaphore, #tpu.memory_space<semaphore_mem>>
      tpu.wait_indirect_dma semaphore(%dma_wait3A_440 : memref<!tpu.dma_semaphore, #tpu.memory_space<semaphore_mem>>) src(%dma_wait3A_438 : memref<10000x128xf32, #tpu.memory_space<hbm>>) dst(%dma_wait3A_432 : memref<80x128xf32, #tpu.memory_space<vmem>>)
      %jit3A_441 = arith.constant 8 : i32
      %eq3A_442 = arith.constant 0 : i32
      %eq3A_443 = arith.cmpi eq, %jit3A_441, %eq3A_442 : i32
      %jit3A_444 = arith.constant 1 : i32
      %select_n3A_445 = arith.select %eq3A_443, %jit3A_444, %jit3A_441 : i32
      %rem3A_446 = arith.remsi %add3A_410, %select_n3A_445 : i32
      %ne3A_447 = arith.constant 0 : i32
      %ne3A_448 = arith.cmpi ne, %rem3A_446, %ne3A_447 : i32
      %lt3A_449 = arith.constant 0 : i32
      %lt3A_450 = arith.cmpi slt, %rem3A_446, %lt3A_449 : i32
      %lt3A_451 = arith.constant 0 : i32
      %lt3A_452 = arith.cmpi slt, %select_n3A_445, %lt3A_451 : i32
      %ne3A_453 = arith.xori %lt3A_450, %lt3A_452 : i1
      %and3A_454 = arith.andi %ne3A_453, %ne3A_448 : i1
      %add3A_455 = arith.addi %rem3A_446, %select_n3A_445 : i32
      %select_n3A_456 = arith.select %and3A_454, %add3A_455, %rem3A_446 : i32
      %dma_start3A_457 = arith.constant 1 : i32
      %dma_start3A_458 = arith.constant 1 : i32
      %dma_start3A_459 = arith.constant 0 : i32
      %dma_start3A_460 = arith.constant 0 : i32
      %dma_start3A_461 = tpu.memref_slice %arg9[%dma_start3A_457, %dma_start3A_459, %dma_start3A_460] : memref<4x80x128xf32, #tpu.memory_space<vmem>> -> memref<1x80x128xf32, #tpu.memory_space<vmem>>
      %dma_start3A_462 = tpu.memref_squeeze %dma_start3A_461 : memref<1x80x128xf32, #tpu.memory_space<vmem>> -> memref<80x128xf32, #tpu.memory_space<vmem>>
      %dma_start3A_463 = arith.constant 0 : i32
      %dma_start3A_464 = tpu.memref_slice %arg8[%select_n3A_456, %dma_start3A_463] : memref<8x80xi32, #tpu.memory_space<vmem>> -> memref<1x80xi32, #tpu.memory_space<vmem>>
      %dma_start3A_465 = tpu.memref_squeeze %dma_start3A_464 : memref<1x80xi32, #tpu.memory_space<vmem>> -> memref<80xi32, #tpu.memory_space<vmem>>
      %dma_start3A_466 = arith.constant 0 : i32
      %dma_start3A_467 = arith.constant 0 : i32
      %dma_start3A_468 = tpu.memref_slice %arg13[%dma_start3A_466, %dma_start3A_467] : memref<10112x128xf32, #tpu.memory_space<vmem_shared>> -> memref<10112x128xf32, #tpu.memory_space<vmem_shared>>
      %dma_start3A_469 = tpu.memref_slice %arg12[%dma_start3A_458] : memref<4x!tpu.dma_semaphore, #tpu.memory_space<semaphore_mem>> -> memref<1x!tpu.dma_semaphore, #tpu.memory_space<semaphore_mem>>
      %dma_start3A_470 = tpu.memref_squeeze %dma_start3A_469 : memref<1x!tpu.dma_semaphore, #tpu.memory_space<semaphore_mem>> -> memref<!tpu.dma_semaphore, #tpu.memory_space<semaphore_mem>>
      tpu.enqueue_indirect_dma source(%dma_start3A_462 : memref<80x128xf32, #tpu.memory_space<vmem>>) target(%dma_start3A_468 : memref<10112x128xf32, #tpu.memory_space<vmem_shared>>) offsets(%dma_start3A_465 : memref<80xi32, #tpu.memory_space<vmem>>) semaphore(%dma_start3A_470 : memref<!tpu.dma_semaphore, #tpu.memory_space<semaphore_mem>>) {add = true}
      %ge3A_471 = arith.constant 1 : i32
      %ge3A_472 = arith.cmpi sge, %add3A_410, %ge3A_471 : i32
      %convert_element_type3A_473 = arith.extui %ge3A_472 : i1 to i32
      %cond3A_474 = arith.constant 0 : i32
      %cond3A_475 = arith.cmpi ne, %convert_element_type3A_473, %cond3A_474 : i32
      scf.if %cond3A_475 {
        %sub3A = arith.constant 1 : i32
        %sub3A_652 = arith.subi %add3A_410, %sub3A : i32
        %jit3A_653 = arith.constant 8 : i32
        %eq3A_654 = arith.constant 0 : i32
        %eq3A_655 = arith.cmpi eq, %jit3A_653, %eq3A_654 : i32
        %jit3A_656 = arith.constant 1 : i32
        %select_n3A_657 = arith.select %eq3A_655, %jit3A_656, %jit3A_653 : i32
        %rem3A_658 = arith.remsi %sub3A_652, %select_n3A_657 : i32
        %ne3A_659 = arith.constant 0 : i32
        %ne3A_660 = arith.cmpi ne, %rem3A_658, %ne3A_659 : i32
        %lt3A_661 = arith.constant 0 : i32
        %lt3A_662 = arith.cmpi slt, %rem3A_658, %lt3A_661 : i32
        %lt3A_663 = arith.constant 0 : i32
        %lt3A_664 = arith.cmpi slt, %select_n3A_657, %lt3A_663 : i32
        %ne3A_665 = arith.xori %lt3A_662, %lt3A_664 : i1
        %and3A_666 = arith.andi %ne3A_665, %ne3A_660 : i1
        %add3A_667 = arith.addi %rem3A_658, %select_n3A_657 : i32
        %select_n3A_668 = arith.select %and3A_666, %add3A_667, %rem3A_658 : i32
        %dma_wait3A_669 = arith.constant 0 : i32
        %dma_wait3A_670 = arith.constant 0 : i32
        %dma_wait3A_671 = arith.constant 0 : i32
        %dma_wait3A_672 = arith.constant 0 : i32
        %dma_wait3A_673 = tpu.memref_slice %arg9[%dma_wait3A_669, %dma_wait3A_671, %dma_wait3A_672] : memref<4x80x128xf32, #tpu.memory_space<vmem>> -> memref<1x80x128xf32, #tpu.memory_space<vmem>>
        %dma_wait3A_674 = tpu.memref_squeeze %dma_wait3A_673 : memref<1x80x128xf32, #tpu.memory_space<vmem>> -> memref<80x128xf32, #tpu.memory_space<vmem>>
        %dma_wait3A_675 = arith.constant 0 : i32
        %dma_wait3A_676 = tpu.memref_slice %arg8[%select_n3A_668, %dma_wait3A_675] : memref<8x80xi32, #tpu.memory_space<vmem>> -> memref<1x80xi32, #tpu.memory_space<vmem>>
        %dma_wait3A_677 = tpu.memref_squeeze %dma_wait3A_676 : memref<1x80xi32, #tpu.memory_space<vmem>> -> memref<80xi32, #tpu.memory_space<vmem>>
        %dma_wait3A_678 = arith.constant 0 : i32
        %dma_wait3A_679 = arith.constant 0 : i32
        %dma_wait3A_680 = tpu.memref_slice %arg13[%dma_wait3A_678, %dma_wait3A_679] : memref<10112x128xf32, #tpu.memory_space<vmem_shared>> -> memref<10112x128xf32, #tpu.memory_space<vmem_shared>>
        %dma_wait3A_681 = tpu.memref_slice %arg12[%dma_wait3A_670] : memref<4x!tpu.dma_semaphore, #tpu.memory_space<semaphore_mem>> -> memref<1x!tpu.dma_semaphore, #tpu.memory_space<semaphore_mem>>
        %dma_wait3A_682 = tpu.memref_squeeze %dma_wait3A_681 : memref<1x!tpu.dma_semaphore, #tpu.memory_space<semaphore_mem>> -> memref<!tpu.dma_semaphore, #tpu.memory_space<semaphore_mem>>
        tpu.wait_indirect_dma semaphore(%dma_wait3A_682 : memref<!tpu.dma_semaphore, #tpu.memory_space<semaphore_mem>>) src(%dma_wait3A_674 : memref<80x128xf32, #tpu.memory_space<vmem>>) dst(%dma_wait3A_680 : memref<10112x128xf32, #tpu.memory_space<vmem_shared>>)
      } else {
      }
      %add3A_476 = arith.constant 3 : i32
      %add3A_477 = arith.addi %add3A_410, %add3A_476 : i32
      %lt3A_478 = arith.constant 124 : i32
      %lt3A_479 = arith.cmpi slt, %add3A_477, %lt3A_478 : i32
      %convert_element_type3A_480 = arith.extui %lt3A_479 : i1 to i32
      %cond3A_481 = arith.constant 0 : i32
      %cond3A_482 = arith.cmpi ne, %convert_element_type3A_480, %cond3A_481 : i32
      scf.if %cond3A_482 {
        %add3A_652 = arith.constant 3 : i32
        %add3A_653 = arith.addi %add3A_410, %add3A_652 : i32
        %add3A_654 = arith.addi %mul3A_2, %add3A_653 : i32
        %mul3A_655 = arith.constant 80 : i32
        %mul3A_656 = arith.muli %add3A_654, %mul3A_655 : i32
        %jit3A_657 = arith.constant 8 : i32
        %eq3A_658 = arith.constant 0 : i32
        %eq3A_659 = arith.cmpi eq, %jit3A_657, %eq3A_658 : i32
        %jit3A_660 = arith.constant 1 : i32
        %select_n3A_661 = arith.select %eq3A_659, %jit3A_660, %jit3A_657 : i32
        %rem3A_662 = arith.remsi %add3A_653, %select_n3A_661 : i32
        %ne3A_663 = arith.constant 0 : i32
        %ne3A_664 = arith.cmpi ne, %rem3A_662, %ne3A_663 : i32
        %lt3A_665 = arith.constant 0 : i32
        %lt3A_666 = arith.cmpi slt, %rem3A_662, %lt3A_665 : i32
        %lt3A_667 = arith.constant 0 : i32
        %lt3A_668 = arith.cmpi slt, %select_n3A_661, %lt3A_667 : i32
        %ne3A_669 = arith.xori %lt3A_666, %lt3A_668 : i1
        %and3A_670 = arith.andi %ne3A_669, %ne3A_664 : i1
        %add3A_671 = arith.addi %rem3A_662, %select_n3A_661 : i32
        %select_n3A_672 = arith.select %and3A_670, %add3A_671, %rem3A_662 : i32
        %jit3A_673 = arith.constant 4 : i32
        %eq3A_674 = arith.constant 0 : i32
        %eq3A_675 = arith.cmpi eq, %jit3A_673, %eq3A_674 : i32
        %jit3A_676 = arith.constant 1 : i32
        %select_n3A_677 = arith.select %eq3A_675, %jit3A_676, %jit3A_673 : i32
        %rem3A_678 = arith.remsi %add3A_653, %select_n3A_677 : i32
        %ne3A_679 = arith.constant 0 : i32
        %ne3A_680 = arith.cmpi ne, %rem3A_678, %ne3A_679 : i32
        %lt3A_681 = arith.constant 0 : i32
        %lt3A_682 = arith.cmpi slt, %rem3A_678, %lt3A_681 : i32
        %lt3A_683 = arith.constant 0 : i32
        %lt3A_684 = arith.cmpi slt, %select_n3A_677, %lt3A_683 : i32
        %ne3A_685 = arith.xori %lt3A_682, %lt3A_684 : i1
        %and3A_686 = arith.andi %ne3A_685, %ne3A_680 : i1
        %add3A_687 = arith.addi %rem3A_678, %select_n3A_677 : i32
        %select_n3A_688 = arith.select %and3A_686, %add3A_687, %rem3A_678 : i32
        %dma_wait3A_689 = arith.constant 0 : i32
        %dma_wait3A_690 = tpu.memref_slice %arg7[%select_n3A_672, %dma_wait3A_689] : memref<8x80xi32, #tpu.memory_space<vmem>> -> memref<1x80xi32, #tpu.memory_space<vmem>>
        %dma_wait3A_691 = tpu.memref_squeeze %dma_wait3A_690 : memref<1x80xi32, #tpu.memory_space<vmem>> -> memref<80xi32, #tpu.memory_space<vmem>>
        %dma_wait3A_692 = tpu.memref_slice %arg3[%mul3A_656] : memref<320000xi32, #tpu.memory_space<hbm>> -> memref<80xi32, #tpu.memory_space<hbm>>
        %dma_wait3A_693 = tpu.memref_slice %arg10[%select_n3A_688] : memref<8x!tpu.dma_semaphore, #tpu.memory_space<semaphore_mem>> -> memref<1x!tpu.dma_semaphore, #tpu.memory_space<semaphore_mem>>
        %dma_wait3A_694 = tpu.memref_squeeze %dma_wait3A_693 : memref<1x!tpu.dma_semaphore, #tpu.memory_space<semaphore_mem>> -> memref<!tpu.dma_semaphore, #tpu.memory_space<semaphore_mem>>
        %dma_wait3A_695 = arith.constant 0 : i32
        %dma_wait3A_696 = tpu.memref_slice %arg7[%select_n3A_672, %dma_wait3A_695] : memref<8x80xi32, #tpu.memory_space<vmem>> -> memref<1x80xi32, #tpu.memory_space<vmem>>
        %dma_wait3A_697 = tpu.memref_squeeze %dma_wait3A_696 : memref<1x80xi32, #tpu.memory_space<vmem>> -> memref<80xi32, #tpu.memory_space<vmem>>
        %dma_wait3A_698 = tpu.memref_slice %arg3[%mul3A_656] : memref<320000xi32, #tpu.memory_space<hbm>> -> memref<80xi32, #tpu.memory_space<hbm>>
        tpu.wait_dma2 semaphore(%dma_wait3A_694 : memref<!tpu.dma_semaphore, #tpu.memory_space<semaphore_mem>>) src(%dma_wait3A_698 : memref<80xi32, #tpu.memory_space<hbm>>) dst(%dma_wait3A_697 : memref<80xi32, #tpu.memory_space<vmem>>)
        %add3A_699 = arith.addi %mul3A_2, %add3A_653 : i32
        %mul3A_700 = arith.constant 80 : i32
        %mul3A_701 = arith.muli %add3A_699, %mul3A_700 : i32
        %jit3A_702 = arith.constant 8 : i32
        %eq3A_703 = arith.constant 0 : i32
        %eq3A_704 = arith.cmpi eq, %jit3A_702, %eq3A_703 : i32
        %jit3A_705 = arith.constant 1 : i32
        %select_n3A_706 = arith.select %eq3A_704, %jit3A_705, %jit3A_702 : i32
        %rem3A_707 = arith.remsi %add3A_653, %select_n3A_706 : i32
        %ne3A_708 = arith.constant 0 : i32
        %ne3A_709 = arith.cmpi ne, %rem3A_707, %ne3A_708 : i32
        %lt3A_710 = arith.constant 0 : i32
        %lt3A_711 = arith.cmpi slt, %rem3A_707, %lt3A_710 : i32
        %lt3A_712 = arith.constant 0 : i32
        %lt3A_713 = arith.cmpi slt, %select_n3A_706, %lt3A_712 : i32
        %ne3A_714 = arith.xori %lt3A_711, %lt3A_713 : i1
        %and3A_715 = arith.andi %ne3A_714, %ne3A_709 : i1
        %add3A_716 = arith.addi %rem3A_707, %select_n3A_706 : i32
        %select_n3A_717 = arith.select %and3A_715, %add3A_716, %rem3A_707 : i32
        %jit3A_718 = arith.constant 4 : i32
        %eq3A_719 = arith.constant 0 : i32
        %eq3A_720 = arith.cmpi eq, %jit3A_718, %eq3A_719 : i32
        %jit3A_721 = arith.constant 1 : i32
        %select_n3A_722 = arith.select %eq3A_720, %jit3A_721, %jit3A_718 : i32
        %rem3A_723 = arith.remsi %add3A_653, %select_n3A_722 : i32
        %ne3A_724 = arith.constant 0 : i32
        %ne3A_725 = arith.cmpi ne, %rem3A_723, %ne3A_724 : i32
        %lt3A_726 = arith.constant 0 : i32
        %lt3A_727 = arith.cmpi slt, %rem3A_723, %lt3A_726 : i32
        %lt3A_728 = arith.constant 0 : i32
        %lt3A_729 = arith.cmpi slt, %select_n3A_722, %lt3A_728 : i32
        %ne3A_730 = arith.xori %lt3A_727, %lt3A_729 : i1
        %and3A_731 = arith.andi %ne3A_730, %ne3A_725 : i1
        %add3A_732 = arith.addi %rem3A_723, %select_n3A_722 : i32
        %select_n3A_733 = arith.select %and3A_731, %add3A_732, %rem3A_723 : i32
        %dma_wait3A_734 = arith.constant 0 : i32
        %dma_wait3A_735 = tpu.memref_slice %arg8[%select_n3A_717, %dma_wait3A_734] : memref<8x80xi32, #tpu.memory_space<vmem>> -> memref<1x80xi32, #tpu.memory_space<vmem>>
        %dma_wait3A_736 = tpu.memref_squeeze %dma_wait3A_735 : memref<1x80xi32, #tpu.memory_space<vmem>> -> memref<80xi32, #tpu.memory_space<vmem>>
        %dma_wait3A_737 = tpu.memref_slice %arg4[%mul3A_701] : memref<320000xi32, #tpu.memory_space<hbm>> -> memref<80xi32, #tpu.memory_space<hbm>>
        %dma_wait3A_738 = tpu.memref_slice %arg10[%select_n3A_733] : memref<8x!tpu.dma_semaphore, #tpu.memory_space<semaphore_mem>> -> memref<1x!tpu.dma_semaphore, #tpu.memory_space<semaphore_mem>>
        %dma_wait3A_739 = tpu.memref_squeeze %dma_wait3A_738 : memref<1x!tpu.dma_semaphore, #tpu.memory_space<semaphore_mem>> -> memref<!tpu.dma_semaphore, #tpu.memory_space<semaphore_mem>>
        %dma_wait3A_740 = arith.constant 0 : i32
        %dma_wait3A_741 = tpu.memref_slice %arg8[%select_n3A_717, %dma_wait3A_740] : memref<8x80xi32, #tpu.memory_space<vmem>> -> memref<1x80xi32, #tpu.memory_space<vmem>>
        %dma_wait3A_742 = tpu.memref_squeeze %dma_wait3A_741 : memref<1x80xi32, #tpu.memory_space<vmem>> -> memref<80xi32, #tpu.memory_space<vmem>>
        %dma_wait3A_743 = tpu.memref_slice %arg4[%mul3A_701] : memref<320000xi32, #tpu.memory_space<hbm>> -> memref<80xi32, #tpu.memory_space<hbm>>
        tpu.wait_dma2 semaphore(%dma_wait3A_739 : memref<!tpu.dma_semaphore, #tpu.memory_space<semaphore_mem>>) src(%dma_wait3A_743 : memref<80xi32, #tpu.memory_space<hbm>>) dst(%dma_wait3A_742 : memref<80xi32, #tpu.memory_space<vmem>>)
        %add3A_744 = arith.constant 3 : i32
        %add3A_745 = arith.addi %add3A_410, %add3A_744 : i32
        %jit3A_746 = arith.constant 8 : i32
        %eq3A_747 = arith.constant 0 : i32
        %eq3A_748 = arith.cmpi eq, %jit3A_746, %eq3A_747 : i32
        %jit3A_749 = arith.constant 1 : i32
        %select_n3A_750 = arith.select %eq3A_748, %jit3A_749, %jit3A_746 : i32
        %rem3A_751 = arith.remsi %add3A_745, %select_n3A_750 : i32
        %ne3A_752 = arith.constant 0 : i32
        %ne3A_753 = arith.cmpi ne, %rem3A_751, %ne3A_752 : i32
        %lt3A_754 = arith.constant 0 : i32
        %lt3A_755 = arith.cmpi slt, %rem3A_751, %lt3A_754 : i32
        %lt3A_756 = arith.constant 0 : i32
        %lt3A_757 = arith.cmpi slt, %select_n3A_750, %lt3A_756 : i32
        %ne3A_758 = arith.xori %lt3A_755, %lt3A_757 : i1
        %and3A_759 = arith.andi %ne3A_758, %ne3A_753 : i1
        %add3A_760 = arith.addi %rem3A_751, %select_n3A_750 : i32
        %select_n3A_761 = arith.select %and3A_759, %add3A_760, %rem3A_751 : i32
        %dma_start3A_762 = arith.constant 0 : i32
        %dma_start3A_763 = arith.constant 0 : i32
        %dma_start3A_764 = arith.constant 0 : i32
        %dma_start3A_765 = arith.constant 0 : i32
        %dma_start3A_766 = tpu.memref_slice %arg9[%dma_start3A_762, %dma_start3A_764, %dma_start3A_765] : memref<4x80x128xf32, #tpu.memory_space<vmem>> -> memref<1x80x128xf32, #tpu.memory_space<vmem>>
        %dma_start3A_767 = tpu.memref_squeeze %dma_start3A_766 : memref<1x80x128xf32, #tpu.memory_space<vmem>> -> memref<80x128xf32, #tpu.memory_space<vmem>>
        %dma_start3A_768 = arith.constant 0 : i32
        %dma_start3A_769 = tpu.memref_slice %arg7[%select_n3A_761, %dma_start3A_768] : memref<8x80xi32, #tpu.memory_space<vmem>> -> memref<1x80xi32, #tpu.memory_space<vmem>>
        %dma_start3A_770 = tpu.memref_squeeze %dma_start3A_769 : memref<1x80xi32, #tpu.memory_space<vmem>> -> memref<80xi32, #tpu.memory_space<vmem>>
        %dma_start3A_771 = arith.constant 0 : i32
        %dma_start3A_772 = arith.constant 0 : i32
        %dma_start3A_773 = tpu.memref_slice %arg2[%dma_start3A_771, %dma_start3A_772] : memref<10000x128xf32, #tpu.memory_space<hbm>> -> memref<10000x128xf32, #tpu.memory_space<hbm>>
        %dma_start3A_774 = tpu.memref_slice %arg11[%dma_start3A_763] : memref<4x!tpu.dma_semaphore, #tpu.memory_space<semaphore_mem>> -> memref<1x!tpu.dma_semaphore, #tpu.memory_space<semaphore_mem>>
        %dma_start3A_775 = tpu.memref_squeeze %dma_start3A_774 : memref<1x!tpu.dma_semaphore, #tpu.memory_space<semaphore_mem>> -> memref<!tpu.dma_semaphore, #tpu.memory_space<semaphore_mem>>
        tpu.enqueue_indirect_dma source(%dma_start3A_773 : memref<10000x128xf32, #tpu.memory_space<hbm>>) target(%dma_start3A_767 : memref<80x128xf32, #tpu.memory_space<vmem>>) offsets(%dma_start3A_770 : memref<80xi32, #tpu.memory_space<vmem>>) semaphore(%dma_start3A_775 : memref<!tpu.dma_semaphore, #tpu.memory_space<semaphore_mem>>)
      } else {
      }
      %add3A_483 = arith.constant 4 : i32
      %add3A_484 = arith.addi %add3A_410, %add3A_483 : i32
      %lt3A_485 = arith.constant 124 : i32
      %lt3A_486 = arith.cmpi slt, %add3A_484, %lt3A_485 : i32
      %convert_element_type3A_487 = arith.extui %lt3A_486 : i1 to i32
      %cond3A_488 = arith.constant 0 : i32
      %cond3A_489 = arith.cmpi ne, %convert_element_type3A_487, %cond3A_488 : i32
      scf.if %cond3A_489 {
        %add3A_652 = arith.constant 4 : i32
        %add3A_653 = arith.addi %add3A_410, %add3A_652 : i32
        %add3A_654 = arith.addi %mul3A_2, %add3A_653 : i32
        %mul3A_655 = arith.constant 80 : i32
        %mul3A_656 = arith.muli %add3A_654, %mul3A_655 : i32
        %jit3A_657 = arith.constant 8 : i32
        %eq3A_658 = arith.constant 0 : i32
        %eq3A_659 = arith.cmpi eq, %jit3A_657, %eq3A_658 : i32
        %jit3A_660 = arith.constant 1 : i32
        %select_n3A_661 = arith.select %eq3A_659, %jit3A_660, %jit3A_657 : i32
        %rem3A_662 = arith.remsi %add3A_653, %select_n3A_661 : i32
        %ne3A_663 = arith.constant 0 : i32
        %ne3A_664 = arith.cmpi ne, %rem3A_662, %ne3A_663 : i32
        %lt3A_665 = arith.constant 0 : i32
        %lt3A_666 = arith.cmpi slt, %rem3A_662, %lt3A_665 : i32
        %lt3A_667 = arith.constant 0 : i32
        %lt3A_668 = arith.cmpi slt, %select_n3A_661, %lt3A_667 : i32
        %ne3A_669 = arith.xori %lt3A_666, %lt3A_668 : i1
        %and3A_670 = arith.andi %ne3A_669, %ne3A_664 : i1
        %add3A_671 = arith.addi %rem3A_662, %select_n3A_661 : i32
        %select_n3A_672 = arith.select %and3A_670, %add3A_671, %rem3A_662 : i32
        %jit3A_673 = arith.constant 4 : i32
        %eq3A_674 = arith.constant 0 : i32
        %eq3A_675 = arith.cmpi eq, %jit3A_673, %eq3A_674 : i32
        %jit3A_676 = arith.constant 1 : i32
        %select_n3A_677 = arith.select %eq3A_675, %jit3A_676, %jit3A_673 : i32
        %rem3A_678 = arith.remsi %add3A_653, %select_n3A_677 : i32
        %ne3A_679 = arith.constant 0 : i32
        %ne3A_680 = arith.cmpi ne, %rem3A_678, %ne3A_679 : i32
        %lt3A_681 = arith.constant 0 : i32
        %lt3A_682 = arith.cmpi slt, %rem3A_678, %lt3A_681 : i32
        %lt3A_683 = arith.constant 0 : i32
        %lt3A_684 = arith.cmpi slt, %select_n3A_677, %lt3A_683 : i32
        %ne3A_685 = arith.xori %lt3A_682, %lt3A_684 : i1
        %and3A_686 = arith.andi %ne3A_685, %ne3A_680 : i1
        %add3A_687 = arith.addi %rem3A_678, %select_n3A_677 : i32
        %select_n3A_688 = arith.select %and3A_686, %add3A_687, %rem3A_678 : i32
        %dma_start3A_689 = arith.constant 0 : i32
        %dma_start3A_690 = tpu.memref_slice %arg7[%select_n3A_672, %dma_start3A_689] : memref<8x80xi32, #tpu.memory_space<vmem>> -> memref<1x80xi32, #tpu.memory_space<vmem>>
        %dma_start3A_691 = tpu.memref_squeeze %dma_start3A_690 : memref<1x80xi32, #tpu.memory_space<vmem>> -> memref<80xi32, #tpu.memory_space<vmem>>
        %dma_start3A_692 = tpu.memref_slice %arg3[%mul3A_656] : memref<320000xi32, #tpu.memory_space<hbm>> -> memref<80xi32, #tpu.memory_space<hbm>>
        %dma_start3A_693 = tpu.memref_slice %arg10[%select_n3A_688] : memref<8x!tpu.dma_semaphore, #tpu.memory_space<semaphore_mem>> -> memref<1x!tpu.dma_semaphore, #tpu.memory_space<semaphore_mem>>
        %dma_start3A_694 = tpu.memref_squeeze %dma_start3A_693 : memref<1x!tpu.dma_semaphore, #tpu.memory_space<semaphore_mem>> -> memref<!tpu.dma_semaphore, #tpu.memory_space<semaphore_mem>>
        %dma_start3A_695 = arith.constant 0 : i32
        %dma_start3A_696 = tpu.memref_slice %arg7[%select_n3A_672, %dma_start3A_695] : memref<8x80xi32, #tpu.memory_space<vmem>> -> memref<1x80xi32, #tpu.memory_space<vmem>>
        %dma_start3A_697 = tpu.memref_squeeze %dma_start3A_696 : memref<1x80xi32, #tpu.memory_space<vmem>> -> memref<80xi32, #tpu.memory_space<vmem>>
        %dma_start3A_698 = tpu.memref_slice %arg3[%mul3A_656] : memref<320000xi32, #tpu.memory_space<hbm>> -> memref<80xi32, #tpu.memory_space<hbm>>
        tpu.enqueue_dma source(%dma_start3A_698 : memref<80xi32, #tpu.memory_space<hbm>>) target(%dma_start3A_697 : memref<80xi32, #tpu.memory_space<vmem>>) target_semaphore(%dma_start3A_694 : memref<!tpu.dma_semaphore, #tpu.memory_space<semaphore_mem>>)
        %add3A_699 = arith.addi %mul3A_2, %add3A_653 : i32
        %mul3A_700 = arith.constant 80 : i32
        %mul3A_701 = arith.muli %add3A_699, %mul3A_700 : i32
        %jit3A_702 = arith.constant 8 : i32
        %eq3A_703 = arith.constant 0 : i32
        %eq3A_704 = arith.cmpi eq, %jit3A_702, %eq3A_703 : i32
        %jit3A_705 = arith.constant 1 : i32
        %select_n3A_706 = arith.select %eq3A_704, %jit3A_705, %jit3A_702 : i32
        %rem3A_707 = arith.remsi %add3A_653, %select_n3A_706 : i32
        %ne3A_708 = arith.constant 0 : i32
        %ne3A_709 = arith.cmpi ne, %rem3A_707, %ne3A_708 : i32
        %lt3A_710 = arith.constant 0 : i32
        %lt3A_711 = arith.cmpi slt, %rem3A_707, %lt3A_710 : i32
        %lt3A_712 = arith.constant 0 : i32
        %lt3A_713 = arith.cmpi slt, %select_n3A_706, %lt3A_712 : i32
        %ne3A_714 = arith.xori %lt3A_711, %lt3A_713 : i1
        %and3A_715 = arith.andi %ne3A_714, %ne3A_709 : i1
        %add3A_716 = arith.addi %rem3A_707, %select_n3A_706 : i32
        %select_n3A_717 = arith.select %and3A_715, %add3A_716, %rem3A_707 : i32
        %jit3A_718 = arith.constant 4 : i32
        %eq3A_719 = arith.constant 0 : i32
        %eq3A_720 = arith.cmpi eq, %jit3A_718, %eq3A_719 : i32
        %jit3A_721 = arith.constant 1 : i32
        %select_n3A_722 = arith.select %eq3A_720, %jit3A_721, %jit3A_718 : i32
        %rem3A_723 = arith.remsi %add3A_653, %select_n3A_722 : i32
        %ne3A_724 = arith.constant 0 : i32
        %ne3A_725 = arith.cmpi ne, %rem3A_723, %ne3A_724 : i32
        %lt3A_726 = arith.constant 0 : i32
        %lt3A_727 = arith.cmpi slt, %rem3A_723, %lt3A_726 : i32
        %lt3A_728 = arith.constant 0 : i32
        %lt3A_729 = arith.cmpi slt, %select_n3A_722, %lt3A_728 : i32
        %ne3A_730 = arith.xori %lt3A_727, %lt3A_729 : i1
        %and3A_731 = arith.andi %ne3A_730, %ne3A_725 : i1
        %add3A_732 = arith.addi %rem3A_723, %select_n3A_722 : i32
        %select_n3A_733 = arith.select %and3A_731, %add3A_732, %rem3A_723 : i32
        %dma_start3A_734 = arith.constant 0 : i32
        %dma_start3A_735 = tpu.memref_slice %arg8[%select_n3A_717, %dma_start3A_734] : memref<8x80xi32, #tpu.memory_space<vmem>> -> memref<1x80xi32, #tpu.memory_space<vmem>>
        %dma_start3A_736 = tpu.memref_squeeze %dma_start3A_735 : memref<1x80xi32, #tpu.memory_space<vmem>> -> memref<80xi32, #tpu.memory_space<vmem>>
        %dma_start3A_737 = tpu.memref_slice %arg4[%mul3A_701] : memref<320000xi32, #tpu.memory_space<hbm>> -> memref<80xi32, #tpu.memory_space<hbm>>
        %dma_start3A_738 = tpu.memref_slice %arg10[%select_n3A_733] : memref<8x!tpu.dma_semaphore, #tpu.memory_space<semaphore_mem>> -> memref<1x!tpu.dma_semaphore, #tpu.memory_space<semaphore_mem>>
        %dma_start3A_739 = tpu.memref_squeeze %dma_start3A_738 : memref<1x!tpu.dma_semaphore, #tpu.memory_space<semaphore_mem>> -> memref<!tpu.dma_semaphore, #tpu.memory_space<semaphore_mem>>
        %dma_start3A_740 = arith.constant 0 : i32
        %dma_start3A_741 = tpu.memref_slice %arg8[%select_n3A_717, %dma_start3A_740] : memref<8x80xi32, #tpu.memory_space<vmem>> -> memref<1x80xi32, #tpu.memory_space<vmem>>
        %dma_start3A_742 = tpu.memref_squeeze %dma_start3A_741 : memref<1x80xi32, #tpu.memory_space<vmem>> -> memref<80xi32, #tpu.memory_space<vmem>>
        %dma_start3A_743 = tpu.memref_slice %arg4[%mul3A_701] : memref<320000xi32, #tpu.memory_space<hbm>> -> memref<80xi32, #tpu.memory_space<hbm>>
        tpu.enqueue_dma source(%dma_start3A_743 : memref<80xi32, #tpu.memory_space<hbm>>) target(%dma_start3A_742 : memref<80xi32, #tpu.memory_space<vmem>>) target_semaphore(%dma_start3A_739 : memref<!tpu.dma_semaphore, #tpu.memory_space<semaphore_mem>>)
      } else {
      }
      %add3A_490 = arith.constant 2 : i32
      %add3A_491 = arith.addi %add3A_337, %add3A_490 : i32
      %jit3A_492 = arith.constant 8 : i32
      %eq3A_493 = arith.constant 0 : i32
      %eq3A_494 = arith.cmpi eq, %jit3A_492, %eq3A_493 : i32
      %jit3A_495 = arith.constant 1 : i32
      %select_n3A_496 = arith.select %eq3A_494, %jit3A_495, %jit3A_492 : i32
      %rem3A_497 = arith.remsi %add3A_491, %select_n3A_496 : i32
      %ne3A_498 = arith.constant 0 : i32
      %ne3A_499 = arith.cmpi ne, %rem3A_497, %ne3A_498 : i32
      %lt3A_500 = arith.constant 0 : i32
      %lt3A_501 = arith.cmpi slt, %rem3A_497, %lt3A_500 : i32
      %lt3A_502 = arith.constant 0 : i32
      %lt3A_503 = arith.cmpi slt, %select_n3A_496, %lt3A_502 : i32
      %ne3A_504 = arith.xori %lt3A_501, %lt3A_503 : i1
      %and3A_505 = arith.andi %ne3A_504, %ne3A_499 : i1
      %add3A_506 = arith.addi %rem3A_497, %select_n3A_496 : i32
      %select_n3A_507 = arith.select %and3A_505, %add3A_506, %rem3A_497 : i32
      %dma_wait3A_508 = arith.constant 2 : i32
      %dma_wait3A_509 = arith.constant 2 : i32
      %dma_wait3A_510 = arith.constant 0 : i32
      %dma_wait3A_511 = arith.constant 0 : i32
      %dma_wait3A_512 = tpu.memref_slice %arg9[%dma_wait3A_508, %dma_wait3A_510, %dma_wait3A_511] : memref<4x80x128xf32, #tpu.memory_space<vmem>> -> memref<1x80x128xf32, #tpu.memory_space<vmem>>
      %dma_wait3A_513 = tpu.memref_squeeze %dma_wait3A_512 : memref<1x80x128xf32, #tpu.memory_space<vmem>> -> memref<80x128xf32, #tpu.memory_space<vmem>>
      %dma_wait3A_514 = arith.constant 0 : i32
      %dma_wait3A_515 = tpu.memref_slice %arg7[%select_n3A_507, %dma_wait3A_514] : memref<8x80xi32, #tpu.memory_space<vmem>> -> memref<1x80xi32, #tpu.memory_space<vmem>>
      %dma_wait3A_516 = tpu.memref_squeeze %dma_wait3A_515 : memref<1x80xi32, #tpu.memory_space<vmem>> -> memref<80xi32, #tpu.memory_space<vmem>>
      %dma_wait3A_517 = arith.constant 0 : i32
      %dma_wait3A_518 = arith.constant 0 : i32
      %dma_wait3A_519 = tpu.memref_slice %arg2[%dma_wait3A_517, %dma_wait3A_518] : memref<10000x128xf32, #tpu.memory_space<hbm>> -> memref<10000x128xf32, #tpu.memory_space<hbm>>
      %dma_wait3A_520 = tpu.memref_slice %arg11[%dma_wait3A_509] : memref<4x!tpu.dma_semaphore, #tpu.memory_space<semaphore_mem>> -> memref<1x!tpu.dma_semaphore, #tpu.memory_space<semaphore_mem>>
      %dma_wait3A_521 = tpu.memref_squeeze %dma_wait3A_520 : memref<1x!tpu.dma_semaphore, #tpu.memory_space<semaphore_mem>> -> memref<!tpu.dma_semaphore, #tpu.memory_space<semaphore_mem>>
      tpu.wait_indirect_dma semaphore(%dma_wait3A_521 : memref<!tpu.dma_semaphore, #tpu.memory_space<semaphore_mem>>) src(%dma_wait3A_519 : memref<10000x128xf32, #tpu.memory_space<hbm>>) dst(%dma_wait3A_513 : memref<80x128xf32, #tpu.memory_space<vmem>>)
      %jit3A_522 = arith.constant 8 : i32
      %eq3A_523 = arith.constant 0 : i32
      %eq3A_524 = arith.cmpi eq, %jit3A_522, %eq3A_523 : i32
      %jit3A_525 = arith.constant 1 : i32
      %select_n3A_526 = arith.select %eq3A_524, %jit3A_525, %jit3A_522 : i32
      %rem3A_527 = arith.remsi %add3A_491, %select_n3A_526 : i32
      %ne3A_528 = arith.constant 0 : i32
      %ne3A_529 = arith.cmpi ne, %rem3A_527, %ne3A_528 : i32
      %lt3A_530 = arith.constant 0 : i32
      %lt3A_531 = arith.cmpi slt, %rem3A_527, %lt3A_530 : i32
      %lt3A_532 = arith.constant 0 : i32
      %lt3A_533 = arith.cmpi slt, %select_n3A_526, %lt3A_532 : i32
      %ne3A_534 = arith.xori %lt3A_531, %lt3A_533 : i1
      %and3A_535 = arith.andi %ne3A_534, %ne3A_529 : i1
      %add3A_536 = arith.addi %rem3A_527, %select_n3A_526 : i32
      %select_n3A_537 = arith.select %and3A_535, %add3A_536, %rem3A_527 : i32
      %dma_start3A_538 = arith.constant 2 : i32
      %dma_start3A_539 = arith.constant 2 : i32
      %dma_start3A_540 = arith.constant 0 : i32
      %dma_start3A_541 = arith.constant 0 : i32
      %dma_start3A_542 = tpu.memref_slice %arg9[%dma_start3A_538, %dma_start3A_540, %dma_start3A_541] : memref<4x80x128xf32, #tpu.memory_space<vmem>> -> memref<1x80x128xf32, #tpu.memory_space<vmem>>
      %dma_start3A_543 = tpu.memref_squeeze %dma_start3A_542 : memref<1x80x128xf32, #tpu.memory_space<vmem>> -> memref<80x128xf32, #tpu.memory_space<vmem>>
      %dma_start3A_544 = arith.constant 0 : i32
      %dma_start3A_545 = tpu.memref_slice %arg8[%select_n3A_537, %dma_start3A_544] : memref<8x80xi32, #tpu.memory_space<vmem>> -> memref<1x80xi32, #tpu.memory_space<vmem>>
      %dma_start3A_546 = tpu.memref_squeeze %dma_start3A_545 : memref<1x80xi32, #tpu.memory_space<vmem>> -> memref<80xi32, #tpu.memory_space<vmem>>
      %dma_start3A_547 = arith.constant 0 : i32
      %dma_start3A_548 = arith.constant 0 : i32
      %dma_start3A_549 = tpu.memref_slice %arg13[%dma_start3A_547, %dma_start3A_548] : memref<10112x128xf32, #tpu.memory_space<vmem_shared>> -> memref<10112x128xf32, #tpu.memory_space<vmem_shared>>
      %dma_start3A_550 = tpu.memref_slice %arg12[%dma_start3A_539] : memref<4x!tpu.dma_semaphore, #tpu.memory_space<semaphore_mem>> -> memref<1x!tpu.dma_semaphore, #tpu.memory_space<semaphore_mem>>
      %dma_start3A_551 = tpu.memref_squeeze %dma_start3A_550 : memref<1x!tpu.dma_semaphore, #tpu.memory_space<semaphore_mem>> -> memref<!tpu.dma_semaphore, #tpu.memory_space<semaphore_mem>>
      tpu.enqueue_indirect_dma source(%dma_start3A_543 : memref<80x128xf32, #tpu.memory_space<vmem>>) target(%dma_start3A_549 : memref<10112x128xf32, #tpu.memory_space<vmem_shared>>) offsets(%dma_start3A_546 : memref<80xi32, #tpu.memory_space<vmem>>) semaphore(%dma_start3A_551 : memref<!tpu.dma_semaphore, #tpu.memory_space<semaphore_mem>>) {add = true}
      %ge3A_552 = arith.constant 1 : i32
      %ge3A_553 = arith.cmpi sge, %add3A_491, %ge3A_552 : i32
      %convert_element_type3A_554 = arith.extui %ge3A_553 : i1 to i32
      %cond3A_555 = arith.constant 0 : i32
      %cond3A_556 = arith.cmpi ne, %convert_element_type3A_554, %cond3A_555 : i32
      scf.if %cond3A_556 {
        %sub3A = arith.constant 1 : i32
        %sub3A_652 = arith.subi %add3A_491, %sub3A : i32
        %jit3A_653 = arith.constant 8 : i32
        %eq3A_654 = arith.constant 0 : i32
        %eq3A_655 = arith.cmpi eq, %jit3A_653, %eq3A_654 : i32
        %jit3A_656 = arith.constant 1 : i32
        %select_n3A_657 = arith.select %eq3A_655, %jit3A_656, %jit3A_653 : i32
        %rem3A_658 = arith.remsi %sub3A_652, %select_n3A_657 : i32
        %ne3A_659 = arith.constant 0 : i32
        %ne3A_660 = arith.cmpi ne, %rem3A_658, %ne3A_659 : i32
        %lt3A_661 = arith.constant 0 : i32
        %lt3A_662 = arith.cmpi slt, %rem3A_658, %lt3A_661 : i32
        %lt3A_663 = arith.constant 0 : i32
        %lt3A_664 = arith.cmpi slt, %select_n3A_657, %lt3A_663 : i32
        %ne3A_665 = arith.xori %lt3A_662, %lt3A_664 : i1
        %and3A_666 = arith.andi %ne3A_665, %ne3A_660 : i1
        %add3A_667 = arith.addi %rem3A_658, %select_n3A_657 : i32
        %select_n3A_668 = arith.select %and3A_666, %add3A_667, %rem3A_658 : i32
        %dma_wait3A_669 = arith.constant 1 : i32
        %dma_wait3A_670 = arith.constant 1 : i32
        %dma_wait3A_671 = arith.constant 0 : i32
        %dma_wait3A_672 = arith.constant 0 : i32
        %dma_wait3A_673 = tpu.memref_slice %arg9[%dma_wait3A_669, %dma_wait3A_671, %dma_wait3A_672] : memref<4x80x128xf32, #tpu.memory_space<vmem>> -> memref<1x80x128xf32, #tpu.memory_space<vmem>>
        %dma_wait3A_674 = tpu.memref_squeeze %dma_wait3A_673 : memref<1x80x128xf32, #tpu.memory_space<vmem>> -> memref<80x128xf32, #tpu.memory_space<vmem>>
        %dma_wait3A_675 = arith.constant 0 : i32
        %dma_wait3A_676 = tpu.memref_slice %arg8[%select_n3A_668, %dma_wait3A_675] : memref<8x80xi32, #tpu.memory_space<vmem>> -> memref<1x80xi32, #tpu.memory_space<vmem>>
        %dma_wait3A_677 = tpu.memref_squeeze %dma_wait3A_676 : memref<1x80xi32, #tpu.memory_space<vmem>> -> memref<80xi32, #tpu.memory_space<vmem>>
        %dma_wait3A_678 = arith.constant 0 : i32
        %dma_wait3A_679 = arith.constant 0 : i32
        %dma_wait3A_680 = tpu.memref_slice %arg13[%dma_wait3A_678, %dma_wait3A_679] : memref<10112x128xf32, #tpu.memory_space<vmem_shared>> -> memref<10112x128xf32, #tpu.memory_space<vmem_shared>>
        %dma_wait3A_681 = tpu.memref_slice %arg12[%dma_wait3A_670] : memref<4x!tpu.dma_semaphore, #tpu.memory_space<semaphore_mem>> -> memref<1x!tpu.dma_semaphore, #tpu.memory_space<semaphore_mem>>
        %dma_wait3A_682 = tpu.memref_squeeze %dma_wait3A_681 : memref<1x!tpu.dma_semaphore, #tpu.memory_space<semaphore_mem>> -> memref<!tpu.dma_semaphore, #tpu.memory_space<semaphore_mem>>
        tpu.wait_indirect_dma semaphore(%dma_wait3A_682 : memref<!tpu.dma_semaphore, #tpu.memory_space<semaphore_mem>>) src(%dma_wait3A_674 : memref<80x128xf32, #tpu.memory_space<vmem>>) dst(%dma_wait3A_680 : memref<10112x128xf32, #tpu.memory_space<vmem_shared>>)
      } else {
      }
      %add3A_557 = arith.constant 3 : i32
      %add3A_558 = arith.addi %add3A_491, %add3A_557 : i32
      %lt3A_559 = arith.constant 124 : i32
      %lt3A_560 = arith.cmpi slt, %add3A_558, %lt3A_559 : i32
      %convert_element_type3A_561 = arith.extui %lt3A_560 : i1 to i32
      %cond3A_562 = arith.constant 0 : i32
      %cond3A_563 = arith.cmpi ne, %convert_element_type3A_561, %cond3A_562 : i32
      scf.if %cond3A_563 {
        %add3A_652 = arith.constant 3 : i32
        %add3A_653 = arith.addi %add3A_491, %add3A_652 : i32
        %add3A_654 = arith.addi %mul3A_2, %add3A_653 : i32
        %mul3A_655 = arith.constant 80 : i32
        %mul3A_656 = arith.muli %add3A_654, %mul3A_655 : i32
        %jit3A_657 = arith.constant 8 : i32
        %eq3A_658 = arith.constant 0 : i32
        %eq3A_659 = arith.cmpi eq, %jit3A_657, %eq3A_658 : i32
        %jit3A_660 = arith.constant 1 : i32
        %select_n3A_661 = arith.select %eq3A_659, %jit3A_660, %jit3A_657 : i32
        %rem3A_662 = arith.remsi %add3A_653, %select_n3A_661 : i32
        %ne3A_663 = arith.constant 0 : i32
        %ne3A_664 = arith.cmpi ne, %rem3A_662, %ne3A_663 : i32
        %lt3A_665 = arith.constant 0 : i32
        %lt3A_666 = arith.cmpi slt, %rem3A_662, %lt3A_665 : i32
        %lt3A_667 = arith.constant 0 : i32
        %lt3A_668 = arith.cmpi slt, %select_n3A_661, %lt3A_667 : i32
        %ne3A_669 = arith.xori %lt3A_666, %lt3A_668 : i1
        %and3A_670 = arith.andi %ne3A_669, %ne3A_664 : i1
        %add3A_671 = arith.addi %rem3A_662, %select_n3A_661 : i32
        %select_n3A_672 = arith.select %and3A_670, %add3A_671, %rem3A_662 : i32
        %jit3A_673 = arith.constant 4 : i32
        %eq3A_674 = arith.constant 0 : i32
        %eq3A_675 = arith.cmpi eq, %jit3A_673, %eq3A_674 : i32
        %jit3A_676 = arith.constant 1 : i32
        %select_n3A_677 = arith.select %eq3A_675, %jit3A_676, %jit3A_673 : i32
        %rem3A_678 = arith.remsi %add3A_653, %select_n3A_677 : i32
        %ne3A_679 = arith.constant 0 : i32
        %ne3A_680 = arith.cmpi ne, %rem3A_678, %ne3A_679 : i32
        %lt3A_681 = arith.constant 0 : i32
        %lt3A_682 = arith.cmpi slt, %rem3A_678, %lt3A_681 : i32
        %lt3A_683 = arith.constant 0 : i32
        %lt3A_684 = arith.cmpi slt, %select_n3A_677, %lt3A_683 : i32
        %ne3A_685 = arith.xori %lt3A_682, %lt3A_684 : i1
        %and3A_686 = arith.andi %ne3A_685, %ne3A_680 : i1
        %add3A_687 = arith.addi %rem3A_678, %select_n3A_677 : i32
        %select_n3A_688 = arith.select %and3A_686, %add3A_687, %rem3A_678 : i32
        %dma_wait3A_689 = arith.constant 0 : i32
        %dma_wait3A_690 = tpu.memref_slice %arg7[%select_n3A_672, %dma_wait3A_689] : memref<8x80xi32, #tpu.memory_space<vmem>> -> memref<1x80xi32, #tpu.memory_space<vmem>>
        %dma_wait3A_691 = tpu.memref_squeeze %dma_wait3A_690 : memref<1x80xi32, #tpu.memory_space<vmem>> -> memref<80xi32, #tpu.memory_space<vmem>>
        %dma_wait3A_692 = tpu.memref_slice %arg3[%mul3A_656] : memref<320000xi32, #tpu.memory_space<hbm>> -> memref<80xi32, #tpu.memory_space<hbm>>
        %dma_wait3A_693 = tpu.memref_slice %arg10[%select_n3A_688] : memref<8x!tpu.dma_semaphore, #tpu.memory_space<semaphore_mem>> -> memref<1x!tpu.dma_semaphore, #tpu.memory_space<semaphore_mem>>
        %dma_wait3A_694 = tpu.memref_squeeze %dma_wait3A_693 : memref<1x!tpu.dma_semaphore, #tpu.memory_space<semaphore_mem>> -> memref<!tpu.dma_semaphore, #tpu.memory_space<semaphore_mem>>
        %dma_wait3A_695 = arith.constant 0 : i32
        %dma_wait3A_696 = tpu.memref_slice %arg7[%select_n3A_672, %dma_wait3A_695] : memref<8x80xi32, #tpu.memory_space<vmem>> -> memref<1x80xi32, #tpu.memory_space<vmem>>
        %dma_wait3A_697 = tpu.memref_squeeze %dma_wait3A_696 : memref<1x80xi32, #tpu.memory_space<vmem>> -> memref<80xi32, #tpu.memory_space<vmem>>
        %dma_wait3A_698 = tpu.memref_slice %arg3[%mul3A_656] : memref<320000xi32, #tpu.memory_space<hbm>> -> memref<80xi32, #tpu.memory_space<hbm>>
        tpu.wait_dma2 semaphore(%dma_wait3A_694 : memref<!tpu.dma_semaphore, #tpu.memory_space<semaphore_mem>>) src(%dma_wait3A_698 : memref<80xi32, #tpu.memory_space<hbm>>) dst(%dma_wait3A_697 : memref<80xi32, #tpu.memory_space<vmem>>)
        %add3A_699 = arith.addi %mul3A_2, %add3A_653 : i32
        %mul3A_700 = arith.constant 80 : i32
        %mul3A_701 = arith.muli %add3A_699, %mul3A_700 : i32
        %jit3A_702 = arith.constant 8 : i32
        %eq3A_703 = arith.constant 0 : i32
        %eq3A_704 = arith.cmpi eq, %jit3A_702, %eq3A_703 : i32
        %jit3A_705 = arith.constant 1 : i32
        %select_n3A_706 = arith.select %eq3A_704, %jit3A_705, %jit3A_702 : i32
        %rem3A_707 = arith.remsi %add3A_653, %select_n3A_706 : i32
        %ne3A_708 = arith.constant 0 : i32
        %ne3A_709 = arith.cmpi ne, %rem3A_707, %ne3A_708 : i32
        %lt3A_710 = arith.constant 0 : i32
        %lt3A_711 = arith.cmpi slt, %rem3A_707, %lt3A_710 : i32
        %lt3A_712 = arith.constant 0 : i32
        %lt3A_713 = arith.cmpi slt, %select_n3A_706, %lt3A_712 : i32
        %ne3A_714 = arith.xori %lt3A_711, %lt3A_713 : i1
        %and3A_715 = arith.andi %ne3A_714, %ne3A_709 : i1
        %add3A_716 = arith.addi %rem3A_707, %select_n3A_706 : i32
        %select_n3A_717 = arith.select %and3A_715, %add3A_716, %rem3A_707 : i32
        %jit3A_718 = arith.constant 4 : i32
        %eq3A_719 = arith.constant 0 : i32
        %eq3A_720 = arith.cmpi eq, %jit3A_718, %eq3A_719 : i32
        %jit3A_721 = arith.constant 1 : i32
        %select_n3A_722 = arith.select %eq3A_720, %jit3A_721, %jit3A_718 : i32
        %rem3A_723 = arith.remsi %add3A_653, %select_n3A_722 : i32
        %ne3A_724 = arith.constant 0 : i32
        %ne3A_725 = arith.cmpi ne, %rem3A_723, %ne3A_724 : i32
        %lt3A_726 = arith.constant 0 : i32
        %lt3A_727 = arith.cmpi slt, %rem3A_723, %lt3A_726 : i32
        %lt3A_728 = arith.constant 0 : i32
        %lt3A_729 = arith.cmpi slt, %select_n3A_722, %lt3A_728 : i32
        %ne3A_730 = arith.xori %lt3A_727, %lt3A_729 : i1
        %and3A_731 = arith.andi %ne3A_730, %ne3A_725 : i1
        %add3A_732 = arith.addi %rem3A_723, %select_n3A_722 : i32
        %select_n3A_733 = arith.select %and3A_731, %add3A_732, %rem3A_723 : i32
        %dma_wait3A_734 = arith.constant 0 : i32
        %dma_wait3A_735 = tpu.memref_slice %arg8[%select_n3A_717, %dma_wait3A_734] : memref<8x80xi32, #tpu.memory_space<vmem>> -> memref<1x80xi32, #tpu.memory_space<vmem>>
        %dma_wait3A_736 = tpu.memref_squeeze %dma_wait3A_735 : memref<1x80xi32, #tpu.memory_space<vmem>> -> memref<80xi32, #tpu.memory_space<vmem>>
        %dma_wait3A_737 = tpu.memref_slice %arg4[%mul3A_701] : memref<320000xi32, #tpu.memory_space<hbm>> -> memref<80xi32, #tpu.memory_space<hbm>>
        %dma_wait3A_738 = tpu.memref_slice %arg10[%select_n3A_733] : memref<8x!tpu.dma_semaphore, #tpu.memory_space<semaphore_mem>> -> memref<1x!tpu.dma_semaphore, #tpu.memory_space<semaphore_mem>>
        %dma_wait3A_739 = tpu.memref_squeeze %dma_wait3A_738 : memref<1x!tpu.dma_semaphore, #tpu.memory_space<semaphore_mem>> -> memref<!tpu.dma_semaphore, #tpu.memory_space<semaphore_mem>>
        %dma_wait3A_740 = arith.constant 0 : i32
        %dma_wait3A_741 = tpu.memref_slice %arg8[%select_n3A_717, %dma_wait3A_740] : memref<8x80xi32, #tpu.memory_space<vmem>> -> memref<1x80xi32, #tpu.memory_space<vmem>>
        %dma_wait3A_742 = tpu.memref_squeeze %dma_wait3A_741 : memref<1x80xi32, #tpu.memory_space<vmem>> -> memref<80xi32, #tpu.memory_space<vmem>>
        %dma_wait3A_743 = tpu.memref_slice %arg4[%mul3A_701] : memref<320000xi32, #tpu.memory_space<hbm>> -> memref<80xi32, #tpu.memory_space<hbm>>
        tpu.wait_dma2 semaphore(%dma_wait3A_739 : memref<!tpu.dma_semaphore, #tpu.memory_space<semaphore_mem>>) src(%dma_wait3A_743 : memref<80xi32, #tpu.memory_space<hbm>>) dst(%dma_wait3A_742 : memref<80xi32, #tpu.memory_space<vmem>>)
        %add3A_744 = arith.constant 3 : i32
        %add3A_745 = arith.addi %add3A_491, %add3A_744 : i32
        %jit3A_746 = arith.constant 8 : i32
        %eq3A_747 = arith.constant 0 : i32
        %eq3A_748 = arith.cmpi eq, %jit3A_746, %eq3A_747 : i32
        %jit3A_749 = arith.constant 1 : i32
        %select_n3A_750 = arith.select %eq3A_748, %jit3A_749, %jit3A_746 : i32
        %rem3A_751 = arith.remsi %add3A_745, %select_n3A_750 : i32
        %ne3A_752 = arith.constant 0 : i32
        %ne3A_753 = arith.cmpi ne, %rem3A_751, %ne3A_752 : i32
        %lt3A_754 = arith.constant 0 : i32
        %lt3A_755 = arith.cmpi slt, %rem3A_751, %lt3A_754 : i32
        %lt3A_756 = arith.constant 0 : i32
        %lt3A_757 = arith.cmpi slt, %select_n3A_750, %lt3A_756 : i32
        %ne3A_758 = arith.xori %lt3A_755, %lt3A_757 : i1
        %and3A_759 = arith.andi %ne3A_758, %ne3A_753 : i1
        %add3A_760 = arith.addi %rem3A_751, %select_n3A_750 : i32
        %select_n3A_761 = arith.select %and3A_759, %add3A_760, %rem3A_751 : i32
        %dma_start3A_762 = arith.constant 1 : i32
        %dma_start3A_763 = arith.constant 1 : i32
        %dma_start3A_764 = arith.constant 0 : i32
        %dma_start3A_765 = arith.constant 0 : i32
        %dma_start3A_766 = tpu.memref_slice %arg9[%dma_start3A_762, %dma_start3A_764, %dma_start3A_765] : memref<4x80x128xf32, #tpu.memory_space<vmem>> -> memref<1x80x128xf32, #tpu.memory_space<vmem>>
        %dma_start3A_767 = tpu.memref_squeeze %dma_start3A_766 : memref<1x80x128xf32, #tpu.memory_space<vmem>> -> memref<80x128xf32, #tpu.memory_space<vmem>>
        %dma_start3A_768 = arith.constant 0 : i32
        %dma_start3A_769 = tpu.memref_slice %arg7[%select_n3A_761, %dma_start3A_768] : memref<8x80xi32, #tpu.memory_space<vmem>> -> memref<1x80xi32, #tpu.memory_space<vmem>>
        %dma_start3A_770 = tpu.memref_squeeze %dma_start3A_769 : memref<1x80xi32, #tpu.memory_space<vmem>> -> memref<80xi32, #tpu.memory_space<vmem>>
        %dma_start3A_771 = arith.constant 0 : i32
        %dma_start3A_772 = arith.constant 0 : i32
        %dma_start3A_773 = tpu.memref_slice %arg2[%dma_start3A_771, %dma_start3A_772] : memref<10000x128xf32, #tpu.memory_space<hbm>> -> memref<10000x128xf32, #tpu.memory_space<hbm>>
        %dma_start3A_774 = tpu.memref_slice %arg11[%dma_start3A_763] : memref<4x!tpu.dma_semaphore, #tpu.memory_space<semaphore_mem>> -> memref<1x!tpu.dma_semaphore, #tpu.memory_space<semaphore_mem>>
        %dma_start3A_775 = tpu.memref_squeeze %dma_start3A_774 : memref<1x!tpu.dma_semaphore, #tpu.memory_space<semaphore_mem>> -> memref<!tpu.dma_semaphore, #tpu.memory_space<semaphore_mem>>
        tpu.enqueue_indirect_dma source(%dma_start3A_773 : memref<10000x128xf32, #tpu.memory_space<hbm>>) target(%dma_start3A_767 : memref<80x128xf32, #tpu.memory_space<vmem>>) offsets(%dma_start3A_770 : memref<80xi32, #tpu.memory_space<vmem>>) semaphore(%dma_start3A_775 : memref<!tpu.dma_semaphore, #tpu.memory_space<semaphore_mem>>)
      } else {
      }
      %add3A_564 = arith.constant 4 : i32
      %add3A_565 = arith.addi %add3A_491, %add3A_564 : i32
      %lt3A_566 = arith.constant 124 : i32
      %lt3A_567 = arith.cmpi slt, %add3A_565, %lt3A_566 : i32
      %convert_element_type3A_568 = arith.extui %lt3A_567 : i1 to i32
      %cond3A_569 = arith.constant 0 : i32
      %cond3A_570 = arith.cmpi ne, %convert_element_type3A_568, %cond3A_569 : i32
      scf.if %cond3A_570 {
        %add3A_652 = arith.constant 4 : i32
        %add3A_653 = arith.addi %add3A_491, %add3A_652 : i32
        %add3A_654 = arith.addi %mul3A_2, %add3A_653 : i32
        %mul3A_655 = arith.constant 80 : i32
        %mul3A_656 = arith.muli %add3A_654, %mul3A_655 : i32
        %jit3A_657 = arith.constant 8 : i32
        %eq3A_658 = arith.constant 0 : i32
        %eq3A_659 = arith.cmpi eq, %jit3A_657, %eq3A_658 : i32
        %jit3A_660 = arith.constant 1 : i32
        %select_n3A_661 = arith.select %eq3A_659, %jit3A_660, %jit3A_657 : i32
        %rem3A_662 = arith.remsi %add3A_653, %select_n3A_661 : i32
        %ne3A_663 = arith.constant 0 : i32
        %ne3A_664 = arith.cmpi ne, %rem3A_662, %ne3A_663 : i32
        %lt3A_665 = arith.constant 0 : i32
        %lt3A_666 = arith.cmpi slt, %rem3A_662, %lt3A_665 : i32
        %lt3A_667 = arith.constant 0 : i32
        %lt3A_668 = arith.cmpi slt, %select_n3A_661, %lt3A_667 : i32
        %ne3A_669 = arith.xori %lt3A_666, %lt3A_668 : i1
        %and3A_670 = arith.andi %ne3A_669, %ne3A_664 : i1
        %add3A_671 = arith.addi %rem3A_662, %select_n3A_661 : i32
        %select_n3A_672 = arith.select %and3A_670, %add3A_671, %rem3A_662 : i32
        %jit3A_673 = arith.constant 4 : i32
        %eq3A_674 = arith.constant 0 : i32
        %eq3A_675 = arith.cmpi eq, %jit3A_673, %eq3A_674 : i32
        %jit3A_676 = arith.constant 1 : i32
        %select_n3A_677 = arith.select %eq3A_675, %jit3A_676, %jit3A_673 : i32
        %rem3A_678 = arith.remsi %add3A_653, %select_n3A_677 : i32
        %ne3A_679 = arith.constant 0 : i32
        %ne3A_680 = arith.cmpi ne, %rem3A_678, %ne3A_679 : i32
        %lt3A_681 = arith.constant 0 : i32
        %lt3A_682 = arith.cmpi slt, %rem3A_678, %lt3A_681 : i32
        %lt3A_683 = arith.constant 0 : i32
        %lt3A_684 = arith.cmpi slt, %select_n3A_677, %lt3A_683 : i32
        %ne3A_685 = arith.xori %lt3A_682, %lt3A_684 : i1
        %and3A_686 = arith.andi %ne3A_685, %ne3A_680 : i1
        %add3A_687 = arith.addi %rem3A_678, %select_n3A_677 : i32
        %select_n3A_688 = arith.select %and3A_686, %add3A_687, %rem3A_678 : i32
        %dma_start3A_689 = arith.constant 0 : i32
        %dma_start3A_690 = tpu.memref_slice %arg7[%select_n3A_672, %dma_start3A_689] : memref<8x80xi32, #tpu.memory_space<vmem>> -> memref<1x80xi32, #tpu.memory_space<vmem>>
        %dma_start3A_691 = tpu.memref_squeeze %dma_start3A_690 : memref<1x80xi32, #tpu.memory_space<vmem>> -> memref<80xi32, #tpu.memory_space<vmem>>
        %dma_start3A_692 = tpu.memref_slice %arg3[%mul3A_656] : memref<320000xi32, #tpu.memory_space<hbm>> -> memref<80xi32, #tpu.memory_space<hbm>>
        %dma_start3A_693 = tpu.memref_slice %arg10[%select_n3A_688] : memref<8x!tpu.dma_semaphore, #tpu.memory_space<semaphore_mem>> -> memref<1x!tpu.dma_semaphore, #tpu.memory_space<semaphore_mem>>
        %dma_start3A_694 = tpu.memref_squeeze %dma_start3A_693 : memref<1x!tpu.dma_semaphore, #tpu.memory_space<semaphore_mem>> -> memref<!tpu.dma_semaphore, #tpu.memory_space<semaphore_mem>>
        %dma_start3A_695 = arith.constant 0 : i32
        %dma_start3A_696 = tpu.memref_slice %arg7[%select_n3A_672, %dma_start3A_695] : memref<8x80xi32, #tpu.memory_space<vmem>> -> memref<1x80xi32, #tpu.memory_space<vmem>>
        %dma_start3A_697 = tpu.memref_squeeze %dma_start3A_696 : memref<1x80xi32, #tpu.memory_space<vmem>> -> memref<80xi32, #tpu.memory_space<vmem>>
        %dma_start3A_698 = tpu.memref_slice %arg3[%mul3A_656] : memref<320000xi32, #tpu.memory_space<hbm>> -> memref<80xi32, #tpu.memory_space<hbm>>
        tpu.enqueue_dma source(%dma_start3A_698 : memref<80xi32, #tpu.memory_space<hbm>>) target(%dma_start3A_697 : memref<80xi32, #tpu.memory_space<vmem>>) target_semaphore(%dma_start3A_694 : memref<!tpu.dma_semaphore, #tpu.memory_space<semaphore_mem>>)
        %add3A_699 = arith.addi %mul3A_2, %add3A_653 : i32
        %mul3A_700 = arith.constant 80 : i32
        %mul3A_701 = arith.muli %add3A_699, %mul3A_700 : i32
        %jit3A_702 = arith.constant 8 : i32
        %eq3A_703 = arith.constant 0 : i32
        %eq3A_704 = arith.cmpi eq, %jit3A_702, %eq3A_703 : i32
        %jit3A_705 = arith.constant 1 : i32
        %select_n3A_706 = arith.select %eq3A_704, %jit3A_705, %jit3A_702 : i32
        %rem3A_707 = arith.remsi %add3A_653, %select_n3A_706 : i32
        %ne3A_708 = arith.constant 0 : i32
        %ne3A_709 = arith.cmpi ne, %rem3A_707, %ne3A_708 : i32
        %lt3A_710 = arith.constant 0 : i32
        %lt3A_711 = arith.cmpi slt, %rem3A_707, %lt3A_710 : i32
        %lt3A_712 = arith.constant 0 : i32
        %lt3A_713 = arith.cmpi slt, %select_n3A_706, %lt3A_712 : i32
        %ne3A_714 = arith.xori %lt3A_711, %lt3A_713 : i1
        %and3A_715 = arith.andi %ne3A_714, %ne3A_709 : i1
        %add3A_716 = arith.addi %rem3A_707, %select_n3A_706 : i32
        %select_n3A_717 = arith.select %and3A_715, %add3A_716, %rem3A_707 : i32
        %jit3A_718 = arith.constant 4 : i32
        %eq3A_719 = arith.constant 0 : i32
        %eq3A_720 = arith.cmpi eq, %jit3A_718, %eq3A_719 : i32
        %jit3A_721 = arith.constant 1 : i32
        %select_n3A_722 = arith.select %eq3A_720, %jit3A_721, %jit3A_718 : i32
        %rem3A_723 = arith.remsi %add3A_653, %select_n3A_722 : i32
        %ne3A_724 = arith.constant 0 : i32
        %ne3A_725 = arith.cmpi ne, %rem3A_723, %ne3A_724 : i32
        %lt3A_726 = arith.constant 0 : i32
        %lt3A_727 = arith.cmpi slt, %rem3A_723, %lt3A_726 : i32
        %lt3A_728 = arith.constant 0 : i32
        %lt3A_729 = arith.cmpi slt, %select_n3A_722, %lt3A_728 : i32
        %ne3A_730 = arith.xori %lt3A_727, %lt3A_729 : i1
        %and3A_731 = arith.andi %ne3A_730, %ne3A_725 : i1
        %add3A_732 = arith.addi %rem3A_723, %select_n3A_722 : i32
        %select_n3A_733 = arith.select %and3A_731, %add3A_732, %rem3A_723 : i32
        %dma_start3A_734 = arith.constant 0 : i32
        %dma_start3A_735 = tpu.memref_slice %arg8[%select_n3A_717, %dma_start3A_734] : memref<8x80xi32, #tpu.memory_space<vmem>> -> memref<1x80xi32, #tpu.memory_space<vmem>>
        %dma_start3A_736 = tpu.memref_squeeze %dma_start3A_735 : memref<1x80xi32, #tpu.memory_space<vmem>> -> memref<80xi32, #tpu.memory_space<vmem>>
        %dma_start3A_737 = tpu.memref_slice %arg4[%mul3A_701] : memref<320000xi32, #tpu.memory_space<hbm>> -> memref<80xi32, #tpu.memory_space<hbm>>
        %dma_start3A_738 = tpu.memref_slice %arg10[%select_n3A_733] : memref<8x!tpu.dma_semaphore, #tpu.memory_space<semaphore_mem>> -> memref<1x!tpu.dma_semaphore, #tpu.memory_space<semaphore_mem>>
        %dma_start3A_739 = tpu.memref_squeeze %dma_start3A_738 : memref<1x!tpu.dma_semaphore, #tpu.memory_space<semaphore_mem>> -> memref<!tpu.dma_semaphore, #tpu.memory_space<semaphore_mem>>
        %dma_start3A_740 = arith.constant 0 : i32
        %dma_start3A_741 = tpu.memref_slice %arg8[%select_n3A_717, %dma_start3A_740] : memref<8x80xi32, #tpu.memory_space<vmem>> -> memref<1x80xi32, #tpu.memory_space<vmem>>
        %dma_start3A_742 = tpu.memref_squeeze %dma_start3A_741 : memref<1x80xi32, #tpu.memory_space<vmem>> -> memref<80xi32, #tpu.memory_space<vmem>>
        %dma_start3A_743 = tpu.memref_slice %arg4[%mul3A_701] : memref<320000xi32, #tpu.memory_space<hbm>> -> memref<80xi32, #tpu.memory_space<hbm>>
        tpu.enqueue_dma source(%dma_start3A_743 : memref<80xi32, #tpu.memory_space<hbm>>) target(%dma_start3A_742 : memref<80xi32, #tpu.memory_space<vmem>>) target_semaphore(%dma_start3A_739 : memref<!tpu.dma_semaphore, #tpu.memory_space<semaphore_mem>>)
      } else {
      }
      %add3A_571 = arith.constant 3 : i32
      %add3A_572 = arith.addi %add3A_337, %add3A_571 : i32
      %jit3A_573 = arith.constant 8 : i32
      %eq3A_574 = arith.constant 0 : i32
      %eq3A_575 = arith.cmpi eq, %jit3A_573, %eq3A_574 : i32
      %jit3A_576 = arith.constant 1 : i32
      %select_n3A_577 = arith.select %eq3A_575, %jit3A_576, %jit3A_573 : i32
      %rem3A_578 = arith.remsi %add3A_572, %select_n3A_577 : i32
      %ne3A_579 = arith.constant 0 : i32
      %ne3A_580 = arith.cmpi ne, %rem3A_578, %ne3A_579 : i32
      %lt3A_581 = arith.constant 0 : i32
      %lt3A_582 = arith.cmpi slt, %rem3A_578, %lt3A_581 : i32
      %lt3A_583 = arith.constant 0 : i32
      %lt3A_584 = arith.cmpi slt, %select_n3A_577, %lt3A_583 : i32
      %ne3A_585 = arith.xori %lt3A_582, %lt3A_584 : i1
      %and3A_586 = arith.andi %ne3A_585, %ne3A_580 : i1
      %add3A_587 = arith.addi %rem3A_578, %select_n3A_577 : i32
      %select_n3A_588 = arith.select %and3A_586, %add3A_587, %rem3A_578 : i32
      %dma_wait3A_589 = arith.constant 3 : i32
      %dma_wait3A_590 = arith.constant 3 : i32
      %dma_wait3A_591 = arith.constant 0 : i32
      %dma_wait3A_592 = arith.constant 0 : i32
      %dma_wait3A_593 = tpu.memref_slice %arg9[%dma_wait3A_589, %dma_wait3A_591, %dma_wait3A_592] : memref<4x80x128xf32, #tpu.memory_space<vmem>> -> memref<1x80x128xf32, #tpu.memory_space<vmem>>
      %dma_wait3A_594 = tpu.memref_squeeze %dma_wait3A_593 : memref<1x80x128xf32, #tpu.memory_space<vmem>> -> memref<80x128xf32, #tpu.memory_space<vmem>>
      %dma_wait3A_595 = arith.constant 0 : i32
      %dma_wait3A_596 = tpu.memref_slice %arg7[%select_n3A_588, %dma_wait3A_595] : memref<8x80xi32, #tpu.memory_space<vmem>> -> memref<1x80xi32, #tpu.memory_space<vmem>>
      %dma_wait3A_597 = tpu.memref_squeeze %dma_wait3A_596 : memref<1x80xi32, #tpu.memory_space<vmem>> -> memref<80xi32, #tpu.memory_space<vmem>>
      %dma_wait3A_598 = arith.constant 0 : i32
      %dma_wait3A_599 = arith.constant 0 : i32
      %dma_wait3A_600 = tpu.memref_slice %arg2[%dma_wait3A_598, %dma_wait3A_599] : memref<10000x128xf32, #tpu.memory_space<hbm>> -> memref<10000x128xf32, #tpu.memory_space<hbm>>
      %dma_wait3A_601 = tpu.memref_slice %arg11[%dma_wait3A_590] : memref<4x!tpu.dma_semaphore, #tpu.memory_space<semaphore_mem>> -> memref<1x!tpu.dma_semaphore, #tpu.memory_space<semaphore_mem>>
      %dma_wait3A_602 = tpu.memref_squeeze %dma_wait3A_601 : memref<1x!tpu.dma_semaphore, #tpu.memory_space<semaphore_mem>> -> memref<!tpu.dma_semaphore, #tpu.memory_space<semaphore_mem>>
      tpu.wait_indirect_dma semaphore(%dma_wait3A_602 : memref<!tpu.dma_semaphore, #tpu.memory_space<semaphore_mem>>) src(%dma_wait3A_600 : memref<10000x128xf32, #tpu.memory_space<hbm>>) dst(%dma_wait3A_594 : memref<80x128xf32, #tpu.memory_space<vmem>>)
      %jit3A_603 = arith.constant 8 : i32
      %eq3A_604 = arith.constant 0 : i32
      %eq3A_605 = arith.cmpi eq, %jit3A_603, %eq3A_604 : i32
      %jit3A_606 = arith.constant 1 : i32
      %select_n3A_607 = arith.select %eq3A_605, %jit3A_606, %jit3A_603 : i32
      %rem3A_608 = arith.remsi %add3A_572, %select_n3A_607 : i32
      %ne3A_609 = arith.constant 0 : i32
      %ne3A_610 = arith.cmpi ne, %rem3A_608, %ne3A_609 : i32
      %lt3A_611 = arith.constant 0 : i32
      %lt3A_612 = arith.cmpi slt, %rem3A_608, %lt3A_611 : i32
      %lt3A_613 = arith.constant 0 : i32
      %lt3A_614 = arith.cmpi slt, %select_n3A_607, %lt3A_613 : i32
      %ne3A_615 = arith.xori %lt3A_612, %lt3A_614 : i1
      %and3A_616 = arith.andi %ne3A_615, %ne3A_610 : i1
      %add3A_617 = arith.addi %rem3A_608, %select_n3A_607 : i32
      %select_n3A_618 = arith.select %and3A_616, %add3A_617, %rem3A_608 : i32
      %dma_start3A_619 = arith.constant 3 : i32
      %dma_start3A_620 = arith.constant 3 : i32
      %dma_start3A_621 = arith.constant 0 : i32
      %dma_start3A_622 = arith.constant 0 : i32
      %dma_start3A_623 = tpu.memref_slice %arg9[%dma_start3A_619, %dma_start3A_621, %dma_start3A_622] : memref<4x80x128xf32, #tpu.memory_space<vmem>> -> memref<1x80x128xf32, #tpu.memory_space<vmem>>
      %dma_start3A_624 = tpu.memref_squeeze %dma_start3A_623 : memref<1x80x128xf32, #tpu.memory_space<vmem>> -> memref<80x128xf32, #tpu.memory_space<vmem>>
      %dma_start3A_625 = arith.constant 0 : i32
      %dma_start3A_626 = tpu.memref_slice %arg8[%select_n3A_618, %dma_start3A_625] : memref<8x80xi32, #tpu.memory_space<vmem>> -> memref<1x80xi32, #tpu.memory_space<vmem>>
      %dma_start3A_627 = tpu.memref_squeeze %dma_start3A_626 : memref<1x80xi32, #tpu.memory_space<vmem>> -> memref<80xi32, #tpu.memory_space<vmem>>
      %dma_start3A_628 = arith.constant 0 : i32
      %dma_start3A_629 = arith.constant 0 : i32
      %dma_start3A_630 = tpu.memref_slice %arg13[%dma_start3A_628, %dma_start3A_629] : memref<10112x128xf32, #tpu.memory_space<vmem_shared>> -> memref<10112x128xf32, #tpu.memory_space<vmem_shared>>
      %dma_start3A_631 = tpu.memref_slice %arg12[%dma_start3A_620] : memref<4x!tpu.dma_semaphore, #tpu.memory_space<semaphore_mem>> -> memref<1x!tpu.dma_semaphore, #tpu.memory_space<semaphore_mem>>
      %dma_start3A_632 = tpu.memref_squeeze %dma_start3A_631 : memref<1x!tpu.dma_semaphore, #tpu.memory_space<semaphore_mem>> -> memref<!tpu.dma_semaphore, #tpu.memory_space<semaphore_mem>>
      tpu.enqueue_indirect_dma source(%dma_start3A_624 : memref<80x128xf32, #tpu.memory_space<vmem>>) target(%dma_start3A_630 : memref<10112x128xf32, #tpu.memory_space<vmem_shared>>) offsets(%dma_start3A_627 : memref<80xi32, #tpu.memory_space<vmem>>) semaphore(%dma_start3A_632 : memref<!tpu.dma_semaphore, #tpu.memory_space<semaphore_mem>>) {add = true}
      %ge3A_633 = arith.constant 1 : i32
      %ge3A_634 = arith.cmpi sge, %add3A_572, %ge3A_633 : i32
      %convert_element_type3A_635 = arith.extui %ge3A_634 : i1 to i32
      %cond3A_636 = arith.constant 0 : i32
      %cond3A_637 = arith.cmpi ne, %convert_element_type3A_635, %cond3A_636 : i32
      scf.if %cond3A_637 {
        %sub3A = arith.constant 1 : i32
        %sub3A_652 = arith.subi %add3A_572, %sub3A : i32
        %jit3A_653 = arith.constant 8 : i32
        %eq3A_654 = arith.constant 0 : i32
        %eq3A_655 = arith.cmpi eq, %jit3A_653, %eq3A_654 : i32
        %jit3A_656 = arith.constant 1 : i32
        %select_n3A_657 = arith.select %eq3A_655, %jit3A_656, %jit3A_653 : i32
        %rem3A_658 = arith.remsi %sub3A_652, %select_n3A_657 : i32
        %ne3A_659 = arith.constant 0 : i32
        %ne3A_660 = arith.cmpi ne, %rem3A_658, %ne3A_659 : i32
        %lt3A_661 = arith.constant 0 : i32
        %lt3A_662 = arith.cmpi slt, %rem3A_658, %lt3A_661 : i32
        %lt3A_663 = arith.constant 0 : i32
        %lt3A_664 = arith.cmpi slt, %select_n3A_657, %lt3A_663 : i32
        %ne3A_665 = arith.xori %lt3A_662, %lt3A_664 : i1
        %and3A_666 = arith.andi %ne3A_665, %ne3A_660 : i1
        %add3A_667 = arith.addi %rem3A_658, %select_n3A_657 : i32
        %select_n3A_668 = arith.select %and3A_666, %add3A_667, %rem3A_658 : i32
        %dma_wait3A_669 = arith.constant 2 : i32
        %dma_wait3A_670 = arith.constant 2 : i32
        %dma_wait3A_671 = arith.constant 0 : i32
        %dma_wait3A_672 = arith.constant 0 : i32
        %dma_wait3A_673 = tpu.memref_slice %arg9[%dma_wait3A_669, %dma_wait3A_671, %dma_wait3A_672] : memref<4x80x128xf32, #tpu.memory_space<vmem>> -> memref<1x80x128xf32, #tpu.memory_space<vmem>>
        %dma_wait3A_674 = tpu.memref_squeeze %dma_wait3A_673 : memref<1x80x128xf32, #tpu.memory_space<vmem>> -> memref<80x128xf32, #tpu.memory_space<vmem>>
        %dma_wait3A_675 = arith.constant 0 : i32
        %dma_wait3A_676 = tpu.memref_slice %arg8[%select_n3A_668, %dma_wait3A_675] : memref<8x80xi32, #tpu.memory_space<vmem>> -> memref<1x80xi32, #tpu.memory_space<vmem>>
        %dma_wait3A_677 = tpu.memref_squeeze %dma_wait3A_676 : memref<1x80xi32, #tpu.memory_space<vmem>> -> memref<80xi32, #tpu.memory_space<vmem>>
        %dma_wait3A_678 = arith.constant 0 : i32
        %dma_wait3A_679 = arith.constant 0 : i32
        %dma_wait3A_680 = tpu.memref_slice %arg13[%dma_wait3A_678, %dma_wait3A_679] : memref<10112x128xf32, #tpu.memory_space<vmem_shared>> -> memref<10112x128xf32, #tpu.memory_space<vmem_shared>>
        %dma_wait3A_681 = tpu.memref_slice %arg12[%dma_wait3A_670] : memref<4x!tpu.dma_semaphore, #tpu.memory_space<semaphore_mem>> -> memref<1x!tpu.dma_semaphore, #tpu.memory_space<semaphore_mem>>
        %dma_wait3A_682 = tpu.memref_squeeze %dma_wait3A_681 : memref<1x!tpu.dma_semaphore, #tpu.memory_space<semaphore_mem>> -> memref<!tpu.dma_semaphore, #tpu.memory_space<semaphore_mem>>
        tpu.wait_indirect_dma semaphore(%dma_wait3A_682 : memref<!tpu.dma_semaphore, #tpu.memory_space<semaphore_mem>>) src(%dma_wait3A_674 : memref<80x128xf32, #tpu.memory_space<vmem>>) dst(%dma_wait3A_680 : memref<10112x128xf32, #tpu.memory_space<vmem_shared>>)
      } else {
      }
      %add3A_638 = arith.constant 3 : i32
      %add3A_639 = arith.addi %add3A_572, %add3A_638 : i32
      %lt3A_640 = arith.constant 124 : i32
      %lt3A_641 = arith.cmpi slt, %add3A_639, %lt3A_640 : i32
      %convert_element_type3A_642 = arith.extui %lt3A_641 : i1 to i32
      %cond3A_643 = arith.constant 0 : i32
      %cond3A_644 = arith.cmpi ne, %convert_element_type3A_642, %cond3A_643 : i32
      scf.if %cond3A_644 {
        %add3A_652 = arith.constant 3 : i32
        %add3A_653 = arith.addi %add3A_572, %add3A_652 : i32
        %add3A_654 = arith.addi %mul3A_2, %add3A_653 : i32
        %mul3A_655 = arith.constant 80 : i32
        %mul3A_656 = arith.muli %add3A_654, %mul3A_655 : i32
        %jit3A_657 = arith.constant 8 : i32
        %eq3A_658 = arith.constant 0 : i32
        %eq3A_659 = arith.cmpi eq, %jit3A_657, %eq3A_658 : i32
        %jit3A_660 = arith.constant 1 : i32
        %select_n3A_661 = arith.select %eq3A_659, %jit3A_660, %jit3A_657 : i32
        %rem3A_662 = arith.remsi %add3A_653, %select_n3A_661 : i32
        %ne3A_663 = arith.constant 0 : i32
        %ne3A_664 = arith.cmpi ne, %rem3A_662, %ne3A_663 : i32
        %lt3A_665 = arith.constant 0 : i32
        %lt3A_666 = arith.cmpi slt, %rem3A_662, %lt3A_665 : i32
        %lt3A_667 = arith.constant 0 : i32
        %lt3A_668 = arith.cmpi slt, %select_n3A_661, %lt3A_667 : i32
        %ne3A_669 = arith.xori %lt3A_666, %lt3A_668 : i1
        %and3A_670 = arith.andi %ne3A_669, %ne3A_664 : i1
        %add3A_671 = arith.addi %rem3A_662, %select_n3A_661 : i32
        %select_n3A_672 = arith.select %and3A_670, %add3A_671, %rem3A_662 : i32
        %jit3A_673 = arith.constant 4 : i32
        %eq3A_674 = arith.constant 0 : i32
        %eq3A_675 = arith.cmpi eq, %jit3A_673, %eq3A_674 : i32
        %jit3A_676 = arith.constant 1 : i32
        %select_n3A_677 = arith.select %eq3A_675, %jit3A_676, %jit3A_673 : i32
        %rem3A_678 = arith.remsi %add3A_653, %select_n3A_677 : i32
        %ne3A_679 = arith.constant 0 : i32
        %ne3A_680 = arith.cmpi ne, %rem3A_678, %ne3A_679 : i32
        %lt3A_681 = arith.constant 0 : i32
        %lt3A_682 = arith.cmpi slt, %rem3A_678, %lt3A_681 : i32
        %lt3A_683 = arith.constant 0 : i32
        %lt3A_684 = arith.cmpi slt, %select_n3A_677, %lt3A_683 : i32
        %ne3A_685 = arith.xori %lt3A_682, %lt3A_684 : i1
        %and3A_686 = arith.andi %ne3A_685, %ne3A_680 : i1
        %add3A_687 = arith.addi %rem3A_678, %select_n3A_677 : i32
        %select_n3A_688 = arith.select %and3A_686, %add3A_687, %rem3A_678 : i32
        %dma_wait3A_689 = arith.constant 0 : i32
        %dma_wait3A_690 = tpu.memref_slice %arg7[%select_n3A_672, %dma_wait3A_689] : memref<8x80xi32, #tpu.memory_space<vmem>> -> memref<1x80xi32, #tpu.memory_space<vmem>>
        %dma_wait3A_691 = tpu.memref_squeeze %dma_wait3A_690 : memref<1x80xi32, #tpu.memory_space<vmem>> -> memref<80xi32, #tpu.memory_space<vmem>>
        %dma_wait3A_692 = tpu.memref_slice %arg3[%mul3A_656] : memref<320000xi32, #tpu.memory_space<hbm>> -> memref<80xi32, #tpu.memory_space<hbm>>
        %dma_wait3A_693 = tpu.memref_slice %arg10[%select_n3A_688] : memref<8x!tpu.dma_semaphore, #tpu.memory_space<semaphore_mem>> -> memref<1x!tpu.dma_semaphore, #tpu.memory_space<semaphore_mem>>
        %dma_wait3A_694 = tpu.memref_squeeze %dma_wait3A_693 : memref<1x!tpu.dma_semaphore, #tpu.memory_space<semaphore_mem>> -> memref<!tpu.dma_semaphore, #tpu.memory_space<semaphore_mem>>
        %dma_wait3A_695 = arith.constant 0 : i32
        %dma_wait3A_696 = tpu.memref_slice %arg7[%select_n3A_672, %dma_wait3A_695] : memref<8x80xi32, #tpu.memory_space<vmem>> -> memref<1x80xi32, #tpu.memory_space<vmem>>
        %dma_wait3A_697 = tpu.memref_squeeze %dma_wait3A_696 : memref<1x80xi32, #tpu.memory_space<vmem>> -> memref<80xi32, #tpu.memory_space<vmem>>
        %dma_wait3A_698 = tpu.memref_slice %arg3[%mul3A_656] : memref<320000xi32, #tpu.memory_space<hbm>> -> memref<80xi32, #tpu.memory_space<hbm>>
        tpu.wait_dma2 semaphore(%dma_wait3A_694 : memref<!tpu.dma_semaphore, #tpu.memory_space<semaphore_mem>>) src(%dma_wait3A_698 : memref<80xi32, #tpu.memory_space<hbm>>) dst(%dma_wait3A_697 : memref<80xi32, #tpu.memory_space<vmem>>)
        %add3A_699 = arith.addi %mul3A_2, %add3A_653 : i32
        %mul3A_700 = arith.constant 80 : i32
        %mul3A_701 = arith.muli %add3A_699, %mul3A_700 : i32
        %jit3A_702 = arith.constant 8 : i32
        %eq3A_703 = arith.constant 0 : i32
        %eq3A_704 = arith.cmpi eq, %jit3A_702, %eq3A_703 : i32
        %jit3A_705 = arith.constant 1 : i32
        %select_n3A_706 = arith.select %eq3A_704, %jit3A_705, %jit3A_702 : i32
        %rem3A_707 = arith.remsi %add3A_653, %select_n3A_706 : i32
        %ne3A_708 = arith.constant 0 : i32
        %ne3A_709 = arith.cmpi ne, %rem3A_707, %ne3A_708 : i32
        %lt3A_710 = arith.constant 0 : i32
        %lt3A_711 = arith.cmpi slt, %rem3A_707, %lt3A_710 : i32
        %lt3A_712 = arith.constant 0 : i32
        %lt3A_713 = arith.cmpi slt, %select_n3A_706, %lt3A_712 : i32
        %ne3A_714 = arith.xori %lt3A_711, %lt3A_713 : i1
        %and3A_715 = arith.andi %ne3A_714, %ne3A_709 : i1
        %add3A_716 = arith.addi %rem3A_707, %select_n3A_706 : i32
        %select_n3A_717 = arith.select %and3A_715, %add3A_716, %rem3A_707 : i32
        %jit3A_718 = arith.constant 4 : i32
        %eq3A_719 = arith.constant 0 : i32
        %eq3A_720 = arith.cmpi eq, %jit3A_718, %eq3A_719 : i32
        %jit3A_721 = arith.constant 1 : i32
        %select_n3A_722 = arith.select %eq3A_720, %jit3A_721, %jit3A_718 : i32
        %rem3A_723 = arith.remsi %add3A_653, %select_n3A_722 : i32
        %ne3A_724 = arith.constant 0 : i32
        %ne3A_725 = arith.cmpi ne, %rem3A_723, %ne3A_724 : i32
        %lt3A_726 = arith.constant 0 : i32
        %lt3A_727 = arith.cmpi slt, %rem3A_723, %lt3A_726 : i32
        %lt3A_728 = arith.constant 0 : i32
        %lt3A_729 = arith.cmpi slt, %select_n3A_722, %lt3A_728 : i32
        %ne3A_730 = arith.xori %lt3A_727, %lt3A_729 : i1
        %and3A_731 = arith.andi %ne3A_730, %ne3A_725 : i1
        %add3A_732 = arith.addi %rem3A_723, %select_n3A_722 : i32
        %select_n3A_733 = arith.select %and3A_731, %add3A_732, %rem3A_723 : i32
        %dma_wait3A_734 = arith.constant 0 : i32
        %dma_wait3A_735 = tpu.memref_slice %arg8[%select_n3A_717, %dma_wait3A_734] : memref<8x80xi32, #tpu.memory_space<vmem>> -> memref<1x80xi32, #tpu.memory_space<vmem>>
        %dma_wait3A_736 = tpu.memref_squeeze %dma_wait3A_735 : memref<1x80xi32, #tpu.memory_space<vmem>> -> memref<80xi32, #tpu.memory_space<vmem>>
        %dma_wait3A_737 = tpu.memref_slice %arg4[%mul3A_701] : memref<320000xi32, #tpu.memory_space<hbm>> -> memref<80xi32, #tpu.memory_space<hbm>>
        %dma_wait3A_738 = tpu.memref_slice %arg10[%select_n3A_733] : memref<8x!tpu.dma_semaphore, #tpu.memory_space<semaphore_mem>> -> memref<1x!tpu.dma_semaphore, #tpu.memory_space<semaphore_mem>>
        %dma_wait3A_739 = tpu.memref_squeeze %dma_wait3A_738 : memref<1x!tpu.dma_semaphore, #tpu.memory_space<semaphore_mem>> -> memref<!tpu.dma_semaphore, #tpu.memory_space<semaphore_mem>>
        %dma_wait3A_740 = arith.constant 0 : i32
        %dma_wait3A_741 = tpu.memref_slice %arg8[%select_n3A_717, %dma_wait3A_740] : memref<8x80xi32, #tpu.memory_space<vmem>> -> memref<1x80xi32, #tpu.memory_space<vmem>>
        %dma_wait3A_742 = tpu.memref_squeeze %dma_wait3A_741 : memref<1x80xi32, #tpu.memory_space<vmem>> -> memref<80xi32, #tpu.memory_space<vmem>>
        %dma_wait3A_743 = tpu.memref_slice %arg4[%mul3A_701] : memref<320000xi32, #tpu.memory_space<hbm>> -> memref<80xi32, #tpu.memory_space<hbm>>
        tpu.wait_dma2 semaphore(%dma_wait3A_739 : memref<!tpu.dma_semaphore, #tpu.memory_space<semaphore_mem>>) src(%dma_wait3A_743 : memref<80xi32, #tpu.memory_space<hbm>>) dst(%dma_wait3A_742 : memref<80xi32, #tpu.memory_space<vmem>>)
        %add3A_744 = arith.constant 3 : i32
        %add3A_745 = arith.addi %add3A_572, %add3A_744 : i32
        %jit3A_746 = arith.constant 8 : i32
        %eq3A_747 = arith.constant 0 : i32
        %eq3A_748 = arith.cmpi eq, %jit3A_746, %eq3A_747 : i32
        %jit3A_749 = arith.constant 1 : i32
        %select_n3A_750 = arith.select %eq3A_748, %jit3A_749, %jit3A_746 : i32
        %rem3A_751 = arith.remsi %add3A_745, %select_n3A_750 : i32
        %ne3A_752 = arith.constant 0 : i32
        %ne3A_753 = arith.cmpi ne, %rem3A_751, %ne3A_752 : i32
        %lt3A_754 = arith.constant 0 : i32
        %lt3A_755 = arith.cmpi slt, %rem3A_751, %lt3A_754 : i32
        %lt3A_756 = arith.constant 0 : i32
        %lt3A_757 = arith.cmpi slt, %select_n3A_750, %lt3A_756 : i32
        %ne3A_758 = arith.xori %lt3A_755, %lt3A_757 : i1
        %and3A_759 = arith.andi %ne3A_758, %ne3A_753 : i1
        %add3A_760 = arith.addi %rem3A_751, %select_n3A_750 : i32
        %select_n3A_761 = arith.select %and3A_759, %add3A_760, %rem3A_751 : i32
        %dma_start3A_762 = arith.constant 2 : i32
        %dma_start3A_763 = arith.constant 2 : i32
        %dma_start3A_764 = arith.constant 0 : i32
        %dma_start3A_765 = arith.constant 0 : i32
        %dma_start3A_766 = tpu.memref_slice %arg9[%dma_start3A_762, %dma_start3A_764, %dma_start3A_765] : memref<4x80x128xf32, #tpu.memory_space<vmem>> -> memref<1x80x128xf32, #tpu.memory_space<vmem>>
        %dma_start3A_767 = tpu.memref_squeeze %dma_start3A_766 : memref<1x80x128xf32, #tpu.memory_space<vmem>> -> memref<80x128xf32, #tpu.memory_space<vmem>>
        %dma_start3A_768 = arith.constant 0 : i32
        %dma_start3A_769 = tpu.memref_slice %arg7[%select_n3A_761, %dma_start3A_768] : memref<8x80xi32, #tpu.memory_space<vmem>> -> memref<1x80xi32, #tpu.memory_space<vmem>>
        %dma_start3A_770 = tpu.memref_squeeze %dma_start3A_769 : memref<1x80xi32, #tpu.memory_space<vmem>> -> memref<80xi32, #tpu.memory_space<vmem>>
        %dma_start3A_771 = arith.constant 0 : i32
        %dma_start3A_772 = arith.constant 0 : i32
        %dma_start3A_773 = tpu.memref_slice %arg2[%dma_start3A_771, %dma_start3A_772] : memref<10000x128xf32, #tpu.memory_space<hbm>> -> memref<10000x128xf32, #tpu.memory_space<hbm>>
        %dma_start3A_774 = tpu.memref_slice %arg11[%dma_start3A_763] : memref<4x!tpu.dma_semaphore, #tpu.memory_space<semaphore_mem>> -> memref<1x!tpu.dma_semaphore, #tpu.memory_space<semaphore_mem>>
        %dma_start3A_775 = tpu.memref_squeeze %dma_start3A_774 : memref<1x!tpu.dma_semaphore, #tpu.memory_space<semaphore_mem>> -> memref<!tpu.dma_semaphore, #tpu.memory_space<semaphore_mem>>
        tpu.enqueue_indirect_dma source(%dma_start3A_773 : memref<10000x128xf32, #tpu.memory_space<hbm>>) target(%dma_start3A_767 : memref<80x128xf32, #tpu.memory_space<vmem>>) offsets(%dma_start3A_770 : memref<80xi32, #tpu.memory_space<vmem>>) semaphore(%dma_start3A_775 : memref<!tpu.dma_semaphore, #tpu.memory_space<semaphore_mem>>)
      } else {
      }
      %add3A_645 = arith.constant 4 : i32
      %add3A_646 = arith.addi %add3A_572, %add3A_645 : i32
      %lt3A_647 = arith.constant 124 : i32
      %lt3A_648 = arith.cmpi slt, %add3A_646, %lt3A_647 : i32
      %convert_element_type3A_649 = arith.extui %lt3A_648 : i1 to i32
      %cond3A_650 = arith.constant 0 : i32
      %cond3A_651 = arith.cmpi ne, %convert_element_type3A_649, %cond3A_650 : i32
      scf.if %cond3A_651 {
        %add3A_652 = arith.constant 4 : i32
        %add3A_653 = arith.addi %add3A_572, %add3A_652 : i32
        %add3A_654 = arith.addi %mul3A_2, %add3A_653 : i32
        %mul3A_655 = arith.constant 80 : i32
        %mul3A_656 = arith.muli %add3A_654, %mul3A_655 : i32
        %jit3A_657 = arith.constant 8 : i32
        %eq3A_658 = arith.constant 0 : i32
        %eq3A_659 = arith.cmpi eq, %jit3A_657, %eq3A_658 : i32
        %jit3A_660 = arith.constant 1 : i32
        %select_n3A_661 = arith.select %eq3A_659, %jit3A_660, %jit3A_657 : i32
        %rem3A_662 = arith.remsi %add3A_653, %select_n3A_661 : i32
        %ne3A_663 = arith.constant 0 : i32
        %ne3A_664 = arith.cmpi ne, %rem3A_662, %ne3A_663 : i32
        %lt3A_665 = arith.constant 0 : i32
        %lt3A_666 = arith.cmpi slt, %rem3A_662, %lt3A_665 : i32
        %lt3A_667 = arith.constant 0 : i32
        %lt3A_668 = arith.cmpi slt, %select_n3A_661, %lt3A_667 : i32
        %ne3A_669 = arith.xori %lt3A_666, %lt3A_668 : i1
        %and3A_670 = arith.andi %ne3A_669, %ne3A_664 : i1
        %add3A_671 = arith.addi %rem3A_662, %select_n3A_661 : i32
        %select_n3A_672 = arith.select %and3A_670, %add3A_671, %rem3A_662 : i32
        %jit3A_673 = arith.constant 4 : i32
        %eq3A_674 = arith.constant 0 : i32
        %eq3A_675 = arith.cmpi eq, %jit3A_673, %eq3A_674 : i32
        %jit3A_676 = arith.constant 1 : i32
        %select_n3A_677 = arith.select %eq3A_675, %jit3A_676, %jit3A_673 : i32
        %rem3A_678 = arith.remsi %add3A_653, %select_n3A_677 : i32
        %ne3A_679 = arith.constant 0 : i32
        %ne3A_680 = arith.cmpi ne, %rem3A_678, %ne3A_679 : i32
        %lt3A_681 = arith.constant 0 : i32
        %lt3A_682 = arith.cmpi slt, %rem3A_678, %lt3A_681 : i32
        %lt3A_683 = arith.constant 0 : i32
        %lt3A_684 = arith.cmpi slt, %select_n3A_677, %lt3A_683 : i32
        %ne3A_685 = arith.xori %lt3A_682, %lt3A_684 : i1
        %and3A_686 = arith.andi %ne3A_685, %ne3A_680 : i1
        %add3A_687 = arith.addi %rem3A_678, %select_n3A_677 : i32
        %select_n3A_688 = arith.select %and3A_686, %add3A_687, %rem3A_678 : i32
        %dma_start3A_689 = arith.constant 0 : i32
        %dma_start3A_690 = tpu.memref_slice %arg7[%select_n3A_672, %dma_start3A_689] : memref<8x80xi32, #tpu.memory_space<vmem>> -> memref<1x80xi32, #tpu.memory_space<vmem>>
        %dma_start3A_691 = tpu.memref_squeeze %dma_start3A_690 : memref<1x80xi32, #tpu.memory_space<vmem>> -> memref<80xi32, #tpu.memory_space<vmem>>
        %dma_start3A_692 = tpu.memref_slice %arg3[%mul3A_656] : memref<320000xi32, #tpu.memory_space<hbm>> -> memref<80xi32, #tpu.memory_space<hbm>>
        %dma_start3A_693 = tpu.memref_slice %arg10[%select_n3A_688] : memref<8x!tpu.dma_semaphore, #tpu.memory_space<semaphore_mem>> -> memref<1x!tpu.dma_semaphore, #tpu.memory_space<semaphore_mem>>
        %dma_start3A_694 = tpu.memref_squeeze %dma_start3A_693 : memref<1x!tpu.dma_semaphore, #tpu.memory_space<semaphore_mem>> -> memref<!tpu.dma_semaphore, #tpu.memory_space<semaphore_mem>>
        %dma_start3A_695 = arith.constant 0 : i32
        %dma_start3A_696 = tpu.memref_slice %arg7[%select_n3A_672, %dma_start3A_695] : memref<8x80xi32, #tpu.memory_space<vmem>> -> memref<1x80xi32, #tpu.memory_space<vmem>>
        %dma_start3A_697 = tpu.memref_squeeze %dma_start3A_696 : memref<1x80xi32, #tpu.memory_space<vmem>> -> memref<80xi32, #tpu.memory_space<vmem>>
        %dma_start3A_698 = tpu.memref_slice %arg3[%mul3A_656] : memref<320000xi32, #tpu.memory_space<hbm>> -> memref<80xi32, #tpu.memory_space<hbm>>
        tpu.enqueue_dma source(%dma_start3A_698 : memref<80xi32, #tpu.memory_space<hbm>>) target(%dma_start3A_697 : memref<80xi32, #tpu.memory_space<vmem>>) target_semaphore(%dma_start3A_694 : memref<!tpu.dma_semaphore, #tpu.memory_space<semaphore_mem>>)
        %add3A_699 = arith.addi %mul3A_2, %add3A_653 : i32
        %mul3A_700 = arith.constant 80 : i32
        %mul3A_701 = arith.muli %add3A_699, %mul3A_700 : i32
        %jit3A_702 = arith.constant 8 : i32
        %eq3A_703 = arith.constant 0 : i32
        %eq3A_704 = arith.cmpi eq, %jit3A_702, %eq3A_703 : i32
        %jit3A_705 = arith.constant 1 : i32
        %select_n3A_706 = arith.select %eq3A_704, %jit3A_705, %jit3A_702 : i32
        %rem3A_707 = arith.remsi %add3A_653, %select_n3A_706 : i32
        %ne3A_708 = arith.constant 0 : i32
        %ne3A_709 = arith.cmpi ne, %rem3A_707, %ne3A_708 : i32
        %lt3A_710 = arith.constant 0 : i32
        %lt3A_711 = arith.cmpi slt, %rem3A_707, %lt3A_710 : i32
        %lt3A_712 = arith.constant 0 : i32
        %lt3A_713 = arith.cmpi slt, %select_n3A_706, %lt3A_712 : i32
        %ne3A_714 = arith.xori %lt3A_711, %lt3A_713 : i1
        %and3A_715 = arith.andi %ne3A_714, %ne3A_709 : i1
        %add3A_716 = arith.addi %rem3A_707, %select_n3A_706 : i32
        %select_n3A_717 = arith.select %and3A_715, %add3A_716, %rem3A_707 : i32
        %jit3A_718 = arith.constant 4 : i32
        %eq3A_719 = arith.constant 0 : i32
        %eq3A_720 = arith.cmpi eq, %jit3A_718, %eq3A_719 : i32
        %jit3A_721 = arith.constant 1 : i32
        %select_n3A_722 = arith.select %eq3A_720, %jit3A_721, %jit3A_718 : i32
        %rem3A_723 = arith.remsi %add3A_653, %select_n3A_722 : i32
        %ne3A_724 = arith.constant 0 : i32
        %ne3A_725 = arith.cmpi ne, %rem3A_723, %ne3A_724 : i32
        %lt3A_726 = arith.constant 0 : i32
        %lt3A_727 = arith.cmpi slt, %rem3A_723, %lt3A_726 : i32
        %lt3A_728 = arith.constant 0 : i32
        %lt3A_729 = arith.cmpi slt, %select_n3A_722, %lt3A_728 : i32
        %ne3A_730 = arith.xori %lt3A_727, %lt3A_729 : i1
        %and3A_731 = arith.andi %ne3A_730, %ne3A_725 : i1
        %add3A_732 = arith.addi %rem3A_723, %select_n3A_722 : i32
        %select_n3A_733 = arith.select %and3A_731, %add3A_732, %rem3A_723 : i32
        %dma_start3A_734 = arith.constant 0 : i32
        %dma_start3A_735 = tpu.memref_slice %arg8[%select_n3A_717, %dma_start3A_734] : memref<8x80xi32, #tpu.memory_space<vmem>> -> memref<1x80xi32, #tpu.memory_space<vmem>>
        %dma_start3A_736 = tpu.memref_squeeze %dma_start3A_735 : memref<1x80xi32, #tpu.memory_space<vmem>> -> memref<80xi32, #tpu.memory_space<vmem>>
        %dma_start3A_737 = tpu.memref_slice %arg4[%mul3A_701] : memref<320000xi32, #tpu.memory_space<hbm>> -> memref<80xi32, #tpu.memory_space<hbm>>
        %dma_start3A_738 = tpu.memref_slice %arg10[%select_n3A_733] : memref<8x!tpu.dma_semaphore, #tpu.memory_space<semaphore_mem>> -> memref<1x!tpu.dma_semaphore, #tpu.memory_space<semaphore_mem>>
        %dma_start3A_739 = tpu.memref_squeeze %dma_start3A_738 : memref<1x!tpu.dma_semaphore, #tpu.memory_space<semaphore_mem>> -> memref<!tpu.dma_semaphore, #tpu.memory_space<semaphore_mem>>
        %dma_start3A_740 = arith.constant 0 : i32
        %dma_start3A_741 = tpu.memref_slice %arg8[%select_n3A_717, %dma_start3A_740] : memref<8x80xi32, #tpu.memory_space<vmem>> -> memref<1x80xi32, #tpu.memory_space<vmem>>
        %dma_start3A_742 = tpu.memref_squeeze %dma_start3A_741 : memref<1x80xi32, #tpu.memory_space<vmem>> -> memref<80xi32, #tpu.memory_space<vmem>>
        %dma_start3A_743 = tpu.memref_slice %arg4[%mul3A_701] : memref<320000xi32, #tpu.memory_space<hbm>> -> memref<80xi32, #tpu.memory_space<hbm>>
        tpu.enqueue_dma source(%dma_start3A_743 : memref<80xi32, #tpu.memory_space<hbm>>) target(%dma_start3A_742 : memref<80xi32, #tpu.memory_space<vmem>>) target_semaphore(%dma_start3A_739 : memref<!tpu.dma_semaphore, #tpu.memory_space<semaphore_mem>>)
      } else {
      }
    }
    %scan3A_275 = arith.constant 31 : i32
    %dma_wait3A_276 = arith.constant 3 : i32
    %dma_wait3A_277 = arith.constant 3 : i32
    %dma_wait3A_278 = arith.constant 3 : i32
    %dma_wait3A_279 = arith.constant 0 : i32
    %dma_wait3A_280 = arith.constant 0 : i32
    %dma_wait3A_281 = tpu.memref_slice %arg9[%dma_wait3A_276, %dma_wait3A_279, %dma_wait3A_280] : memref<4x80x128xf32, #tpu.memory_space<vmem>> -> memref<1x80x128xf32, #tpu.memory_space<vmem>>
    %dma_wait3A_282 = tpu.memref_squeeze %dma_wait3A_281 : memref<1x80x128xf32, #tpu.memory_space<vmem>> -> memref<80x128xf32, #tpu.memory_space<vmem>>
    %dma_wait3A_283 = arith.constant 0 : i32
    %dma_wait3A_284 = tpu.memref_slice %arg8[%dma_wait3A_277, %dma_wait3A_283] : memref<8x80xi32, #tpu.memory_space<vmem>> -> memref<1x80xi32, #tpu.memory_space<vmem>>
    %dma_wait3A_285 = tpu.memref_squeeze %dma_wait3A_284 : memref<1x80xi32, #tpu.memory_space<vmem>> -> memref<80xi32, #tpu.memory_space<vmem>>
    %dma_wait3A_286 = arith.constant 0 : i32
    %dma_wait3A_287 = arith.constant 0 : i32
    %dma_wait3A_288 = tpu.memref_slice %arg13[%dma_wait3A_286, %dma_wait3A_287] : memref<10112x128xf32, #tpu.memory_space<vmem_shared>> -> memref<10112x128xf32, #tpu.memory_space<vmem_shared>>
    %dma_wait3A_289 = tpu.memref_slice %arg12[%dma_wait3A_278] : memref<4x!tpu.dma_semaphore, #tpu.memory_space<semaphore_mem>> -> memref<1x!tpu.dma_semaphore, #tpu.memory_space<semaphore_mem>>
    %dma_wait3A_290 = tpu.memref_squeeze %dma_wait3A_289 : memref<1x!tpu.dma_semaphore, #tpu.memory_space<semaphore_mem>> -> memref<!tpu.dma_semaphore, #tpu.memory_space<semaphore_mem>>
    tpu.wait_indirect_dma semaphore(%dma_wait3A_290 : memref<!tpu.dma_semaphore, #tpu.memory_space<semaphore_mem>>) src(%dma_wait3A_282 : memref<80x128xf32, #tpu.memory_space<vmem>>) dst(%dma_wait3A_288 : memref<10112x128xf32, #tpu.memory_space<vmem_shared>>)
    %add3A_291 = arith.constant 124 : i32
    %add3A_292 = arith.addi %mul3A_2, %add3A_291 : i32
    %mul3A_293 = arith.constant 80 : i32
    %mul3A_294 = arith.muli %add3A_292, %mul3A_293 : i32
    %run_scoped3A = arith.constant 0 : i32
    "tpu.region"() ({
      %run_scoped3A_333 = tpu.sem_alloc : memref<!tpu.dma_semaphore, #tpu.memory_space<semaphore_mem>>
      %dma_start3A_334 = arith.constant 0 : i32
      %dma_start3A_335 = tpu.memref_slice %arg7[%run_scoped3A, %dma_start3A_334] : memref<8x80xi32, #tpu.memory_space<vmem>> -> memref<1x80xi32, #tpu.memory_space<vmem>>
      %dma_start3A_336 = tpu.memref_squeeze %dma_start3A_335 : memref<1x80xi32, #tpu.memory_space<vmem>> -> memref<80xi32, #tpu.memory_space<vmem>>
      %dma_start3A_337 = tpu.memref_slice %arg3[%mul3A_294] : memref<320000xi32, #tpu.memory_space<hbm>> -> memref<80xi32, #tpu.memory_space<hbm>>
      %dma_start3A_338 = arith.constant 0 : i32
      %dma_start3A_339 = tpu.memref_slice %arg7[%run_scoped3A, %dma_start3A_338] : memref<8x80xi32, #tpu.memory_space<vmem>> -> memref<1x80xi32, #tpu.memory_space<vmem>>
      %dma_start3A_340 = tpu.memref_squeeze %dma_start3A_339 : memref<1x80xi32, #tpu.memory_space<vmem>> -> memref<80xi32, #tpu.memory_space<vmem>>
      %dma_start3A_341 = tpu.memref_slice %arg3[%mul3A_294] : memref<320000xi32, #tpu.memory_space<hbm>> -> memref<80xi32, #tpu.memory_space<hbm>>
      tpu.enqueue_dma source(%dma_start3A_341 : memref<80xi32, #tpu.memory_space<hbm>>) target(%dma_start3A_340 : memref<80xi32, #tpu.memory_space<vmem>>) target_semaphore(%run_scoped3A_333 : memref<!tpu.dma_semaphore, #tpu.memory_space<semaphore_mem>>)
      %dma_wait3A_342 = arith.constant 0 : i32
      %dma_wait3A_343 = tpu.memref_slice %arg7[%run_scoped3A, %dma_wait3A_342] : memref<8x80xi32, #tpu.memory_space<vmem>> -> memref<1x80xi32, #tpu.memory_space<vmem>>
      %dma_wait3A_344 = tpu.memref_squeeze %dma_wait3A_343 : memref<1x80xi32, #tpu.memory_space<vmem>> -> memref<80xi32, #tpu.memory_space<vmem>>
      %dma_wait3A_345 = tpu.memref_slice %arg3[%mul3A_294] : memref<320000xi32, #tpu.memory_space<hbm>> -> memref<80xi32, #tpu.memory_space<hbm>>
      %dma_wait3A_346 = arith.constant 0 : i32
      %dma_wait3A_347 = tpu.memref_slice %arg7[%run_scoped3A, %dma_wait3A_346] : memref<8x80xi32, #tpu.memory_space<vmem>> -> memref<1x80xi32, #tpu.memory_space<vmem>>
      %dma_wait3A_348 = tpu.memref_squeeze %dma_wait3A_347 : memref<1x80xi32, #tpu.memory_space<vmem>> -> memref<80xi32, #tpu.memory_space<vmem>>
      %dma_wait3A_349 = tpu.memref_slice %arg3[%mul3A_294] : memref<320000xi32, #tpu.memory_space<hbm>> -> memref<80xi32, #tpu.memory_space<hbm>>
      tpu.wait_dma2 semaphore(%run_scoped3A_333 : memref<!tpu.dma_semaphore, #tpu.memory_space<semaphore_mem>>) src(%dma_wait3A_349 : memref<80xi32, #tpu.memory_space<hbm>>) dst(%dma_wait3A_348 : memref<80xi32, #tpu.memory_space<vmem>>)
      tpu.yield
    }) : () -> ()
    %mul3A_295 = arith.constant 80 : i32
    %mul3A_296 = arith.muli %add3A_292, %mul3A_295 : i32
    %run_scoped3A_297 = arith.constant 0 : i32
    "tpu.region"() ({
      %run_scoped3A_333 = tpu.sem_alloc : memref<!tpu.dma_semaphore, #tpu.memory_space<semaphore_mem>>
      %dma_start3A_334 = arith.constant 0 : i32
      %dma_start3A_335 = tpu.memref_slice %arg8[%run_scoped3A_297, %dma_start3A_334] : memref<8x80xi32, #tpu.memory_space<vmem>> -> memref<1x80xi32, #tpu.memory_space<vmem>>
      %dma_start3A_336 = tpu.memref_squeeze %dma_start3A_335 : memref<1x80xi32, #tpu.memory_space<vmem>> -> memref<80xi32, #tpu.memory_space<vmem>>
      %dma_start3A_337 = tpu.memref_slice %arg4[%mul3A_296] : memref<320000xi32, #tpu.memory_space<hbm>> -> memref<80xi32, #tpu.memory_space<hbm>>
      %dma_start3A_338 = arith.constant 0 : i32
      %dma_start3A_339 = tpu.memref_slice %arg8[%run_scoped3A_297, %dma_start3A_338] : memref<8x80xi32, #tpu.memory_space<vmem>> -> memref<1x80xi32, #tpu.memory_space<vmem>>
      %dma_start3A_340 = tpu.memref_squeeze %dma_start3A_339 : memref<1x80xi32, #tpu.memory_space<vmem>> -> memref<80xi32, #tpu.memory_space<vmem>>
      %dma_start3A_341 = tpu.memref_slice %arg4[%mul3A_296] : memref<320000xi32, #tpu.memory_space<hbm>> -> memref<80xi32, #tpu.memory_space<hbm>>
      tpu.enqueue_dma source(%dma_start3A_341 : memref<80xi32, #tpu.memory_space<hbm>>) target(%dma_start3A_340 : memref<80xi32, #tpu.memory_space<vmem>>) target_semaphore(%run_scoped3A_333 : memref<!tpu.dma_semaphore, #tpu.memory_space<semaphore_mem>>)
      %dma_wait3A_342 = arith.constant 0 : i32
      %dma_wait3A_343 = tpu.memref_slice %arg8[%run_scoped3A_297, %dma_wait3A_342] : memref<8x80xi32, #tpu.memory_space<vmem>> -> memref<1x80xi32, #tpu.memory_space<vmem>>
      %dma_wait3A_344 = tpu.memref_squeeze %dma_wait3A_343 : memref<1x80xi32, #tpu.memory_space<vmem>> -> memref<80xi32, #tpu.memory_space<vmem>>
      %dma_wait3A_345 = tpu.memref_slice %arg4[%mul3A_296] : memref<320000xi32, #tpu.memory_space<hbm>> -> memref<80xi32, #tpu.memory_space<hbm>>
      %dma_wait3A_346 = arith.constant 0 : i32
      %dma_wait3A_347 = tpu.memref_slice %arg8[%run_scoped3A_297, %dma_wait3A_346] : memref<8x80xi32, #tpu.memory_space<vmem>> -> memref<1x80xi32, #tpu.memory_space<vmem>>
      %dma_wait3A_348 = tpu.memref_squeeze %dma_wait3A_347 : memref<1x80xi32, #tpu.memory_space<vmem>> -> memref<80xi32, #tpu.memory_space<vmem>>
      %dma_wait3A_349 = tpu.memref_slice %arg4[%mul3A_296] : memref<320000xi32, #tpu.memory_space<hbm>> -> memref<80xi32, #tpu.memory_space<hbm>>
      tpu.wait_dma2 semaphore(%run_scoped3A_333 : memref<!tpu.dma_semaphore, #tpu.memory_space<semaphore_mem>>) src(%dma_wait3A_349 : memref<80xi32, #tpu.memory_space<hbm>>) dst(%dma_wait3A_348 : memref<80xi32, #tpu.memory_space<vmem>>)
      tpu.yield
    }) : () -> ()
    %dma_start3A_298 = arith.constant 0 : i32
    %dma_start3A_299 = arith.constant 0 : i32
    %dma_start3A_300 = arith.constant 0 : i32
    %dma_start3A_301 = arith.constant 0 : i32
    %dma_start3A_302 = arith.constant 0 : i32
    %dma_start3A_303 = tpu.memref_slice %arg9[%dma_start3A_299, %dma_start3A_301, %dma_start3A_302] : memref<4x80x128xf32, #tpu.memory_space<vmem>> -> memref<1x80x128xf32, #tpu.memory_space<vmem>>
    %dma_start3A_304 = tpu.memref_squeeze %dma_start3A_303 : memref<1x80x128xf32, #tpu.memory_space<vmem>> -> memref<80x128xf32, #tpu.memory_space<vmem>>
    %dma_start3A_305 = arith.constant 0 : i32
    %dma_start3A_306 = tpu.memref_slice %arg7[%dma_start3A_298, %dma_start3A_305] : memref<8x80xi32, #tpu.memory_space<vmem>> -> memref<1x80xi32, #tpu.memory_space<vmem>>
    %dma_start3A_307 = tpu.memref_squeeze %dma_start3A_306 : memref<1x80xi32, #tpu.memory_space<vmem>> -> memref<80xi32, #tpu.memory_space<vmem>>
    %dma_start3A_308 = arith.constant 0 : i32
    %dma_start3A_309 = arith.constant 0 : i32
    %dma_start3A_310 = tpu.memref_slice %arg2[%dma_start3A_308, %dma_start3A_309] : memref<10000x128xf32, #tpu.memory_space<hbm>> -> memref<10000x128xf32, #tpu.memory_space<hbm>>
    %dma_start3A_311 = tpu.memref_slice %arg11[%dma_start3A_300] : memref<4x!tpu.dma_semaphore, #tpu.memory_space<semaphore_mem>> -> memref<1x!tpu.dma_semaphore, #tpu.memory_space<semaphore_mem>>
    %dma_start3A_312 = tpu.memref_squeeze %dma_start3A_311 : memref<1x!tpu.dma_semaphore, #tpu.memory_space<semaphore_mem>> -> memref<!tpu.dma_semaphore, #tpu.memory_space<semaphore_mem>>
    tpu.enqueue_indirect_dma source(%dma_start3A_310 : memref<10000x128xf32, #tpu.memory_space<hbm>>) target(%dma_start3A_304 : memref<80x128xf32, #tpu.memory_space<vmem>>) offsets(%dma_start3A_307 : memref<80xi32, #tpu.memory_space<vmem>>) semaphore(%dma_start3A_312 : memref<!tpu.dma_semaphore, #tpu.memory_space<semaphore_mem>>)
    %dma_wait3A_313 = arith.constant 0 : i32
    %dma_wait3A_314 = arith.constant 0 : i32
    %dma_wait3A_315 = arith.constant 0 : i32
    %dma_wait3A_316 = arith.constant 0 : i32
    %dma_wait3A_317 = arith.constant 0 : i32
    %dma_wait3A_318 = tpu.memref_slice %arg9[%dma_wait3A_314, %dma_wait3A_316, %dma_wait3A_317] : memref<4x80x128xf32, #tpu.memory_space<vmem>> -> memref<1x80x128xf32, #tpu.memory_space<vmem>>
    %dma_wait3A_319 = tpu.memref_squeeze %dma_wait3A_318 : memref<1x80x128xf32, #tpu.memory_space<vmem>> -> memref<80x128xf32, #tpu.memory_space<vmem>>
    %dma_wait3A_320 = arith.constant 0 : i32
    %dma_wait3A_321 = tpu.memref_slice %arg7[%dma_wait3A_313, %dma_wait3A_320] : memref<8x80xi32, #tpu.memory_space<vmem>> -> memref<1x80xi32, #tpu.memory_space<vmem>>
    %dma_wait3A_322 = tpu.memref_squeeze %dma_wait3A_321 : memref<1x80xi32, #tpu.memory_space<vmem>> -> memref<80xi32, #tpu.memory_space<vmem>>
    %dma_wait3A_323 = arith.constant 0 : i32
    %dma_wait3A_324 = arith.constant 0 : i32
    %dma_wait3A_325 = tpu.memref_slice %arg2[%dma_wait3A_323, %dma_wait3A_324] : memref<10000x128xf32, #tpu.memory_space<hbm>> -> memref<10000x128xf32, #tpu.memory_space<hbm>>
    %dma_wait3A_326 = tpu.memref_slice %arg11[%dma_wait3A_315] : memref<4x!tpu.dma_semaphore, #tpu.memory_space<semaphore_mem>> -> memref<1x!tpu.dma_semaphore, #tpu.memory_space<semaphore_mem>>
    %dma_wait3A_327 = tpu.memref_squeeze %dma_wait3A_326 : memref<1x!tpu.dma_semaphore, #tpu.memory_space<semaphore_mem>> -> memref<!tpu.dma_semaphore, #tpu.memory_space<semaphore_mem>>
    tpu.wait_indirect_dma semaphore(%dma_wait3A_327 : memref<!tpu.dma_semaphore, #tpu.memory_space<semaphore_mem>>) src(%dma_wait3A_325 : memref<10000x128xf32, #tpu.memory_space<hbm>>) dst(%dma_wait3A_319 : memref<80x128xf32, #tpu.memory_space<vmem>>)
    %run_scoped3A_328 = arith.constant 0 : i32
    %run_scoped3A_329 = arith.constant 0 : i32
    "tpu.region"() ({
      %run_scoped3A_333 = tpu.sem_alloc : memref<!tpu.dma_semaphore, #tpu.memory_space<semaphore_mem>>
      %dma_start3A_334 = arith.constant 0 : i32
      %dma_start3A_335 = arith.constant 0 : i32
      %dma_start3A_336 = tpu.memref_slice %arg9[%run_scoped3A_328, %dma_start3A_334, %dma_start3A_335] : memref<4x80x128xf32, #tpu.memory_space<vmem>> -> memref<1x80x128xf32, #tpu.memory_space<vmem>>
      %dma_start3A_337 = tpu.memref_squeeze %dma_start3A_336 : memref<1x80x128xf32, #tpu.memory_space<vmem>> -> memref<80x128xf32, #tpu.memory_space<vmem>>
      %dma_start3A_338 = arith.constant 0 : i32
      %dma_start3A_339 = tpu.memref_slice %arg8[%run_scoped3A_329, %dma_start3A_338] : memref<8x80xi32, #tpu.memory_space<vmem>> -> memref<1x80xi32, #tpu.memory_space<vmem>>
      %dma_start3A_340 = tpu.memref_squeeze %dma_start3A_339 : memref<1x80xi32, #tpu.memory_space<vmem>> -> memref<80xi32, #tpu.memory_space<vmem>>
      %dma_start3A_341 = arith.constant 0 : i32
      %dma_start3A_342 = arith.constant 0 : i32
      %dma_start3A_343 = tpu.memref_slice %arg13[%dma_start3A_341, %dma_start3A_342] : memref<10112x128xf32, #tpu.memory_space<vmem_shared>> -> memref<10112x128xf32, #tpu.memory_space<vmem_shared>>
      tpu.enqueue_indirect_dma source(%dma_start3A_337 : memref<80x128xf32, #tpu.memory_space<vmem>>) target(%dma_start3A_343 : memref<10112x128xf32, #tpu.memory_space<vmem_shared>>) offsets(%dma_start3A_340 : memref<80xi32, #tpu.memory_space<vmem>>) semaphore(%run_scoped3A_333 : memref<!tpu.dma_semaphore, #tpu.memory_space<semaphore_mem>>) {add = true}
      %dma_wait3A_344 = arith.constant 0 : i32
      %dma_wait3A_345 = arith.constant 0 : i32
      %dma_wait3A_346 = tpu.memref_slice %arg9[%run_scoped3A_328, %dma_wait3A_344, %dma_wait3A_345] : memref<4x80x128xf32, #tpu.memory_space<vmem>> -> memref<1x80x128xf32, #tpu.memory_space<vmem>>
      %dma_wait3A_347 = tpu.memref_squeeze %dma_wait3A_346 : memref<1x80x128xf32, #tpu.memory_space<vmem>> -> memref<80x128xf32, #tpu.memory_space<vmem>>
      %dma_wait3A_348 = arith.constant 0 : i32
      %dma_wait3A_349 = tpu.memref_slice %arg8[%run_scoped3A_329, %dma_wait3A_348] : memref<8x80xi32, #tpu.memory_space<vmem>> -> memref<1x80xi32, #tpu.memory_space<vmem>>
      %dma_wait3A_350 = tpu.memref_squeeze %dma_wait3A_349 : memref<1x80xi32, #tpu.memory_space<vmem>> -> memref<80xi32, #tpu.memory_space<vmem>>
      %dma_wait3A_351 = arith.constant 0 : i32
      %dma_wait3A_352 = arith.constant 0 : i32
      %dma_wait3A_353 = tpu.memref_slice %arg13[%dma_wait3A_351, %dma_wait3A_352] : memref<10112x128xf32, #tpu.memory_space<vmem_shared>> -> memref<10112x128xf32, #tpu.memory_space<vmem_shared>>
      tpu.wait_indirect_dma semaphore(%run_scoped3A_333 : memref<!tpu.dma_semaphore, #tpu.memory_space<semaphore_mem>>) src(%dma_wait3A_347 : memref<80x128xf32, #tpu.memory_space<vmem>>) dst(%dma_wait3A_353 : memref<10112x128xf32, #tpu.memory_space<vmem_shared>>)
      tpu.yield
    }) : () -> ()
    %barrier3A_330 = arith.constant 0 : index
    tpu.barrier barrier_id(%barrier3A_330)
    %mul3A_331 = arith.constant 632 : i32
    %mul3A_332 = arith.muli %arg1, %mul3A_331 : i32
    "tpu.region"() ({
      %run_scoped3A_333 = tpu.sem_alloc : memref<!tpu.dma_semaphore, #tpu.memory_space<semaphore_mem>>
      %dma_start3A_334 = arith.constant 0 : i32
      %dma_start3A_335 = arith.constant 0 : i32
      %dma_start3A_336 = tpu.memref_slice %arg6[%arg0, %arg1, %dma_start3A_334, %dma_start3A_335] : memref<2x16x632x128xf32, #tpu.memory_space<hbm>> -> memref<1x1x632x128xf32, #tpu.memory_space<hbm>>
      %dma_start3A_337 = tpu.memref_squeeze %dma_start3A_336 : memref<1x1x632x128xf32, #tpu.memory_space<hbm>> -> memref<632x128xf32, #tpu.memory_space<hbm>>
      %dma_start3A_338 = arith.constant 0 : i32
      %dma_start3A_339 = tpu.memref_slice %arg13[%mul3A_332, %dma_start3A_338] : memref<10112x128xf32, #tpu.memory_space<vmem_shared>> -> memref<632x128xf32, #tpu.memory_space<vmem_shared>>
      tpu.enqueue_dma source(%dma_start3A_339 : memref<632x128xf32, #tpu.memory_space<vmem_shared>>) target(%dma_start3A_337 : memref<632x128xf32, #tpu.memory_space<hbm>>) target_semaphore(%run_scoped3A_333 : memref<!tpu.dma_semaphore, #tpu.memory_space<semaphore_mem>>)
      %dma_wait3A_340 = arith.constant 0 : i32
      %dma_wait3A_341 = arith.constant 0 : i32
      %dma_wait3A_342 = tpu.memref_slice %arg6[%arg0, %arg1, %dma_wait3A_340, %dma_wait3A_341] : memref<2x16x632x128xf32, #tpu.memory_space<hbm>> -> memref<1x1x632x128xf32, #tpu.memory_space<hbm>>
      %dma_wait3A_343 = tpu.memref_squeeze %dma_wait3A_342 : memref<1x1x632x128xf32, #tpu.memory_space<hbm>> -> memref<632x128xf32, #tpu.memory_space<hbm>>
      %dma_wait3A_344 = arith.constant 0 : i32
      %dma_wait3A_345 = tpu.memref_slice %arg13[%mul3A_332, %dma_wait3A_344] : memref<10112x128xf32, #tpu.memory_space<vmem_shared>> -> memref<632x128xf32, #tpu.memory_space<vmem_shared>>
      tpu.wait_dma2 semaphore(%run_scoped3A_333 : memref<!tpu.dma_semaphore, #tpu.memory_space<semaphore_mem>>) src(%dma_wait3A_345 : memref<632x128xf32, #tpu.memory_space<vmem_shared>>) dst(%dma_wait3A_343 : memref<632x128xf32, #tpu.memory_space<hbm>>)
      tpu.yield
    }) : () -> ()
    return
  }
}

#map = affine_map<(d0, d1) -> (0, 0)>
#map1 = affine_map<(d0, d1) -> (0)>
#map2 = affine_map<(d0, d1) -> (0, 0, 0, 0)>
module attributes {stable_mosaic.version = 14 : i64} {
  func.func @_scat_body(%arg0: i32, %arg1: i32, %arg2: memref<10000x128xf32, #tpu.memory_space<hbm>>, %arg3: memref<320000xi32, #tpu.memory_space<hbm>>, %arg4: memref<320000xi32, #tpu.memory_space<hbm>>, %arg5: memref<632x128xf32, #tpu.memory_space<hbm>>, %arg6: memref<2x16x632x128xf32, #tpu.memory_space<hbm>>, %arg7: memref<8x80xi32, #tpu.memory_space<vmem>>, %arg8: memref<8x80xi32, #tpu.memory_space<vmem>>, %arg9: memref<4x80x128xf32, #tpu.memory_space<vmem>>, %arg10: memref<8x!tpu.dma_semaphore, #tpu.memory_space<semaphore_mem>>, %arg11: memref<4x!tpu.dma_semaphore, #tpu.memory_space<semaphore_mem>>, %arg12: memref<4x!tpu.dma_semaphore, #tpu.memory_space<semaphore_mem>>, %arg13: memref<10112x128xf32, #tpu.memory_space<vmem_shared>>) attributes {dimension_semantics = [#tpu.dimension_semantics<core_parallel>, #tpu.dimension_semantics<subcore_parallel>], iteration_bounds = array<i64: 2, 16>, scalar_prefetch = 0 : i64, scratch_operands = 7 : i64, tpu.core_type = #tpu.core_type<sc_vector_subcore>, window_params = [{transform_indices = #map}, {transform_indices = #map1}, {transform_indices = #map1}, {transform_indices = #map}, {transform_indices = #map2}]} {
    %mul3A = arith.constant 16 : i32
    %mul3A_0 = arith.muli %arg0, %mul3A : i32
    %add3A = arith.addi %mul3A_0, %arg1 : i32
    %mul3A_1 = arith.constant 125 : i32
    %mul3A_2 = arith.muli %add3A, %mul3A_1 : i32
    %mul3A_3 = arith.constant 632 : i32
    %mul3A_4 = arith.muli %arg1, %mul3A_3 : i32
    "tpu.region"() ({
      %run_scoped3A_333 = tpu.sem_alloc : memref<!tpu.dma_semaphore, #tpu.memory_space<semaphore_mem>>
      %dma_start3A_334 = arith.constant 0 : i32
      %dma_start3A_335 = tpu.memref_slice %arg13[%mul3A_4, %dma_start3A_334] : memref<10112x128xf32, #tpu.memory_space<vmem_shared>> -> memref<632x128xf32, #tpu.memory_space<vmem_shared>>
      tpu.enqueue_dma source(%arg5 : memref<632x128xf32, #tpu.memory_space<hbm>>) target(%dma_start3A_335 : memref<632x128xf32, #tpu.memory_space<vmem_shared>>) target_semaphore(%run_scoped3A_333 : memref<!tpu.dma_semaphore, #tpu.memory_space<semaphore_mem>>)
      %dma_wait3A_336 = arith.constant 0 : i32
      %dma_wait3A_337 = tpu.memref_slice %arg13[%mul3A_4, %dma_wait3A_336] : memref<10112x128xf32, #tpu.memory_space<vmem_shared>> -> memref<632x128xf32, #tpu.memory_space<vmem_shared>>
      tpu.wait_dma2 semaphore(%run_scoped3A_333 : memref<!tpu.dma_semaphore, #tpu.memory_space<semaphore_mem>>) src(%arg5 : memref<632x128xf32, #tpu.memory_space<hbm>>) dst(%dma_wait3A_337 : memref<632x128xf32, #tpu.memory_space<vmem_shared>>)
      tpu.yield
    }) : () -> ()
    %add3A_5 = arith.constant 0 : i32
    %add3A_6 = arith.addi %mul3A_2, %add3A_5 : i32
    %mul3A_7 = arith.constant 80 : i32
    %mul3A_8 = arith.muli %add3A_6, %mul3A_7 : i32
    %dma_start3A = arith.constant 0 : i32
    %dma_start3A_9 = arith.constant 0 : i32
    %dma_start3A_10 = arith.constant 0 : i32
    %dma_start3A_11 = tpu.memref_slice %arg7[%dma_start3A, %dma_start3A_10] : memref<8x80xi32, #tpu.memory_space<vmem>> -> memref<1x80xi32, #tpu.memory_space<vmem>>
    %dma_start3A_12 = tpu.memref_squeeze %dma_start3A_11 : memref<1x80xi32, #tpu.memory_space<vmem>> -> memref<80xi32, #tpu.memory_space<vmem>>
    %dma_start3A_13 = tpu.memref_slice %arg3[%mul3A_8] : memref<320000xi32, #tpu.memory_space<hbm>> -> memref<80xi32, #tpu.memory_space<hbm>>
    %dma_start3A_14 = tpu.memref_slice %arg10[%dma_start3A_9] : memref<8x!tpu.dma_semaphore, #tpu.memory_space<semaphore_mem>> -> memref<1x!tpu.dma_semaphore, #tpu.memory_space<semaphore_mem>>
    %dma_start3A_15 = tpu.memref_squeeze %dma_start3A_14 : memref<1x!tpu.dma_semaphore, #tpu.memory_space<semaphore_mem>> -> memref<!tpu.dma_semaphore, #tpu.memory_space<semaphore_mem>>
    %dma_start3A_16 = arith.constant 0 : i32
    %dma_start3A_17 = tpu.memref_slice %arg7[%dma_start3A, %dma_start3A_16] : memref<8x80xi32, #tpu.memory_space<vmem>> -> memref<1x80xi32, #tpu.memory_space<vmem>>
    %dma_start3A_18 = tpu.memref_squeeze %dma_start3A_17 : memref<1x80xi32, #tpu.memory_space<vmem>> -> memref<80xi32, #tpu.memory_space<vmem>>
    %dma_start3A_19 = tpu.memref_slice %arg3[%mul3A_8] : memref<320000xi32, #tpu.memory_space<hbm>> -> memref<80xi32, #tpu.memory_space<hbm>>
    tpu.enqueue_dma source(%dma_start3A_19 : memref<80xi32, #tpu.memory_space<hbm>>) target(%dma_start3A_18 : memref<80xi32, #tpu.memory_space<vmem>>) target_semaphore(%dma_start3A_15 : memref<!tpu.dma_semaphore, #tpu.memory_space<semaphore_mem>>)
    %add3A_20 = arith.constant 0 : i32
    %add3A_21 = arith.addi %mul3A_2, %add3A_20 : i32
    %mul3A_22 = arith.constant 80 : i32
    %mul3A_23 = arith.muli %add3A_21, %mul3A_22 : i32
    %dma_start3A_24 = arith.constant 0 : i32
    %dma_start3A_25 = arith.constant 0 : i32
    %dma_start3A_26 = arith.constant 0 : i32
    %dma_start3A_27 = tpu.memref_slice %arg8[%dma_start3A_24, %dma_start3A_26] : memref<8x80xi32, #tpu.memory_space<vmem>> -> memref<1x80xi32, #tpu.memory_space<vmem>>
    %dma_start3A_28 = tpu.memref_squeeze %dma_start3A_27 : memref<1x80xi32, #tpu.memory_space<vmem>> -> memref<80xi32, #tpu.memory_space<vmem>>
    %dma_start3A_29 = tpu.memref_slice %arg4[%mul3A_23] : memref<320000xi32, #tpu.memory_space<hbm>> -> memref<80xi32, #tpu.memory_space<hbm>>
    %dma_start3A_30 = tpu.memref_slice %arg10[%dma_start3A_25] : memref<8x!tpu.dma_semaphore, #tpu.memory_space<semaphore_mem>> -> memref<1x!tpu.dma_semaphore, #tpu.memory_space<semaphore_mem>>
    %dma_start3A_31 = tpu.memref_squeeze %dma_start3A_30 : memref<1x!tpu.dma_semaphore, #tpu.memory_space<semaphore_mem>> -> memref<!tpu.dma_semaphore, #tpu.memory_space<semaphore_mem>>
    %dma_start3A_32 = arith.constant 0 : i32
    %dma_start3A_33 = tpu.memref_slice %arg8[%dma_start3A_24, %dma_start3A_32] : memref<8x80xi32, #tpu.memory_space<vmem>> -> memref<1x80xi32, #tpu.memory_space<vmem>>
    %dma_start3A_34 = tpu.memref_squeeze %dma_start3A_33 : memref<1x80xi32, #tpu.memory_space<vmem>> -> memref<80xi32, #tpu.memory_space<vmem>>
    %dma_start3A_35 = tpu.memref_slice %arg4[%mul3A_23] : memref<320000xi32, #tpu.memory_space<hbm>> -> memref<80xi32, #tpu.memory_space<hbm>>
    tpu.enqueue_dma source(%dma_start3A_35 : memref<80xi32, #tpu.memory_space<hbm>>) target(%dma_start3A_34 : memref<80xi32, #tpu.memory_space<vmem>>) target_semaphore(%dma_start3A_31 : memref<!tpu.dma_semaphore, #tpu.memory_space<semaphore_mem>>)
    %add3A_36 = arith.constant 1 : i32
    %add3A_37 = arith.addi %mul3A_2, %add3A_36 : i32
    %mul3A_38 = arith.constant 80 : i32
    %mul3A_39 = arith.muli %add3A_37, %mul3A_38 : i32
    %dma_start3A_40 = arith.constant 1 : i32
    %dma_start3A_41 = arith.constant 1 : i32
    %dma_start3A_42 = arith.constant 0 : i32
    %dma_start3A_43 = tpu.memref_slice %arg7[%dma_start3A_40, %dma_start3A_42] : memref<8x80xi32, #tpu.memory_space<vmem>> -> memref<1x80xi32, #tpu.memory_space<vmem>>
    %dma_start3A_44 = tpu.memref_squeeze %dma_start3A_43 : memref<1x80xi32, #tpu.memory_space<vmem>> -> memref<80xi32, #tpu.memory_space<vmem>>
    %dma_start3A_45 = tpu.memref_slice %arg3[%mul3A_39] : memref<320000xi32, #tpu.memory_space<hbm>> -> memref<80xi32, #tpu.memory_space<hbm>>
    %dma_start3A_46 = tpu.memref_slice %arg10[%dma_start3A_41] : memref<8x!tpu.dma_semaphore, #tpu.memory_space<semaphore_mem>> -> memref<1x!tpu.dma_semaphore, #tpu.memory_space<semaphore_mem>>
    %dma_start3A_47 = tpu.memref_squeeze %dma_start3A_46 : memref<1x!tpu.dma_semaphore, #tpu.memory_space<semaphore_mem>> -> memref<!tpu.dma_semaphore, #tpu.memory_space<semaphore_mem>>
    %dma_start3A_48 = arith.constant 0 : i32
    %dma_start3A_49 = tpu.memref_slice %arg7[%dma_start3A_40, %dma_start3A_48] : memref<8x80xi32, #tpu.memory_space<vmem>> -> memref<1x80xi32, #tpu.memory_space<vmem>>
    %dma_start3A_50 = tpu.memref_squeeze %dma_start3A_49 : memref<1x80xi32, #tpu.memory_space<vmem>> -> memref<80xi32, #tpu.memory_space<vmem>>
    %dma_start3A_51 = tpu.memref_slice %arg3[%mul3A_39] : memref<320000xi32, #tpu.memory_space<hbm>> -> memref<80xi32, #tpu.memory_space<hbm>>
    tpu.enqueue_dma source(%dma_start3A_51 : memref<80xi32, #tpu.memory_space<hbm>>) target(%dma_start3A_50 : memref<80xi32, #tpu.memory_space<vmem>>) target_semaphore(%dma_start3A_47 : memref<!tpu.dma_semaphore, #tpu.memory_space<semaphore_mem>>)
    %add3A_52 = arith.constant 1 : i32
    %add3A_53 = arith.addi %mul3A_2, %add3A_52 : i32
    %mul3A_54 = arith.constant 80 : i32
    %mul3A_55 = arith.muli %add3A_53, %mul3A_54 : i32
    %dma_start3A_56 = arith.constant 1 : i32
    %dma_start3A_57 = arith.constant 1 : i32
    %dma_start3A_58 = arith.constant 0 : i32
    %dma_start3A_59 = tpu.memref_slice %arg8[%dma_start3A_56, %dma_start3A_58] : memref<8x80xi32, #tpu.memory_space<vmem>> -> memref<1x80xi32, #tpu.memory_space<vmem>>
    %dma_start3A_60 = tpu.memref_squeeze %dma_start3A_59 : memref<1x80xi32, #tpu.memory_space<vmem>> -> memref<80xi32, #tpu.memory_space<vmem>>
    %dma_start3A_61 = tpu.memref_slice %arg4[%mul3A_55] : memref<320000xi32, #tpu.memory_space<hbm>> -> memref<80xi32, #tpu.memory_space<hbm>>
    %dma_start3A_62 = tpu.memref_slice %arg10[%dma_start3A_57] : memref<8x!tpu.dma_semaphore, #tpu.memory_space<semaphore_mem>> -> memref<1x!tpu.dma_semaphore, #tpu.memory_space<semaphore_mem>>
    %dma_start3A_63 = tpu.memref_squeeze %dma_start3A_62 : memref<1x!tpu.dma_semaphore, #tpu.memory_space<semaphore_mem>> -> memref<!tpu.dma_semaphore, #tpu.memory_space<semaphore_mem>>
    %dma_start3A_64 = arith.constant 0 : i32
    %dma_start3A_65 = tpu.memref_slice %arg8[%dma_start3A_56, %dma_start3A_64] : memref<8x80xi32, #tpu.memory_space<vmem>> -> memref<1x80xi32, #tpu.memory_space<vmem>>
    %dma_start3A_66 = tpu.memref_squeeze %dma_start3A_65 : memref<1x80xi32, #tpu.memory_space<vmem>> -> memref<80xi32, #tpu.memory_space<vmem>>
    %dma_start3A_67 = tpu.memref_slice %arg4[%mul3A_55] : memref<320000xi32, #tpu.memory_space<hbm>> -> memref<80xi32, #tpu.memory_space<hbm>>
    tpu.enqueue_dma source(%dma_start3A_67 : memref<80xi32, #tpu.memory_space<hbm>>) target(%dma_start3A_66 : memref<80xi32, #tpu.memory_space<vmem>>) target_semaphore(%dma_start3A_63 : memref<!tpu.dma_semaphore, #tpu.memory_space<semaphore_mem>>)
    %add3A_68 = arith.constant 2 : i32
    %add3A_69 = arith.addi %mul3A_2, %add3A_68 : i32
    %mul3A_70 = arith.constant 80 : i32
    %mul3A_71 = arith.muli %add3A_69, %mul3A_70 : i32
    %dma_start3A_72 = arith.constant 2 : i32
    %dma_start3A_73 = arith.constant 2 : i32
    %dma_start3A_74 = arith.constant 0 : i32
    %dma_start3A_75 = tpu.memref_slice %arg7[%dma_start3A_72, %dma_start3A_74] : memref<8x80xi32, #tpu.memory_space<vmem>> -> memref<1x80xi32, #tpu.memory_space<vmem>>
    %dma_start3A_76 = tpu.memref_squeeze %dma_start3A_75 : memref<1x80xi32, #tpu.memory_space<vmem>> -> memref<80xi32, #tpu.memory_space<vmem>>
    %dma_start3A_77 = tpu.memref_slice %arg3[%mul3A_71] : memref<320000xi32, #tpu.memory_space<hbm>> -> memref<80xi32, #tpu.memory_space<hbm>>
    %dma_start3A_78 = tpu.memref_slice %arg10[%dma_start3A_73] : memref<8x!tpu.dma_semaphore, #tpu.memory_space<semaphore_mem>> -> memref<1x!tpu.dma_semaphore, #tpu.memory_space<semaphore_mem>>
    %dma_start3A_79 = tpu.memref_squeeze %dma_start3A_78 : memref<1x!tpu.dma_semaphore, #tpu.memory_space<semaphore_mem>> -> memref<!tpu.dma_semaphore, #tpu.memory_space<semaphore_mem>>
    %dma_start3A_80 = arith.constant 0 : i32
    %dma_start3A_81 = tpu.memref_slice %arg7[%dma_start3A_72, %dma_start3A_80] : memref<8x80xi32, #tpu.memory_space<vmem>> -> memref<1x80xi32, #tpu.memory_space<vmem>>
    %dma_start3A_82 = tpu.memref_squeeze %dma_start3A_81 : memref<1x80xi32, #tpu.memory_space<vmem>> -> memref<80xi32, #tpu.memory_space<vmem>>
    %dma_start3A_83 = tpu.memref_slice %arg3[%mul3A_71] : memref<320000xi32, #tpu.memory_space<hbm>> -> memref<80xi32, #tpu.memory_space<hbm>>
    tpu.enqueue_dma source(%dma_start3A_83 : memref<80xi32, #tpu.memory_space<hbm>>) target(%dma_start3A_82 : memref<80xi32, #tpu.memory_space<vmem>>) target_semaphore(%dma_start3A_79 : memref<!tpu.dma_semaphore, #tpu.memory_space<semaphore_mem>>)
    %add3A_84 = arith.constant 2 : i32
    %add3A_85 = arith.addi %mul3A_2, %add3A_84 : i32
    %mul3A_86 = arith.constant 80 : i32
    %mul3A_87 = arith.muli %add3A_85, %mul3A_86 : i32
    %dma_start3A_88 = arith.constant 2 : i32
    %dma_start3A_89 = arith.constant 2 : i32
    %dma_start3A_90 = arith.constant 0 : i32
    %dma_start3A_91 = tpu.memref_slice %arg8[%dma_start3A_88, %dma_start3A_90] : memref<8x80xi32, #tpu.memory_space<vmem>> -> memref<1x80xi32, #tpu.memory_space<vmem>>
    %dma_start3A_92 = tpu.memref_squeeze %dma_start3A_91 : memref<1x80xi32, #tpu.memory_space<vmem>> -> memref<80xi32, #tpu.memory_space<vmem>>
    %dma_start3A_93 = tpu.memref_slice %arg4[%mul3A_87] : memref<320000xi32, #tpu.memory_space<hbm>> -> memref<80xi32, #tpu.memory_space<hbm>>
    %dma_start3A_94 = tpu.memref_slice %arg10[%dma_start3A_89] : memref<8x!tpu.dma_semaphore, #tpu.memory_space<semaphore_mem>> -> memref<1x!tpu.dma_semaphore, #tpu.memory_space<semaphore_mem>>
    %dma_start3A_95 = tpu.memref_squeeze %dma_start3A_94 : memref<1x!tpu.dma_semaphore, #tpu.memory_space<semaphore_mem>> -> memref<!tpu.dma_semaphore, #tpu.memory_space<semaphore_mem>>
    %dma_start3A_96 = arith.constant 0 : i32
    %dma_start3A_97 = tpu.memref_slice %arg8[%dma_start3A_88, %dma_start3A_96] : memref<8x80xi32, #tpu.memory_space<vmem>> -> memref<1x80xi32, #tpu.memory_space<vmem>>
    %dma_start3A_98 = tpu.memref_squeeze %dma_start3A_97 : memref<1x80xi32, #tpu.memory_space<vmem>> -> memref<80xi32, #tpu.memory_space<vmem>>
    %dma_start3A_99 = tpu.memref_slice %arg4[%mul3A_87] : memref<320000xi32, #tpu.memory_space<hbm>> -> memref<80xi32, #tpu.memory_space<hbm>>
    tpu.enqueue_dma source(%dma_start3A_99 : memref<80xi32, #tpu.memory_space<hbm>>) target(%dma_start3A_98 : memref<80xi32, #tpu.memory_space<vmem>>) target_semaphore(%dma_start3A_95 : memref<!tpu.dma_semaphore, #tpu.memory_space<semaphore_mem>>)
    %add3A_100 = arith.constant 3 : i32
    %add3A_101 = arith.addi %mul3A_2, %add3A_100 : i32
    %mul3A_102 = arith.constant 80 : i32
    %mul3A_103 = arith.muli %add3A_101, %mul3A_102 : i32
    %dma_start3A_104 = arith.constant 3 : i32
    %dma_start3A_105 = arith.constant 3 : i32
    %dma_start3A_106 = arith.constant 0 : i32
    %dma_start3A_107 = tpu.memref_slice %arg7[%dma_start3A_104, %dma_start3A_106] : memref<8x80xi32, #tpu.memory_space<vmem>> -> memref<1x80xi32, #tpu.memory_space<vmem>>
    %dma_start3A_108 = tpu.memref_squeeze %dma_start3A_107 : memref<1x80xi32, #tpu.memory_space<vmem>> -> memref<80xi32, #tpu.memory_space<vmem>>
    %dma_start3A_109 = tpu.memref_slice %arg3[%mul3A_103] : memref<320000xi32, #tpu.memory_space<hbm>> -> memref<80xi32, #tpu.memory_space<hbm>>
    %dma_start3A_110 = tpu.memref_slice %arg10[%dma_start3A_105] : memref<8x!tpu.dma_semaphore, #tpu.memory_space<semaphore_mem>> -> memref<1x!tpu.dma_semaphore, #tpu.memory_space<semaphore_mem>>
    %dma_start3A_111 = tpu.memref_squeeze %dma_start3A_110 : memref<1x!tpu.dma_semaphore, #tpu.memory_space<semaphore_mem>> -> memref<!tpu.dma_semaphore, #tpu.memory_space<semaphore_mem>>
    %dma_start3A_112 = arith.constant 0 : i32
    %dma_start3A_113 = tpu.memref_slice %arg7[%dma_start3A_104, %dma_start3A_112] : memref<8x80xi32, #tpu.memory_space<vmem>> -> memref<1x80xi32, #tpu.memory_space<vmem>>
    %dma_start3A_114 = tpu.memref_squeeze %dma_start3A_113 : memref<1x80xi32, #tpu.memory_space<vmem>> -> memref<80xi32, #tpu.memory_space<vmem>>
    %dma_start3A_115 = tpu.memref_slice %arg3[%mul3A_103] : memref<320000xi32, #tpu.memory_space<hbm>> -> memref<80xi32, #tpu.memory_space<hbm>>
    tpu.enqueue_dma source(%dma_start3A_115 : memref<80xi32, #tpu.memory_space<hbm>>) target(%dma_start3A_114 : memref<80xi32, #tpu.memory_space<vmem>>) target_semaphore(%dma_start3A_111 : memref<!tpu.dma_semaphore, #tpu.memory_space<semaphore_mem>>)
    %add3A_116 = arith.constant 3 : i32
    %add3A_117 = arith.addi %mul3A_2, %add3A_116 : i32
    %mul3A_118 = arith.constant 80 : i32
    %mul3A_119 = arith.muli %add3A_117, %mul3A_118 : i32
    %dma_start3A_120 = arith.constant 3 : i32
    %dma_start3A_121 = arith.constant 3 : i32
    %dma_start3A_122 = arith.constant 0 : i32
    %dma_start3A_123 = tpu.memref_slice %arg8[%dma_start3A_120, %dma_start3A_122] : memref<8x80xi32, #tpu.memory_space<vmem>> -> memref<1x80xi32, #tpu.memory_space<vmem>>
    %dma_start3A_124 = tpu.memref_squeeze %dma_start3A_123 : memref<1x80xi32, #tpu.memory_space<vmem>> -> memref<80xi32, #tpu.memory_space<vmem>>
    %dma_start3A_125 = tpu.memref_slice %arg4[%mul3A_119] : memref<320000xi32, #tpu.memory_space<hbm>> -> memref<80xi32, #tpu.memory_space<hbm>>
    %dma_start3A_126 = tpu.memref_slice %arg10[%dma_start3A_121] : memref<8x!tpu.dma_semaphore, #tpu.memory_space<semaphore_mem>> -> memref<1x!tpu.dma_semaphore, #tpu.memory_space<semaphore_mem>>
    %dma_start3A_127 = tpu.memref_squeeze %dma_start3A_126 : memref<1x!tpu.dma_semaphore, #tpu.memory_space<semaphore_mem>> -> memref<!tpu.dma_semaphore, #tpu.memory_space<semaphore_mem>>
    %dma_start3A_128 = arith.constant 0 : i32
    %dma_start3A_129 = tpu.memref_slice %arg8[%dma_start3A_120, %dma_start3A_128] : memref<8x80xi32, #tpu.memory_space<vmem>> -> memref<1x80xi32, #tpu.memory_space<vmem>>
    %dma_start3A_130 = tpu.memref_squeeze %dma_start3A_129 : memref<1x80xi32, #tpu.memory_space<vmem>> -> memref<80xi32, #tpu.memory_space<vmem>>
    %dma_start3A_131 = tpu.memref_slice %arg4[%mul3A_119] : memref<320000xi32, #tpu.memory_space<hbm>> -> memref<80xi32, #tpu.memory_space<hbm>>
    tpu.enqueue_dma source(%dma_start3A_131 : memref<80xi32, #tpu.memory_space<hbm>>) target(%dma_start3A_130 : memref<80xi32, #tpu.memory_space<vmem>>) target_semaphore(%dma_start3A_127 : memref<!tpu.dma_semaphore, #tpu.memory_space<semaphore_mem>>)
    %add3A_132 = arith.constant 0 : i32
    %add3A_133 = arith.addi %mul3A_2, %add3A_132 : i32
    %mul3A_134 = arith.constant 80 : i32
    %mul3A_135 = arith.muli %add3A_133, %mul3A_134 : i32
    %dma_wait3A = arith.constant 0 : i32
    %dma_wait3A_136 = arith.constant 0 : i32
    %dma_wait3A_137 = arith.constant 0 : i32
    %dma_wait3A_138 = tpu.memref_slice %arg7[%dma_wait3A, %dma_wait3A_137] : memref<8x80xi32, #tpu.memory_space<vmem>> -> memref<1x80xi32, #tpu.memory_space<vmem>>
    %dma_wait3A_139 = tpu.memref_squeeze %dma_wait3A_138 : memref<1x80xi32, #tpu.memory_space<vmem>> -> memref<80xi32, #tpu.memory_space<vmem>>
    %dma_wait3A_140 = tpu.memref_slice %arg3[%mul3A_135] : memref<320000xi32, #tpu.memory_space<hbm>> -> memref<80xi32, #tpu.memory_space<hbm>>
    %dma_wait3A_141 = tpu.memref_slice %arg10[%dma_wait3A_136] : memref<8x!tpu.dma_semaphore, #tpu.memory_space<semaphore_mem>> -> memref<1x!tpu.dma_semaphore, #tpu.memory_space<semaphore_mem>>
    %dma_wait3A_142 = tpu.memref_squeeze %dma_wait3A_141 : memref<1x!tpu.dma_semaphore, #tpu.memory_space<semaphore_mem>> -> memref<!tpu.dma_semaphore, #tpu.memory_space<semaphore_mem>>
    %dma_wait3A_143 = arith.constant 0 : i32
    %dma_wait3A_144 = tpu.memref_slice %arg7[%dma_wait3A, %dma_wait3A_143] : memref<8x80xi32, #tpu.memory_space<vmem>> -> memref<1x80xi32, #tpu.memory_space<vmem>>
    %dma_wait3A_145 = tpu.memref_squeeze %dma_wait3A_144 : memref<1x80xi32, #tpu.memory_space<vmem>> -> memref<80xi32, #tpu.memory_space<vmem>>
    %dma_wait3A_146 = tpu.memref_slice %arg3[%mul3A_135] : memref<320000xi32, #tpu.memory_space<hbm>> -> memref<80xi32, #tpu.memory_space<hbm>>
    tpu.wait_dma2 semaphore(%dma_wait3A_142 : memref<!tpu.dma_semaphore, #tpu.memory_space<semaphore_mem>>) src(%dma_wait3A_146 : memref<80xi32, #tpu.memory_space<hbm>>) dst(%dma_wait3A_145 : memref<80xi32, #tpu.memory_space<vmem>>)
    %add3A_147 = arith.constant 0 : i32
    %add3A_148 = arith.addi %mul3A_2, %add3A_147 : i32
    %mul3A_149 = arith.constant 80 : i32
    %mul3A_150 = arith.muli %add3A_148, %mul3A_149 : i32
    %dma_wait3A_151 = arith.constant 0 : i32
    %dma_wait3A_152 = arith.constant 0 : i32
    %dma_wait3A_153 = arith.constant 0 : i32
    %dma_wait3A_154 = tpu.memref_slice %arg8[%dma_wait3A_151, %dma_wait3A_153] : memref<8x80xi32, #tpu.memory_space<vmem>> -> memref<1x80xi32, #tpu.memory_space<vmem>>
    %dma_wait3A_155 = tpu.memref_squeeze %dma_wait3A_154 : memref<1x80xi32, #tpu.memory_space<vmem>> -> memref<80xi32, #tpu.memory_space<vmem>>
    %dma_wait3A_156 = tpu.memref_slice %arg4[%mul3A_150] : memref<320000xi32, #tpu.memory_space<hbm>> -> memref<80xi32, #tpu.memory_space<hbm>>
    %dma_wait3A_157 = tpu.memref_slice %arg10[%dma_wait3A_152] : memref<8x!tpu.dma_semaphore, #tpu.memory_space<semaphore_mem>> -> memref<1x!tpu.dma_semaphore, #tpu.memory_space<semaphore_mem>>
    %dma_wait3A_158 = tpu.memref_squeeze %dma_wait3A_157 : memref<1x!tpu.dma_semaphore, #tpu.memory_space<semaphore_mem>> -> memref<!tpu.dma_semaphore, #tpu.memory_space<semaphore_mem>>
    %dma_wait3A_159 = arith.constant 0 : i32
    %dma_wait3A_160 = tpu.memref_slice %arg8[%dma_wait3A_151, %dma_wait3A_159] : memref<8x80xi32, #tpu.memory_space<vmem>> -> memref<1x80xi32, #tpu.memory_space<vmem>>
    %dma_wait3A_161 = tpu.memref_squeeze %dma_wait3A_160 : memref<1x80xi32, #tpu.memory_space<vmem>> -> memref<80xi32, #tpu.memory_space<vmem>>
    %dma_wait3A_162 = tpu.memref_slice %arg4[%mul3A_150] : memref<320000xi32, #tpu.memory_space<hbm>> -> memref<80xi32, #tpu.memory_space<hbm>>
    tpu.wait_dma2 semaphore(%dma_wait3A_158 : memref<!tpu.dma_semaphore, #tpu.memory_space<semaphore_mem>>) src(%dma_wait3A_162 : memref<80xi32, #tpu.memory_space<hbm>>) dst(%dma_wait3A_161 : memref<80xi32, #tpu.memory_space<vmem>>)
    %dma_start3A_163 = arith.constant 0 : i32
    %dma_start3A_164 = arith.constant 0 : i32
    %dma_start3A_165 = arith.constant 0 : i32
    %dma_start3A_166 = arith.constant 0 : i32
    %dma_start3A_167 = arith.constant 0 : i32
    %dma_start3A_168 = tpu.memref_slice %arg9[%dma_start3A_164, %dma_start3A_166, %dma_start3A_167] : memref<4x80x128xf32, #tpu.memory_space<vmem>> -> memref<1x80x128xf32, #tpu.memory_space<vmem>>
    %dma_start3A_169 = tpu.memref_squeeze %dma_start3A_168 : memref<1x80x128xf32, #tpu.memory_space<vmem>> -> memref<80x128xf32, #tpu.memory_space<vmem>>
    %dma_start3A_170 = arith.constant 0 : i32
    %dma_start3A_171 = tpu.memref_slice %arg7[%dma_start3A_163, %dma_start3A_170] : memref<8x80xi32, #tpu.memory_space<vmem>> -> memref<1x80xi32, #tpu.memory_space<vmem>>
    %dma_start3A_172 = tpu.memref_squeeze %dma_start3A_171 : memref<1x80xi32, #tpu.memory_space<vmem>> -> memref<80xi32, #tpu.memory_space<vmem>>
    %dma_start3A_173 = arith.constant 0 : i32
    %dma_start3A_174 = arith.constant 0 : i32
    %dma_start3A_175 = tpu.memref_slice %arg2[%dma_start3A_173, %dma_start3A_174] : memref<10000x128xf32, #tpu.memory_space<hbm>> -> memref<10000x128xf32, #tpu.memory_space<hbm>>
    %dma_start3A_176 = tpu.memref_slice %arg11[%dma_start3A_165] : memref<4x!tpu.dma_semaphore, #tpu.memory_space<semaphore_mem>> -> memref<1x!tpu.dma_semaphore, #tpu.memory_space<semaphore_mem>>
    %dma_start3A_177 = tpu.memref_squeeze %dma_start3A_176 : memref<1x!tpu.dma_semaphore, #tpu.memory_space<semaphore_mem>> -> memref<!tpu.dma_semaphore, #tpu.memory_space<semaphore_mem>>
    tpu.enqueue_indirect_dma source(%dma_start3A_175 : memref<10000x128xf32, #tpu.memory_space<hbm>>) target(%dma_start3A_169 : memref<80x128xf32, #tpu.memory_space<vmem>>) offsets(%dma_start3A_172 : memref<80xi32, #tpu.memory_space<vmem>>) semaphore(%dma_start3A_177 : memref<!tpu.dma_semaphore, #tpu.memory_space<semaphore_mem>>)
    %add3A_178 = arith.constant 1 : i32
    %add3A_179 = arith.addi %mul3A_2, %add3A_178 : i32
    %mul3A_180 = arith.constant 80 : i32
    %mul3A_181 = arith.muli %add3A_179, %mul3A_180 : i32
    %dma_wait3A_182 = arith.constant 1 : i32
    %dma_wait3A_183 = arith.constant 1 : i32
    %dma_wait3A_184 = arith.constant 0 : i32
    %dma_wait3A_185 = tpu.memref_slice %arg7[%dma_wait3A_182, %dma_wait3A_184] : memref<8x80xi32, #tpu.memory_space<vmem>> -> memref<1x80xi32, #tpu.memory_space<vmem>>
    %dma_wait3A_186 = tpu.memref_squeeze %dma_wait3A_185 : memref<1x80xi32, #tpu.memory_space<vmem>> -> memref<80xi32, #tpu.memory_space<vmem>>
    %dma_wait3A_187 = tpu.memref_slice %arg3[%mul3A_181] : memref<320000xi32, #tpu.memory_space<hbm>> -> memref<80xi32, #tpu.memory_space<hbm>>
    %dma_wait3A_188 = tpu.memref_slice %arg10[%dma_wait3A_183] : memref<8x!tpu.dma_semaphore, #tpu.memory_space<semaphore_mem>> -> memref<1x!tpu.dma_semaphore, #tpu.memory_space<semaphore_mem>>
    %dma_wait3A_189 = tpu.memref_squeeze %dma_wait3A_188 : memref<1x!tpu.dma_semaphore, #tpu.memory_space<semaphore_mem>> -> memref<!tpu.dma_semaphore, #tpu.memory_space<semaphore_mem>>
    %dma_wait3A_190 = arith.constant 0 : i32
    %dma_wait3A_191 = tpu.memref_slice %arg7[%dma_wait3A_182, %dma_wait3A_190] : memref<8x80xi32, #tpu.memory_space<vmem>> -> memref<1x80xi32, #tpu.memory_space<vmem>>
    %dma_wait3A_192 = tpu.memref_squeeze %dma_wait3A_191 : memref<1x80xi32, #tpu.memory_space<vmem>> -> memref<80xi32, #tpu.memory_space<vmem>>
    %dma_wait3A_193 = tpu.memref_slice %arg3[%mul3A_181] : memref<320000xi32, #tpu.memory_space<hbm>> -> memref<80xi32, #tpu.memory_space<hbm>>
    tpu.wait_dma2 semaphore(%dma_wait3A_189 : memref<!tpu.dma_semaphore, #tpu.memory_space<semaphore_mem>>) src(%dma_wait3A_193 : memref<80xi32, #tpu.memory_space<hbm>>) dst(%dma_wait3A_192 : memref<80xi32, #tpu.memory_space<vmem>>)
    %add3A_194 = arith.constant 1 : i32
    %add3A_195 = arith.addi %mul3A_2, %add3A_194 : i32
    %mul3A_196 = arith.constant 80 : i32
    %mul3A_197 = arith.muli %add3A_195, %mul3A_196 : i32
    %dma_wait3A_198 = arith.constant 1 : i32
    %dma_wait3A_199 = arith.constant 1 : i32
    %dma_wait3A_200 = arith.constant 0 : i32
    %dma_wait3A_201 = tpu.memref_slice %arg8[%dma_wait3A_198, %dma_wait3A_200] : memref<8x80xi32, #tpu.memory_space<vmem>> -> memref<1x80xi32, #tpu.memory_space<vmem>>
    %dma_wait3A_202 = tpu.memref_squeeze %dma_wait3A_201 : memref<1x80xi32, #tpu.memory_space<vmem>> -> memref<80xi32, #tpu.memory_space<vmem>>
    %dma_wait3A_203 = tpu.memref_slice %arg4[%mul3A_197] : memref<320000xi32, #tpu.memory_space<hbm>> -> memref<80xi32, #tpu.memory_space<hbm>>
    %dma_wait3A_204 = tpu.memref_slice %arg10[%dma_wait3A_199] : memref<8x!tpu.dma_semaphore, #tpu.memory_space<semaphore_mem>> -> memref<1x!tpu.dma_semaphore, #tpu.memory_space<semaphore_mem>>
    %dma_wait3A_205 = tpu.memref_squeeze %dma_wait3A_204 : memref<1x!tpu.dma_semaphore, #tpu.memory_space<semaphore_mem>> -> memref<!tpu.dma_semaphore, #tpu.memory_space<semaphore_mem>>
    %dma_wait3A_206 = arith.constant 0 : i32
    %dma_wait3A_207 = tpu.memref_slice %arg8[%dma_wait3A_198, %dma_wait3A_206] : memref<8x80xi32, #tpu.memory_space<vmem>> -> memref<1x80xi32, #tpu.memory_space<vmem>>
    %dma_wait3A_208 = tpu.memref_squeeze %dma_wait3A_207 : memref<1x80xi32, #tpu.memory_space<vmem>> -> memref<80xi32, #tpu.memory_space<vmem>>
    %dma_wait3A_209 = tpu.memref_slice %arg4[%mul3A_197] : memref<320000xi32, #tpu.memory_space<hbm>> -> memref<80xi32, #tpu.memory_space<hbm>>
    tpu.wait_dma2 semaphore(%dma_wait3A_205 : memref<!tpu.dma_semaphore, #tpu.memory_space<semaphore_mem>>) src(%dma_wait3A_209 : memref<80xi32, #tpu.memory_space<hbm>>) dst(%dma_wait3A_208 : memref<80xi32, #tpu.memory_space<vmem>>)
    %dma_start3A_210 = arith.constant 1 : i32
    %dma_start3A_211 = arith.constant 1 : i32
    %dma_start3A_212 = arith.constant 1 : i32
    %dma_start3A_213 = arith.constant 0 : i32
    %dma_start3A_214 = arith.constant 0 : i32
    %dma_start3A_215 = tpu.memref_slice %arg9[%dma_start3A_211, %dma_start3A_213, %dma_start3A_214] : memref<4x80x128xf32, #tpu.memory_space<vmem>> -> memref<1x80x128xf32, #tpu.memory_space<vmem>>
    %dma_start3A_216 = tpu.memref_squeeze %dma_start3A_215 : memref<1x80x128xf32, #tpu.memory_space<vmem>> -> memref<80x128xf32, #tpu.memory_space<vmem>>
    %dma_start3A_217 = arith.constant 0 : i32
    %dma_start3A_218 = tpu.memref_slice %arg7[%dma_start3A_210, %dma_start3A_217] : memref<8x80xi32, #tpu.memory_space<vmem>> -> memref<1x80xi32, #tpu.memory_space<vmem>>
    %dma_start3A_219 = tpu.memref_squeeze %dma_start3A_218 : memref<1x80xi32, #tpu.memory_space<vmem>> -> memref<80xi32, #tpu.memory_space<vmem>>
    %dma_start3A_220 = arith.constant 0 : i32
    %dma_start3A_221 = arith.constant 0 : i32
    %dma_start3A_222 = tpu.memref_slice %arg2[%dma_start3A_220, %dma_start3A_221] : memref<10000x128xf32, #tpu.memory_space<hbm>> -> memref<10000x128xf32, #tpu.memory_space<hbm>>
    %dma_start3A_223 = tpu.memref_slice %arg11[%dma_start3A_212] : memref<4x!tpu.dma_semaphore, #tpu.memory_space<semaphore_mem>> -> memref<1x!tpu.dma_semaphore, #tpu.memory_space<semaphore_mem>>
    %dma_start3A_224 = tpu.memref_squeeze %dma_start3A_223 : memref<1x!tpu.dma_semaphore, #tpu.memory_space<semaphore_mem>> -> memref<!tpu.dma_semaphore, #tpu.memory_space<semaphore_mem>>
    tpu.enqueue_indirect_dma source(%dma_start3A_222 : memref<10000x128xf32, #tpu.memory_space<hbm>>) target(%dma_start3A_216 : memref<80x128xf32, #tpu.memory_space<vmem>>) offsets(%dma_start3A_219 : memref<80xi32, #tpu.memory_space<vmem>>) semaphore(%dma_start3A_224 : memref<!tpu.dma_semaphore, #tpu.memory_space<semaphore_mem>>)
    %add3A_225 = arith.constant 2 : i32
    %add3A_226 = arith.addi %mul3A_2, %add3A_225 : i32
    %mul3A_227 = arith.constant 80 : i32
    %mul3A_228 = arith.muli %add3A_226, %mul3A_227 : i32
    %dma_wait3A_229 = arith.constant 2 : i32
    %dma_wait3A_230 = arith.constant 2 : i32
    %dma_wait3A_231 = arith.constant 0 : i32
    %dma_wait3A_232 = tpu.memref_slice %arg7[%dma_wait3A_229, %dma_wait3A_231] : memref<8x80xi32, #tpu.memory_space<vmem>> -> memref<1x80xi32, #tpu.memory_space<vmem>>
    %dma_wait3A_233 = tpu.memref_squeeze %dma_wait3A_232 : memref<1x80xi32, #tpu.memory_space<vmem>> -> memref<80xi32, #tpu.memory_space<vmem>>
    %dma_wait3A_234 = tpu.memref_slice %arg3[%mul3A_228] : memref<320000xi32, #tpu.memory_space<hbm>> -> memref<80xi32, #tpu.memory_space<hbm>>
    %dma_wait3A_235 = tpu.memref_slice %arg10[%dma_wait3A_230] : memref<8x!tpu.dma_semaphore, #tpu.memory_space<semaphore_mem>> -> memref<1x!tpu.dma_semaphore, #tpu.memory_space<semaphore_mem>>
    %dma_wait3A_236 = tpu.memref_squeeze %dma_wait3A_235 : memref<1x!tpu.dma_semaphore, #tpu.memory_space<semaphore_mem>> -> memref<!tpu.dma_semaphore, #tpu.memory_space<semaphore_mem>>
    %dma_wait3A_237 = arith.constant 0 : i32
    %dma_wait3A_238 = tpu.memref_slice %arg7[%dma_wait3A_229, %dma_wait3A_237] : memref<8x80xi32, #tpu.memory_space<vmem>> -> memref<1x80xi32, #tpu.memory_space<vmem>>
    %dma_wait3A_239 = tpu.memref_squeeze %dma_wait3A_238 : memref<1x80xi32, #tpu.memory_space<vmem>> -> memref<80xi32, #tpu.memory_space<vmem>>
    %dma_wait3A_240 = tpu.memref_slice %arg3[%mul3A_228] : memref<320000xi32, #tpu.memory_space<hbm>> -> memref<80xi32, #tpu.memory_space<hbm>>
    tpu.wait_dma2 semaphore(%dma_wait3A_236 : memref<!tpu.dma_semaphore, #tpu.memory_space<semaphore_mem>>) src(%dma_wait3A_240 : memref<80xi32, #tpu.memory_space<hbm>>) dst(%dma_wait3A_239 : memref<80xi32, #tpu.memory_space<vmem>>)
    %add3A_241 = arith.constant 2 : i32
    %add3A_242 = arith.addi %mul3A_2, %add3A_241 : i32
    %mul3A_243 = arith.constant 80 : i32
    %mul3A_244 = arith.muli %add3A_242, %mul3A_243 : i32
    %dma_wait3A_245 = arith.constant 2 : i32
    %dma_wait3A_246 = arith.constant 2 : i32
    %dma_wait3A_247 = arith.constant 0 : i32
    %dma_wait3A_248 = tpu.memref_slice %arg8[%dma_wait3A_245, %dma_wait3A_247] : memref<8x80xi32, #tpu.memory_space<vmem>> -> memref<1x80xi32, #tpu.memory_space<vmem>>
    %dma_wait3A_249 = tpu.memref_squeeze %dma_wait3A_248 : memref<1x80xi32, #tpu.memory_space<vmem>> -> memref<80xi32, #tpu.memory_space<vmem>>
    %dma_wait3A_250 = tpu.memref_slice %arg4[%mul3A_244] : memref<320000xi32, #tpu.memory_space<hbm>> -> memref<80xi32, #tpu.memory_space<hbm>>
    %dma_wait3A_251 = tpu.memref_slice %arg10[%dma_wait3A_246] : memref<8x!tpu.dma_semaphore, #tpu.memory_space<semaphore_mem>> -> memref<1x!tpu.dma_semaphore, #tpu.memory_space<semaphore_mem>>
    %dma_wait3A_252 = tpu.memref_squeeze %dma_wait3A_251 : memref<1x!tpu.dma_semaphore, #tpu.memory_space<semaphore_mem>> -> memref<!tpu.dma_semaphore, #tpu.memory_space<semaphore_mem>>
    %dma_wait3A_253 = arith.constant 0 : i32
    %dma_wait3A_254 = tpu.memref_slice %arg8[%dma_wait3A_245, %dma_wait3A_253] : memref<8x80xi32, #tpu.memory_space<vmem>> -> memref<1x80xi32, #tpu.memory_space<vmem>>
    %dma_wait3A_255 = tpu.memref_squeeze %dma_wait3A_254 : memref<1x80xi32, #tpu.memory_space<vmem>> -> memref<80xi32, #tpu.memory_space<vmem>>
    %dma_wait3A_256 = tpu.memref_slice %arg4[%mul3A_244] : memref<320000xi32, #tpu.memory_space<hbm>> -> memref<80xi32, #tpu.memory_space<hbm>>
    tpu.wait_dma2 semaphore(%dma_wait3A_252 : memref<!tpu.dma_semaphore, #tpu.memory_space<semaphore_mem>>) src(%dma_wait3A_256 : memref<80xi32, #tpu.memory_space<hbm>>) dst(%dma_wait3A_255 : memref<80xi32, #tpu.memory_space<vmem>>)
    %dma_start3A_257 = arith.constant 2 : i32
    %dma_start3A_258 = arith.constant 2 : i32
    %dma_start3A_259 = arith.constant 2 : i32
    %dma_start3A_260 = arith.constant 0 : i32
    %dma_start3A_261 = arith.constant 0 : i32
    %dma_start3A_262 = tpu.memref_slice %arg9[%dma_start3A_258, %dma_start3A_260, %dma_start3A_261] : memref<4x80x128xf32, #tpu.memory_space<vmem>> -> memref<1x80x128xf32, #tpu.memory_space<vmem>>
    %dma_start3A_263 = tpu.memref_squeeze %dma_start3A_262 : memref<1x80x128xf32, #tpu.memory_space<vmem>> -> memref<80x128xf32, #tpu.memory_space<vmem>>
    %dma_start3A_264 = arith.constant 0 : i32
    %dma_start3A_265 = tpu.memref_slice %arg7[%dma_start3A_257, %dma_start3A_264] : memref<8x80xi32, #tpu.memory_space<vmem>> -> memref<1x80xi32, #tpu.memory_space<vmem>>
    %dma_start3A_266 = tpu.memref_squeeze %dma_start3A_265 : memref<1x80xi32, #tpu.memory_space<vmem>> -> memref<80xi32, #tpu.memory_space<vmem>>
    %dma_start3A_267 = arith.constant 0 : i32
    %dma_start3A_268 = arith.constant 0 : i32
    %dma_start3A_269 = tpu.memref_slice %arg2[%dma_start3A_267, %dma_start3A_268] : memref<10000x128xf32, #tpu.memory_space<hbm>> -> memref<10000x128xf32, #tpu.memory_space<hbm>>
    %dma_start3A_270 = tpu.memref_slice %arg11[%dma_start3A_259] : memref<4x!tpu.dma_semaphore, #tpu.memory_space<semaphore_mem>> -> memref<1x!tpu.dma_semaphore, #tpu.memory_space<semaphore_mem>>
    %dma_start3A_271 = tpu.memref_squeeze %dma_start3A_270 : memref<1x!tpu.dma_semaphore, #tpu.memory_space<semaphore_mem>> -> memref<!tpu.dma_semaphore, #tpu.memory_space<semaphore_mem>>
    tpu.enqueue_indirect_dma source(%dma_start3A_269 : memref<10000x128xf32, #tpu.memory_space<hbm>>) target(%dma_start3A_263 : memref<80x128xf32, #tpu.memory_space<vmem>>) offsets(%dma_start3A_266 : memref<80xi32, #tpu.memory_space<vmem>>) semaphore(%dma_start3A_271 : memref<!tpu.dma_semaphore, #tpu.memory_space<semaphore_mem>>)
    %barrier3A = arith.constant 0 : index
    tpu.barrier barrier_id(%barrier3A)
    %scan3A = arith.constant 0 : i32
    %scan3A_272 = arith.constant 31 : i32
    %scan3A_273 = arith.addi %scan3A, %scan3A_272 : i32
    %scan3A_274 = arith.constant 1 : i32
    scf.for %scan3A_333 = %scan3A to %scan3A_273 step %scan3A_274  : i32 {
      %mul3A_334 = arith.constant 4 : i32
      %mul3A_335 = arith.muli %scan3A_333, %mul3A_334 : i32
      %add3A_336 = arith.constant 0 : i32
      %add3A_337 = arith.addi %add3A_336, %mul3A_335 : i32
      %add3A_338 = arith.constant 0 : i32
      %add3A_339 = arith.addi %add3A_337, %add3A_338 : i32
      %jit3A = arith.constant 8 : i32
      %eq3A = arith.constant 0 : i32
      %eq3A_340 = arith.cmpi eq, %jit3A, %eq3A : i32
      %jit3A_341 = arith.constant 1 : i32
      %select_n3A = arith.select %eq3A_340, %jit3A_341, %jit3A : i32
      %rem3A = arith.remsi %add3A_339, %select_n3A : i32
      %ne3A = arith.constant 0 : i32
      %ne3A_342 = arith.cmpi ne, %rem3A, %ne3A : i32
      %lt3A = arith.constant 0 : i32
      %lt3A_343 = arith.cmpi slt, %rem3A, %lt3A : i32
      %lt3A_344 = arith.constant 0 : i32
      %lt3A_345 = arith.cmpi slt, %select_n3A, %lt3A_344 : i32
      %ne3A_346 = arith.xori %lt3A_343, %lt3A_345 : i1
      %and3A = arith.andi %ne3A_346, %ne3A_342 : i1
      %add3A_347 = arith.addi %rem3A, %select_n3A : i32
      %select_n3A_348 = arith.select %and3A, %add3A_347, %rem3A : i32
      %dma_wait3A_349 = arith.constant 0 : i32
      %dma_wait3A_350 = arith.constant 0 : i32
      %dma_wait3A_351 = arith.constant 0 : i32
      %dma_wait3A_352 = arith.constant 0 : i32
      %dma_wait3A_353 = tpu.memref_slice %arg9[%dma_wait3A_349, %dma_wait3A_351, %dma_wait3A_352] : memref<4x80x128xf32, #tpu.memory_space<vmem>> -> memref<1x80x128xf32, #tpu.memory_space<vmem>>
      %dma_wait3A_354 = tpu.memref_squeeze %dma_wait3A_353 : memref<1x80x128xf32, #tpu.memory_space<vmem>> -> memref<80x128xf32, #tpu.memory_space<vmem>>
      %dma_wait3A_355 = arith.constant 0 : i32
      %dma_wait3A_356 = tpu.memref_slice %arg7[%select_n3A_348, %dma_wait3A_355] : memref<8x80xi32, #tpu.memory_space<vmem>> -> memref<1x80xi32, #tpu.memory_space<vmem>>
      %dma_wait3A_357 = tpu.memref_squeeze %dma_wait3A_356 : memref<1x80xi32, #tpu.memory_space<vmem>> -> memref<80xi32, #tpu.memory_space<vmem>>
      %dma_wait3A_358 = arith.constant 0 : i32
      %dma_wait3A_359 = arith.constant 0 : i32
      %dma_wait3A_360 = tpu.memref_slice %arg2[%dma_wait3A_358, %dma_wait3A_359] : memref<10000x128xf32, #tpu.memory_space<hbm>> -> memref<10000x128xf32, #tpu.memory_space<hbm>>
      %dma_wait3A_361 = tpu.memref_slice %arg11[%dma_wait3A_350] : memref<4x!tpu.dma_semaphore, #tpu.memory_space<semaphore_mem>> -> memref<1x!tpu.dma_semaphore, #tpu.memory_space<semaphore_mem>>
      %dma_wait3A_362 = tpu.memref_squeeze %dma_wait3A_361 : memref<1x!tpu.dma_semaphore, #tpu.memory_space<semaphore_mem>> -> memref<!tpu.dma_semaphore, #tpu.memory_space<semaphore_mem>>
      tpu.wait_indirect_dma semaphore(%dma_wait3A_362 : memref<!tpu.dma_semaphore, #tpu.memory_space<semaphore_mem>>) src(%dma_wait3A_360 : memref<10000x128xf32, #tpu.memory_space<hbm>>) dst(%dma_wait3A_354 : memref<80x128xf32, #tpu.memory_space<vmem>>)
      %jit3A_363 = arith.constant 8 : i32
      %eq3A_364 = arith.constant 0 : i32
      %eq3A_365 = arith.cmpi eq, %jit3A_363, %eq3A_364 : i32
      %jit3A_366 = arith.constant 1 : i32
      %select_n3A_367 = arith.select %eq3A_365, %jit3A_366, %jit3A_363 : i32
      %rem3A_368 = arith.remsi %add3A_339, %select_n3A_367 : i32
      %ne3A_369 = arith.constant 0 : i32
      %ne3A_370 = arith.cmpi ne, %rem3A_368, %ne3A_369 : i32
      %lt3A_371 = arith.constant 0 : i32
      %lt3A_372 = arith.cmpi slt, %rem3A_368, %lt3A_371 : i32
      %lt3A_373 = arith.constant 0 : i32
      %lt3A_374 = arith.cmpi slt, %select_n3A_367, %lt3A_373 : i32
      %ne3A_375 = arith.xori %lt3A_372, %lt3A_374 : i1
      %and3A_376 = arith.andi %ne3A_375, %ne3A_370 : i1
      %add3A_377 = arith.addi %rem3A_368, %select_n3A_367 : i32
      %select_n3A_378 = arith.select %and3A_376, %add3A_377, %rem3A_368 : i32
      %dma_start3A_379 = arith.constant 0 : i32
      %dma_start3A_380 = arith.constant 0 : i32
      %dma_start3A_381 = arith.constant 0 : i32
      %dma_start3A_382 = arith.constant 0 : i32
      %dma_start3A_383 = tpu.memref_slice %arg9[%dma_start3A_379, %dma_start3A_381, %dma_start3A_382] : memref<4x80x128xf32, #tpu.memory_space<vmem>> -> memref<1x80x128xf32, #tpu.memory_space<vmem>>
      %dma_start3A_384 = tpu.memref_squeeze %dma_start3A_383 : memref<1x80x128xf32, #tpu.memory_space<vmem>> -> memref<80x128xf32, #tpu.memory_space<vmem>>
      %dma_start3A_385 = arith.constant 0 : i32
      %dma_start3A_386 = tpu.memref_slice %arg8[%select_n3A_378, %dma_start3A_385] : memref<8x80xi32, #tpu.memory_space<vmem>> -> memref<1x80xi32, #tpu.memory_space<vmem>>
      %dma_start3A_387 = tpu.memref_squeeze %dma_start3A_386 : memref<1x80xi32, #tpu.memory_space<vmem>> -> memref<80xi32, #tpu.memory_space<vmem>>
      %dma_start3A_388 = arith.constant 0 : i32
      %dma_start3A_389 = arith.constant 0 : i32
      %dma_start3A_390 = tpu.memref_slice %arg13[%dma_start3A_388, %dma_start3A_389] : memref<10112x128xf32, #tpu.memory_space<vmem_shared>> -> memref<10112x128xf32, #tpu.memory_space<vmem_shared>>
      %dma_start3A_391 = tpu.memref_slice %arg12[%dma_start3A_380] : memref<4x!tpu.dma_semaphore, #tpu.memory_space<semaphore_mem>> -> memref<1x!tpu.dma_semaphore, #tpu.memory_space<semaphore_mem>>
      %dma_start3A_392 = tpu.memref_squeeze %dma_start3A_391 : memref<1x!tpu.dma_semaphore, #tpu.memory_space<semaphore_mem>> -> memref<!tpu.dma_semaphore, #tpu.memory_space<semaphore_mem>>
      tpu.enqueue_indirect_dma source(%dma_start3A_384 : memref<80x128xf32, #tpu.memory_space<vmem>>) target(%dma_start3A_390 : memref<10112x128xf32, #tpu.memory_space<vmem_shared>>) offsets(%dma_start3A_387 : memref<80xi32, #tpu.memory_space<vmem>>) semaphore(%dma_start3A_392 : memref<!tpu.dma_semaphore, #tpu.memory_space<semaphore_mem>>) {add = true}
      %ge3A = arith.constant 1 : i32
      %ge3A_393 = arith.cmpi sge, %add3A_339, %ge3A : i32
      %convert_element_type3A = arith.extui %ge3A_393 : i1 to i32
      %cond3A = arith.constant 0 : i32
      %cond3A_394 = arith.cmpi ne, %convert_element_type3A, %cond3A : i32
      scf.if %cond3A_394 {
        %sub3A = arith.constant 1 : i32
        %sub3A_652 = arith.subi %add3A_339, %sub3A : i32
        %jit3A_653 = arith.constant 8 : i32
        %eq3A_654 = arith.constant 0 : i32
        %eq3A_655 = arith.cmpi eq, %jit3A_653, %eq3A_654 : i32
        %jit3A_656 = arith.constant 1 : i32
        %select_n3A_657 = arith.select %eq3A_655, %jit3A_656, %jit3A_653 : i32
        %rem3A_658 = arith.remsi %sub3A_652, %select_n3A_657 : i32
        %ne3A_659 = arith.constant 0 : i32
        %ne3A_660 = arith.cmpi ne, %rem3A_658, %ne3A_659 : i32
        %lt3A_661 = arith.constant 0 : i32
        %lt3A_662 = arith.cmpi slt, %rem3A_658, %lt3A_661 : i32
        %lt3A_663 = arith.constant 0 : i32
        %lt3A_664 = arith.cmpi slt, %select_n3A_657, %lt3A_663 : i32
        %ne3A_665 = arith.xori %lt3A_662, %lt3A_664 : i1
        %and3A_666 = arith.andi %ne3A_665, %ne3A_660 : i1
        %add3A_667 = arith.addi %rem3A_658, %select_n3A_657 : i32
        %select_n3A_668 = arith.select %and3A_666, %add3A_667, %rem3A_658 : i32
        %dma_wait3A_669 = arith.constant 3 : i32
        %dma_wait3A_670 = arith.constant 3 : i32
        %dma_wait3A_671 = arith.constant 0 : i32
        %dma_wait3A_672 = arith.constant 0 : i32
        %dma_wait3A_673 = tpu.memref_slice %arg9[%dma_wait3A_669, %dma_wait3A_671, %dma_wait3A_672] : memref<4x80x128xf32, #tpu.memory_space<vmem>> -> memref<1x80x128xf32, #tpu.memory_space<vmem>>
        %dma_wait3A_674 = tpu.memref_squeeze %dma_wait3A_673 : memref<1x80x128xf32, #tpu.memory_space<vmem>> -> memref<80x128xf32, #tpu.memory_space<vmem>>
        %dma_wait3A_675 = arith.constant 0 : i32
        %dma_wait3A_676 = tpu.memref_slice %arg8[%select_n3A_668, %dma_wait3A_675] : memref<8x80xi32, #tpu.memory_space<vmem>> -> memref<1x80xi32, #tpu.memory_space<vmem>>
        %dma_wait3A_677 = tpu.memref_squeeze %dma_wait3A_676 : memref<1x80xi32, #tpu.memory_space<vmem>> -> memref<80xi32, #tpu.memory_space<vmem>>
        %dma_wait3A_678 = arith.constant 0 : i32
        %dma_wait3A_679 = arith.constant 0 : i32
        %dma_wait3A_680 = tpu.memref_slice %arg13[%dma_wait3A_678, %dma_wait3A_679] : memref<10112x128xf32, #tpu.memory_space<vmem_shared>> -> memref<10112x128xf32, #tpu.memory_space<vmem_shared>>
        %dma_wait3A_681 = tpu.memref_slice %arg12[%dma_wait3A_670] : memref<4x!tpu.dma_semaphore, #tpu.memory_space<semaphore_mem>> -> memref<1x!tpu.dma_semaphore, #tpu.memory_space<semaphore_mem>>
        %dma_wait3A_682 = tpu.memref_squeeze %dma_wait3A_681 : memref<1x!tpu.dma_semaphore, #tpu.memory_space<semaphore_mem>> -> memref<!tpu.dma_semaphore, #tpu.memory_space<semaphore_mem>>
        tpu.wait_indirect_dma semaphore(%dma_wait3A_682 : memref<!tpu.dma_semaphore, #tpu.memory_space<semaphore_mem>>) src(%dma_wait3A_674 : memref<80x128xf32, #tpu.memory_space<vmem>>) dst(%dma_wait3A_680 : memref<10112x128xf32, #tpu.memory_space<vmem_shared>>)
      } else {
      }
      %add3A_395 = arith.constant 3 : i32
      %add3A_396 = arith.addi %add3A_339, %add3A_395 : i32
      %lt3A_397 = arith.constant 124 : i32
      %lt3A_398 = arith.cmpi slt, %add3A_396, %lt3A_397 : i32
      %convert_element_type3A_399 = arith.extui %lt3A_398 : i1 to i32
      %cond3A_400 = arith.constant 0 : i32
      %cond3A_401 = arith.cmpi ne, %convert_element_type3A_399, %cond3A_400 : i32
      scf.if %cond3A_401 {
        %add3A_652 = arith.constant 3 : i32
        %add3A_653 = arith.addi %add3A_339, %add3A_652 : i32
        %add3A_654 = arith.addi %mul3A_2, %add3A_653 : i32
        %mul3A_655 = arith.constant 80 : i32
        %mul3A_656 = arith.muli %add3A_654, %mul3A_655 : i32
        %jit3A_657 = arith.constant 8 : i32
        %eq3A_658 = arith.constant 0 : i32
        %eq3A_659 = arith.cmpi eq, %jit3A_657, %eq3A_658 : i32
        %jit3A_660 = arith.constant 1 : i32
        %select_n3A_661 = arith.select %eq3A_659, %jit3A_660, %jit3A_657 : i32
        %rem3A_662 = arith.remsi %add3A_653, %select_n3A_661 : i32
        %ne3A_663 = arith.constant 0 : i32
        %ne3A_664 = arith.cmpi ne, %rem3A_662, %ne3A_663 : i32
        %lt3A_665 = arith.constant 0 : i32
        %lt3A_666 = arith.cmpi slt, %rem3A_662, %lt3A_665 : i32
        %lt3A_667 = arith.constant 0 : i32
        %lt3A_668 = arith.cmpi slt, %select_n3A_661, %lt3A_667 : i32
        %ne3A_669 = arith.xori %lt3A_666, %lt3A_668 : i1
        %and3A_670 = arith.andi %ne3A_669, %ne3A_664 : i1
        %add3A_671 = arith.addi %rem3A_662, %select_n3A_661 : i32
        %select_n3A_672 = arith.select %and3A_670, %add3A_671, %rem3A_662 : i32
        %jit3A_673 = arith.constant 4 : i32
        %eq3A_674 = arith.constant 0 : i32
        %eq3A_675 = arith.cmpi eq, %jit3A_673, %eq3A_674 : i32
        %jit3A_676 = arith.constant 1 : i32
        %select_n3A_677 = arith.select %eq3A_675, %jit3A_676, %jit3A_673 : i32
        %rem3A_678 = arith.remsi %add3A_653, %select_n3A_677 : i32
        %ne3A_679 = arith.constant 0 : i32
        %ne3A_680 = arith.cmpi ne, %rem3A_678, %ne3A_679 : i32
        %lt3A_681 = arith.constant 0 : i32
        %lt3A_682 = arith.cmpi slt, %rem3A_678, %lt3A_681 : i32
        %lt3A_683 = arith.constant 0 : i32
        %lt3A_684 = arith.cmpi slt, %select_n3A_677, %lt3A_683 : i32
        %ne3A_685 = arith.xori %lt3A_682, %lt3A_684 : i1
        %and3A_686 = arith.andi %ne3A_685, %ne3A_680 : i1
        %add3A_687 = arith.addi %rem3A_678, %select_n3A_677 : i32
        %select_n3A_688 = arith.select %and3A_686, %add3A_687, %rem3A_678 : i32
        %dma_wait3A_689 = arith.constant 0 : i32
        %dma_wait3A_690 = tpu.memref_slice %arg7[%select_n3A_672, %dma_wait3A_689] : memref<8x80xi32, #tpu.memory_space<vmem>> -> memref<1x80xi32, #tpu.memory_space<vmem>>
        %dma_wait3A_691 = tpu.memref_squeeze %dma_wait3A_690 : memref<1x80xi32, #tpu.memory_space<vmem>> -> memref<80xi32, #tpu.memory_space<vmem>>
        %dma_wait3A_692 = tpu.memref_slice %arg3[%mul3A_656] : memref<320000xi32, #tpu.memory_space<hbm>> -> memref<80xi32, #tpu.memory_space<hbm>>
        %dma_wait3A_693 = tpu.memref_slice %arg10[%select_n3A_688] : memref<8x!tpu.dma_semaphore, #tpu.memory_space<semaphore_mem>> -> memref<1x!tpu.dma_semaphore, #tpu.memory_space<semaphore_mem>>
        %dma_wait3A_694 = tpu.memref_squeeze %dma_wait3A_693 : memref<1x!tpu.dma_semaphore, #tpu.memory_space<semaphore_mem>> -> memref<!tpu.dma_semaphore, #tpu.memory_space<semaphore_mem>>
        %dma_wait3A_695 = arith.constant 0 : i32
        %dma_wait3A_696 = tpu.memref_slice %arg7[%select_n3A_672, %dma_wait3A_695] : memref<8x80xi32, #tpu.memory_space<vmem>> -> memref<1x80xi32, #tpu.memory_space<vmem>>
        %dma_wait3A_697 = tpu.memref_squeeze %dma_wait3A_696 : memref<1x80xi32, #tpu.memory_space<vmem>> -> memref<80xi32, #tpu.memory_space<vmem>>
        %dma_wait3A_698 = tpu.memref_slice %arg3[%mul3A_656] : memref<320000xi32, #tpu.memory_space<hbm>> -> memref<80xi32, #tpu.memory_space<hbm>>
        tpu.wait_dma2 semaphore(%dma_wait3A_694 : memref<!tpu.dma_semaphore, #tpu.memory_space<semaphore_mem>>) src(%dma_wait3A_698 : memref<80xi32, #tpu.memory_space<hbm>>) dst(%dma_wait3A_697 : memref<80xi32, #tpu.memory_space<vmem>>)
        %add3A_699 = arith.addi %mul3A_2, %add3A_653 : i32
        %mul3A_700 = arith.constant 80 : i32
        %mul3A_701 = arith.muli %add3A_699, %mul3A_700 : i32
        %jit3A_702 = arith.constant 8 : i32
        %eq3A_703 = arith.constant 0 : i32
        %eq3A_704 = arith.cmpi eq, %jit3A_702, %eq3A_703 : i32
        %jit3A_705 = arith.constant 1 : i32
        %select_n3A_706 = arith.select %eq3A_704, %jit3A_705, %jit3A_702 : i32
        %rem3A_707 = arith.remsi %add3A_653, %select_n3A_706 : i32
        %ne3A_708 = arith.constant 0 : i32
        %ne3A_709 = arith.cmpi ne, %rem3A_707, %ne3A_708 : i32
        %lt3A_710 = arith.constant 0 : i32
        %lt3A_711 = arith.cmpi slt, %rem3A_707, %lt3A_710 : i32
        %lt3A_712 = arith.constant 0 : i32
        %lt3A_713 = arith.cmpi slt, %select_n3A_706, %lt3A_712 : i32
        %ne3A_714 = arith.xori %lt3A_711, %lt3A_713 : i1
        %and3A_715 = arith.andi %ne3A_714, %ne3A_709 : i1
        %add3A_716 = arith.addi %rem3A_707, %select_n3A_706 : i32
        %select_n3A_717 = arith.select %and3A_715, %add3A_716, %rem3A_707 : i32
        %jit3A_718 = arith.constant 4 : i32
        %eq3A_719 = arith.constant 0 : i32
        %eq3A_720 = arith.cmpi eq, %jit3A_718, %eq3A_719 : i32
        %jit3A_721 = arith.constant 1 : i32
        %select_n3A_722 = arith.select %eq3A_720, %jit3A_721, %jit3A_718 : i32
        %rem3A_723 = arith.remsi %add3A_653, %select_n3A_722 : i32
        %ne3A_724 = arith.constant 0 : i32
        %ne3A_725 = arith.cmpi ne, %rem3A_723, %ne3A_724 : i32
        %lt3A_726 = arith.constant 0 : i32
        %lt3A_727 = arith.cmpi slt, %rem3A_723, %lt3A_726 : i32
        %lt3A_728 = arith.constant 0 : i32
        %lt3A_729 = arith.cmpi slt, %select_n3A_722, %lt3A_728 : i32
        %ne3A_730 = arith.xori %lt3A_727, %lt3A_729 : i1
        %and3A_731 = arith.andi %ne3A_730, %ne3A_725 : i1
        %add3A_732 = arith.addi %rem3A_723, %select_n3A_722 : i32
        %select_n3A_733 = arith.select %and3A_731, %add3A_732, %rem3A_723 : i32
        %dma_wait3A_734 = arith.constant 0 : i32
        %dma_wait3A_735 = tpu.memref_slice %arg8[%select_n3A_717, %dma_wait3A_734] : memref<8x80xi32, #tpu.memory_space<vmem>> -> memref<1x80xi32, #tpu.memory_space<vmem>>
        %dma_wait3A_736 = tpu.memref_squeeze %dma_wait3A_735 : memref<1x80xi32, #tpu.memory_space<vmem>> -> memref<80xi32, #tpu.memory_space<vmem>>
        %dma_wait3A_737 = tpu.memref_slice %arg4[%mul3A_701] : memref<320000xi32, #tpu.memory_space<hbm>> -> memref<80xi32, #tpu.memory_space<hbm>>
        %dma_wait3A_738 = tpu.memref_slice %arg10[%select_n3A_733] : memref<8x!tpu.dma_semaphore, #tpu.memory_space<semaphore_mem>> -> memref<1x!tpu.dma_semaphore, #tpu.memory_space<semaphore_mem>>
        %dma_wait3A_739 = tpu.memref_squeeze %dma_wait3A_738 : memref<1x!tpu.dma_semaphore, #tpu.memory_space<semaphore_mem>> -> memref<!tpu.dma_semaphore, #tpu.memory_space<semaphore_mem>>
        %dma_wait3A_740 = arith.constant 0 : i32
        %dma_wait3A_741 = tpu.memref_slice %arg8[%select_n3A_717, %dma_wait3A_740] : memref<8x80xi32, #tpu.memory_space<vmem>> -> memref<1x80xi32, #tpu.memory_space<vmem>>
        %dma_wait3A_742 = tpu.memref_squeeze %dma_wait3A_741 : memref<1x80xi32, #tpu.memory_space<vmem>> -> memref<80xi32, #tpu.memory_space<vmem>>
        %dma_wait3A_743 = tpu.memref_slice %arg4[%mul3A_701] : memref<320000xi32, #tpu.memory_space<hbm>> -> memref<80xi32, #tpu.memory_space<hbm>>
        tpu.wait_dma2 semaphore(%dma_wait3A_739 : memref<!tpu.dma_semaphore, #tpu.memory_space<semaphore_mem>>) src(%dma_wait3A_743 : memref<80xi32, #tpu.memory_space<hbm>>) dst(%dma_wait3A_742 : memref<80xi32, #tpu.memory_space<vmem>>)
        %add3A_744 = arith.constant 3 : i32
        %add3A_745 = arith.addi %add3A_339, %add3A_744 : i32
        %jit3A_746 = arith.constant 8 : i32
        %eq3A_747 = arith.constant 0 : i32
        %eq3A_748 = arith.cmpi eq, %jit3A_746, %eq3A_747 : i32
        %jit3A_749 = arith.constant 1 : i32
        %select_n3A_750 = arith.select %eq3A_748, %jit3A_749, %jit3A_746 : i32
        %rem3A_751 = arith.remsi %add3A_745, %select_n3A_750 : i32
        %ne3A_752 = arith.constant 0 : i32
        %ne3A_753 = arith.cmpi ne, %rem3A_751, %ne3A_752 : i32
        %lt3A_754 = arith.constant 0 : i32
        %lt3A_755 = arith.cmpi slt, %rem3A_751, %lt3A_754 : i32
        %lt3A_756 = arith.constant 0 : i32
        %lt3A_757 = arith.cmpi slt, %select_n3A_750, %lt3A_756 : i32
        %ne3A_758 = arith.xori %lt3A_755, %lt3A_757 : i1
        %and3A_759 = arith.andi %ne3A_758, %ne3A_753 : i1
        %add3A_760 = arith.addi %rem3A_751, %select_n3A_750 : i32
        %select_n3A_761 = arith.select %and3A_759, %add3A_760, %rem3A_751 : i32
        %dma_start3A_762 = arith.constant 3 : i32
        %dma_start3A_763 = arith.constant 3 : i32
        %dma_start3A_764 = arith.constant 0 : i32
        %dma_start3A_765 = arith.constant 0 : i32
        %dma_start3A_766 = tpu.memref_slice %arg9[%dma_start3A_762, %dma_start3A_764, %dma_start3A_765] : memref<4x80x128xf32, #tpu.memory_space<vmem>> -> memref<1x80x128xf32, #tpu.memory_space<vmem>>
        %dma_start3A_767 = tpu.memref_squeeze %dma_start3A_766 : memref<1x80x128xf32, #tpu.memory_space<vmem>> -> memref<80x128xf32, #tpu.memory_space<vmem>>
        %dma_start3A_768 = arith.constant 0 : i32
        %dma_start3A_769 = tpu.memref_slice %arg7[%select_n3A_761, %dma_start3A_768] : memref<8x80xi32, #tpu.memory_space<vmem>> -> memref<1x80xi32, #tpu.memory_space<vmem>>
        %dma_start3A_770 = tpu.memref_squeeze %dma_start3A_769 : memref<1x80xi32, #tpu.memory_space<vmem>> -> memref<80xi32, #tpu.memory_space<vmem>>
        %dma_start3A_771 = arith.constant 0 : i32
        %dma_start3A_772 = arith.constant 0 : i32
        %dma_start3A_773 = tpu.memref_slice %arg2[%dma_start3A_771, %dma_start3A_772] : memref<10000x128xf32, #tpu.memory_space<hbm>> -> memref<10000x128xf32, #tpu.memory_space<hbm>>
        %dma_start3A_774 = tpu.memref_slice %arg11[%dma_start3A_763] : memref<4x!tpu.dma_semaphore, #tpu.memory_space<semaphore_mem>> -> memref<1x!tpu.dma_semaphore, #tpu.memory_space<semaphore_mem>>
        %dma_start3A_775 = tpu.memref_squeeze %dma_start3A_774 : memref<1x!tpu.dma_semaphore, #tpu.memory_space<semaphore_mem>> -> memref<!tpu.dma_semaphore, #tpu.memory_space<semaphore_mem>>
        tpu.enqueue_indirect_dma source(%dma_start3A_773 : memref<10000x128xf32, #tpu.memory_space<hbm>>) target(%dma_start3A_767 : memref<80x128xf32, #tpu.memory_space<vmem>>) offsets(%dma_start3A_770 : memref<80xi32, #tpu.memory_space<vmem>>) semaphore(%dma_start3A_775 : memref<!tpu.dma_semaphore, #tpu.memory_space<semaphore_mem>>)
      } else {
      }
      %add3A_402 = arith.constant 4 : i32
      %add3A_403 = arith.addi %add3A_339, %add3A_402 : i32
      %lt3A_404 = arith.constant 124 : i32
      %lt3A_405 = arith.cmpi slt, %add3A_403, %lt3A_404 : i32
      %convert_element_type3A_406 = arith.extui %lt3A_405 : i1 to i32
      %cond3A_407 = arith.constant 0 : i32
      %cond3A_408 = arith.cmpi ne, %convert_element_type3A_406, %cond3A_407 : i32
      scf.if %cond3A_408 {
        %add3A_652 = arith.constant 4 : i32
        %add3A_653 = arith.addi %add3A_339, %add3A_652 : i32
        %add3A_654 = arith.addi %mul3A_2, %add3A_653 : i32
        %mul3A_655 = arith.constant 80 : i32
        %mul3A_656 = arith.muli %add3A_654, %mul3A_655 : i32
        %jit3A_657 = arith.constant 8 : i32
        %eq3A_658 = arith.constant 0 : i32
        %eq3A_659 = arith.cmpi eq, %jit3A_657, %eq3A_658 : i32
        %jit3A_660 = arith.constant 1 : i32
        %select_n3A_661 = arith.select %eq3A_659, %jit3A_660, %jit3A_657 : i32
        %rem3A_662 = arith.remsi %add3A_653, %select_n3A_661 : i32
        %ne3A_663 = arith.constant 0 : i32
        %ne3A_664 = arith.cmpi ne, %rem3A_662, %ne3A_663 : i32
        %lt3A_665 = arith.constant 0 : i32
        %lt3A_666 = arith.cmpi slt, %rem3A_662, %lt3A_665 : i32
        %lt3A_667 = arith.constant 0 : i32
        %lt3A_668 = arith.cmpi slt, %select_n3A_661, %lt3A_667 : i32
        %ne3A_669 = arith.xori %lt3A_666, %lt3A_668 : i1
        %and3A_670 = arith.andi %ne3A_669, %ne3A_664 : i1
        %add3A_671 = arith.addi %rem3A_662, %select_n3A_661 : i32
        %select_n3A_672 = arith.select %and3A_670, %add3A_671, %rem3A_662 : i32
        %jit3A_673 = arith.constant 4 : i32
        %eq3A_674 = arith.constant 0 : i32
        %eq3A_675 = arith.cmpi eq, %jit3A_673, %eq3A_674 : i32
        %jit3A_676 = arith.constant 1 : i32
        %select_n3A_677 = arith.select %eq3A_675, %jit3A_676, %jit3A_673 : i32
        %rem3A_678 = arith.remsi %add3A_653, %select_n3A_677 : i32
        %ne3A_679 = arith.constant 0 : i32
        %ne3A_680 = arith.cmpi ne, %rem3A_678, %ne3A_679 : i32
        %lt3A_681 = arith.constant 0 : i32
        %lt3A_682 = arith.cmpi slt, %rem3A_678, %lt3A_681 : i32
        %lt3A_683 = arith.constant 0 : i32
        %lt3A_684 = arith.cmpi slt, %select_n3A_677, %lt3A_683 : i32
        %ne3A_685 = arith.xori %lt3A_682, %lt3A_684 : i1
        %and3A_686 = arith.andi %ne3A_685, %ne3A_680 : i1
        %add3A_687 = arith.addi %rem3A_678, %select_n3A_677 : i32
        %select_n3A_688 = arith.select %and3A_686, %add3A_687, %rem3A_678 : i32
        %dma_start3A_689 = arith.constant 0 : i32
        %dma_start3A_690 = tpu.memref_slice %arg7[%select_n3A_672, %dma_start3A_689] : memref<8x80xi32, #tpu.memory_space<vmem>> -> memref<1x80xi32, #tpu.memory_space<vmem>>
        %dma_start3A_691 = tpu.memref_squeeze %dma_start3A_690 : memref<1x80xi32, #tpu.memory_space<vmem>> -> memref<80xi32, #tpu.memory_space<vmem>>
        %dma_start3A_692 = tpu.memref_slice %arg3[%mul3A_656] : memref<320000xi32, #tpu.memory_space<hbm>> -> memref<80xi32, #tpu.memory_space<hbm>>
        %dma_start3A_693 = tpu.memref_slice %arg10[%select_n3A_688] : memref<8x!tpu.dma_semaphore, #tpu.memory_space<semaphore_mem>> -> memref<1x!tpu.dma_semaphore, #tpu.memory_space<semaphore_mem>>
        %dma_start3A_694 = tpu.memref_squeeze %dma_start3A_693 : memref<1x!tpu.dma_semaphore, #tpu.memory_space<semaphore_mem>> -> memref<!tpu.dma_semaphore, #tpu.memory_space<semaphore_mem>>
        %dma_start3A_695 = arith.constant 0 : i32
        %dma_start3A_696 = tpu.memref_slice %arg7[%select_n3A_672, %dma_start3A_695] : memref<8x80xi32, #tpu.memory_space<vmem>> -> memref<1x80xi32, #tpu.memory_space<vmem>>
        %dma_start3A_697 = tpu.memref_squeeze %dma_start3A_696 : memref<1x80xi32, #tpu.memory_space<vmem>> -> memref<80xi32, #tpu.memory_space<vmem>>
        %dma_start3A_698 = tpu.memref_slice %arg3[%mul3A_656] : memref<320000xi32, #tpu.memory_space<hbm>> -> memref<80xi32, #tpu.memory_space<hbm>>
        tpu.enqueue_dma source(%dma_start3A_698 : memref<80xi32, #tpu.memory_space<hbm>>) target(%dma_start3A_697 : memref<80xi32, #tpu.memory_space<vmem>>) target_semaphore(%dma_start3A_694 : memref<!tpu.dma_semaphore, #tpu.memory_space<semaphore_mem>>)
        %add3A_699 = arith.addi %mul3A_2, %add3A_653 : i32
        %mul3A_700 = arith.constant 80 : i32
        %mul3A_701 = arith.muli %add3A_699, %mul3A_700 : i32
        %jit3A_702 = arith.constant 8 : i32
        %eq3A_703 = arith.constant 0 : i32
        %eq3A_704 = arith.cmpi eq, %jit3A_702, %eq3A_703 : i32
        %jit3A_705 = arith.constant 1 : i32
        %select_n3A_706 = arith.select %eq3A_704, %jit3A_705, %jit3A_702 : i32
        %rem3A_707 = arith.remsi %add3A_653, %select_n3A_706 : i32
        %ne3A_708 = arith.constant 0 : i32
        %ne3A_709 = arith.cmpi ne, %rem3A_707, %ne3A_708 : i32
        %lt3A_710 = arith.constant 0 : i32
        %lt3A_711 = arith.cmpi slt, %rem3A_707, %lt3A_710 : i32
        %lt3A_712 = arith.constant 0 : i32
        %lt3A_713 = arith.cmpi slt, %select_n3A_706, %lt3A_712 : i32
        %ne3A_714 = arith.xori %lt3A_711, %lt3A_713 : i1
        %and3A_715 = arith.andi %ne3A_714, %ne3A_709 : i1
        %add3A_716 = arith.addi %rem3A_707, %select_n3A_706 : i32
        %select_n3A_717 = arith.select %and3A_715, %add3A_716, %rem3A_707 : i32
        %jit3A_718 = arith.constant 4 : i32
        %eq3A_719 = arith.constant 0 : i32
        %eq3A_720 = arith.cmpi eq, %jit3A_718, %eq3A_719 : i32
        %jit3A_721 = arith.constant 1 : i32
        %select_n3A_722 = arith.select %eq3A_720, %jit3A_721, %jit3A_718 : i32
        %rem3A_723 = arith.remsi %add3A_653, %select_n3A_722 : i32
        %ne3A_724 = arith.constant 0 : i32
        %ne3A_725 = arith.cmpi ne, %rem3A_723, %ne3A_724 : i32
        %lt3A_726 = arith.constant 0 : i32
        %lt3A_727 = arith.cmpi slt, %rem3A_723, %lt3A_726 : i32
        %lt3A_728 = arith.constant 0 : i32
        %lt3A_729 = arith.cmpi slt, %select_n3A_722, %lt3A_728 : i32
        %ne3A_730 = arith.xori %lt3A_727, %lt3A_729 : i1
        %and3A_731 = arith.andi %ne3A_730, %ne3A_725 : i1
        %add3A_732 = arith.addi %rem3A_723, %select_n3A_722 : i32
        %select_n3A_733 = arith.select %and3A_731, %add3A_732, %rem3A_723 : i32
        %dma_start3A_734 = arith.constant 0 : i32
        %dma_start3A_735 = tpu.memref_slice %arg8[%select_n3A_717, %dma_start3A_734] : memref<8x80xi32, #tpu.memory_space<vmem>> -> memref<1x80xi32, #tpu.memory_space<vmem>>
        %dma_start3A_736 = tpu.memref_squeeze %dma_start3A_735 : memref<1x80xi32, #tpu.memory_space<vmem>> -> memref<80xi32, #tpu.memory_space<vmem>>
        %dma_start3A_737 = tpu.memref_slice %arg4[%mul3A_701] : memref<320000xi32, #tpu.memory_space<hbm>> -> memref<80xi32, #tpu.memory_space<hbm>>
        %dma_start3A_738 = tpu.memref_slice %arg10[%select_n3A_733] : memref<8x!tpu.dma_semaphore, #tpu.memory_space<semaphore_mem>> -> memref<1x!tpu.dma_semaphore, #tpu.memory_space<semaphore_mem>>
        %dma_start3A_739 = tpu.memref_squeeze %dma_start3A_738 : memref<1x!tpu.dma_semaphore, #tpu.memory_space<semaphore_mem>> -> memref<!tpu.dma_semaphore, #tpu.memory_space<semaphore_mem>>
        %dma_start3A_740 = arith.constant 0 : i32
        %dma_start3A_741 = tpu.memref_slice %arg8[%select_n3A_717, %dma_start3A_740] : memref<8x80xi32, #tpu.memory_space<vmem>> -> memref<1x80xi32, #tpu.memory_space<vmem>>
        %dma_start3A_742 = tpu.memref_squeeze %dma_start3A_741 : memref<1x80xi32, #tpu.memory_space<vmem>> -> memref<80xi32, #tpu.memory_space<vmem>>
        %dma_start3A_743 = tpu.memref_slice %arg4[%mul3A_701] : memref<320000xi32, #tpu.memory_space<hbm>> -> memref<80xi32, #tpu.memory_space<hbm>>
        tpu.enqueue_dma source(%dma_start3A_743 : memref<80xi32, #tpu.memory_space<hbm>>) target(%dma_start3A_742 : memref<80xi32, #tpu.memory_space<vmem>>) target_semaphore(%dma_start3A_739 : memref<!tpu.dma_semaphore, #tpu.memory_space<semaphore_mem>>)
      } else {
      }
      %add3A_409 = arith.constant 1 : i32
      %add3A_410 = arith.addi %add3A_337, %add3A_409 : i32
      %jit3A_411 = arith.constant 8 : i32
      %eq3A_412 = arith.constant 0 : i32
      %eq3A_413 = arith.cmpi eq, %jit3A_411, %eq3A_412 : i32
      %jit3A_414 = arith.constant 1 : i32
      %select_n3A_415 = arith.select %eq3A_413, %jit3A_414, %jit3A_411 : i32
      %rem3A_416 = arith.remsi %add3A_410, %select_n3A_415 : i32
      %ne3A_417 = arith.constant 0 : i32
      %ne3A_418 = arith.cmpi ne, %rem3A_416, %ne3A_417 : i32
      %lt3A_419 = arith.constant 0 : i32
      %lt3A_420 = arith.cmpi slt, %rem3A_416, %lt3A_419 : i32
      %lt3A_421 = arith.constant 0 : i32
      %lt3A_422 = arith.cmpi slt, %select_n3A_415, %lt3A_421 : i32
      %ne3A_423 = arith.xori %lt3A_420, %lt3A_422 : i1
      %and3A_424 = arith.andi %ne3A_423, %ne3A_418 : i1
      %add3A_425 = arith.addi %rem3A_416, %select_n3A_415 : i32
      %select_n3A_426 = arith.select %and3A_424, %add3A_425, %rem3A_416 : i32
      %dma_wait3A_427 = arith.constant 1 : i32
      %dma_wait3A_428 = arith.constant 1 : i32
      %dma_wait3A_429 = arith.constant 0 : i32
      %dma_wait3A_430 = arith.constant 0 : i32
      %dma_wait3A_431 = tpu.memref_slice %arg9[%dma_wait3A_427, %dma_wait3A_429, %dma_wait3A_430] : memref<4x80x128xf32, #tpu.memory_space<vmem>> -> memref<1x80x128xf32, #tpu.memory_space<vmem>>
      %dma_wait3A_432 = tpu.memref_squeeze %dma_wait3A_431 : memref<1x80x128xf32, #tpu.memory_space<vmem>> -> memref<80x128xf32, #tpu.memory_space<vmem>>
      %dma_wait3A_433 = arith.constant 0 : i32
      %dma_wait3A_434 = tpu.memref_slice %arg7[%select_n3A_426, %dma_wait3A_433] : memref<8x80xi32, #tpu.memory_space<vmem>> -> memref<1x80xi32, #tpu.memory_space<vmem>>
      %dma_wait3A_435 = tpu.memref_squeeze %dma_wait3A_434 : memref<1x80xi32, #tpu.memory_space<vmem>> -> memref<80xi32, #tpu.memory_space<vmem>>
      %dma_wait3A_436 = arith.constant 0 : i32
      %dma_wait3A_437 = arith.constant 0 : i32
      %dma_wait3A_438 = tpu.memref_slice %arg2[%dma_wait3A_436, %dma_wait3A_437] : memref<10000x128xf32, #tpu.memory_space<hbm>> -> memref<10000x128xf32, #tpu.memory_space<hbm>>
      %dma_wait3A_439 = tpu.memref_slice %arg11[%dma_wait3A_428] : memref<4x!tpu.dma_semaphore, #tpu.memory_space<semaphore_mem>> -> memref<1x!tpu.dma_semaphore, #tpu.memory_space<semaphore_mem>>
      %dma_wait3A_440 = tpu.memref_squeeze %dma_wait3A_439 : memref<1x!tpu.dma_semaphore, #tpu.memory_space<semaphore_mem>> -> memref<!tpu.dma_semaphore, #tpu.memory_space<semaphore_mem>>
      tpu.wait_indirect_dma semaphore(%dma_wait3A_440 : memref<!tpu.dma_semaphore, #tpu.memory_space<semaphore_mem>>) src(%dma_wait3A_438 : memref<10000x128xf32, #tpu.memory_space<hbm>>) dst(%dma_wait3A_432 : memref<80x128xf32, #tpu.memory_space<vmem>>)
      %jit3A_441 = arith.constant 8 : i32
      %eq3A_442 = arith.constant 0 : i32
      %eq3A_443 = arith.cmpi eq, %jit3A_441, %eq3A_442 : i32
      %jit3A_444 = arith.constant 1 : i32
      %select_n3A_445 = arith.select %eq3A_443, %jit3A_444, %jit3A_441 : i32
      %rem3A_446 = arith.remsi %add3A_410, %select_n3A_445 : i32
      %ne3A_447 = arith.constant 0 : i32
      %ne3A_448 = arith.cmpi ne, %rem3A_446, %ne3A_447 : i32
      %lt3A_449 = arith.constant 0 : i32
      %lt3A_450 = arith.cmpi slt, %rem3A_446, %lt3A_449 : i32
      %lt3A_451 = arith.constant 0 : i32
      %lt3A_452 = arith.cmpi slt, %select_n3A_445, %lt3A_451 : i32
      %ne3A_453 = arith.xori %lt3A_450, %lt3A_452 : i1
      %and3A_454 = arith.andi %ne3A_453, %ne3A_448 : i1
      %add3A_455 = arith.addi %rem3A_446, %select_n3A_445 : i32
      %select_n3A_456 = arith.select %and3A_454, %add3A_455, %rem3A_446 : i32
      %dma_start3A_457 = arith.constant 1 : i32
      %dma_start3A_458 = arith.constant 1 : i32
      %dma_start3A_459 = arith.constant 0 : i32
      %dma_start3A_460 = arith.constant 0 : i32
      %dma_start3A_461 = tpu.memref_slice %arg9[%dma_start3A_457, %dma_start3A_459, %dma_start3A_460] : memref<4x80x128xf32, #tpu.memory_space<vmem>> -> memref<1x80x128xf32, #tpu.memory_space<vmem>>
      %dma_start3A_462 = tpu.memref_squeeze %dma_start3A_461 : memref<1x80x128xf32, #tpu.memory_space<vmem>> -> memref<80x128xf32, #tpu.memory_space<vmem>>
      %dma_start3A_463 = arith.constant 0 : i32
      %dma_start3A_464 = tpu.memref_slice %arg8[%select_n3A_456, %dma_start3A_463] : memref<8x80xi32, #tpu.memory_space<vmem>> -> memref<1x80xi32, #tpu.memory_space<vmem>>
      %dma_start3A_465 = tpu.memref_squeeze %dma_start3A_464 : memref<1x80xi32, #tpu.memory_space<vmem>> -> memref<80xi32, #tpu.memory_space<vmem>>
      %dma_start3A_466 = arith.constant 0 : i32
      %dma_start3A_467 = arith.constant 0 : i32
      %dma_start3A_468 = tpu.memref_slice %arg13[%dma_start3A_466, %dma_start3A_467] : memref<10112x128xf32, #tpu.memory_space<vmem_shared>> -> memref<10112x128xf32, #tpu.memory_space<vmem_shared>>
      %dma_start3A_469 = tpu.memref_slice %arg12[%dma_start3A_458] : memref<4x!tpu.dma_semaphore, #tpu.memory_space<semaphore_mem>> -> memref<1x!tpu.dma_semaphore, #tpu.memory_space<semaphore_mem>>
      %dma_start3A_470 = tpu.memref_squeeze %dma_start3A_469 : memref<1x!tpu.dma_semaphore, #tpu.memory_space<semaphore_mem>> -> memref<!tpu.dma_semaphore, #tpu.memory_space<semaphore_mem>>
      tpu.enqueue_indirect_dma source(%dma_start3A_462 : memref<80x128xf32, #tpu.memory_space<vmem>>) target(%dma_start3A_468 : memref<10112x128xf32, #tpu.memory_space<vmem_shared>>) offsets(%dma_start3A_465 : memref<80xi32, #tpu.memory_space<vmem>>) semaphore(%dma_start3A_470 : memref<!tpu.dma_semaphore, #tpu.memory_space<semaphore_mem>>) {add = true}
      %ge3A_471 = arith.constant 1 : i32
      %ge3A_472 = arith.cmpi sge, %add3A_410, %ge3A_471 : i32
      %convert_element_type3A_473 = arith.extui %ge3A_472 : i1 to i32
      %cond3A_474 = arith.constant 0 : i32
      %cond3A_475 = arith.cmpi ne, %convert_element_type3A_473, %cond3A_474 : i32
      scf.if %cond3A_475 {
        %sub3A = arith.constant 1 : i32
        %sub3A_652 = arith.subi %add3A_410, %sub3A : i32
        %jit3A_653 = arith.constant 8 : i32
        %eq3A_654 = arith.constant 0 : i32
        %eq3A_655 = arith.cmpi eq, %jit3A_653, %eq3A_654 : i32
        %jit3A_656 = arith.constant 1 : i32
        %select_n3A_657 = arith.select %eq3A_655, %jit3A_656, %jit3A_653 : i32
        %rem3A_658 = arith.remsi %sub3A_652, %select_n3A_657 : i32
        %ne3A_659 = arith.constant 0 : i32
        %ne3A_660 = arith.cmpi ne, %rem3A_658, %ne3A_659 : i32
        %lt3A_661 = arith.constant 0 : i32
        %lt3A_662 = arith.cmpi slt, %rem3A_658, %lt3A_661 : i32
        %lt3A_663 = arith.constant 0 : i32
        %lt3A_664 = arith.cmpi slt, %select_n3A_657, %lt3A_663 : i32
        %ne3A_665 = arith.xori %lt3A_662, %lt3A_664 : i1
        %and3A_666 = arith.andi %ne3A_665, %ne3A_660 : i1
        %add3A_667 = arith.addi %rem3A_658, %select_n3A_657 : i32
        %select_n3A_668 = arith.select %and3A_666, %add3A_667, %rem3A_658 : i32
        %dma_wait3A_669 = arith.constant 0 : i32
        %dma_wait3A_670 = arith.constant 0 : i32
        %dma_wait3A_671 = arith.constant 0 : i32
        %dma_wait3A_672 = arith.constant 0 : i32
        %dma_wait3A_673 = tpu.memref_slice %arg9[%dma_wait3A_669, %dma_wait3A_671, %dma_wait3A_672] : memref<4x80x128xf32, #tpu.memory_space<vmem>> -> memref<1x80x128xf32, #tpu.memory_space<vmem>>
        %dma_wait3A_674 = tpu.memref_squeeze %dma_wait3A_673 : memref<1x80x128xf32, #tpu.memory_space<vmem>> -> memref<80x128xf32, #tpu.memory_space<vmem>>
        %dma_wait3A_675 = arith.constant 0 : i32
        %dma_wait3A_676 = tpu.memref_slice %arg8[%select_n3A_668, %dma_wait3A_675] : memref<8x80xi32, #tpu.memory_space<vmem>> -> memref<1x80xi32, #tpu.memory_space<vmem>>
        %dma_wait3A_677 = tpu.memref_squeeze %dma_wait3A_676 : memref<1x80xi32, #tpu.memory_space<vmem>> -> memref<80xi32, #tpu.memory_space<vmem>>
        %dma_wait3A_678 = arith.constant 0 : i32
        %dma_wait3A_679 = arith.constant 0 : i32
        %dma_wait3A_680 = tpu.memref_slice %arg13[%dma_wait3A_678, %dma_wait3A_679] : memref<10112x128xf32, #tpu.memory_space<vmem_shared>> -> memref<10112x128xf32, #tpu.memory_space<vmem_shared>>
        %dma_wait3A_681 = tpu.memref_slice %arg12[%dma_wait3A_670] : memref<4x!tpu.dma_semaphore, #tpu.memory_space<semaphore_mem>> -> memref<1x!tpu.dma_semaphore, #tpu.memory_space<semaphore_mem>>
        %dma_wait3A_682 = tpu.memref_squeeze %dma_wait3A_681 : memref<1x!tpu.dma_semaphore, #tpu.memory_space<semaphore_mem>> -> memref<!tpu.dma_semaphore, #tpu.memory_space<semaphore_mem>>
        tpu.wait_indirect_dma semaphore(%dma_wait3A_682 : memref<!tpu.dma_semaphore, #tpu.memory_space<semaphore_mem>>) src(%dma_wait3A_674 : memref<80x128xf32, #tpu.memory_space<vmem>>) dst(%dma_wait3A_680 : memref<10112x128xf32, #tpu.memory_space<vmem_shared>>)
      } else {
      }
      %add3A_476 = arith.constant 3 : i32
      %add3A_477 = arith.addi %add3A_410, %add3A_476 : i32
      %lt3A_478 = arith.constant 124 : i32
      %lt3A_479 = arith.cmpi slt, %add3A_477, %lt3A_478 : i32
      %convert_element_type3A_480 = arith.extui %lt3A_479 : i1 to i32
      %cond3A_481 = arith.constant 0 : i32
      %cond3A_482 = arith.cmpi ne, %convert_element_type3A_480, %cond3A_481 : i32
      scf.if %cond3A_482 {
        %add3A_652 = arith.constant 3 : i32
        %add3A_653 = arith.addi %add3A_410, %add3A_652 : i32
        %add3A_654 = arith.addi %mul3A_2, %add3A_653 : i32
        %mul3A_655 = arith.constant 80 : i32
        %mul3A_656 = arith.muli %add3A_654, %mul3A_655 : i32
        %jit3A_657 = arith.constant 8 : i32
        %eq3A_658 = arith.constant 0 : i32
        %eq3A_659 = arith.cmpi eq, %jit3A_657, %eq3A_658 : i32
        %jit3A_660 = arith.constant 1 : i32
        %select_n3A_661 = arith.select %eq3A_659, %jit3A_660, %jit3A_657 : i32
        %rem3A_662 = arith.remsi %add3A_653, %select_n3A_661 : i32
        %ne3A_663 = arith.constant 0 : i32
        %ne3A_664 = arith.cmpi ne, %rem3A_662, %ne3A_663 : i32
        %lt3A_665 = arith.constant 0 : i32
        %lt3A_666 = arith.cmpi slt, %rem3A_662, %lt3A_665 : i32
        %lt3A_667 = arith.constant 0 : i32
        %lt3A_668 = arith.cmpi slt, %select_n3A_661, %lt3A_667 : i32
        %ne3A_669 = arith.xori %lt3A_666, %lt3A_668 : i1
        %and3A_670 = arith.andi %ne3A_669, %ne3A_664 : i1
        %add3A_671 = arith.addi %rem3A_662, %select_n3A_661 : i32
        %select_n3A_672 = arith.select %and3A_670, %add3A_671, %rem3A_662 : i32
        %jit3A_673 = arith.constant 4 : i32
        %eq3A_674 = arith.constant 0 : i32
        %eq3A_675 = arith.cmpi eq, %jit3A_673, %eq3A_674 : i32
        %jit3A_676 = arith.constant 1 : i32
        %select_n3A_677 = arith.select %eq3A_675, %jit3A_676, %jit3A_673 : i32
        %rem3A_678 = arith.remsi %add3A_653, %select_n3A_677 : i32
        %ne3A_679 = arith.constant 0 : i32
        %ne3A_680 = arith.cmpi ne, %rem3A_678, %ne3A_679 : i32
        %lt3A_681 = arith.constant 0 : i32
        %lt3A_682 = arith.cmpi slt, %rem3A_678, %lt3A_681 : i32
        %lt3A_683 = arith.constant 0 : i32
        %lt3A_684 = arith.cmpi slt, %select_n3A_677, %lt3A_683 : i32
        %ne3A_685 = arith.xori %lt3A_682, %lt3A_684 : i1
        %and3A_686 = arith.andi %ne3A_685, %ne3A_680 : i1
        %add3A_687 = arith.addi %rem3A_678, %select_n3A_677 : i32
        %select_n3A_688 = arith.select %and3A_686, %add3A_687, %rem3A_678 : i32
        %dma_wait3A_689 = arith.constant 0 : i32
        %dma_wait3A_690 = tpu.memref_slice %arg7[%select_n3A_672, %dma_wait3A_689] : memref<8x80xi32, #tpu.memory_space<vmem>> -> memref<1x80xi32, #tpu.memory_space<vmem>>
        %dma_wait3A_691 = tpu.memref_squeeze %dma_wait3A_690 : memref<1x80xi32, #tpu.memory_space<vmem>> -> memref<80xi32, #tpu.memory_space<vmem>>
        %dma_wait3A_692 = tpu.memref_slice %arg3[%mul3A_656] : memref<320000xi32, #tpu.memory_space<hbm>> -> memref<80xi32, #tpu.memory_space<hbm>>
        %dma_wait3A_693 = tpu.memref_slice %arg10[%select_n3A_688] : memref<8x!tpu.dma_semaphore, #tpu.memory_space<semaphore_mem>> -> memref<1x!tpu.dma_semaphore, #tpu.memory_space<semaphore_mem>>
        %dma_wait3A_694 = tpu.memref_squeeze %dma_wait3A_693 : memref<1x!tpu.dma_semaphore, #tpu.memory_space<semaphore_mem>> -> memref<!tpu.dma_semaphore, #tpu.memory_space<semaphore_mem>>
        %dma_wait3A_695 = arith.constant 0 : i32
        %dma_wait3A_696 = tpu.memref_slice %arg7[%select_n3A_672, %dma_wait3A_695] : memref<8x80xi32, #tpu.memory_space<vmem>> -> memref<1x80xi32, #tpu.memory_space<vmem>>
        %dma_wait3A_697 = tpu.memref_squeeze %dma_wait3A_696 : memref<1x80xi32, #tpu.memory_space<vmem>> -> memref<80xi32, #tpu.memory_space<vmem>>
        %dma_wait3A_698 = tpu.memref_slice %arg3[%mul3A_656] : memref<320000xi32, #tpu.memory_space<hbm>> -> memref<80xi32, #tpu.memory_space<hbm>>
        tpu.wait_dma2 semaphore(%dma_wait3A_694 : memref<!tpu.dma_semaphore, #tpu.memory_space<semaphore_mem>>) src(%dma_wait3A_698 : memref<80xi32, #tpu.memory_space<hbm>>) dst(%dma_wait3A_697 : memref<80xi32, #tpu.memory_space<vmem>>)
        %add3A_699 = arith.addi %mul3A_2, %add3A_653 : i32
        %mul3A_700 = arith.constant 80 : i32
        %mul3A_701 = arith.muli %add3A_699, %mul3A_700 : i32
        %jit3A_702 = arith.constant 8 : i32
        %eq3A_703 = arith.constant 0 : i32
        %eq3A_704 = arith.cmpi eq, %jit3A_702, %eq3A_703 : i32
        %jit3A_705 = arith.constant 1 : i32
        %select_n3A_706 = arith.select %eq3A_704, %jit3A_705, %jit3A_702 : i32
        %rem3A_707 = arith.remsi %add3A_653, %select_n3A_706 : i32
        %ne3A_708 = arith.constant 0 : i32
        %ne3A_709 = arith.cmpi ne, %rem3A_707, %ne3A_708 : i32
        %lt3A_710 = arith.constant 0 : i32
        %lt3A_711 = arith.cmpi slt, %rem3A_707, %lt3A_710 : i32
        %lt3A_712 = arith.constant 0 : i32
        %lt3A_713 = arith.cmpi slt, %select_n3A_706, %lt3A_712 : i32
        %ne3A_714 = arith.xori %lt3A_711, %lt3A_713 : i1
        %and3A_715 = arith.andi %ne3A_714, %ne3A_709 : i1
        %add3A_716 = arith.addi %rem3A_707, %select_n3A_706 : i32
        %select_n3A_717 = arith.select %and3A_715, %add3A_716, %rem3A_707 : i32
        %jit3A_718 = arith.constant 4 : i32
        %eq3A_719 = arith.constant 0 : i32
        %eq3A_720 = arith.cmpi eq, %jit3A_718, %eq3A_719 : i32
        %jit3A_721 = arith.constant 1 : i32
        %select_n3A_722 = arith.select %eq3A_720, %jit3A_721, %jit3A_718 : i32
        %rem3A_723 = arith.remsi %add3A_653, %select_n3A_722 : i32
        %ne3A_724 = arith.constant 0 : i32
        %ne3A_725 = arith.cmpi ne, %rem3A_723, %ne3A_724 : i32
        %lt3A_726 = arith.constant 0 : i32
        %lt3A_727 = arith.cmpi slt, %rem3A_723, %lt3A_726 : i32
        %lt3A_728 = arith.constant 0 : i32
        %lt3A_729 = arith.cmpi slt, %select_n3A_722, %lt3A_728 : i32
        %ne3A_730 = arith.xori %lt3A_727, %lt3A_729 : i1
        %and3A_731 = arith.andi %ne3A_730, %ne3A_725 : i1
        %add3A_732 = arith.addi %rem3A_723, %select_n3A_722 : i32
        %select_n3A_733 = arith.select %and3A_731, %add3A_732, %rem3A_723 : i32
        %dma_wait3A_734 = arith.constant 0 : i32
        %dma_wait3A_735 = tpu.memref_slice %arg8[%select_n3A_717, %dma_wait3A_734] : memref<8x80xi32, #tpu.memory_space<vmem>> -> memref<1x80xi32, #tpu.memory_space<vmem>>
        %dma_wait3A_736 = tpu.memref_squeeze %dma_wait3A_735 : memref<1x80xi32, #tpu.memory_space<vmem>> -> memref<80xi32, #tpu.memory_space<vmem>>
        %dma_wait3A_737 = tpu.memref_slice %arg4[%mul3A_701] : memref<320000xi32, #tpu.memory_space<hbm>> -> memref<80xi32, #tpu.memory_space<hbm>>
        %dma_wait3A_738 = tpu.memref_slice %arg10[%select_n3A_733] : memref<8x!tpu.dma_semaphore, #tpu.memory_space<semaphore_mem>> -> memref<1x!tpu.dma_semaphore, #tpu.memory_space<semaphore_mem>>
        %dma_wait3A_739 = tpu.memref_squeeze %dma_wait3A_738 : memref<1x!tpu.dma_semaphore, #tpu.memory_space<semaphore_mem>> -> memref<!tpu.dma_semaphore, #tpu.memory_space<semaphore_mem>>
        %dma_wait3A_740 = arith.constant 0 : i32
        %dma_wait3A_741 = tpu.memref_slice %arg8[%select_n3A_717, %dma_wait3A_740] : memref<8x80xi32, #tpu.memory_space<vmem>> -> memref<1x80xi32, #tpu.memory_space<vmem>>
        %dma_wait3A_742 = tpu.memref_squeeze %dma_wait3A_741 : memref<1x80xi32, #tpu.memory_space<vmem>> -> memref<80xi32, #tpu.memory_space<vmem>>
        %dma_wait3A_743 = tpu.memref_slice %arg4[%mul3A_701] : memref<320000xi32, #tpu.memory_space<hbm>> -> memref<80xi32, #tpu.memory_space<hbm>>
        tpu.wait_dma2 semaphore(%dma_wait3A_739 : memref<!tpu.dma_semaphore, #tpu.memory_space<semaphore_mem>>) src(%dma_wait3A_743 : memref<80xi32, #tpu.memory_space<hbm>>) dst(%dma_wait3A_742 : memref<80xi32, #tpu.memory_space<vmem>>)
        %add3A_744 = arith.constant 3 : i32
        %add3A_745 = arith.addi %add3A_410, %add3A_744 : i32
        %jit3A_746 = arith.constant 8 : i32
        %eq3A_747 = arith.constant 0 : i32
        %eq3A_748 = arith.cmpi eq, %jit3A_746, %eq3A_747 : i32
        %jit3A_749 = arith.constant 1 : i32
        %select_n3A_750 = arith.select %eq3A_748, %jit3A_749, %jit3A_746 : i32
        %rem3A_751 = arith.remsi %add3A_745, %select_n3A_750 : i32
        %ne3A_752 = arith.constant 0 : i32
        %ne3A_753 = arith.cmpi ne, %rem3A_751, %ne3A_752 : i32
        %lt3A_754 = arith.constant 0 : i32
        %lt3A_755 = arith.cmpi slt, %rem3A_751, %lt3A_754 : i32
        %lt3A_756 = arith.constant 0 : i32
        %lt3A_757 = arith.cmpi slt, %select_n3A_750, %lt3A_756 : i32
        %ne3A_758 = arith.xori %lt3A_755, %lt3A_757 : i1
        %and3A_759 = arith.andi %ne3A_758, %ne3A_753 : i1
        %add3A_760 = arith.addi %rem3A_751, %select_n3A_750 : i32
        %select_n3A_761 = arith.select %and3A_759, %add3A_760, %rem3A_751 : i32
        %dma_start3A_762 = arith.constant 0 : i32
        %dma_start3A_763 = arith.constant 0 : i32
        %dma_start3A_764 = arith.constant 0 : i32
        %dma_start3A_765 = arith.constant 0 : i32
        %dma_start3A_766 = tpu.memref_slice %arg9[%dma_start3A_762, %dma_start3A_764, %dma_start3A_765] : memref<4x80x128xf32, #tpu.memory_space<vmem>> -> memref<1x80x128xf32, #tpu.memory_space<vmem>>
        %dma_start3A_767 = tpu.memref_squeeze %dma_start3A_766 : memref<1x80x128xf32, #tpu.memory_space<vmem>> -> memref<80x128xf32, #tpu.memory_space<vmem>>
        %dma_start3A_768 = arith.constant 0 : i32
        %dma_start3A_769 = tpu.memref_slice %arg7[%select_n3A_761, %dma_start3A_768] : memref<8x80xi32, #tpu.memory_space<vmem>> -> memref<1x80xi32, #tpu.memory_space<vmem>>
        %dma_start3A_770 = tpu.memref_squeeze %dma_start3A_769 : memref<1x80xi32, #tpu.memory_space<vmem>> -> memref<80xi32, #tpu.memory_space<vmem>>
        %dma_start3A_771 = arith.constant 0 : i32
        %dma_start3A_772 = arith.constant 0 : i32
        %dma_start3A_773 = tpu.memref_slice %arg2[%dma_start3A_771, %dma_start3A_772] : memref<10000x128xf32, #tpu.memory_space<hbm>> -> memref<10000x128xf32, #tpu.memory_space<hbm>>
        %dma_start3A_774 = tpu.memref_slice %arg11[%dma_start3A_763] : memref<4x!tpu.dma_semaphore, #tpu.memory_space<semaphore_mem>> -> memref<1x!tpu.dma_semaphore, #tpu.memory_space<semaphore_mem>>
        %dma_start3A_775 = tpu.memref_squeeze %dma_start3A_774 : memref<1x!tpu.dma_semaphore, #tpu.memory_space<semaphore_mem>> -> memref<!tpu.dma_semaphore, #tpu.memory_space<semaphore_mem>>
        tpu.enqueue_indirect_dma source(%dma_start3A_773 : memref<10000x128xf32, #tpu.memory_space<hbm>>) target(%dma_start3A_767 : memref<80x128xf32, #tpu.memory_space<vmem>>) offsets(%dma_start3A_770 : memref<80xi32, #tpu.memory_space<vmem>>) semaphore(%dma_start3A_775 : memref<!tpu.dma_semaphore, #tpu.memory_space<semaphore_mem>>)
      } else {
      }
      %add3A_483 = arith.constant 4 : i32
      %add3A_484 = arith.addi %add3A_410, %add3A_483 : i32
      %lt3A_485 = arith.constant 124 : i32
      %lt3A_486 = arith.cmpi slt, %add3A_484, %lt3A_485 : i32
      %convert_element_type3A_487 = arith.extui %lt3A_486 : i1 to i32
      %cond3A_488 = arith.constant 0 : i32
      %cond3A_489 = arith.cmpi ne, %convert_element_type3A_487, %cond3A_488 : i32
      scf.if %cond3A_489 {
        %add3A_652 = arith.constant 4 : i32
        %add3A_653 = arith.addi %add3A_410, %add3A_652 : i32
        %add3A_654 = arith.addi %mul3A_2, %add3A_653 : i32
        %mul3A_655 = arith.constant 80 : i32
        %mul3A_656 = arith.muli %add3A_654, %mul3A_655 : i32
        %jit3A_657 = arith.constant 8 : i32
        %eq3A_658 = arith.constant 0 : i32
        %eq3A_659 = arith.cmpi eq, %jit3A_657, %eq3A_658 : i32
        %jit3A_660 = arith.constant 1 : i32
        %select_n3A_661 = arith.select %eq3A_659, %jit3A_660, %jit3A_657 : i32
        %rem3A_662 = arith.remsi %add3A_653, %select_n3A_661 : i32
        %ne3A_663 = arith.constant 0 : i32
        %ne3A_664 = arith.cmpi ne, %rem3A_662, %ne3A_663 : i32
        %lt3A_665 = arith.constant 0 : i32
        %lt3A_666 = arith.cmpi slt, %rem3A_662, %lt3A_665 : i32
        %lt3A_667 = arith.constant 0 : i32
        %lt3A_668 = arith.cmpi slt, %select_n3A_661, %lt3A_667 : i32
        %ne3A_669 = arith.xori %lt3A_666, %lt3A_668 : i1
        %and3A_670 = arith.andi %ne3A_669, %ne3A_664 : i1
        %add3A_671 = arith.addi %rem3A_662, %select_n3A_661 : i32
        %select_n3A_672 = arith.select %and3A_670, %add3A_671, %rem3A_662 : i32
        %jit3A_673 = arith.constant 4 : i32
        %eq3A_674 = arith.constant 0 : i32
        %eq3A_675 = arith.cmpi eq, %jit3A_673, %eq3A_674 : i32
        %jit3A_676 = arith.constant 1 : i32
        %select_n3A_677 = arith.select %eq3A_675, %jit3A_676, %jit3A_673 : i32
        %rem3A_678 = arith.remsi %add3A_653, %select_n3A_677 : i32
        %ne3A_679 = arith.constant 0 : i32
        %ne3A_680 = arith.cmpi ne, %rem3A_678, %ne3A_679 : i32
        %lt3A_681 = arith.constant 0 : i32
        %lt3A_682 = arith.cmpi slt, %rem3A_678, %lt3A_681 : i32
        %lt3A_683 = arith.constant 0 : i32
        %lt3A_684 = arith.cmpi slt, %select_n3A_677, %lt3A_683 : i32
        %ne3A_685 = arith.xori %lt3A_682, %lt3A_684 : i1
        %and3A_686 = arith.andi %ne3A_685, %ne3A_680 : i1
        %add3A_687 = arith.addi %rem3A_678, %select_n3A_677 : i32
        %select_n3A_688 = arith.select %and3A_686, %add3A_687, %rem3A_678 : i32
        %dma_start3A_689 = arith.constant 0 : i32
        %dma_start3A_690 = tpu.memref_slice %arg7[%select_n3A_672, %dma_start3A_689] : memref<8x80xi32, #tpu.memory_space<vmem>> -> memref<1x80xi32, #tpu.memory_space<vmem>>
        %dma_start3A_691 = tpu.memref_squeeze %dma_start3A_690 : memref<1x80xi32, #tpu.memory_space<vmem>> -> memref<80xi32, #tpu.memory_space<vmem>>
        %dma_start3A_692 = tpu.memref_slice %arg3[%mul3A_656] : memref<320000xi32, #tpu.memory_space<hbm>> -> memref<80xi32, #tpu.memory_space<hbm>>
        %dma_start3A_693 = tpu.memref_slice %arg10[%select_n3A_688] : memref<8x!tpu.dma_semaphore, #tpu.memory_space<semaphore_mem>> -> memref<1x!tpu.dma_semaphore, #tpu.memory_space<semaphore_mem>>
        %dma_start3A_694 = tpu.memref_squeeze %dma_start3A_693 : memref<1x!tpu.dma_semaphore, #tpu.memory_space<semaphore_mem>> -> memref<!tpu.dma_semaphore, #tpu.memory_space<semaphore_mem>>
        %dma_start3A_695 = arith.constant 0 : i32
        %dma_start3A_696 = tpu.memref_slice %arg7[%select_n3A_672, %dma_start3A_695] : memref<8x80xi32, #tpu.memory_space<vmem>> -> memref<1x80xi32, #tpu.memory_space<vmem>>
        %dma_start3A_697 = tpu.memref_squeeze %dma_start3A_696 : memref<1x80xi32, #tpu.memory_space<vmem>> -> memref<80xi32, #tpu.memory_space<vmem>>
        %dma_start3A_698 = tpu.memref_slice %arg3[%mul3A_656] : memref<320000xi32, #tpu.memory_space<hbm>> -> memref<80xi32, #tpu.memory_space<hbm>>
        tpu.enqueue_dma source(%dma_start3A_698 : memref<80xi32, #tpu.memory_space<hbm>>) target(%dma_start3A_697 : memref<80xi32, #tpu.memory_space<vmem>>) target_semaphore(%dma_start3A_694 : memref<!tpu.dma_semaphore, #tpu.memory_space<semaphore_mem>>)
        %add3A_699 = arith.addi %mul3A_2, %add3A_653 : i32
        %mul3A_700 = arith.constant 80 : i32
        %mul3A_701 = arith.muli %add3A_699, %mul3A_700 : i32
        %jit3A_702 = arith.constant 8 : i32
        %eq3A_703 = arith.constant 0 : i32
        %eq3A_704 = arith.cmpi eq, %jit3A_702, %eq3A_703 : i32
        %jit3A_705 = arith.constant 1 : i32
        %select_n3A_706 = arith.select %eq3A_704, %jit3A_705, %jit3A_702 : i32
        %rem3A_707 = arith.remsi %add3A_653, %select_n3A_706 : i32
        %ne3A_708 = arith.constant 0 : i32
        %ne3A_709 = arith.cmpi ne, %rem3A_707, %ne3A_708 : i32
        %lt3A_710 = arith.constant 0 : i32
        %lt3A_711 = arith.cmpi slt, %rem3A_707, %lt3A_710 : i32
        %lt3A_712 = arith.constant 0 : i32
        %lt3A_713 = arith.cmpi slt, %select_n3A_706, %lt3A_712 : i32
        %ne3A_714 = arith.xori %lt3A_711, %lt3A_713 : i1
        %and3A_715 = arith.andi %ne3A_714, %ne3A_709 : i1
        %add3A_716 = arith.addi %rem3A_707, %select_n3A_706 : i32
        %select_n3A_717 = arith.select %and3A_715, %add3A_716, %rem3A_707 : i32
        %jit3A_718 = arith.constant 4 : i32
        %eq3A_719 = arith.constant 0 : i32
        %eq3A_720 = arith.cmpi eq, %jit3A_718, %eq3A_719 : i32
        %jit3A_721 = arith.constant 1 : i32
        %select_n3A_722 = arith.select %eq3A_720, %jit3A_721, %jit3A_718 : i32
        %rem3A_723 = arith.remsi %add3A_653, %select_n3A_722 : i32
        %ne3A_724 = arith.constant 0 : i32
        %ne3A_725 = arith.cmpi ne, %rem3A_723, %ne3A_724 : i32
        %lt3A_726 = arith.constant 0 : i32
        %lt3A_727 = arith.cmpi slt, %rem3A_723, %lt3A_726 : i32
        %lt3A_728 = arith.constant 0 : i32
        %lt3A_729 = arith.cmpi slt, %select_n3A_722, %lt3A_728 : i32
        %ne3A_730 = arith.xori %lt3A_727, %lt3A_729 : i1
        %and3A_731 = arith.andi %ne3A_730, %ne3A_725 : i1
        %add3A_732 = arith.addi %rem3A_723, %select_n3A_722 : i32
        %select_n3A_733 = arith.select %and3A_731, %add3A_732, %rem3A_723 : i32
        %dma_start3A_734 = arith.constant 0 : i32
        %dma_start3A_735 = tpu.memref_slice %arg8[%select_n3A_717, %dma_start3A_734] : memref<8x80xi32, #tpu.memory_space<vmem>> -> memref<1x80xi32, #tpu.memory_space<vmem>>
        %dma_start3A_736 = tpu.memref_squeeze %dma_start3A_735 : memref<1x80xi32, #tpu.memory_space<vmem>> -> memref<80xi32, #tpu.memory_space<vmem>>
        %dma_start3A_737 = tpu.memref_slice %arg4[%mul3A_701] : memref<320000xi32, #tpu.memory_space<hbm>> -> memref<80xi32, #tpu.memory_space<hbm>>
        %dma_start3A_738 = tpu.memref_slice %arg10[%select_n3A_733] : memref<8x!tpu.dma_semaphore, #tpu.memory_space<semaphore_mem>> -> memref<1x!tpu.dma_semaphore, #tpu.memory_space<semaphore_mem>>
        %dma_start3A_739 = tpu.memref_squeeze %dma_start3A_738 : memref<1x!tpu.dma_semaphore, #tpu.memory_space<semaphore_mem>> -> memref<!tpu.dma_semaphore, #tpu.memory_space<semaphore_mem>>
        %dma_start3A_740 = arith.constant 0 : i32
        %dma_start3A_741 = tpu.memref_slice %arg8[%select_n3A_717, %dma_start3A_740] : memref<8x80xi32, #tpu.memory_space<vmem>> -> memref<1x80xi32, #tpu.memory_space<vmem>>
        %dma_start3A_742 = tpu.memref_squeeze %dma_start3A_741 : memref<1x80xi32, #tpu.memory_space<vmem>> -> memref<80xi32, #tpu.memory_space<vmem>>
        %dma_start3A_743 = tpu.memref_slice %arg4[%mul3A_701] : memref<320000xi32, #tpu.memory_space<hbm>> -> memref<80xi32, #tpu.memory_space<hbm>>
        tpu.enqueue_dma source(%dma_start3A_743 : memref<80xi32, #tpu.memory_space<hbm>>) target(%dma_start3A_742 : memref<80xi32, #tpu.memory_space<vmem>>) target_semaphore(%dma_start3A_739 : memref<!tpu.dma_semaphore, #tpu.memory_space<semaphore_mem>>)
      } else {
      }
      %add3A_490 = arith.constant 2 : i32
      %add3A_491 = arith.addi %add3A_337, %add3A_490 : i32
      %jit3A_492 = arith.constant 8 : i32
      %eq3A_493 = arith.constant 0 : i32
      %eq3A_494 = arith.cmpi eq, %jit3A_492, %eq3A_493 : i32
      %jit3A_495 = arith.constant 1 : i32
      %select_n3A_496 = arith.select %eq3A_494, %jit3A_495, %jit3A_492 : i32
      %rem3A_497 = arith.remsi %add3A_491, %select_n3A_496 : i32
      %ne3A_498 = arith.constant 0 : i32
      %ne3A_499 = arith.cmpi ne, %rem3A_497, %ne3A_498 : i32
      %lt3A_500 = arith.constant 0 : i32
      %lt3A_501 = arith.cmpi slt, %rem3A_497, %lt3A_500 : i32
      %lt3A_502 = arith.constant 0 : i32
      %lt3A_503 = arith.cmpi slt, %select_n3A_496, %lt3A_502 : i32
      %ne3A_504 = arith.xori %lt3A_501, %lt3A_503 : i1
      %and3A_505 = arith.andi %ne3A_504, %ne3A_499 : i1
      %add3A_506 = arith.addi %rem3A_497, %select_n3A_496 : i32
      %select_n3A_507 = arith.select %and3A_505, %add3A_506, %rem3A_497 : i32
      %dma_wait3A_508 = arith.constant 2 : i32
      %dma_wait3A_509 = arith.constant 2 : i32
      %dma_wait3A_510 = arith.constant 0 : i32
      %dma_wait3A_511 = arith.constant 0 : i32
      %dma_wait3A_512 = tpu.memref_slice %arg9[%dma_wait3A_508, %dma_wait3A_510, %dma_wait3A_511] : memref<4x80x128xf32, #tpu.memory_space<vmem>> -> memref<1x80x128xf32, #tpu.memory_space<vmem>>
      %dma_wait3A_513 = tpu.memref_squeeze %dma_wait3A_512 : memref<1x80x128xf32, #tpu.memory_space<vmem>> -> memref<80x128xf32, #tpu.memory_space<vmem>>
      %dma_wait3A_514 = arith.constant 0 : i32
      %dma_wait3A_515 = tpu.memref_slice %arg7[%select_n3A_507, %dma_wait3A_514] : memref<8x80xi32, #tpu.memory_space<vmem>> -> memref<1x80xi32, #tpu.memory_space<vmem>>
      %dma_wait3A_516 = tpu.memref_squeeze %dma_wait3A_515 : memref<1x80xi32, #tpu.memory_space<vmem>> -> memref<80xi32, #tpu.memory_space<vmem>>
      %dma_wait3A_517 = arith.constant 0 : i32
      %dma_wait3A_518 = arith.constant 0 : i32
      %dma_wait3A_519 = tpu.memref_slice %arg2[%dma_wait3A_517, %dma_wait3A_518] : memref<10000x128xf32, #tpu.memory_space<hbm>> -> memref<10000x128xf32, #tpu.memory_space<hbm>>
      %dma_wait3A_520 = tpu.memref_slice %arg11[%dma_wait3A_509] : memref<4x!tpu.dma_semaphore, #tpu.memory_space<semaphore_mem>> -> memref<1x!tpu.dma_semaphore, #tpu.memory_space<semaphore_mem>>
      %dma_wait3A_521 = tpu.memref_squeeze %dma_wait3A_520 : memref<1x!tpu.dma_semaphore, #tpu.memory_space<semaphore_mem>> -> memref<!tpu.dma_semaphore, #tpu.memory_space<semaphore_mem>>
      tpu.wait_indirect_dma semaphore(%dma_wait3A_521 : memref<!tpu.dma_semaphore, #tpu.memory_space<semaphore_mem>>) src(%dma_wait3A_519 : memref<10000x128xf32, #tpu.memory_space<hbm>>) dst(%dma_wait3A_513 : memref<80x128xf32, #tpu.memory_space<vmem>>)
      %jit3A_522 = arith.constant 8 : i32
      %eq3A_523 = arith.constant 0 : i32
      %eq3A_524 = arith.cmpi eq, %jit3A_522, %eq3A_523 : i32
      %jit3A_525 = arith.constant 1 : i32
      %select_n3A_526 = arith.select %eq3A_524, %jit3A_525, %jit3A_522 : i32
      %rem3A_527 = arith.remsi %add3A_491, %select_n3A_526 : i32
      %ne3A_528 = arith.constant 0 : i32
      %ne3A_529 = arith.cmpi ne, %rem3A_527, %ne3A_528 : i32
      %lt3A_530 = arith.constant 0 : i32
      %lt3A_531 = arith.cmpi slt, %rem3A_527, %lt3A_530 : i32
      %lt3A_532 = arith.constant 0 : i32
      %lt3A_533 = arith.cmpi slt, %select_n3A_526, %lt3A_532 : i32
      %ne3A_534 = arith.xori %lt3A_531, %lt3A_533 : i1
      %and3A_535 = arith.andi %ne3A_534, %ne3A_529 : i1
      %add3A_536 = arith.addi %rem3A_527, %select_n3A_526 : i32
      %select_n3A_537 = arith.select %and3A_535, %add3A_536, %rem3A_527 : i32
      %dma_start3A_538 = arith.constant 2 : i32
      %dma_start3A_539 = arith.constant 2 : i32
      %dma_start3A_540 = arith.constant 0 : i32
      %dma_start3A_541 = arith.constant 0 : i32
      %dma_start3A_542 = tpu.memref_slice %arg9[%dma_start3A_538, %dma_start3A_540, %dma_start3A_541] : memref<4x80x128xf32, #tpu.memory_space<vmem>> -> memref<1x80x128xf32, #tpu.memory_space<vmem>>
      %dma_start3A_543 = tpu.memref_squeeze %dma_start3A_542 : memref<1x80x128xf32, #tpu.memory_space<vmem>> -> memref<80x128xf32, #tpu.memory_space<vmem>>
      %dma_start3A_544 = arith.constant 0 : i32
      %dma_start3A_545 = tpu.memref_slice %arg8[%select_n3A_537, %dma_start3A_544] : memref<8x80xi32, #tpu.memory_space<vmem>> -> memref<1x80xi32, #tpu.memory_space<vmem>>
      %dma_start3A_546 = tpu.memref_squeeze %dma_start3A_545 : memref<1x80xi32, #tpu.memory_space<vmem>> -> memref<80xi32, #tpu.memory_space<vmem>>
      %dma_start3A_547 = arith.constant 0 : i32
      %dma_start3A_548 = arith.constant 0 : i32
      %dma_start3A_549 = tpu.memref_slice %arg13[%dma_start3A_547, %dma_start3A_548] : memref<10112x128xf32, #tpu.memory_space<vmem_shared>> -> memref<10112x128xf32, #tpu.memory_space<vmem_shared>>
      %dma_start3A_550 = tpu.memref_slice %arg12[%dma_start3A_539] : memref<4x!tpu.dma_semaphore, #tpu.memory_space<semaphore_mem>> -> memref<1x!tpu.dma_semaphore, #tpu.memory_space<semaphore_mem>>
      %dma_start3A_551 = tpu.memref_squeeze %dma_start3A_550 : memref<1x!tpu.dma_semaphore, #tpu.memory_space<semaphore_mem>> -> memref<!tpu.dma_semaphore, #tpu.memory_space<semaphore_mem>>
      tpu.enqueue_indirect_dma source(%dma_start3A_543 : memref<80x128xf32, #tpu.memory_space<vmem>>) target(%dma_start3A_549 : memref<10112x128xf32, #tpu.memory_space<vmem_shared>>) offsets(%dma_start3A_546 : memref<80xi32, #tpu.memory_space<vmem>>) semaphore(%dma_start3A_551 : memref<!tpu.dma_semaphore, #tpu.memory_space<semaphore_mem>>) {add = true}
      %ge3A_552 = arith.constant 1 : i32
      %ge3A_553 = arith.cmpi sge, %add3A_491, %ge3A_552 : i32
      %convert_element_type3A_554 = arith.extui %ge3A_553 : i1 to i32
      %cond3A_555 = arith.constant 0 : i32
      %cond3A_556 = arith.cmpi ne, %convert_element_type3A_554, %cond3A_555 : i32
      scf.if %cond3A_556 {
        %sub3A = arith.constant 1 : i32
        %sub3A_652 = arith.subi %add3A_491, %sub3A : i32
        %jit3A_653 = arith.constant 8 : i32
        %eq3A_654 = arith.constant 0 : i32
        %eq3A_655 = arith.cmpi eq, %jit3A_653, %eq3A_654 : i32
        %jit3A_656 = arith.constant 1 : i32
        %select_n3A_657 = arith.select %eq3A_655, %jit3A_656, %jit3A_653 : i32
        %rem3A_658 = arith.remsi %sub3A_652, %select_n3A_657 : i32
        %ne3A_659 = arith.constant 0 : i32
        %ne3A_660 = arith.cmpi ne, %rem3A_658, %ne3A_659 : i32
        %lt3A_661 = arith.constant 0 : i32
        %lt3A_662 = arith.cmpi slt, %rem3A_658, %lt3A_661 : i32
        %lt3A_663 = arith.constant 0 : i32
        %lt3A_664 = arith.cmpi slt, %select_n3A_657, %lt3A_663 : i32
        %ne3A_665 = arith.xori %lt3A_662, %lt3A_664 : i1
        %and3A_666 = arith.andi %ne3A_665, %ne3A_660 : i1
        %add3A_667 = arith.addi %rem3A_658, %select_n3A_657 : i32
        %select_n3A_668 = arith.select %and3A_666, %add3A_667, %rem3A_658 : i32
        %dma_wait3A_669 = arith.constant 1 : i32
        %dma_wait3A_670 = arith.constant 1 : i32
        %dma_wait3A_671 = arith.constant 0 : i32
        %dma_wait3A_672 = arith.constant 0 : i32
        %dma_wait3A_673 = tpu.memref_slice %arg9[%dma_wait3A_669, %dma_wait3A_671, %dma_wait3A_672] : memref<4x80x128xf32, #tpu.memory_space<vmem>> -> memref<1x80x128xf32, #tpu.memory_space<vmem>>
        %dma_wait3A_674 = tpu.memref_squeeze %dma_wait3A_673 : memref<1x80x128xf32, #tpu.memory_space<vmem>> -> memref<80x128xf32, #tpu.memory_space<vmem>>
        %dma_wait3A_675 = arith.constant 0 : i32
        %dma_wait3A_676 = tpu.memref_slice %arg8[%select_n3A_668, %dma_wait3A_675] : memref<8x80xi32, #tpu.memory_space<vmem>> -> memref<1x80xi32, #tpu.memory_space<vmem>>
        %dma_wait3A_677 = tpu.memref_squeeze %dma_wait3A_676 : memref<1x80xi32, #tpu.memory_space<vmem>> -> memref<80xi32, #tpu.memory_space<vmem>>
        %dma_wait3A_678 = arith.constant 0 : i32
        %dma_wait3A_679 = arith.constant 0 : i32
        %dma_wait3A_680 = tpu.memref_slice %arg13[%dma_wait3A_678, %dma_wait3A_679] : memref<10112x128xf32, #tpu.memory_space<vmem_shared>> -> memref<10112x128xf32, #tpu.memory_space<vmem_shared>>
        %dma_wait3A_681 = tpu.memref_slice %arg12[%dma_wait3A_670] : memref<4x!tpu.dma_semaphore, #tpu.memory_space<semaphore_mem>> -> memref<1x!tpu.dma_semaphore, #tpu.memory_space<semaphore_mem>>
        %dma_wait3A_682 = tpu.memref_squeeze %dma_wait3A_681 : memref<1x!tpu.dma_semaphore, #tpu.memory_space<semaphore_mem>> -> memref<!tpu.dma_semaphore, #tpu.memory_space<semaphore_mem>>
        tpu.wait_indirect_dma semaphore(%dma_wait3A_682 : memref<!tpu.dma_semaphore, #tpu.memory_space<semaphore_mem>>) src(%dma_wait3A_674 : memref<80x128xf32, #tpu.memory_space<vmem>>) dst(%dma_wait3A_680 : memref<10112x128xf32, #tpu.memory_space<vmem_shared>>)
      } else {
      }
      %add3A_557 = arith.constant 3 : i32
      %add3A_558 = arith.addi %add3A_491, %add3A_557 : i32
      %lt3A_559 = arith.constant 124 : i32
      %lt3A_560 = arith.cmpi slt, %add3A_558, %lt3A_559 : i32
      %convert_element_type3A_561 = arith.extui %lt3A_560 : i1 to i32
      %cond3A_562 = arith.constant 0 : i32
      %cond3A_563 = arith.cmpi ne, %convert_element_type3A_561, %cond3A_562 : i32
      scf.if %cond3A_563 {
        %add3A_652 = arith.constant 3 : i32
        %add3A_653 = arith.addi %add3A_491, %add3A_652 : i32
        %add3A_654 = arith.addi %mul3A_2, %add3A_653 : i32
        %mul3A_655 = arith.constant 80 : i32
        %mul3A_656 = arith.muli %add3A_654, %mul3A_655 : i32
        %jit3A_657 = arith.constant 8 : i32
        %eq3A_658 = arith.constant 0 : i32
        %eq3A_659 = arith.cmpi eq, %jit3A_657, %eq3A_658 : i32
        %jit3A_660 = arith.constant 1 : i32
        %select_n3A_661 = arith.select %eq3A_659, %jit3A_660, %jit3A_657 : i32
        %rem3A_662 = arith.remsi %add3A_653, %select_n3A_661 : i32
        %ne3A_663 = arith.constant 0 : i32
        %ne3A_664 = arith.cmpi ne, %rem3A_662, %ne3A_663 : i32
        %lt3A_665 = arith.constant 0 : i32
        %lt3A_666 = arith.cmpi slt, %rem3A_662, %lt3A_665 : i32
        %lt3A_667 = arith.constant 0 : i32
        %lt3A_668 = arith.cmpi slt, %select_n3A_661, %lt3A_667 : i32
        %ne3A_669 = arith.xori %lt3A_666, %lt3A_668 : i1
        %and3A_670 = arith.andi %ne3A_669, %ne3A_664 : i1
        %add3A_671 = arith.addi %rem3A_662, %select_n3A_661 : i32
        %select_n3A_672 = arith.select %and3A_670, %add3A_671, %rem3A_662 : i32
        %jit3A_673 = arith.constant 4 : i32
        %eq3A_674 = arith.constant 0 : i32
        %eq3A_675 = arith.cmpi eq, %jit3A_673, %eq3A_674 : i32
        %jit3A_676 = arith.constant 1 : i32
        %select_n3A_677 = arith.select %eq3A_675, %jit3A_676, %jit3A_673 : i32
        %rem3A_678 = arith.remsi %add3A_653, %select_n3A_677 : i32
        %ne3A_679 = arith.constant 0 : i32
        %ne3A_680 = arith.cmpi ne, %rem3A_678, %ne3A_679 : i32
        %lt3A_681 = arith.constant 0 : i32
        %lt3A_682 = arith.cmpi slt, %rem3A_678, %lt3A_681 : i32
        %lt3A_683 = arith.constant 0 : i32
        %lt3A_684 = arith.cmpi slt, %select_n3A_677, %lt3A_683 : i32
        %ne3A_685 = arith.xori %lt3A_682, %lt3A_684 : i1
        %and3A_686 = arith.andi %ne3A_685, %ne3A_680 : i1
        %add3A_687 = arith.addi %rem3A_678, %select_n3A_677 : i32
        %select_n3A_688 = arith.select %and3A_686, %add3A_687, %rem3A_678 : i32
        %dma_wait3A_689 = arith.constant 0 : i32
        %dma_wait3A_690 = tpu.memref_slice %arg7[%select_n3A_672, %dma_wait3A_689] : memref<8x80xi32, #tpu.memory_space<vmem>> -> memref<1x80xi32, #tpu.memory_space<vmem>>
        %dma_wait3A_691 = tpu.memref_squeeze %dma_wait3A_690 : memref<1x80xi32, #tpu.memory_space<vmem>> -> memref<80xi32, #tpu.memory_space<vmem>>
        %dma_wait3A_692 = tpu.memref_slice %arg3[%mul3A_656] : memref<320000xi32, #tpu.memory_space<hbm>> -> memref<80xi32, #tpu.memory_space<hbm>>
        %dma_wait3A_693 = tpu.memref_slice %arg10[%select_n3A_688] : memref<8x!tpu.dma_semaphore, #tpu.memory_space<semaphore_mem>> -> memref<1x!tpu.dma_semaphore, #tpu.memory_space<semaphore_mem>>
        %dma_wait3A_694 = tpu.memref_squeeze %dma_wait3A_693 : memref<1x!tpu.dma_semaphore, #tpu.memory_space<semaphore_mem>> -> memref<!tpu.dma_semaphore, #tpu.memory_space<semaphore_mem>>
        %dma_wait3A_695 = arith.constant 0 : i32
        %dma_wait3A_696 = tpu.memref_slice %arg7[%select_n3A_672, %dma_wait3A_695] : memref<8x80xi32, #tpu.memory_space<vmem>> -> memref<1x80xi32, #tpu.memory_space<vmem>>
        %dma_wait3A_697 = tpu.memref_squeeze %dma_wait3A_696 : memref<1x80xi32, #tpu.memory_space<vmem>> -> memref<80xi32, #tpu.memory_space<vmem>>
        %dma_wait3A_698 = tpu.memref_slice %arg3[%mul3A_656] : memref<320000xi32, #tpu.memory_space<hbm>> -> memref<80xi32, #tpu.memory_space<hbm>>
        tpu.wait_dma2 semaphore(%dma_wait3A_694 : memref<!tpu.dma_semaphore, #tpu.memory_space<semaphore_mem>>) src(%dma_wait3A_698 : memref<80xi32, #tpu.memory_space<hbm>>) dst(%dma_wait3A_697 : memref<80xi32, #tpu.memory_space<vmem>>)
        %add3A_699 = arith.addi %mul3A_2, %add3A_653 : i32
        %mul3A_700 = arith.constant 80 : i32
        %mul3A_701 = arith.muli %add3A_699, %mul3A_700 : i32
        %jit3A_702 = arith.constant 8 : i32
        %eq3A_703 = arith.constant 0 : i32
        %eq3A_704 = arith.cmpi eq, %jit3A_702, %eq3A_703 : i32
        %jit3A_705 = arith.constant 1 : i32
        %select_n3A_706 = arith.select %eq3A_704, %jit3A_705, %jit3A_702 : i32
        %rem3A_707 = arith.remsi %add3A_653, %select_n3A_706 : i32
        %ne3A_708 = arith.constant 0 : i32
        %ne3A_709 = arith.cmpi ne, %rem3A_707, %ne3A_708 : i32
        %lt3A_710 = arith.constant 0 : i32
        %lt3A_711 = arith.cmpi slt, %rem3A_707, %lt3A_710 : i32
        %lt3A_712 = arith.constant 0 : i32
        %lt3A_713 = arith.cmpi slt, %select_n3A_706, %lt3A_712 : i32
        %ne3A_714 = arith.xori %lt3A_711, %lt3A_713 : i1
        %and3A_715 = arith.andi %ne3A_714, %ne3A_709 : i1
        %add3A_716 = arith.addi %rem3A_707, %select_n3A_706 : i32
        %select_n3A_717 = arith.select %and3A_715, %add3A_716, %rem3A_707 : i32
        %jit3A_718 = arith.constant 4 : i32
        %eq3A_719 = arith.constant 0 : i32
        %eq3A_720 = arith.cmpi eq, %jit3A_718, %eq3A_719 : i32
        %jit3A_721 = arith.constant 1 : i32
        %select_n3A_722 = arith.select %eq3A_720, %jit3A_721, %jit3A_718 : i32
        %rem3A_723 = arith.remsi %add3A_653, %select_n3A_722 : i32
        %ne3A_724 = arith.constant 0 : i32
        %ne3A_725 = arith.cmpi ne, %rem3A_723, %ne3A_724 : i32
        %lt3A_726 = arith.constant 0 : i32
        %lt3A_727 = arith.cmpi slt, %rem3A_723, %lt3A_726 : i32
        %lt3A_728 = arith.constant 0 : i32
        %lt3A_729 = arith.cmpi slt, %select_n3A_722, %lt3A_728 : i32
        %ne3A_730 = arith.xori %lt3A_727, %lt3A_729 : i1
        %and3A_731 = arith.andi %ne3A_730, %ne3A_725 : i1
        %add3A_732 = arith.addi %rem3A_723, %select_n3A_722 : i32
        %select_n3A_733 = arith.select %and3A_731, %add3A_732, %rem3A_723 : i32
        %dma_wait3A_734 = arith.constant 0 : i32
        %dma_wait3A_735 = tpu.memref_slice %arg8[%select_n3A_717, %dma_wait3A_734] : memref<8x80xi32, #tpu.memory_space<vmem>> -> memref<1x80xi32, #tpu.memory_space<vmem>>
        %dma_wait3A_736 = tpu.memref_squeeze %dma_wait3A_735 : memref<1x80xi32, #tpu.memory_space<vmem>> -> memref<80xi32, #tpu.memory_space<vmem>>
        %dma_wait3A_737 = tpu.memref_slice %arg4[%mul3A_701] : memref<320000xi32, #tpu.memory_space<hbm>> -> memref<80xi32, #tpu.memory_space<hbm>>
        %dma_wait3A_738 = tpu.memref_slice %arg10[%select_n3A_733] : memref<8x!tpu.dma_semaphore, #tpu.memory_space<semaphore_mem>> -> memref<1x!tpu.dma_semaphore, #tpu.memory_space<semaphore_mem>>
        %dma_wait3A_739 = tpu.memref_squeeze %dma_wait3A_738 : memref<1x!tpu.dma_semaphore, #tpu.memory_space<semaphore_mem>> -> memref<!tpu.dma_semaphore, #tpu.memory_space<semaphore_mem>>
        %dma_wait3A_740 = arith.constant 0 : i32
        %dma_wait3A_741 = tpu.memref_slice %arg8[%select_n3A_717, %dma_wait3A_740] : memref<8x80xi32, #tpu.memory_space<vmem>> -> memref<1x80xi32, #tpu.memory_space<vmem>>
        %dma_wait3A_742 = tpu.memref_squeeze %dma_wait3A_741 : memref<1x80xi32, #tpu.memory_space<vmem>> -> memref<80xi32, #tpu.memory_space<vmem>>
        %dma_wait3A_743 = tpu.memref_slice %arg4[%mul3A_701] : memref<320000xi32, #tpu.memory_space<hbm>> -> memref<80xi32, #tpu.memory_space<hbm>>
        tpu.wait_dma2 semaphore(%dma_wait3A_739 : memref<!tpu.dma_semaphore, #tpu.memory_space<semaphore_mem>>) src(%dma_wait3A_743 : memref<80xi32, #tpu.memory_space<hbm>>) dst(%dma_wait3A_742 : memref<80xi32, #tpu.memory_space<vmem>>)
        %add3A_744 = arith.constant 3 : i32
        %add3A_745 = arith.addi %add3A_491, %add3A_744 : i32
        %jit3A_746 = arith.constant 8 : i32
        %eq3A_747 = arith.constant 0 : i32
        %eq3A_748 = arith.cmpi eq, %jit3A_746, %eq3A_747 : i32
        %jit3A_749 = arith.constant 1 : i32
        %select_n3A_750 = arith.select %eq3A_748, %jit3A_749, %jit3A_746 : i32
        %rem3A_751 = arith.remsi %add3A_745, %select_n3A_750 : i32
        %ne3A_752 = arith.constant 0 : i32
        %ne3A_753 = arith.cmpi ne, %rem3A_751, %ne3A_752 : i32
        %lt3A_754 = arith.constant 0 : i32
        %lt3A_755 = arith.cmpi slt, %rem3A_751, %lt3A_754 : i32
        %lt3A_756 = arith.constant 0 : i32
        %lt3A_757 = arith.cmpi slt, %select_n3A_750, %lt3A_756 : i32
        %ne3A_758 = arith.xori %lt3A_755, %lt3A_757 : i1
        %and3A_759 = arith.andi %ne3A_758, %ne3A_753 : i1
        %add3A_760 = arith.addi %rem3A_751, %select_n3A_750 : i32
        %select_n3A_761 = arith.select %and3A_759, %add3A_760, %rem3A_751 : i32
        %dma_start3A_762 = arith.constant 1 : i32
        %dma_start3A_763 = arith.constant 1 : i32
        %dma_start3A_764 = arith.constant 0 : i32
        %dma_start3A_765 = arith.constant 0 : i32
        %dma_start3A_766 = tpu.memref_slice %arg9[%dma_start3A_762, %dma_start3A_764, %dma_start3A_765] : memref<4x80x128xf32, #tpu.memory_space<vmem>> -> memref<1x80x128xf32, #tpu.memory_space<vmem>>
        %dma_start3A_767 = tpu.memref_squeeze %dma_start3A_766 : memref<1x80x128xf32, #tpu.memory_space<vmem>> -> memref<80x128xf32, #tpu.memory_space<vmem>>
        %dma_start3A_768 = arith.constant 0 : i32
        %dma_start3A_769 = tpu.memref_slice %arg7[%select_n3A_761, %dma_start3A_768] : memref<8x80xi32, #tpu.memory_space<vmem>> -> memref<1x80xi32, #tpu.memory_space<vmem>>
        %dma_start3A_770 = tpu.memref_squeeze %dma_start3A_769 : memref<1x80xi32, #tpu.memory_space<vmem>> -> memref<80xi32, #tpu.memory_space<vmem>>
        %dma_start3A_771 = arith.constant 0 : i32
        %dma_start3A_772 = arith.constant 0 : i32
        %dma_start3A_773 = tpu.memref_slice %arg2[%dma_start3A_771, %dma_start3A_772] : memref<10000x128xf32, #tpu.memory_space<hbm>> -> memref<10000x128xf32, #tpu.memory_space<hbm>>
        %dma_start3A_774 = tpu.memref_slice %arg11[%dma_start3A_763] : memref<4x!tpu.dma_semaphore, #tpu.memory_space<semaphore_mem>> -> memref<1x!tpu.dma_semaphore, #tpu.memory_space<semaphore_mem>>
        %dma_start3A_775 = tpu.memref_squeeze %dma_start3A_774 : memref<1x!tpu.dma_semaphore, #tpu.memory_space<semaphore_mem>> -> memref<!tpu.dma_semaphore, #tpu.memory_space<semaphore_mem>>
        tpu.enqueue_indirect_dma source(%dma_start3A_773 : memref<10000x128xf32, #tpu.memory_space<hbm>>) target(%dma_start3A_767 : memref<80x128xf32, #tpu.memory_space<vmem>>) offsets(%dma_start3A_770 : memref<80xi32, #tpu.memory_space<vmem>>) semaphore(%dma_start3A_775 : memref<!tpu.dma_semaphore, #tpu.memory_space<semaphore_mem>>)
      } else {
      }
      %add3A_564 = arith.constant 4 : i32
      %add3A_565 = arith.addi %add3A_491, %add3A_564 : i32
      %lt3A_566 = arith.constant 124 : i32
      %lt3A_567 = arith.cmpi slt, %add3A_565, %lt3A_566 : i32
      %convert_element_type3A_568 = arith.extui %lt3A_567 : i1 to i32
      %cond3A_569 = arith.constant 0 : i32
      %cond3A_570 = arith.cmpi ne, %convert_element_type3A_568, %cond3A_569 : i32
      scf.if %cond3A_570 {
        %add3A_652 = arith.constant 4 : i32
        %add3A_653 = arith.addi %add3A_491, %add3A_652 : i32
        %add3A_654 = arith.addi %mul3A_2, %add3A_653 : i32
        %mul3A_655 = arith.constant 80 : i32
        %mul3A_656 = arith.muli %add3A_654, %mul3A_655 : i32
        %jit3A_657 = arith.constant 8 : i32
        %eq3A_658 = arith.constant 0 : i32
        %eq3A_659 = arith.cmpi eq, %jit3A_657, %eq3A_658 : i32
        %jit3A_660 = arith.constant 1 : i32
        %select_n3A_661 = arith.select %eq3A_659, %jit3A_660, %jit3A_657 : i32
        %rem3A_662 = arith.remsi %add3A_653, %select_n3A_661 : i32
        %ne3A_663 = arith.constant 0 : i32
        %ne3A_664 = arith.cmpi ne, %rem3A_662, %ne3A_663 : i32
        %lt3A_665 = arith.constant 0 : i32
        %lt3A_666 = arith.cmpi slt, %rem3A_662, %lt3A_665 : i32
        %lt3A_667 = arith.constant 0 : i32
        %lt3A_668 = arith.cmpi slt, %select_n3A_661, %lt3A_667 : i32
        %ne3A_669 = arith.xori %lt3A_666, %lt3A_668 : i1
        %and3A_670 = arith.andi %ne3A_669, %ne3A_664 : i1
        %add3A_671 = arith.addi %rem3A_662, %select_n3A_661 : i32
        %select_n3A_672 = arith.select %and3A_670, %add3A_671, %rem3A_662 : i32
        %jit3A_673 = arith.constant 4 : i32
        %eq3A_674 = arith.constant 0 : i32
        %eq3A_675 = arith.cmpi eq, %jit3A_673, %eq3A_674 : i32
        %jit3A_676 = arith.constant 1 : i32
        %select_n3A_677 = arith.select %eq3A_675, %jit3A_676, %jit3A_673 : i32
        %rem3A_678 = arith.remsi %add3A_653, %select_n3A_677 : i32
        %ne3A_679 = arith.constant 0 : i32
        %ne3A_680 = arith.cmpi ne, %rem3A_678, %ne3A_679 : i32
        %lt3A_681 = arith.constant 0 : i32
        %lt3A_682 = arith.cmpi slt, %rem3A_678, %lt3A_681 : i32
        %lt3A_683 = arith.constant 0 : i32
        %lt3A_684 = arith.cmpi slt, %select_n3A_677, %lt3A_683 : i32
        %ne3A_685 = arith.xori %lt3A_682, %lt3A_684 : i1
        %and3A_686 = arith.andi %ne3A_685, %ne3A_680 : i1
        %add3A_687 = arith.addi %rem3A_678, %select_n3A_677 : i32
        %select_n3A_688 = arith.select %and3A_686, %add3A_687, %rem3A_678 : i32
        %dma_start3A_689 = arith.constant 0 : i32
        %dma_start3A_690 = tpu.memref_slice %arg7[%select_n3A_672, %dma_start3A_689] : memref<8x80xi32, #tpu.memory_space<vmem>> -> memref<1x80xi32, #tpu.memory_space<vmem>>
        %dma_start3A_691 = tpu.memref_squeeze %dma_start3A_690 : memref<1x80xi32, #tpu.memory_space<vmem>> -> memref<80xi32, #tpu.memory_space<vmem>>
        %dma_start3A_692 = tpu.memref_slice %arg3[%mul3A_656] : memref<320000xi32, #tpu.memory_space<hbm>> -> memref<80xi32, #tpu.memory_space<hbm>>
        %dma_start3A_693 = tpu.memref_slice %arg10[%select_n3A_688] : memref<8x!tpu.dma_semaphore, #tpu.memory_space<semaphore_mem>> -> memref<1x!tpu.dma_semaphore, #tpu.memory_space<semaphore_mem>>
        %dma_start3A_694 = tpu.memref_squeeze %dma_start3A_693 : memref<1x!tpu.dma_semaphore, #tpu.memory_space<semaphore_mem>> -> memref<!tpu.dma_semaphore, #tpu.memory_space<semaphore_mem>>
        %dma_start3A_695 = arith.constant 0 : i32
        %dma_start3A_696 = tpu.memref_slice %arg7[%select_n3A_672, %dma_start3A_695] : memref<8x80xi32, #tpu.memory_space<vmem>> -> memref<1x80xi32, #tpu.memory_space<vmem>>
        %dma_start3A_697 = tpu.memref_squeeze %dma_start3A_696 : memref<1x80xi32, #tpu.memory_space<vmem>> -> memref<80xi32, #tpu.memory_space<vmem>>
        %dma_start3A_698 = tpu.memref_slice %arg3[%mul3A_656] : memref<320000xi32, #tpu.memory_space<hbm>> -> memref<80xi32, #tpu.memory_space<hbm>>
        tpu.enqueue_dma source(%dma_start3A_698 : memref<80xi32, #tpu.memory_space<hbm>>) target(%dma_start3A_697 : memref<80xi32, #tpu.memory_space<vmem>>) target_semaphore(%dma_start3A_694 : memref<!tpu.dma_semaphore, #tpu.memory_space<semaphore_mem>>)
        %add3A_699 = arith.addi %mul3A_2, %add3A_653 : i32
        %mul3A_700 = arith.constant 80 : i32
        %mul3A_701 = arith.muli %add3A_699, %mul3A_700 : i32
        %jit3A_702 = arith.constant 8 : i32
        %eq3A_703 = arith.constant 0 : i32
        %eq3A_704 = arith.cmpi eq, %jit3A_702, %eq3A_703 : i32
        %jit3A_705 = arith.constant 1 : i32
        %select_n3A_706 = arith.select %eq3A_704, %jit3A_705, %jit3A_702 : i32
        %rem3A_707 = arith.remsi %add3A_653, %select_n3A_706 : i32
        %ne3A_708 = arith.constant 0 : i32
        %ne3A_709 = arith.cmpi ne, %rem3A_707, %ne3A_708 : i32
        %lt3A_710 = arith.constant 0 : i32
        %lt3A_711 = arith.cmpi slt, %rem3A_707, %lt3A_710 : i32
        %lt3A_712 = arith.constant 0 : i32
        %lt3A_713 = arith.cmpi slt, %select_n3A_706, %lt3A_712 : i32
        %ne3A_714 = arith.xori %lt3A_711, %lt3A_713 : i1
        %and3A_715 = arith.andi %ne3A_714, %ne3A_709 : i1
        %add3A_716 = arith.addi %rem3A_707, %select_n3A_706 : i32
        %select_n3A_717 = arith.select %and3A_715, %add3A_716, %rem3A_707 : i32
        %jit3A_718 = arith.constant 4 : i32
        %eq3A_719 = arith.constant 0 : i32
        %eq3A_720 = arith.cmpi eq, %jit3A_718, %eq3A_719 : i32
        %jit3A_721 = arith.constant 1 : i32
        %select_n3A_722 = arith.select %eq3A_720, %jit3A_721, %jit3A_718 : i32
        %rem3A_723 = arith.remsi %add3A_653, %select_n3A_722 : i32
        %ne3A_724 = arith.constant 0 : i32
        %ne3A_725 = arith.cmpi ne, %rem3A_723, %ne3A_724 : i32
        %lt3A_726 = arith.constant 0 : i32
        %lt3A_727 = arith.cmpi slt, %rem3A_723, %lt3A_726 : i32
        %lt3A_728 = arith.constant 0 : i32
        %lt3A_729 = arith.cmpi slt, %select_n3A_722, %lt3A_728 : i32
        %ne3A_730 = arith.xori %lt3A_727, %lt3A_729 : i1
        %and3A_731 = arith.andi %ne3A_730, %ne3A_725 : i1
        %add3A_732 = arith.addi %rem3A_723, %select_n3A_722 : i32
        %select_n3A_733 = arith.select %and3A_731, %add3A_732, %rem3A_723 : i32
        %dma_start3A_734 = arith.constant 0 : i32
        %dma_start3A_735 = tpu.memref_slice %arg8[%select_n3A_717, %dma_start3A_734] : memref<8x80xi32, #tpu.memory_space<vmem>> -> memref<1x80xi32, #tpu.memory_space<vmem>>
        %dma_start3A_736 = tpu.memref_squeeze %dma_start3A_735 : memref<1x80xi32, #tpu.memory_space<vmem>> -> memref<80xi32, #tpu.memory_space<vmem>>
        %dma_start3A_737 = tpu.memref_slice %arg4[%mul3A_701] : memref<320000xi32, #tpu.memory_space<hbm>> -> memref<80xi32, #tpu.memory_space<hbm>>
        %dma_start3A_738 = tpu.memref_slice %arg10[%select_n3A_733] : memref<8x!tpu.dma_semaphore, #tpu.memory_space<semaphore_mem>> -> memref<1x!tpu.dma_semaphore, #tpu.memory_space<semaphore_mem>>
        %dma_start3A_739 = tpu.memref_squeeze %dma_start3A_738 : memref<1x!tpu.dma_semaphore, #tpu.memory_space<semaphore_mem>> -> memref<!tpu.dma_semaphore, #tpu.memory_space<semaphore_mem>>
        %dma_start3A_740 = arith.constant 0 : i32
        %dma_start3A_741 = tpu.memref_slice %arg8[%select_n3A_717, %dma_start3A_740] : memref<8x80xi32, #tpu.memory_space<vmem>> -> memref<1x80xi32, #tpu.memory_space<vmem>>
        %dma_start3A_742 = tpu.memref_squeeze %dma_start3A_741 : memref<1x80xi32, #tpu.memory_space<vmem>> -> memref<80xi32, #tpu.memory_space<vmem>>
        %dma_start3A_743 = tpu.memref_slice %arg4[%mul3A_701] : memref<320000xi32, #tpu.memory_space<hbm>> -> memref<80xi32, #tpu.memory_space<hbm>>
        tpu.enqueue_dma source(%dma_start3A_743 : memref<80xi32, #tpu.memory_space<hbm>>) target(%dma_start3A_742 : memref<80xi32, #tpu.memory_space<vmem>>) target_semaphore(%dma_start3A_739 : memref<!tpu.dma_semaphore, #tpu.memory_space<semaphore_mem>>)
      } else {
      }
      %add3A_571 = arith.constant 3 : i32
      %add3A_572 = arith.addi %add3A_337, %add3A_571 : i32
      %jit3A_573 = arith.constant 8 : i32
      %eq3A_574 = arith.constant 0 : i32
      %eq3A_575 = arith.cmpi eq, %jit3A_573, %eq3A_574 : i32
      %jit3A_576 = arith.constant 1 : i32
      %select_n3A_577 = arith.select %eq3A_575, %jit3A_576, %jit3A_573 : i32
      %rem3A_578 = arith.remsi %add3A_572, %select_n3A_577 : i32
      %ne3A_579 = arith.constant 0 : i32
      %ne3A_580 = arith.cmpi ne, %rem3A_578, %ne3A_579 : i32
      %lt3A_581 = arith.constant 0 : i32
      %lt3A_582 = arith.cmpi slt, %rem3A_578, %lt3A_581 : i32
      %lt3A_583 = arith.constant 0 : i32
      %lt3A_584 = arith.cmpi slt, %select_n3A_577, %lt3A_583 : i32
      %ne3A_585 = arith.xori %lt3A_582, %lt3A_584 : i1
      %and3A_586 = arith.andi %ne3A_585, %ne3A_580 : i1
      %add3A_587 = arith.addi %rem3A_578, %select_n3A_577 : i32
      %select_n3A_588 = arith.select %and3A_586, %add3A_587, %rem3A_578 : i32
      %dma_wait3A_589 = arith.constant 3 : i32
      %dma_wait3A_590 = arith.constant 3 : i32
      %dma_wait3A_591 = arith.constant 0 : i32
      %dma_wait3A_592 = arith.constant 0 : i32
      %dma_wait3A_593 = tpu.memref_slice %arg9[%dma_wait3A_589, %dma_wait3A_591, %dma_wait3A_592] : memref<4x80x128xf32, #tpu.memory_space<vmem>> -> memref<1x80x128xf32, #tpu.memory_space<vmem>>
      %dma_wait3A_594 = tpu.memref_squeeze %dma_wait3A_593 : memref<1x80x128xf32, #tpu.memory_space<vmem>> -> memref<80x128xf32, #tpu.memory_space<vmem>>
      %dma_wait3A_595 = arith.constant 0 : i32
      %dma_wait3A_596 = tpu.memref_slice %arg7[%select_n3A_588, %dma_wait3A_595] : memref<8x80xi32, #tpu.memory_space<vmem>> -> memref<1x80xi32, #tpu.memory_space<vmem>>
      %dma_wait3A_597 = tpu.memref_squeeze %dma_wait3A_596 : memref<1x80xi32, #tpu.memory_space<vmem>> -> memref<80xi32, #tpu.memory_space<vmem>>
      %dma_wait3A_598 = arith.constant 0 : i32
      %dma_wait3A_599 = arith.constant 0 : i32
      %dma_wait3A_600 = tpu.memref_slice %arg2[%dma_wait3A_598, %dma_wait3A_599] : memref<10000x128xf32, #tpu.memory_space<hbm>> -> memref<10000x128xf32, #tpu.memory_space<hbm>>
      %dma_wait3A_601 = tpu.memref_slice %arg11[%dma_wait3A_590] : memref<4x!tpu.dma_semaphore, #tpu.memory_space<semaphore_mem>> -> memref<1x!tpu.dma_semaphore, #tpu.memory_space<semaphore_mem>>
      %dma_wait3A_602 = tpu.memref_squeeze %dma_wait3A_601 : memref<1x!tpu.dma_semaphore, #tpu.memory_space<semaphore_mem>> -> memref<!tpu.dma_semaphore, #tpu.memory_space<semaphore_mem>>
      tpu.wait_indirect_dma semaphore(%dma_wait3A_602 : memref<!tpu.dma_semaphore, #tpu.memory_space<semaphore_mem>>) src(%dma_wait3A_600 : memref<10000x128xf32, #tpu.memory_space<hbm>>) dst(%dma_wait3A_594 : memref<80x128xf32, #tpu.memory_space<vmem>>)
      %jit3A_603 = arith.constant 8 : i32
      %eq3A_604 = arith.constant 0 : i32
      %eq3A_605 = arith.cmpi eq, %jit3A_603, %eq3A_604 : i32
      %jit3A_606 = arith.constant 1 : i32
      %select_n3A_607 = arith.select %eq3A_605, %jit3A_606, %jit3A_603 : i32
      %rem3A_608 = arith.remsi %add3A_572, %select_n3A_607 : i32
      %ne3A_609 = arith.constant 0 : i32
      %ne3A_610 = arith.cmpi ne, %rem3A_608, %ne3A_609 : i32
      %lt3A_611 = arith.constant 0 : i32
      %lt3A_612 = arith.cmpi slt, %rem3A_608, %lt3A_611 : i32
      %lt3A_613 = arith.constant 0 : i32
      %lt3A_614 = arith.cmpi slt, %select_n3A_607, %lt3A_613 : i32
      %ne3A_615 = arith.xori %lt3A_612, %lt3A_614 : i1
      %and3A_616 = arith.andi %ne3A_615, %ne3A_610 : i1
      %add3A_617 = arith.addi %rem3A_608, %select_n3A_607 : i32
      %select_n3A_618 = arith.select %and3A_616, %add3A_617, %rem3A_608 : i32
      %dma_start3A_619 = arith.constant 3 : i32
      %dma_start3A_620 = arith.constant 3 : i32
      %dma_start3A_621 = arith.constant 0 : i32
      %dma_start3A_622 = arith.constant 0 : i32
      %dma_start3A_623 = tpu.memref_slice %arg9[%dma_start3A_619, %dma_start3A_621, %dma_start3A_622] : memref<4x80x128xf32, #tpu.memory_space<vmem>> -> memref<1x80x128xf32, #tpu.memory_space<vmem>>
      %dma_start3A_624 = tpu.memref_squeeze %dma_start3A_623 : memref<1x80x128xf32, #tpu.memory_space<vmem>> -> memref<80x128xf32, #tpu.memory_space<vmem>>
      %dma_start3A_625 = arith.constant 0 : i32
      %dma_start3A_626 = tpu.memref_slice %arg8[%select_n3A_618, %dma_start3A_625] : memref<8x80xi32, #tpu.memory_space<vmem>> -> memref<1x80xi32, #tpu.memory_space<vmem>>
      %dma_start3A_627 = tpu.memref_squeeze %dma_start3A_626 : memref<1x80xi32, #tpu.memory_space<vmem>> -> memref<80xi32, #tpu.memory_space<vmem>>
      %dma_start3A_628 = arith.constant 0 : i32
      %dma_start3A_629 = arith.constant 0 : i32
      %dma_start3A_630 = tpu.memref_slice %arg13[%dma_start3A_628, %dma_start3A_629] : memref<10112x128xf32, #tpu.memory_space<vmem_shared>> -> memref<10112x128xf32, #tpu.memory_space<vmem_shared>>
      %dma_start3A_631 = tpu.memref_slice %arg12[%dma_start3A_620] : memref<4x!tpu.dma_semaphore, #tpu.memory_space<semaphore_mem>> -> memref<1x!tpu.dma_semaphore, #tpu.memory_space<semaphore_mem>>
      %dma_start3A_632 = tpu.memref_squeeze %dma_start3A_631 : memref<1x!tpu.dma_semaphore, #tpu.memory_space<semaphore_mem>> -> memref<!tpu.dma_semaphore, #tpu.memory_space<semaphore_mem>>
      tpu.enqueue_indirect_dma source(%dma_start3A_624 : memref<80x128xf32, #tpu.memory_space<vmem>>) target(%dma_start3A_630 : memref<10112x128xf32, #tpu.memory_space<vmem_shared>>) offsets(%dma_start3A_627 : memref<80xi32, #tpu.memory_space<vmem>>) semaphore(%dma_start3A_632 : memref<!tpu.dma_semaphore, #tpu.memory_space<semaphore_mem>>) {add = true}
      %ge3A_633 = arith.constant 1 : i32
      %ge3A_634 = arith.cmpi sge, %add3A_572, %ge3A_633 : i32
      %convert_element_type3A_635 = arith.extui %ge3A_634 : i1 to i32
      %cond3A_636 = arith.constant 0 : i32
      %cond3A_637 = arith.cmpi ne, %convert_element_type3A_635, %cond3A_636 : i32
      scf.if %cond3A_637 {
        %sub3A = arith.constant 1 : i32
        %sub3A_652 = arith.subi %add3A_572, %sub3A : i32
        %jit3A_653 = arith.constant 8 : i32
        %eq3A_654 = arith.constant 0 : i32
        %eq3A_655 = arith.cmpi eq, %jit3A_653, %eq3A_654 : i32
        %jit3A_656 = arith.constant 1 : i32
        %select_n3A_657 = arith.select %eq3A_655, %jit3A_656, %jit3A_653 : i32
        %rem3A_658 = arith.remsi %sub3A_652, %select_n3A_657 : i32
        %ne3A_659 = arith.constant 0 : i32
        %ne3A_660 = arith.cmpi ne, %rem3A_658, %ne3A_659 : i32
        %lt3A_661 = arith.constant 0 : i32
        %lt3A_662 = arith.cmpi slt, %rem3A_658, %lt3A_661 : i32
        %lt3A_663 = arith.constant 0 : i32
        %lt3A_664 = arith.cmpi slt, %select_n3A_657, %lt3A_663 : i32
        %ne3A_665 = arith.xori %lt3A_662, %lt3A_664 : i1
        %and3A_666 = arith.andi %ne3A_665, %ne3A_660 : i1
        %add3A_667 = arith.addi %rem3A_658, %select_n3A_657 : i32
        %select_n3A_668 = arith.select %and3A_666, %add3A_667, %rem3A_658 : i32
        %dma_wait3A_669 = arith.constant 2 : i32
        %dma_wait3A_670 = arith.constant 2 : i32
        %dma_wait3A_671 = arith.constant 0 : i32
        %dma_wait3A_672 = arith.constant 0 : i32
        %dma_wait3A_673 = tpu.memref_slice %arg9[%dma_wait3A_669, %dma_wait3A_671, %dma_wait3A_672] : memref<4x80x128xf32, #tpu.memory_space<vmem>> -> memref<1x80x128xf32, #tpu.memory_space<vmem>>
        %dma_wait3A_674 = tpu.memref_squeeze %dma_wait3A_673 : memref<1x80x128xf32, #tpu.memory_space<vmem>> -> memref<80x128xf32, #tpu.memory_space<vmem>>
        %dma_wait3A_675 = arith.constant 0 : i32
        %dma_wait3A_676 = tpu.memref_slice %arg8[%select_n3A_668, %dma_wait3A_675] : memref<8x80xi32, #tpu.memory_space<vmem>> -> memref<1x80xi32, #tpu.memory_space<vmem>>
        %dma_wait3A_677 = tpu.memref_squeeze %dma_wait3A_676 : memref<1x80xi32, #tpu.memory_space<vmem>> -> memref<80xi32, #tpu.memory_space<vmem>>
        %dma_wait3A_678 = arith.constant 0 : i32
        %dma_wait3A_679 = arith.constant 0 : i32
        %dma_wait3A_680 = tpu.memref_slice %arg13[%dma_wait3A_678, %dma_wait3A_679] : memref<10112x128xf32, #tpu.memory_space<vmem_shared>> -> memref<10112x128xf32, #tpu.memory_space<vmem_shared>>
        %dma_wait3A_681 = tpu.memref_slice %arg12[%dma_wait3A_670] : memref<4x!tpu.dma_semaphore, #tpu.memory_space<semaphore_mem>> -> memref<1x!tpu.dma_semaphore, #tpu.memory_space<semaphore_mem>>
        %dma_wait3A_682 = tpu.memref_squeeze %dma_wait3A_681 : memref<1x!tpu.dma_semaphore, #tpu.memory_space<semaphore_mem>> -> memref<!tpu.dma_semaphore, #tpu.memory_space<semaphore_mem>>
        tpu.wait_indirect_dma semaphore(%dma_wait3A_682 : memref<!tpu.dma_semaphore, #tpu.memory_space<semaphore_mem>>) src(%dma_wait3A_674 : memref<80x128xf32, #tpu.memory_space<vmem>>) dst(%dma_wait3A_680 : memref<10112x128xf32, #tpu.memory_space<vmem_shared>>)
      } else {
      }
      %add3A_638 = arith.constant 3 : i32
      %add3A_639 = arith.addi %add3A_572, %add3A_638 : i32
      %lt3A_640 = arith.constant 124 : i32
      %lt3A_641 = arith.cmpi slt, %add3A_639, %lt3A_640 : i32
      %convert_element_type3A_642 = arith.extui %lt3A_641 : i1 to i32
      %cond3A_643 = arith.constant 0 : i32
      %cond3A_644 = arith.cmpi ne, %convert_element_type3A_642, %cond3A_643 : i32
      scf.if %cond3A_644 {
        %add3A_652 = arith.constant 3 : i32
        %add3A_653 = arith.addi %add3A_572, %add3A_652 : i32
        %add3A_654 = arith.addi %mul3A_2, %add3A_653 : i32
        %mul3A_655 = arith.constant 80 : i32
        %mul3A_656 = arith.muli %add3A_654, %mul3A_655 : i32
        %jit3A_657 = arith.constant 8 : i32
        %eq3A_658 = arith.constant 0 : i32
        %eq3A_659 = arith.cmpi eq, %jit3A_657, %eq3A_658 : i32
        %jit3A_660 = arith.constant 1 : i32
        %select_n3A_661 = arith.select %eq3A_659, %jit3A_660, %jit3A_657 : i32
        %rem3A_662 = arith.remsi %add3A_653, %select_n3A_661 : i32
        %ne3A_663 = arith.constant 0 : i32
        %ne3A_664 = arith.cmpi ne, %rem3A_662, %ne3A_663 : i32
        %lt3A_665 = arith.constant 0 : i32
        %lt3A_666 = arith.cmpi slt, %rem3A_662, %lt3A_665 : i32
        %lt3A_667 = arith.constant 0 : i32
        %lt3A_668 = arith.cmpi slt, %select_n3A_661, %lt3A_667 : i32
        %ne3A_669 = arith.xori %lt3A_666, %lt3A_668 : i1
        %and3A_670 = arith.andi %ne3A_669, %ne3A_664 : i1
        %add3A_671 = arith.addi %rem3A_662, %select_n3A_661 : i32
        %select_n3A_672 = arith.select %and3A_670, %add3A_671, %rem3A_662 : i32
        %jit3A_673 = arith.constant 4 : i32
        %eq3A_674 = arith.constant 0 : i32
        %eq3A_675 = arith.cmpi eq, %jit3A_673, %eq3A_674 : i32
        %jit3A_676 = arith.constant 1 : i32
        %select_n3A_677 = arith.select %eq3A_675, %jit3A_676, %jit3A_673 : i32
        %rem3A_678 = arith.remsi %add3A_653, %select_n3A_677 : i32
        %ne3A_679 = arith.constant 0 : i32
        %ne3A_680 = arith.cmpi ne, %rem3A_678, %ne3A_679 : i32
        %lt3A_681 = arith.constant 0 : i32
        %lt3A_682 = arith.cmpi slt, %rem3A_678, %lt3A_681 : i32
        %lt3A_683 = arith.constant 0 : i32
        %lt3A_684 = arith.cmpi slt, %select_n3A_677, %lt3A_683 : i32
        %ne3A_685 = arith.xori %lt3A_682, %lt3A_684 : i1
        %and3A_686 = arith.andi %ne3A_685, %ne3A_680 : i1
        %add3A_687 = arith.addi %rem3A_678, %select_n3A_677 : i32
        %select_n3A_688 = arith.select %and3A_686, %add3A_687, %rem3A_678 : i32
        %dma_wait3A_689 = arith.constant 0 : i32
        %dma_wait3A_690 = tpu.memref_slice %arg7[%select_n3A_672, %dma_wait3A_689] : memref<8x80xi32, #tpu.memory_space<vmem>> -> memref<1x80xi32, #tpu.memory_space<vmem>>
        %dma_wait3A_691 = tpu.memref_squeeze %dma_wait3A_690 : memref<1x80xi32, #tpu.memory_space<vmem>> -> memref<80xi32, #tpu.memory_space<vmem>>
        %dma_wait3A_692 = tpu.memref_slice %arg3[%mul3A_656] : memref<320000xi32, #tpu.memory_space<hbm>> -> memref<80xi32, #tpu.memory_space<hbm>>
        %dma_wait3A_693 = tpu.memref_slice %arg10[%select_n3A_688] : memref<8x!tpu.dma_semaphore, #tpu.memory_space<semaphore_mem>> -> memref<1x!tpu.dma_semaphore, #tpu.memory_space<semaphore_mem>>
        %dma_wait3A_694 = tpu.memref_squeeze %dma_wait3A_693 : memref<1x!tpu.dma_semaphore, #tpu.memory_space<semaphore_mem>> -> memref<!tpu.dma_semaphore, #tpu.memory_space<semaphore_mem>>
        %dma_wait3A_695 = arith.constant 0 : i32
        %dma_wait3A_696 = tpu.memref_slice %arg7[%select_n3A_672, %dma_wait3A_695] : memref<8x80xi32, #tpu.memory_space<vmem>> -> memref<1x80xi32, #tpu.memory_space<vmem>>
        %dma_wait3A_697 = tpu.memref_squeeze %dma_wait3A_696 : memref<1x80xi32, #tpu.memory_space<vmem>> -> memref<80xi32, #tpu.memory_space<vmem>>
        %dma_wait3A_698 = tpu.memref_slice %arg3[%mul3A_656] : memref<320000xi32, #tpu.memory_space<hbm>> -> memref<80xi32, #tpu.memory_space<hbm>>
        tpu.wait_dma2 semaphore(%dma_wait3A_694 : memref<!tpu.dma_semaphore, #tpu.memory_space<semaphore_mem>>) src(%dma_wait3A_698 : memref<80xi32, #tpu.memory_space<hbm>>) dst(%dma_wait3A_697 : memref<80xi32, #tpu.memory_space<vmem>>)
        %add3A_699 = arith.addi %mul3A_2, %add3A_653 : i32
        %mul3A_700 = arith.constant 80 : i32
        %mul3A_701 = arith.muli %add3A_699, %mul3A_700 : i32
        %jit3A_702 = arith.constant 8 : i32
        %eq3A_703 = arith.constant 0 : i32
        %eq3A_704 = arith.cmpi eq, %jit3A_702, %eq3A_703 : i32
        %jit3A_705 = arith.constant 1 : i32
        %select_n3A_706 = arith.select %eq3A_704, %jit3A_705, %jit3A_702 : i32
        %rem3A_707 = arith.remsi %add3A_653, %select_n3A_706 : i32
        %ne3A_708 = arith.constant 0 : i32
        %ne3A_709 = arith.cmpi ne, %rem3A_707, %ne3A_708 : i32
        %lt3A_710 = arith.constant 0 : i32
        %lt3A_711 = arith.cmpi slt, %rem3A_707, %lt3A_710 : i32
        %lt3A_712 = arith.constant 0 : i32
        %lt3A_713 = arith.cmpi slt, %select_n3A_706, %lt3A_712 : i32
        %ne3A_714 = arith.xori %lt3A_711, %lt3A_713 : i1
        %and3A_715 = arith.andi %ne3A_714, %ne3A_709 : i1
        %add3A_716 = arith.addi %rem3A_707, %select_n3A_706 : i32
        %select_n3A_717 = arith.select %and3A_715, %add3A_716, %rem3A_707 : i32
        %jit3A_718 = arith.constant 4 : i32
        %eq3A_719 = arith.constant 0 : i32
        %eq3A_720 = arith.cmpi eq, %jit3A_718, %eq3A_719 : i32
        %jit3A_721 = arith.constant 1 : i32
        %select_n3A_722 = arith.select %eq3A_720, %jit3A_721, %jit3A_718 : i32
        %rem3A_723 = arith.remsi %add3A_653, %select_n3A_722 : i32
        %ne3A_724 = arith.constant 0 : i32
        %ne3A_725 = arith.cmpi ne, %rem3A_723, %ne3A_724 : i32
        %lt3A_726 = arith.constant 0 : i32
        %lt3A_727 = arith.cmpi slt, %rem3A_723, %lt3A_726 : i32
        %lt3A_728 = arith.constant 0 : i32
        %lt3A_729 = arith.cmpi slt, %select_n3A_722, %lt3A_728 : i32
        %ne3A_730 = arith.xori %lt3A_727, %lt3A_729 : i1
        %and3A_731 = arith.andi %ne3A_730, %ne3A_725 : i1
        %add3A_732 = arith.addi %rem3A_723, %select_n3A_722 : i32
        %select_n3A_733 = arith.select %and3A_731, %add3A_732, %rem3A_723 : i32
        %dma_wait3A_734 = arith.constant 0 : i32
        %dma_wait3A_735 = tpu.memref_slice %arg8[%select_n3A_717, %dma_wait3A_734] : memref<8x80xi32, #tpu.memory_space<vmem>> -> memref<1x80xi32, #tpu.memory_space<vmem>>
        %dma_wait3A_736 = tpu.memref_squeeze %dma_wait3A_735 : memref<1x80xi32, #tpu.memory_space<vmem>> -> memref<80xi32, #tpu.memory_space<vmem>>
        %dma_wait3A_737 = tpu.memref_slice %arg4[%mul3A_701] : memref<320000xi32, #tpu.memory_space<hbm>> -> memref<80xi32, #tpu.memory_space<hbm>>
        %dma_wait3A_738 = tpu.memref_slice %arg10[%select_n3A_733] : memref<8x!tpu.dma_semaphore, #tpu.memory_space<semaphore_mem>> -> memref<1x!tpu.dma_semaphore, #tpu.memory_space<semaphore_mem>>
        %dma_wait3A_739 = tpu.memref_squeeze %dma_wait3A_738 : memref<1x!tpu.dma_semaphore, #tpu.memory_space<semaphore_mem>> -> memref<!tpu.dma_semaphore, #tpu.memory_space<semaphore_mem>>
        %dma_wait3A_740 = arith.constant 0 : i32
        %dma_wait3A_741 = tpu.memref_slice %arg8[%select_n3A_717, %dma_wait3A_740] : memref<8x80xi32, #tpu.memory_space<vmem>> -> memref<1x80xi32, #tpu.memory_space<vmem>>
        %dma_wait3A_742 = tpu.memref_squeeze %dma_wait3A_741 : memref<1x80xi32, #tpu.memory_space<vmem>> -> memref<80xi32, #tpu.memory_space<vmem>>
        %dma_wait3A_743 = tpu.memref_slice %arg4[%mul3A_701] : memref<320000xi32, #tpu.memory_space<hbm>> -> memref<80xi32, #tpu.memory_space<hbm>>
        tpu.wait_dma2 semaphore(%dma_wait3A_739 : memref<!tpu.dma_semaphore, #tpu.memory_space<semaphore_mem>>) src(%dma_wait3A_743 : memref<80xi32, #tpu.memory_space<hbm>>) dst(%dma_wait3A_742 : memref<80xi32, #tpu.memory_space<vmem>>)
        %add3A_744 = arith.constant 3 : i32
        %add3A_745 = arith.addi %add3A_572, %add3A_744 : i32
        %jit3A_746 = arith.constant 8 : i32
        %eq3A_747 = arith.constant 0 : i32
        %eq3A_748 = arith.cmpi eq, %jit3A_746, %eq3A_747 : i32
        %jit3A_749 = arith.constant 1 : i32
        %select_n3A_750 = arith.select %eq3A_748, %jit3A_749, %jit3A_746 : i32
        %rem3A_751 = arith.remsi %add3A_745, %select_n3A_750 : i32
        %ne3A_752 = arith.constant 0 : i32
        %ne3A_753 = arith.cmpi ne, %rem3A_751, %ne3A_752 : i32
        %lt3A_754 = arith.constant 0 : i32
        %lt3A_755 = arith.cmpi slt, %rem3A_751, %lt3A_754 : i32
        %lt3A_756 = arith.constant 0 : i32
        %lt3A_757 = arith.cmpi slt, %select_n3A_750, %lt3A_756 : i32
        %ne3A_758 = arith.xori %lt3A_755, %lt3A_757 : i1
        %and3A_759 = arith.andi %ne3A_758, %ne3A_753 : i1
        %add3A_760 = arith.addi %rem3A_751, %select_n3A_750 : i32
        %select_n3A_761 = arith.select %and3A_759, %add3A_760, %rem3A_751 : i32
        %dma_start3A_762 = arith.constant 2 : i32
        %dma_start3A_763 = arith.constant 2 : i32
        %dma_start3A_764 = arith.constant 0 : i32
        %dma_start3A_765 = arith.constant 0 : i32
        %dma_start3A_766 = tpu.memref_slice %arg9[%dma_start3A_762, %dma_start3A_764, %dma_start3A_765] : memref<4x80x128xf32, #tpu.memory_space<vmem>> -> memref<1x80x128xf32, #tpu.memory_space<vmem>>
        %dma_start3A_767 = tpu.memref_squeeze %dma_start3A_766 : memref<1x80x128xf32, #tpu.memory_space<vmem>> -> memref<80x128xf32, #tpu.memory_space<vmem>>
        %dma_start3A_768 = arith.constant 0 : i32
        %dma_start3A_769 = tpu.memref_slice %arg7[%select_n3A_761, %dma_start3A_768] : memref<8x80xi32, #tpu.memory_space<vmem>> -> memref<1x80xi32, #tpu.memory_space<vmem>>
        %dma_start3A_770 = tpu.memref_squeeze %dma_start3A_769 : memref<1x80xi32, #tpu.memory_space<vmem>> -> memref<80xi32, #tpu.memory_space<vmem>>
        %dma_start3A_771 = arith.constant 0 : i32
        %dma_start3A_772 = arith.constant 0 : i32
        %dma_start3A_773 = tpu.memref_slice %arg2[%dma_start3A_771, %dma_start3A_772] : memref<10000x128xf32, #tpu.memory_space<hbm>> -> memref<10000x128xf32, #tpu.memory_space<hbm>>
        %dma_start3A_774 = tpu.memref_slice %arg11[%dma_start3A_763] : memref<4x!tpu.dma_semaphore, #tpu.memory_space<semaphore_mem>> -> memref<1x!tpu.dma_semaphore, #tpu.memory_space<semaphore_mem>>
        %dma_start3A_775 = tpu.memref_squeeze %dma_start3A_774 : memref<1x!tpu.dma_semaphore, #tpu.memory_space<semaphore_mem>> -> memref<!tpu.dma_semaphore, #tpu.memory_space<semaphore_mem>>
        tpu.enqueue_indirect_dma source(%dma_start3A_773 : memref<10000x128xf32, #tpu.memory_space<hbm>>) target(%dma_start3A_767 : memref<80x128xf32, #tpu.memory_space<vmem>>) offsets(%dma_start3A_770 : memref<80xi32, #tpu.memory_space<vmem>>) semaphore(%dma_start3A_775 : memref<!tpu.dma_semaphore, #tpu.memory_space<semaphore_mem>>)
      } else {
      }
      %add3A_645 = arith.constant 4 : i32
      %add3A_646 = arith.addi %add3A_572, %add3A_645 : i32
      %lt3A_647 = arith.constant 124 : i32
      %lt3A_648 = arith.cmpi slt, %add3A_646, %lt3A_647 : i32
      %convert_element_type3A_649 = arith.extui %lt3A_648 : i1 to i32
      %cond3A_650 = arith.constant 0 : i32
      %cond3A_651 = arith.cmpi ne, %convert_element_type3A_649, %cond3A_650 : i32
      scf.if %cond3A_651 {
        %add3A_652 = arith.constant 4 : i32
        %add3A_653 = arith.addi %add3A_572, %add3A_652 : i32
        %add3A_654 = arith.addi %mul3A_2, %add3A_653 : i32
        %mul3A_655 = arith.constant 80 : i32
        %mul3A_656 = arith.muli %add3A_654, %mul3A_655 : i32
        %jit3A_657 = arith.constant 8 : i32
        %eq3A_658 = arith.constant 0 : i32
        %eq3A_659 = arith.cmpi eq, %jit3A_657, %eq3A_658 : i32
        %jit3A_660 = arith.constant 1 : i32
        %select_n3A_661 = arith.select %eq3A_659, %jit3A_660, %jit3A_657 : i32
        %rem3A_662 = arith.remsi %add3A_653, %select_n3A_661 : i32
        %ne3A_663 = arith.constant 0 : i32
        %ne3A_664 = arith.cmpi ne, %rem3A_662, %ne3A_663 : i32
        %lt3A_665 = arith.constant 0 : i32
        %lt3A_666 = arith.cmpi slt, %rem3A_662, %lt3A_665 : i32
        %lt3A_667 = arith.constant 0 : i32
        %lt3A_668 = arith.cmpi slt, %select_n3A_661, %lt3A_667 : i32
        %ne3A_669 = arith.xori %lt3A_666, %lt3A_668 : i1
        %and3A_670 = arith.andi %ne3A_669, %ne3A_664 : i1
        %add3A_671 = arith.addi %rem3A_662, %select_n3A_661 : i32
        %select_n3A_672 = arith.select %and3A_670, %add3A_671, %rem3A_662 : i32
        %jit3A_673 = arith.constant 4 : i32
        %eq3A_674 = arith.constant 0 : i32
        %eq3A_675 = arith.cmpi eq, %jit3A_673, %eq3A_674 : i32
        %jit3A_676 = arith.constant 1 : i32
        %select_n3A_677 = arith.select %eq3A_675, %jit3A_676, %jit3A_673 : i32
        %rem3A_678 = arith.remsi %add3A_653, %select_n3A_677 : i32
        %ne3A_679 = arith.constant 0 : i32
        %ne3A_680 = arith.cmpi ne, %rem3A_678, %ne3A_679 : i32
        %lt3A_681 = arith.constant 0 : i32
        %lt3A_682 = arith.cmpi slt, %rem3A_678, %lt3A_681 : i32
        %lt3A_683 = arith.constant 0 : i32
        %lt3A_684 = arith.cmpi slt, %select_n3A_677, %lt3A_683 : i32
        %ne3A_685 = arith.xori %lt3A_682, %lt3A_684 : i1
        %and3A_686 = arith.andi %ne3A_685, %ne3A_680 : i1
        %add3A_687 = arith.addi %rem3A_678, %select_n3A_677 : i32
        %select_n3A_688 = arith.select %and3A_686, %add3A_687, %rem3A_678 : i32
        %dma_start3A_689 = arith.constant 0 : i32
        %dma_start3A_690 = tpu.memref_slice %arg7[%select_n3A_672, %dma_start3A_689] : memref<8x80xi32, #tpu.memory_space<vmem>> -> memref<1x80xi32, #tpu.memory_space<vmem>>
        %dma_start3A_691 = tpu.memref_squeeze %dma_start3A_690 : memref<1x80xi32, #tpu.memory_space<vmem>> -> memref<80xi32, #tpu.memory_space<vmem>>
        %dma_start3A_692 = tpu.memref_slice %arg3[%mul3A_656] : memref<320000xi32, #tpu.memory_space<hbm>> -> memref<80xi32, #tpu.memory_space<hbm>>
        %dma_start3A_693 = tpu.memref_slice %arg10[%select_n3A_688] : memref<8x!tpu.dma_semaphore, #tpu.memory_space<semaphore_mem>> -> memref<1x!tpu.dma_semaphore, #tpu.memory_space<semaphore_mem>>
        %dma_start3A_694 = tpu.memref_squeeze %dma_start3A_693 : memref<1x!tpu.dma_semaphore, #tpu.memory_space<semaphore_mem>> -> memref<!tpu.dma_semaphore, #tpu.memory_space<semaphore_mem>>
        %dma_start3A_695 = arith.constant 0 : i32
        %dma_start3A_696 = tpu.memref_slice %arg7[%select_n3A_672, %dma_start3A_695] : memref<8x80xi32, #tpu.memory_space<vmem>> -> memref<1x80xi32, #tpu.memory_space<vmem>>
        %dma_start3A_697 = tpu.memref_squeeze %dma_start3A_696 : memref<1x80xi32, #tpu.memory_space<vmem>> -> memref<80xi32, #tpu.memory_space<vmem>>
        %dma_start3A_698 = tpu.memref_slice %arg3[%mul3A_656] : memref<320000xi32, #tpu.memory_space<hbm>> -> memref<80xi32, #tpu.memory_space<hbm>>
        tpu.enqueue_dma source(%dma_start3A_698 : memref<80xi32, #tpu.memory_space<hbm>>) target(%dma_start3A_697 : memref<80xi32, #tpu.memory_space<vmem>>) target_semaphore(%dma_start3A_694 : memref<!tpu.dma_semaphore, #tpu.memory_space<semaphore_mem>>)
        %add3A_699 = arith.addi %mul3A_2, %add3A_653 : i32
        %mul3A_700 = arith.constant 80 : i32
        %mul3A_701 = arith.muli %add3A_699, %mul3A_700 : i32
        %jit3A_702 = arith.constant 8 : i32
        %eq3A_703 = arith.constant 0 : i32
        %eq3A_704 = arith.cmpi eq, %jit3A_702, %eq3A_703 : i32
        %jit3A_705 = arith.constant 1 : i32
        %select_n3A_706 = arith.select %eq3A_704, %jit3A_705, %jit3A_702 : i32
        %rem3A_707 = arith.remsi %add3A_653, %select_n3A_706 : i32
        %ne3A_708 = arith.constant 0 : i32
        %ne3A_709 = arith.cmpi ne, %rem3A_707, %ne3A_708 : i32
        %lt3A_710 = arith.constant 0 : i32
        %lt3A_711 = arith.cmpi slt, %rem3A_707, %lt3A_710 : i32
        %lt3A_712 = arith.constant 0 : i32
        %lt3A_713 = arith.cmpi slt, %select_n3A_706, %lt3A_712 : i32
        %ne3A_714 = arith.xori %lt3A_711, %lt3A_713 : i1
        %and3A_715 = arith.andi %ne3A_714, %ne3A_709 : i1
        %add3A_716 = arith.addi %rem3A_707, %select_n3A_706 : i32
        %select_n3A_717 = arith.select %and3A_715, %add3A_716, %rem3A_707 : i32
        %jit3A_718 = arith.constant 4 : i32
        %eq3A_719 = arith.constant 0 : i32
        %eq3A_720 = arith.cmpi eq, %jit3A_718, %eq3A_719 : i32
        %jit3A_721 = arith.constant 1 : i32
        %select_n3A_722 = arith.select %eq3A_720, %jit3A_721, %jit3A_718 : i32
        %rem3A_723 = arith.remsi %add3A_653, %select_n3A_722 : i32
        %ne3A_724 = arith.constant 0 : i32
        %ne3A_725 = arith.cmpi ne, %rem3A_723, %ne3A_724 : i32
        %lt3A_726 = arith.constant 0 : i32
        %lt3A_727 = arith.cmpi slt, %rem3A_723, %lt3A_726 : i32
        %lt3A_728 = arith.constant 0 : i32
        %lt3A_729 = arith.cmpi slt, %select_n3A_722, %lt3A_728 : i32
        %ne3A_730 = arith.xori %lt3A_727, %lt3A_729 : i1
        %and3A_731 = arith.andi %ne3A_730, %ne3A_725 : i1
        %add3A_732 = arith.addi %rem3A_723, %select_n3A_722 : i32
        %select_n3A_733 = arith.select %and3A_731, %add3A_732, %rem3A_723 : i32
        %dma_start3A_734 = arith.constant 0 : i32
        %dma_start3A_735 = tpu.memref_slice %arg8[%select_n3A_717, %dma_start3A_734] : memref<8x80xi32, #tpu.memory_space<vmem>> -> memref<1x80xi32, #tpu.memory_space<vmem>>
        %dma_start3A_736 = tpu.memref_squeeze %dma_start3A_735 : memref<1x80xi32, #tpu.memory_space<vmem>> -> memref<80xi32, #tpu.memory_space<vmem>>
        %dma_start3A_737 = tpu.memref_slice %arg4[%mul3A_701] : memref<320000xi32, #tpu.memory_space<hbm>> -> memref<80xi32, #tpu.memory_space<hbm>>
        %dma_start3A_738 = tpu.memref_slice %arg10[%select_n3A_733] : memref<8x!tpu.dma_semaphore, #tpu.memory_space<semaphore_mem>> -> memref<1x!tpu.dma_semaphore, #tpu.memory_space<semaphore_mem>>
        %dma_start3A_739 = tpu.memref_squeeze %dma_start3A_738 : memref<1x!tpu.dma_semaphore, #tpu.memory_space<semaphore_mem>> -> memref<!tpu.dma_semaphore, #tpu.memory_space<semaphore_mem>>
        %dma_start3A_740 = arith.constant 0 : i32
        %dma_start3A_741 = tpu.memref_slice %arg8[%select_n3A_717, %dma_start3A_740] : memref<8x80xi32, #tpu.memory_space<vmem>> -> memref<1x80xi32, #tpu.memory_space<vmem>>
        %dma_start3A_742 = tpu.memref_squeeze %dma_start3A_741 : memref<1x80xi32, #tpu.memory_space<vmem>> -> memref<80xi32, #tpu.memory_space<vmem>>
        %dma_start3A_743 = tpu.memref_slice %arg4[%mul3A_701] : memref<320000xi32, #tpu.memory_space<hbm>> -> memref<80xi32, #tpu.memory_space<hbm>>
        tpu.enqueue_dma source(%dma_start3A_743 : memref<80xi32, #tpu.memory_space<hbm>>) target(%dma_start3A_742 : memref<80xi32, #tpu.memory_space<vmem>>) target_semaphore(%dma_start3A_739 : memref<!tpu.dma_semaphore, #tpu.memory_space<semaphore_mem>>)
      } else {
      }
    }
    %scan3A_275 = arith.constant 31 : i32
    %dma_wait3A_276 = arith.constant 3 : i32
    %dma_wait3A_277 = arith.constant 3 : i32
    %dma_wait3A_278 = arith.constant 3 : i32
    %dma_wait3A_279 = arith.constant 0 : i32
    %dma_wait3A_280 = arith.constant 0 : i32
    %dma_wait3A_281 = tpu.memref_slice %arg9[%dma_wait3A_276, %dma_wait3A_279, %dma_wait3A_280] : memref<4x80x128xf32, #tpu.memory_space<vmem>> -> memref<1x80x128xf32, #tpu.memory_space<vmem>>
    %dma_wait3A_282 = tpu.memref_squeeze %dma_wait3A_281 : memref<1x80x128xf32, #tpu.memory_space<vmem>> -> memref<80x128xf32, #tpu.memory_space<vmem>>
    %dma_wait3A_283 = arith.constant 0 : i32
    %dma_wait3A_284 = tpu.memref_slice %arg8[%dma_wait3A_277, %dma_wait3A_283] : memref<8x80xi32, #tpu.memory_space<vmem>> -> memref<1x80xi32, #tpu.memory_space<vmem>>
    %dma_wait3A_285 = tpu.memref_squeeze %dma_wait3A_284 : memref<1x80xi32, #tpu.memory_space<vmem>> -> memref<80xi32, #tpu.memory_space<vmem>>
    %dma_wait3A_286 = arith.constant 0 : i32
    %dma_wait3A_287 = arith.constant 0 : i32
    %dma_wait3A_288 = tpu.memref_slice %arg13[%dma_wait3A_286, %dma_wait3A_287] : memref<10112x128xf32, #tpu.memory_space<vmem_shared>> -> memref<10112x128xf32, #tpu.memory_space<vmem_shared>>
    %dma_wait3A_289 = tpu.memref_slice %arg12[%dma_wait3A_278] : memref<4x!tpu.dma_semaphore, #tpu.memory_space<semaphore_mem>> -> memref<1x!tpu.dma_semaphore, #tpu.memory_space<semaphore_mem>>
    %dma_wait3A_290 = tpu.memref_squeeze %dma_wait3A_289 : memref<1x!tpu.dma_semaphore, #tpu.memory_space<semaphore_mem>> -> memref<!tpu.dma_semaphore, #tpu.memory_space<semaphore_mem>>
    tpu.wait_indirect_dma semaphore(%dma_wait3A_290 : memref<!tpu.dma_semaphore, #tpu.memory_space<semaphore_mem>>) src(%dma_wait3A_282 : memref<80x128xf32, #tpu.memory_space<vmem>>) dst(%dma_wait3A_288 : memref<10112x128xf32, #tpu.memory_space<vmem_shared>>)
    %add3A_291 = arith.constant 124 : i32
    %add3A_292 = arith.addi %mul3A_2, %add3A_291 : i32
    %mul3A_293 = arith.constant 80 : i32
    %mul3A_294 = arith.muli %add3A_292, %mul3A_293 : i32
    %run_scoped3A = arith.constant 0 : i32
    "tpu.region"() ({
      %run_scoped3A_333 = tpu.sem_alloc : memref<!tpu.dma_semaphore, #tpu.memory_space<semaphore_mem>>
      %dma_start3A_334 = arith.constant 0 : i32
      %dma_start3A_335 = tpu.memref_slice %arg7[%run_scoped3A, %dma_start3A_334] : memref<8x80xi32, #tpu.memory_space<vmem>> -> memref<1x80xi32, #tpu.memory_space<vmem>>
      %dma_start3A_336 = tpu.memref_squeeze %dma_start3A_335 : memref<1x80xi32, #tpu.memory_space<vmem>> -> memref<80xi32, #tpu.memory_space<vmem>>
      %dma_start3A_337 = tpu.memref_slice %arg3[%mul3A_294] : memref<320000xi32, #tpu.memory_space<hbm>> -> memref<80xi32, #tpu.memory_space<hbm>>
      %dma_start3A_338 = arith.constant 0 : i32
      %dma_start3A_339 = tpu.memref_slice %arg7[%run_scoped3A, %dma_start3A_338] : memref<8x80xi32, #tpu.memory_space<vmem>> -> memref<1x80xi32, #tpu.memory_space<vmem>>
      %dma_start3A_340 = tpu.memref_squeeze %dma_start3A_339 : memref<1x80xi32, #tpu.memory_space<vmem>> -> memref<80xi32, #tpu.memory_space<vmem>>
      %dma_start3A_341 = tpu.memref_slice %arg3[%mul3A_294] : memref<320000xi32, #tpu.memory_space<hbm>> -> memref<80xi32, #tpu.memory_space<hbm>>
      tpu.enqueue_dma source(%dma_start3A_341 : memref<80xi32, #tpu.memory_space<hbm>>) target(%dma_start3A_340 : memref<80xi32, #tpu.memory_space<vmem>>) target_semaphore(%run_scoped3A_333 : memref<!tpu.dma_semaphore, #tpu.memory_space<semaphore_mem>>)
      %dma_wait3A_342 = arith.constant 0 : i32
      %dma_wait3A_343 = tpu.memref_slice %arg7[%run_scoped3A, %dma_wait3A_342] : memref<8x80xi32, #tpu.memory_space<vmem>> -> memref<1x80xi32, #tpu.memory_space<vmem>>
      %dma_wait3A_344 = tpu.memref_squeeze %dma_wait3A_343 : memref<1x80xi32, #tpu.memory_space<vmem>> -> memref<80xi32, #tpu.memory_space<vmem>>
      %dma_wait3A_345 = tpu.memref_slice %arg3[%mul3A_294] : memref<320000xi32, #tpu.memory_space<hbm>> -> memref<80xi32, #tpu.memory_space<hbm>>
      %dma_wait3A_346 = arith.constant 0 : i32
      %dma_wait3A_347 = tpu.memref_slice %arg7[%run_scoped3A, %dma_wait3A_346] : memref<8x80xi32, #tpu.memory_space<vmem>> -> memref<1x80xi32, #tpu.memory_space<vmem>>
      %dma_wait3A_348 = tpu.memref_squeeze %dma_wait3A_347 : memref<1x80xi32, #tpu.memory_space<vmem>> -> memref<80xi32, #tpu.memory_space<vmem>>
      %dma_wait3A_349 = tpu.memref_slice %arg3[%mul3A_294] : memref<320000xi32, #tpu.memory_space<hbm>> -> memref<80xi32, #tpu.memory_space<hbm>>
      tpu.wait_dma2 semaphore(%run_scoped3A_333 : memref<!tpu.dma_semaphore, #tpu.memory_space<semaphore_mem>>) src(%dma_wait3A_349 : memref<80xi32, #tpu.memory_space<hbm>>) dst(%dma_wait3A_348 : memref<80xi32, #tpu.memory_space<vmem>>)
      tpu.yield
    }) : () -> ()
    %mul3A_295 = arith.constant 80 : i32
    %mul3A_296 = arith.muli %add3A_292, %mul3A_295 : i32
    %run_scoped3A_297 = arith.constant 0 : i32
    "tpu.region"() ({
      %run_scoped3A_333 = tpu.sem_alloc : memref<!tpu.dma_semaphore, #tpu.memory_space<semaphore_mem>>
      %dma_start3A_334 = arith.constant 0 : i32
      %dma_start3A_335 = tpu.memref_slice %arg8[%run_scoped3A_297, %dma_start3A_334] : memref<8x80xi32, #tpu.memory_space<vmem>> -> memref<1x80xi32, #tpu.memory_space<vmem>>
      %dma_start3A_336 = tpu.memref_squeeze %dma_start3A_335 : memref<1x80xi32, #tpu.memory_space<vmem>> -> memref<80xi32, #tpu.memory_space<vmem>>
      %dma_start3A_337 = tpu.memref_slice %arg4[%mul3A_296] : memref<320000xi32, #tpu.memory_space<hbm>> -> memref<80xi32, #tpu.memory_space<hbm>>
      %dma_start3A_338 = arith.constant 0 : i32
      %dma_start3A_339 = tpu.memref_slice %arg8[%run_scoped3A_297, %dma_start3A_338] : memref<8x80xi32, #tpu.memory_space<vmem>> -> memref<1x80xi32, #tpu.memory_space<vmem>>
      %dma_start3A_340 = tpu.memref_squeeze %dma_start3A_339 : memref<1x80xi32, #tpu.memory_space<vmem>> -> memref<80xi32, #tpu.memory_space<vmem>>
      %dma_start3A_341 = tpu.memref_slice %arg4[%mul3A_296] : memref<320000xi32, #tpu.memory_space<hbm>> -> memref<80xi32, #tpu.memory_space<hbm>>
      tpu.enqueue_dma source(%dma_start3A_341 : memref<80xi32, #tpu.memory_space<hbm>>) target(%dma_start3A_340 : memref<80xi32, #tpu.memory_space<vmem>>) target_semaphore(%run_scoped3A_333 : memref<!tpu.dma_semaphore, #tpu.memory_space<semaphore_mem>>)
      %dma_wait3A_342 = arith.constant 0 : i32
      %dma_wait3A_343 = tpu.memref_slice %arg8[%run_scoped3A_297, %dma_wait3A_342] : memref<8x80xi32, #tpu.memory_space<vmem>> -> memref<1x80xi32, #tpu.memory_space<vmem>>
      %dma_wait3A_344 = tpu.memref_squeeze %dma_wait3A_343 : memref<1x80xi32, #tpu.memory_space<vmem>> -> memref<80xi32, #tpu.memory_space<vmem>>
      %dma_wait3A_345 = tpu.memref_slice %arg4[%mul3A_296] : memref<320000xi32, #tpu.memory_space<hbm>> -> memref<80xi32, #tpu.memory_space<hbm>>
      %dma_wait3A_346 = arith.constant 0 : i32
      %dma_wait3A_347 = tpu.memref_slice %arg8[%run_scoped3A_297, %dma_wait3A_346] : memref<8x80xi32, #tpu.memory_space<vmem>> -> memref<1x80xi32, #tpu.memory_space<vmem>>
      %dma_wait3A_348 = tpu.memref_squeeze %dma_wait3A_347 : memref<1x80xi32, #tpu.memory_space<vmem>> -> memref<80xi32, #tpu.memory_space<vmem>>
      %dma_wait3A_349 = tpu.memref_slice %arg4[%mul3A_296] : memref<320000xi32, #tpu.memory_space<hbm>> -> memref<80xi32, #tpu.memory_space<hbm>>
      tpu.wait_dma2 semaphore(%run_scoped3A_333 : memref<!tpu.dma_semaphore, #tpu.memory_space<semaphore_mem>>) src(%dma_wait3A_349 : memref<80xi32, #tpu.memory_space<hbm>>) dst(%dma_wait3A_348 : memref<80xi32, #tpu.memory_space<vmem>>)
      tpu.yield
    }) : () -> ()
    %dma_start3A_298 = arith.constant 0 : i32
    %dma_start3A_299 = arith.constant 0 : i32
    %dma_start3A_300 = arith.constant 0 : i32
    %dma_start3A_301 = arith.constant 0 : i32
    %dma_start3A_302 = arith.constant 0 : i32
    %dma_start3A_303 = tpu.memref_slice %arg9[%dma_start3A_299, %dma_start3A_301, %dma_start3A_302] : memref<4x80x128xf32, #tpu.memory_space<vmem>> -> memref<1x80x128xf32, #tpu.memory_space<vmem>>
    %dma_start3A_304 = tpu.memref_squeeze %dma_start3A_303 : memref<1x80x128xf32, #tpu.memory_space<vmem>> -> memref<80x128xf32, #tpu.memory_space<vmem>>
    %dma_start3A_305 = arith.constant 0 : i32
    %dma_start3A_306 = tpu.memref_slice %arg7[%dma_start3A_298, %dma_start3A_305] : memref<8x80xi32, #tpu.memory_space<vmem>> -> memref<1x80xi32, #tpu.memory_space<vmem>>
    %dma_start3A_307 = tpu.memref_squeeze %dma_start3A_306 : memref<1x80xi32, #tpu.memory_space<vmem>> -> memref<80xi32, #tpu.memory_space<vmem>>
    %dma_start3A_308 = arith.constant 0 : i32
    %dma_start3A_309 = arith.constant 0 : i32
    %dma_start3A_310 = tpu.memref_slice %arg2[%dma_start3A_308, %dma_start3A_309] : memref<10000x128xf32, #tpu.memory_space<hbm>> -> memref<10000x128xf32, #tpu.memory_space<hbm>>
    %dma_start3A_311 = tpu.memref_slice %arg11[%dma_start3A_300] : memref<4x!tpu.dma_semaphore, #tpu.memory_space<semaphore_mem>> -> memref<1x!tpu.dma_semaphore, #tpu.memory_space<semaphore_mem>>
    %dma_start3A_312 = tpu.memref_squeeze %dma_start3A_311 : memref<1x!tpu.dma_semaphore, #tpu.memory_space<semaphore_mem>> -> memref<!tpu.dma_semaphore, #tpu.memory_space<semaphore_mem>>
    tpu.enqueue_indirect_dma source(%dma_start3A_310 : memref<10000x128xf32, #tpu.memory_space<hbm>>) target(%dma_start3A_304 : memref<80x128xf32, #tpu.memory_space<vmem>>) offsets(%dma_start3A_307 : memref<80xi32, #tpu.memory_space<vmem>>) semaphore(%dma_start3A_312 : memref<!tpu.dma_semaphore, #tpu.memory_space<semaphore_mem>>)
    %dma_wait3A_313 = arith.constant 0 : i32
    %dma_wait3A_314 = arith.constant 0 : i32
    %dma_wait3A_315 = arith.constant 0 : i32
    %dma_wait3A_316 = arith.constant 0 : i32
    %dma_wait3A_317 = arith.constant 0 : i32
    %dma_wait3A_318 = tpu.memref_slice %arg9[%dma_wait3A_314, %dma_wait3A_316, %dma_wait3A_317] : memref<4x80x128xf32, #tpu.memory_space<vmem>> -> memref<1x80x128xf32, #tpu.memory_space<vmem>>
    %dma_wait3A_319 = tpu.memref_squeeze %dma_wait3A_318 : memref<1x80x128xf32, #tpu.memory_space<vmem>> -> memref<80x128xf32, #tpu.memory_space<vmem>>
    %dma_wait3A_320 = arith.constant 0 : i32
    %dma_wait3A_321 = tpu.memref_slice %arg7[%dma_wait3A_313, %dma_wait3A_320] : memref<8x80xi32, #tpu.memory_space<vmem>> -> memref<1x80xi32, #tpu.memory_space<vmem>>
    %dma_wait3A_322 = tpu.memref_squeeze %dma_wait3A_321 : memref<1x80xi32, #tpu.memory_space<vmem>> -> memref<80xi32, #tpu.memory_space<vmem>>
    %dma_wait3A_323 = arith.constant 0 : i32
    %dma_wait3A_324 = arith.constant 0 : i32
    %dma_wait3A_325 = tpu.memref_slice %arg2[%dma_wait3A_323, %dma_wait3A_324] : memref<10000x128xf32, #tpu.memory_space<hbm>> -> memref<10000x128xf32, #tpu.memory_space<hbm>>
    %dma_wait3A_326 = tpu.memref_slice %arg11[%dma_wait3A_315] : memref<4x!tpu.dma_semaphore, #tpu.memory_space<semaphore_mem>> -> memref<1x!tpu.dma_semaphore, #tpu.memory_space<semaphore_mem>>
    %dma_wait3A_327 = tpu.memref_squeeze %dma_wait3A_326 : memref<1x!tpu.dma_semaphore, #tpu.memory_space<semaphore_mem>> -> memref<!tpu.dma_semaphore, #tpu.memory_space<semaphore_mem>>
    tpu.wait_indirect_dma semaphore(%dma_wait3A_327 : memref<!tpu.dma_semaphore, #tpu.memory_space<semaphore_mem>>) src(%dma_wait3A_325 : memref<10000x128xf32, #tpu.memory_space<hbm>>) dst(%dma_wait3A_319 : memref<80x128xf32, #tpu.memory_space<vmem>>)
    %run_scoped3A_328 = arith.constant 0 : i32
    %run_scoped3A_329 = arith.constant 0 : i32
    "tpu.region"() ({
      %run_scoped3A_333 = tpu.sem_alloc : memref<!tpu.dma_semaphore, #tpu.memory_space<semaphore_mem>>
      %dma_start3A_334 = arith.constant 0 : i32
      %dma_start3A_335 = arith.constant 0 : i32
      %dma_start3A_336 = tpu.memref_slice %arg9[%run_scoped3A_328, %dma_start3A_334, %dma_start3A_335] : memref<4x80x128xf32, #tpu.memory_space<vmem>> -> memref<1x80x128xf32, #tpu.memory_space<vmem>>
      %dma_start3A_337 = tpu.memref_squeeze %dma_start3A_336 : memref<1x80x128xf32, #tpu.memory_space<vmem>> -> memref<80x128xf32, #tpu.memory_space<vmem>>
      %dma_start3A_338 = arith.constant 0 : i32
      %dma_start3A_339 = tpu.memref_slice %arg8[%run_scoped3A_329, %dma_start3A_338] : memref<8x80xi32, #tpu.memory_space<vmem>> -> memref<1x80xi32, #tpu.memory_space<vmem>>
      %dma_start3A_340 = tpu.memref_squeeze %dma_start3A_339 : memref<1x80xi32, #tpu.memory_space<vmem>> -> memref<80xi32, #tpu.memory_space<vmem>>
      %dma_start3A_341 = arith.constant 0 : i32
      %dma_start3A_342 = arith.constant 0 : i32
      %dma_start3A_343 = tpu.memref_slice %arg13[%dma_start3A_341, %dma_start3A_342] : memref<10112x128xf32, #tpu.memory_space<vmem_shared>> -> memref<10112x128xf32, #tpu.memory_space<vmem_shared>>
      tpu.enqueue_indirect_dma source(%dma_start3A_337 : memref<80x128xf32, #tpu.memory_space<vmem>>) target(%dma_start3A_343 : memref<10112x128xf32, #tpu.memory_space<vmem_shared>>) offsets(%dma_start3A_340 : memref<80xi32, #tpu.memory_space<vmem>>) semaphore(%run_scoped3A_333 : memref<!tpu.dma_semaphore, #tpu.memory_space<semaphore_mem>>) {add = true}
      %dma_wait3A_344 = arith.constant 0 : i32
      %dma_wait3A_345 = arith.constant 0 : i32
      %dma_wait3A_346 = tpu.memref_slice %arg9[%run_scoped3A_328, %dma_wait3A_344, %dma_wait3A_345] : memref<4x80x128xf32, #tpu.memory_space<vmem>> -> memref<1x80x128xf32, #tpu.memory_space<vmem>>
      %dma_wait3A_347 = tpu.memref_squeeze %dma_wait3A_346 : memref<1x80x128xf32, #tpu.memory_space<vmem>> -> memref<80x128xf32, #tpu.memory_space<vmem>>
      %dma_wait3A_348 = arith.constant 0 : i32
      %dma_wait3A_349 = tpu.memref_slice %arg8[%run_scoped3A_329, %dma_wait3A_348] : memref<8x80xi32, #tpu.memory_space<vmem>> -> memref<1x80xi32, #tpu.memory_space<vmem>>
      %dma_wait3A_350 = tpu.memref_squeeze %dma_wait3A_349 : memref<1x80xi32, #tpu.memory_space<vmem>> -> memref<80xi32, #tpu.memory_space<vmem>>
      %dma_wait3A_351 = arith.constant 0 : i32
      %dma_wait3A_352 = arith.constant 0 : i32
      %dma_wait3A_353 = tpu.memref_slice %arg13[%dma_wait3A_351, %dma_wait3A_352] : memref<10112x128xf32, #tpu.memory_space<vmem_shared>> -> memref<10112x128xf32, #tpu.memory_space<vmem_shared>>
      tpu.wait_indirect_dma semaphore(%run_scoped3A_333 : memref<!tpu.dma_semaphore, #tpu.memory_space<semaphore_mem>>) src(%dma_wait3A_347 : memref<80x128xf32, #tpu.memory_space<vmem>>) dst(%dma_wait3A_353 : memref<10112x128xf32, #tpu.memory_space<vmem_shared>>)
      tpu.yield
    }) : () -> ()
    %barrier3A_330 = arith.constant 0 : index
    tpu.barrier barrier_id(%barrier3A_330)
    %mul3A_331 = arith.constant 632 : i32
    %mul3A_332 = arith.muli %arg1, %mul3A_331 : i32
    "tpu.region"() ({
      %run_scoped3A_333 = tpu.sem_alloc : memref<!tpu.dma_semaphore, #tpu.memory_space<semaphore_mem>>
      %dma_start3A_334 = arith.constant 0 : i32
      %dma_start3A_335 = arith.constant 0 : i32
      %dma_start3A_336 = tpu.memref_slice %arg6[%arg0, %arg1, %dma_start3A_334, %dma_start3A_335] : memref<2x16x632x128xf32, #tpu.memory_space<hbm>> -> memref<1x1x632x128xf32, #tpu.memory_space<hbm>>
      %dma_start3A_337 = tpu.memref_squeeze %dma_start3A_336 : memref<1x1x632x128xf32, #tpu.memory_space<hbm>> -> memref<632x128xf32, #tpu.memory_space<hbm>>
      %dma_start3A_338 = arith.constant 0 : i32
      %dma_start3A_339 = tpu.memref_slice %arg13[%mul3A_332, %dma_start3A_338] : memref<10112x128xf32, #tpu.memory_space<vmem_shared>> -> memref<632x128xf32, #tpu.memory_space<vmem_shared>>
      tpu.enqueue_dma source(%dma_start3A_339 : memref<632x128xf32, #tpu.memory_space<vmem_shared>>) target(%dma_start3A_337 : memref<632x128xf32, #tpu.memory_space<hbm>>) target_semaphore(%run_scoped3A_333 : memref<!tpu.dma_semaphore, #tpu.memory_space<semaphore_mem>>)
      %dma_wait3A_340 = arith.constant 0 : i32
      %dma_wait3A_341 = arith.constant 0 : i32
      %dma_wait3A_342 = tpu.memref_slice %arg6[%arg0, %arg1, %dma_wait3A_340, %dma_wait3A_341] : memref<2x16x632x128xf32, #tpu.memory_space<hbm>> -> memref<1x1x632x128xf32, #tpu.memory_space<hbm>>
      %dma_wait3A_343 = tpu.memref_squeeze %dma_wait3A_342 : memref<1x1x632x128xf32, #tpu.memory_space<hbm>> -> memref<632x128xf32, #tpu.memory_space<hbm>>
      %dma_wait3A_344 = arith.constant 0 : i32
      %dma_wait3A_345 = tpu.memref_slice %arg13[%mul3A_332, %dma_wait3A_344] : memref<10112x128xf32, #tpu.memory_space<vmem_shared>> -> memref<632x128xf32, #tpu.memory_space<vmem_shared>>
      tpu.wait_dma2 semaphore(%run_scoped3A_333 : memref<!tpu.dma_semaphore, #tpu.memory_space<semaphore_mem>>) src(%dma_wait3A_345 : memref<632x128xf32, #tpu.memory_space<vmem_shared>>) dst(%dma_wait3A_343 : memref<632x128xf32, #tpu.memory_space<hbm>>)
      tpu.yield
    }) : () -> ()
    return
  }
}

module attributes {stable_mosaic.version = 14 : i64} {
  func.func @_mm_body(%arg0: i32, %arg1: memref<2000x128xf32, #tpu.memory_space<vmem>>, %arg2: memref<128x128xf32, #tpu.memory_space<vmem>>, %arg3: memref<2000x128xf32, #tpu.memory_space<vmem>>) attributes {dimension_semantics = [#tpu.dimension_semantics<arbitrary>], iteration_bounds = array<i64: 5>, scalar_prefetch = 0 : i64, scratch_operands = 0 : i64, tpu.core_type = #tpu.core_type<tc>, window_params = [{transform_indices = @transform_0, window_bounds = array<i64: 2000, 128>}, {pipeline_mode = #tpu.pipeline_mode<synchronous>, transform_indices = @transform_1, window_bounds = array<i64: 128, 128>}, {transform_indices = @transform_2, window_bounds = array<i64: 2000, 128>}]} {
    %get3A = arith.constant 0 : index
    %get3A_0 = arith.constant 0 : index
    %get3A_1 = vector.load %arg1[%get3A, %get3A_0] : memref<2000x128xf32, #tpu.memory_space<vmem>>, vector<2000x128xf32>
    %get3A_2 = arith.constant 0 : index
    %get3A_3 = arith.constant 0 : index
    %get3A_4 = vector.load %arg2[%get3A_2, %get3A_3] : memref<128x128xf32, #tpu.memory_space<vmem>>, vector<128x128xf32>
    %dot_general3A = arith.constant dense<0.000000e+00> : vector<2000x128xf32>
    %dot_general3A_5 = tpu.matmul %get3A_1, %get3A_4, %dot_general3A {dimension_numbers = #tpu.dot_dimension_numbers<[1], [0], [0], [1], [0, 0, 1, 1], [], []>, transpose_lhs_hint = false} : vector<2000x128xf32>, vector<128x128xf32>, vector<2000x128xf32> -> vector<2000x128xf32>
    %swap3A = arith.constant 0 : index
    %swap3A_6 = arith.constant 0 : index
    %swap3A_7 = vector.load %arg3[%swap3A, %swap3A_6] : memref<2000x128xf32, #tpu.memory_space<vmem>>, vector<2000x128xf32>
    tpu.vector_store %arg3[%swap3A, %swap3A_6], %dot_general3A_5 {strides = array<i32>} : memref<2000x128xf32, #tpu.memory_space<vmem>>, vector<2000x128xf32>,
    return
  }
  func.func @transform_0(%arg0: i32) -> (i32, i32) {
    %c0_i32 = arith.constant 0 : i32
    %c0_i32_0 = arith.constant 0 : i32
    return %arg0, %c0_i32 : i32, i32
  }
  func.func @transform_1(%arg0: i32) -> (i32, i32) {
    %c0_i32 = arith.constant 0 : i32
    %c0_i32_0 = arith.constant 0 : i32
    %c0_i32_1 = arith.constant 0 : i32
    return %c0_i32, %c0_i32_0 : i32, i32
  }
  func.func @transform_2(%arg0: i32) -> (i32, i32) {
    %c0_i32 = arith.constant 0 : i32
    %c0_i32_0 = arith.constant 0 : i32
    return %arg0, %c0_i32 : i32, i32
  }
}

module attributes {stable_mosaic.version = 14 : i64} {
  func.func @_scale_body(%arg0: i32, %arg1: memref<2000x128xf32, #tpu.memory_space<vmem>>, %arg2: memref<2000x1xf32, #tpu.memory_space<vmem>>, %arg3: memref<2000x128xf32, #tpu.memory_space<vmem>>) attributes {dimension_semantics = [#tpu.dimension_semantics<arbitrary>], iteration_bounds = array<i64: 5>, scalar_prefetch = 0 : i64, scratch_operands = 0 : i64, tpu.core_type = #tpu.core_type<tc>, window_params = [{transform_indices = @transform_0, window_bounds = array<i64: 2000, 128>}, {transform_indices = @transform_1, window_bounds = array<i64: 2000, 1>}, {transform_indices = @transform_2, window_bounds = array<i64: 2000, 128>}]} {
    %get3A = arith.constant 0 : index
    %get3A_0 = arith.constant 0 : index
    %get3A_1 = vector.load %arg2[%get3A, %get3A_0] : memref<2000x1xf32, #tpu.memory_space<vmem>>, vector<2000x1xf32>
    %get3A_2 = arith.constant 0 : index
    %get3A_3 = arith.constant 0 : index
    %get3A_4 = vector.load %arg1[%get3A_2, %get3A_3] : memref<2000x128xf32, #tpu.memory_space<vmem>>, vector<2000x128xf32>
    %mul3A = vector.broadcast %get3A_1 : vector<2000x1xf32> to vector<2000x128xf32>
    %mul3A_5 = arith.mulf %mul3A, %get3A_4 : vector<2000x128xf32>
    %swap3A = arith.constant 0 : index
    %swap3A_6 = arith.constant 0 : index
    %swap3A_7 = vector.load %arg3[%swap3A, %swap3A_6] : memref<2000x128xf32, #tpu.memory_space<vmem>>, vector<2000x128xf32>
    tpu.vector_store %arg3[%swap3A, %swap3A_6], %mul3A_5 {strides = array<i32>} : memref<2000x128xf32, #tpu.memory_space<vmem>>, vector<2000x128xf32>,
    return
  }
  func.func @transform_0(%arg0: i32) -> (i32, i32) {
    %c0_i32 = arith.constant 0 : i32
    %c0_i32_0 = arith.constant 0 : i32
    return %arg0, %c0_i32 : i32, i32
  }
  func.func @transform_1(%arg0: i32) -> (i32, i32) {
    %c0_i32 = arith.constant 0 : i32
    %c0_i32_0 = arith.constant 0 : i32
    return %arg0, %c0_i32 : i32, i32
  }
  func.func @transform_2(%arg0: i32) -> (i32, i32) {
    %c0_i32 = arith.constant 0 : i32
    %c0_i32_0 = arith.constant 0 : i32
    return %arg0, %c0_i32 : i32, i32
  }
}

module attributes {stable_mosaic.version = 14 : i64} {
  func.func @_dinv_body(%arg0: i32, %arg1: memref<2x1280xf32, #tpu.memory_space<vmem>>, %arg2: memref<1280x1xf32, #tpu.memory_space<vmem>>) attributes {dimension_semantics = [#tpu.dimension_semantics<arbitrary>], iteration_bounds = array<i64: 8>, scalar_prefetch = 0 : i64, scratch_operands = 0 : i64, tpu.core_type = #tpu.core_type<tc>, window_params = [{transform_indices = @transform_0, window_bounds = array<i64: 2, 1280>}, {transform_indices = @transform_1, window_bounds = array<i64: 1280, 1>}]} {
    %get3A = arith.constant 0 : index
    %get3A_0 = arith.constant 0 : index
    %get3A_1 = vector.load %arg1[%get3A, %get3A_0] : memref<2x1280xf32, #tpu.memory_space<vmem>>, vector<1x1280xf32>
    %get3A_2 = arith.constant 1 : index
    %get3A_3 = arith.constant 0 : index
    %get3A_4 = vector.load %arg1[%get3A_2, %get3A_3] : memref<2x1280xf32, #tpu.memory_space<vmem>>, vector<1x1280xf32>
    %add3A = arith.addf %get3A_1, %get3A_4 : vector<1x1280xf32>
    %add3A_5 = arith.constant 1.000000e+00 : f32
    %add3A_6 = vector.broadcast %add3A_5 : f32 to vector<1x1280xf32>
    %add3A_7 = arith.addf %add3A, %add3A_6 : vector<1x1280xf32>
    %rsqrt3A = math.rsqrt %add3A_7 : vector<1x1280xf32>
    %reshape3A = vector.shape_cast %rsqrt3A : vector<1x1280xf32> to vector<1280x1xf32>
    %swap3A = arith.constant 0 : index
    %swap3A_8 = arith.constant 0 : index
    %swap3A_9 = vector.load %arg2[%swap3A, %swap3A_8] : memref<1280x1xf32, #tpu.memory_space<vmem>>, vector<1280x1xf32>
    tpu.vector_store %arg2[%swap3A, %swap3A_8], %reshape3A {strides = array<i32>} : memref<1280x1xf32, #tpu.memory_space<vmem>>, vector<1280x1xf32>,
    return
  }
  func.func @transform_0(%arg0: i32) -> (i32, i32) {
    %c0_i32 = arith.constant 0 : i32
    %c0_i32_0 = arith.constant 0 : i32
    return %c0_i32, %arg0 : i32, i32
  }
  func.func @transform_1(%arg0: i32) -> (i32, i32) {
    %c0_i32 = arith.constant 0 : i32
    %c0_i32_0 = arith.constant 0 : i32
    return %arg0, %c0_i32 : i32, i32
  }
}

module attributes {stable_mosaic.version = 14 : i64} {
  func.func @_mid_body(%arg0: i32, %arg1: memref<2x2000x128xf32, #tpu.memory_space<vmem>>, %arg2: memref<2000x128xf32, #tpu.memory_space<vmem>>, %arg3: memref<2000x1xf32, #tpu.memory_space<vmem>>, %arg4: memref<1x128xf32, #tpu.memory_space<vmem>>, %arg5: memref<128x128xf32, #tpu.memory_space<vmem>>, %arg6: memref<2000x128xf32, #tpu.memory_space<vmem>>) attributes {dimension_semantics = [#tpu.dimension_semantics<arbitrary>], iteration_bounds = array<i64: 5>, scalar_prefetch = 0 : i64, scratch_operands = 0 : i64, tpu.core_type = #tpu.core_type<tc>, window_params = [{transform_indices = @transform_0, window_bounds = array<i64: 2, 2000, 128>}, {transform_indices = @transform_1, window_bounds = array<i64: 2000, 128>}, {transform_indices = @transform_2, window_bounds = array<i64: 2000, 1>}, {pipeline_mode = #tpu.pipeline_mode<synchronous>, transform_indices = @transform_3, window_bounds = array<i64: 1, 128>}, {pipeline_mode = #tpu.pipeline_mode<synchronous>, transform_indices = @transform_4, window_bounds = array<i64: 128, 128>}, {transform_indices = @transform_5, window_bounds = array<i64: 2000, 128>}]} {
    %get3A = arith.constant 0 : index
    %get3A_0 = arith.constant 0 : index
    %get3A_1 = vector.load %arg3[%get3A, %get3A_0] : memref<2000x1xf32, #tpu.memory_space<vmem>>, vector<2000x1xf32>
    %get3A_2 = arith.constant 0 : index
    %get3A_3 = arith.constant 0 : index
    %get3A_4 = arith.constant 0 : index
    %get3A_5 = vector.load %arg1[%get3A_2, %get3A_3, %get3A_4] : memref<2x2000x128xf32, #tpu.memory_space<vmem>>, vector<1x2000x128xf32>
    %get3A_6 = vector.shape_cast %get3A_5 : vector<1x2000x128xf32> to vector<2000x128xf32>
    %get3A_7 = arith.constant 1 : index
    %get3A_8 = arith.constant 0 : index
    %get3A_9 = arith.constant 0 : index
    %get3A_10 = vector.load %arg1[%get3A_7, %get3A_8, %get3A_9] : memref<2x2000x128xf32, #tpu.memory_space<vmem>>, vector<1x2000x128xf32>
    %get3A_11 = vector.shape_cast %get3A_10 : vector<1x2000x128xf32> to vector<2000x128xf32>
    %add3A = arith.addf %get3A_6, %get3A_11 : vector<2000x128xf32>
    %get3A_12 = arith.constant 0 : index
    %get3A_13 = arith.constant 0 : index
    %get3A_14 = vector.load %arg2[%get3A_12, %get3A_13] : memref<2000x128xf32, #tpu.memory_space<vmem>>, vector<2000x128xf32>
    %add3A_15 = arith.addf %add3A, %get3A_14 : vector<2000x128xf32>
    %mul3A = vector.broadcast %get3A_1 : vector<2000x1xf32> to vector<2000x128xf32>
    %mul3A_16 = arith.mulf %mul3A, %add3A_15 : vector<2000x128xf32>
    %get3A_17 = arith.constant 0 : index
    %get3A_18 = arith.constant 0 : index
    %get3A_19 = vector.load %arg4[%get3A_17, %get3A_18] : memref<1x128xf32, #tpu.memory_space<vmem>>, vector<1x128xf32>
    %add3A_20 = vector.broadcast %get3A_19 : vector<1x128xf32> to vector<2000x128xf32>
    %add3A_21 = arith.addf %mul3A_16, %add3A_20 : vector<2000x128xf32>
    %max3A = arith.constant 0.000000e+00 : f32
    %max3A_22 = vector.broadcast %max3A : f32 to vector<2000x128xf32>
    %max3A_23 = arith.maximumf %add3A_21, %max3A_22 : vector<2000x128xf32>
    %get3A_24 = arith.constant 0 : index
    %get3A_25 = arith.constant 0 : index
    %get3A_26 = vector.load %arg5[%get3A_24, %get3A_25] : memref<128x128xf32, #tpu.memory_space<vmem>>, vector<128x128xf32>
    %dot_general3A = arith.constant dense<0.000000e+00> : vector<2000x128xf32>
    %dot_general3A_27 = tpu.matmul %max3A_23, %get3A_26, %dot_general3A {dimension_numbers = #tpu.dot_dimension_numbers<[1], [0], [0], [1], [0, 0, 1, 1], [], []>, transpose_lhs_hint = false} : vector<2000x128xf32>, vector<128x128xf32>, vector<2000x128xf32> -> vector<2000x128xf32>
    %mul3A_28 = vector.broadcast %get3A_1 : vector<2000x1xf32> to vector<2000x128xf32>
    %mul3A_29 = arith.mulf %mul3A_28, %dot_general3A_27 : vector<2000x128xf32>
    %swap3A = arith.constant 0 : index
    %swap3A_30 = arith.constant 0 : index
    %swap3A_31 = vector.load %arg6[%swap3A, %swap3A_30] : memref<2000x128xf32, #tpu.memory_space<vmem>>, vector<2000x128xf32>
    tpu.vector_store %arg6[%swap3A, %swap3A_30], %mul3A_29 {strides = array<i32>} : memref<2000x128xf32, #tpu.memory_space<vmem>>, vector<2000x128xf32>,
    return
  }
  func.func @transform_0(%arg0: i32) -> (i32, i32, i32) {
    %c0_i32 = arith.constant 0 : i32
    %c0_i32_0 = arith.constant 0 : i32
    %c0_i32_1 = arith.constant 0 : i32
    return %c0_i32, %arg0, %c0_i32_0 : i32, i32, i32
  }
  func.func @transform_1(%arg0: i32) -> (i32, i32) {
    %c0_i32 = arith.constant 0 : i32
    %c0_i32_0 = arith.constant 0 : i32
    return %arg0, %c0_i32 : i32, i32
  }
  func.func @transform_2(%arg0: i32) -> (i32, i32) {
    %c0_i32 = arith.constant 0 : i32
    %c0_i32_0 = arith.constant 0 : i32
    return %arg0, %c0_i32 : i32, i32
  }
  func.func @transform_3(%arg0: i32) -> (i32, i32) {
    %c0_i32 = arith.constant 0 : i32
    %c0_i32_0 = arith.constant 0 : i32
    %c0_i32_1 = arith.constant 0 : i32
    return %c0_i32, %c0_i32_0 : i32, i32
  }
  func.func @transform_4(%arg0: i32) -> (i32, i32) {
    %c0_i32 = arith.constant 0 : i32
    %c0_i32_0 = arith.constant 0 : i32
    %c0_i32_1 = arith.constant 0 : i32
    return %c0_i32, %c0_i32_0 : i32, i32
  }
  func.func @transform_5(%arg0: i32) -> (i32, i32) {
    %c0_i32 = arith.constant 0 : i32
    %c0_i32_0 = arith.constant 0 : i32
    return %arg0, %c0_i32 : i32, i32
  }
}

module attributes {stable_mosaic.version = 14 : i64} {
  func.func @_fin_body(%arg0: i32, %arg1: memref<2x2000x128xf32, #tpu.memory_space<vmem>>, %arg2: memref<2000x128xf32, #tpu.memory_space<vmem>>, %arg3: memref<2000x1xf32, #tpu.memory_space<vmem>>, %arg4: memref<1x128xf32, #tpu.memory_space<vmem>>, %arg5: memref<2000x128xf32, #tpu.memory_space<vmem>>) attributes {dimension_semantics = [#tpu.dimension_semantics<arbitrary>], iteration_bounds = array<i64: 5>, scalar_prefetch = 0 : i64, scratch_operands = 0 : i64, tpu.core_type = #tpu.core_type<tc>, window_params = [{transform_indices = @transform_0, window_bounds = array<i64: 2, 2000, 128>}, {transform_indices = @transform_1, window_bounds = array<i64: 2000, 128>}, {transform_indices = @transform_2, window_bounds = array<i64: 2000, 1>}, {pipeline_mode = #tpu.pipeline_mode<synchronous>, transform_indices = @transform_3, window_bounds = array<i64: 1, 128>}, {transform_indices = @transform_4, window_bounds = array<i64: 2000, 128>}]} {
    %get3A = arith.constant 0 : index
    %get3A_0 = arith.constant 0 : index
    %get3A_1 = vector.load %arg3[%get3A, %get3A_0] : memref<2000x1xf32, #tpu.memory_space<vmem>>, vector<2000x1xf32>
    %get3A_2 = arith.constant 0 : index
    %get3A_3 = arith.constant 0 : index
    %get3A_4 = arith.constant 0 : index
    %get3A_5 = vector.load %arg1[%get3A_2, %get3A_3, %get3A_4] : memref<2x2000x128xf32, #tpu.memory_space<vmem>>, vector<1x2000x128xf32>
    %get3A_6 = vector.shape_cast %get3A_5 : vector<1x2000x128xf32> to vector<2000x128xf32>
    %get3A_7 = arith.constant 1 : index
    %get3A_8 = arith.constant 0 : index
    %get3A_9 = arith.constant 0 : index
    %get3A_10 = vector.load %arg1[%get3A_7, %get3A_8, %get3A_9] : memref<2x2000x128xf32, #tpu.memory_space<vmem>>, vector<1x2000x128xf32>
    %get3A_11 = vector.shape_cast %get3A_10 : vector<1x2000x128xf32> to vector<2000x128xf32>
    %add3A = arith.addf %get3A_6, %get3A_11 : vector<2000x128xf32>
    %get3A_12 = arith.constant 0 : index
    %get3A_13 = arith.constant 0 : index
    %get3A_14 = vector.load %arg2[%get3A_12, %get3A_13] : memref<2000x128xf32, #tpu.memory_space<vmem>>, vector<2000x128xf32>
    %add3A_15 = arith.addf %add3A, %get3A_14 : vector<2000x128xf32>
    %mul3A = vector.broadcast %get3A_1 : vector<2000x1xf32> to vector<2000x128xf32>
    %mul3A_16 = arith.mulf %mul3A, %add3A_15 : vector<2000x128xf32>
    %get3A_17 = arith.constant 0 : index
    %get3A_18 = arith.constant 0 : index
    %get3A_19 = vector.load %arg4[%get3A_17, %get3A_18] : memref<1x128xf32, #tpu.memory_space<vmem>>, vector<1x128xf32>
    %add3A_20 = vector.broadcast %get3A_19 : vector<1x128xf32> to vector<2000x128xf32>
    %add3A_21 = arith.addf %mul3A_16, %add3A_20 : vector<2000x128xf32>
    %swap3A = arith.constant 0 : index
    %swap3A_22 = arith.constant 0 : index
    %swap3A_23 = vector.load %arg5[%swap3A, %swap3A_22] : memref<2000x128xf32, #tpu.memory_space<vmem>>, vector<2000x128xf32>
    tpu.vector_store %arg5[%swap3A, %swap3A_22], %add3A_21 {strides = array<i32>} : memref<2000x128xf32, #tpu.memory_space<vmem>>, vector<2000x128xf32>,
    return
  }
  func.func @transform_0(%arg0: i32) -> (i32, i32, i32) {
    %c0_i32 = arith.constant 0 : i32
    %c0_i32_0 = arith.constant 0 : i32
    %c0_i32_1 = arith.constant 0 : i32
    return %c0_i32, %arg0, %c0_i32_0 : i32, i32, i32
  }
  func.func @transform_1(%arg0: i32) -> (i32, i32) {
    %c0_i32 = arith.constant 0 : i32
    %c0_i32_0 = arith.constant 0 : i32
    return %arg0, %c0_i32 : i32, i32
  }
  func.func @transform_2(%arg0: i32) -> (i32, i32) {
    %c0_i32 = arith.constant 0 : i32
    %c0_i32_0 = arith.constant 0 : i32
    return %arg0, %c0_i32 : i32, i32
  }
  func.func @transform_3(%arg0: i32) -> (i32, i32) {
    %c0_i32 = arith.constant 0 : i32
    %c0_i32_0 = arith.constant 0 : i32
    %c0_i32_1 = arith.constant 0 : i32
    return %c0_i32, %c0_i32_0 : i32, i32
  }
  func.func @transform_4(%arg0: i32) -> (i32, i32) {
    %c0_i32 = arith.constant 0 : i32
    %c0_i32_0 = arith.constant 0 : i32
    return %arg0, %c0_i32 : i32, i32
  }
}

</mosaic_0001>

<sc_bundles>
// kernel: kernel.10.cloned.1.call-start
scs
__scs_entry_jumppad:
0x0: {  	(pc) =	sbr.rel $0x88, $3  }
0x1: {  	(tag) =	ssettag $0x0;
	lr =	simm.s32 $0x1  }
0x2: {  	[smem:$0x3F9B] =	sst lr;
	_ =	strace $0xD0000000  }
0x3: {  	_ = 	snop  }
0x4: {  	_ = 	snop  }
0x5: {  	_ = 	snop  }
0x6: {  	_ = 	snop  }
0x7: {  	_ = 	snop  }
__scs_overlays_trampoline_lowered:
0x8: {  	[smem:$0x3FAA] =	sst s0  }
0x9: {  	[smem:$0x3FAB] =	sst s1  }
0xa: {  	[smem:$0x3FAC] =	sst s2  }
0xb: {  	[smem:$0x3FAD] =	sst s3  }
0xc: {  	[smem:$0x3FAE] =	sst s4  }
0xd: {  	[smem:$0x3FAF] =	sst s5  }
0xe: {  	[smem:$0x3FB0] =	sst s6  }
0xf: {  	[smem:$0x3FB1] =	sst s7  }
0x10: {  	[smem:$0x3FB2] =	sst s8  }
0x11: {  	[smem:$0x3FB3] =	sst s9;
	s0 =	simm.s32 @!p0 $0x0  }
0x12: {  	s1 =	sld [smem:$0x3F99];
	s0 =	simm.s32 @p0 $0x1  }
0x13: {  	[smem:$0x3FB4] =	sst s0;
	s0 =	simm.s32 @!p1 $0x0  }
0x14: {  	s2 =	sld [smem:$0x3F98];
	s0 =	simm.s32 @p1 $0x1  }
0x15: {  	[smem:$0x3FB5] =	sst s0;
	s0 =	simm.s32 @!p2 $0x0  }
0x16: {  	s3 =	sld [smem:$0x3FDB];
	s0 =	simm.s32 @p2 $0x1  }
0x17: {  	s4 =	simm.s32 $0x1BF5;
	[smem:$0x3FB7] =	sst s0  }
0x18: {  	s0 =	sld [smem:$0x3F9A];
	_ =	swait.ge [sflag:s4], $0x0  }
0x19: {  	s7 =	sld [smem:$0x3F9B]  }
0x1a: {  	s8 =	sadd.s32 $0xFFFFE003, lr  }
0x1b: {  	s9 =	sadd.s32 $0xFFFFFEF7, lr;
	s5 =	simm.s32 $0xFFFFFFFF;
	p2 =	slt.u32 s8, $0xFFFFF086  }
0x1c: {  	p1 =	slt.u32 s9, $0xF7A;
	s5 =	simm.s32 @!p2 $0x0  }
0x1d: {  	s5 =	simm.s32 @p1 $0x1;
	p0 =	seq.s32 s7, s2  }
0x1e: {  	s7 =	smul.u32 @!p0 $0xF7A, s2;
	p2 =	seq.s32 @!p0 s5, $0x0  }
0x1f: {  	s9 =	smul.u32 $0xF7A, s1;
	s8 =	simm.s32 @!p0 $0x1BF5;
	p2 =	por !p2, p0  }
0x20: {  	[sflag:s8] =	ssyncset.s32 @!p0 $0xFFFFF086;
	s6 =	sadd.s32 @!p0 s3, s7;
	s7 =	simm.s32 @!p0 $0x108  }
0x21: {  	s3 =	sadd.s32 s3, s9;
	s6 =	sadd.s32 @!p0 $0x88, s6;
	s7 =	simm.s32 @p2 $0x1082  }
0x22: {  	[simem:s7], [sflag:s8] =	dma.local @!p0 [hbm:s6], $0xF7A  }
0x23: {  	s9 =	sor.u32 $0xD0000000, s2;
	s6 =	simm.s32 $0x108;
	_ =	swait.ge @!p0 [sflag:s8], $0x0  }
0x24: {  	s3 =	sadd.s32 $0x88, s3;
	s6 =	simm.s32 @!p1 $0x1082;
	[sflag:s4] =	ssyncset.s32 $0xFFFFF086  }
0x25: {  	[simem:s6], [sflag:s4] =	dma.local [hbm:s3], $0xF7A  }
0x26: {  	[smem:$0x3F9B] =	sst s1;
	(tag) =	ssettag s2;
	_ =	strace s9  }
0x27: {  	s1 =	sld [smem:$0x3FAB]  }
0x28: {  	s2 =	sld [smem:$0x3FAC]  }
0x29: {  	s4 =	sld [smem:$0x3FAE]  }
0x2a: {  	p0 =	seq.s32 s5, $0x0;
	s5 =	sld [smem:$0x3FAF]  }
0x2b: {  	s6 =	sld [smem:$0x3FB0]  }
0x2c: {  	s7 =	sld [smem:$0x3FB1]  }
0x2d: {  	s3 =	simm.s32 $0x108;
	s8 =	sld [smem:$0x3FB2]  }
0x2e: {  	s3 =	simm.s32 @!p0 $0x1082;
	s9 =	sld [smem:$0x3FB3]  }
0x2f: {  	lr =	sadd.s32 s0, s3;
	s0 =	sld [smem:$0x3FAA]  }
0x30: {  	s3 =	sld [smem:$0x3FAD]  }
0x31: {  	[smem:$0x3FB6] =	sst s10  }
0x32: {  	s10 =	sld [smem:$0x3FB4];
	_ =	sdelay $0x3  }
0x33: {  	p0 =	seq.s32 s10, $0x1;
	s10 =	sld [smem:$0x3FB6];
	_ =	sdelay $0x3  }
0x34: {  	[smem:$0x3FB6] =	sst s10  }
0x35: {  	s10 =	sld [smem:$0x3FB5];
	_ =	sdelay $0x3  }
0x36: {  	p1 =	seq.s32 s10, $0x1;
	s10 =	sld [smem:$0x3FB6];
	_ =	sdelay $0x3  }
0x37: {  	[smem:$0x3FB6] =	sst s10  }
0x38: {  	s10 =	sld [smem:$0x3FB7]  }
0x39: {  	_ = 	snop;
	(pc) =	sbr.ind lr, $3  }
0x3a: {  	_ = 	snop  }
0x3b: {  	_ = 	snop  }
0x3c: {  	p2 =	seq.s32 s10, $0x1;
	s10 =	sld [smem:$0x3FB6]  }
0x3d: {  	_ =	shalt  }
0x3e: {  	_ =	shalt  }
0x3f: {  	_ =	shalt  }
0x40: {  	_ =	shalt  }
0x41: {  	_ =	shalt  }
0x42: {  	_ =	shalt  }
0x43: {  	_ =	shalt  }
0x44: {  	_ =	shalt  }
0x45: {  	_ =	shalt  }
0x46: {  	_ =	shalt  }
0x47: {  	_ =	shalt  }
0x48: {  	_ =	shalt  }
0x49: {  	_ =	shalt  }
0x4a: {  	_ =	shalt  }
0x4b: {  	_ =	shalt  }
0x4c: {  	_ =	shalt  }
0x4d: {  	_ =	shalt  }
0x4e: {  	_ =	shalt  }
0x4f: {  	_ =	shalt  }
0x50: {  	_ =	shalt  }
0x51: {  	_ =	shalt  }
0x52: {  	_ =	shalt  }
0x53: {  	_ =	shalt  }
0x54: {  	_ =	shalt  }
0x55: {  	_ =	shalt  }
0x56: {  	_ =	shalt  }
0x57: {  	_ =	shalt  }
0x58: {  	_ =	shalt  }
0x59: {  	_ =	shalt  }
0x5a: {  	_ =	shalt  }
0x5b: {  	_ =	shalt  }
0x5c: {  	_ =	shalt  }
0x5d: {  	_ =	shalt  }
0x5e: {  	_ =	shalt  }
0x5f: {  	_ =	shalt  }
0x60: {  	_ =	shalt  }
0x61: {  	_ =	shalt  }
0x62: {  	_ =	shalt  }
0x63: {  	_ =	shalt  }
0x64: {  	_ =	shalt  }
0x65: {  	_ =	shalt  }
0x66: {  	_ =	shalt  }
0x67: {  	_ =	shalt  }
0x68: {  	_ =	shalt  }
0x69: {  	_ =	shalt  }
0x6a: {  	_ =	shalt  }
0x6b: {  	_ =	shalt  }
0x6c: {  	_ =	shalt  }
0x6d: {  	_ =	shalt  }
0x6e: {  	_ =	shalt  }
0x6f: {  	_ =	shalt  }
0x70: {  	_ =	shalt  }
0x71: {  	_ =	shalt  }
0x72: {  	_ =	shalt  }
0x73: {  	_ =	shalt  }
0x74: {  	_ =	shalt  }
0x75: {  	_ =	shalt  }
0x76: {  	_ =	shalt  }
0x77: {  	_ =	shalt  }
0x78: {  	_ =	shalt  }
0x79: {  	_ =	shalt  }
0x7a: {  	_ =	shalt  }
0x7b: {  	_ =	shalt  }
0x7c: {  	_ =	shalt  }
0x7d: {  	_ =	shalt  }
0x7e: {  	_ =	shalt  }
0x7f: {  	_ =	shalt  }
0x80: {  	_ =	shalt  }
0x81: {  	_ =	shalt  }
0x82: {  	_ =	shalt  }
0x83: {  	_ =	shalt  }
0x84: {  	_ =	shalt  }
0x85: {  	_ =	shalt  }
0x86: {  	_ =	shalt  }
0x87: {  	_ =	shalt  }
.Lfunc_end0:
.L_simem_size_0:
called_computation_lowered:
.L_overlay_start_0:
0x88: {  	s2 =	sld [smem:$0x3FD9]  }
0x89: {  	s3 =	sld [smem:$0x3FFE];
	_ =	sdelay $0x1  }
0x8a: {  	s1 =	srdreg.scid  }
0x8b: {  	s0 =	sand.u32 $0x1, s1  }
0x8c: {  	s17 =	sshll.u32 s0, $0xA;
	s2 =	sadd.s32 s3, s2  }
0x8d: {  	s2 =	sadd.s32 s2, s17  }
0x8e: {  	[smem:$0x3FC2] =	sst s2  }
0x8f: {  	_ = 	snop  }
0x90: {  	s2 =	sld [smem:$0x3FC8]  }
0x91: {  	s18 =	sld [smem:$0x3FD0];
	(tm) =	ssettm $0x1  }
0x92: {  	s4 =	sld [smem:$0x3FFB];
	_ =	sdelay $0x3  }
0x93: {  	_ =	strace s4  }
0x94: {  	s4 =	sld [smem:$0x3FFC];
	_ =	sdelay $0x3  }
0x95: {  	_ =	strace s4  }
0x96: {  	s4 =	sld [smem:$0x3FFD];
	_ =	sdelay $0x3  }
0x97: {  	_ =	strace s4  }
0x98: {  	_ =	strace $0x8FFFFFFF  }
0x99: {  	s19 =	sld [smem:$0x3FDB];
	_ =	sdelay $0x1  }
0x9a: {  	s5 =	simm.s32 $_scs_section_size  }
0x9b: {  	s6 =	simm.s32 $_size__tile_overlayer_lowered;
	s7 =	simm.s32 $_tile_overlayer_lowered  }
0x9c: {  	s22 =	simm.s32 $0x1BFF;
	s21 =	sshll.u32 s7, $0x1;
	s4 =	sadd.s32 s5, s19  }
0x9d: {  	s8 =	simm.s32 $0x0;
	s20 =	sshll.u32 s6, $0x1;
	s6 =	sadd.s32 s21, s4  }
0x9e: {  	[timem:s8], [sflag:s22] =	dma.local [hbm:s6], s20  }
0x9f: {  	_ =	swait.ge [sflag:s22], s20  }
0xa0: {  	s5 =	ssub.s32 $0x0, s20;
	[sflag:s22] =	ssyncset.done $0x0  }
0xa1: {  	[sflag:s22] =	ssyncadd.s32 s5;
	_ =	sdelay $0x1  }
0xa2: {  	s23 =	simm.s32 $0x1B8B  }
0xa3: {  	_ =	swait.ge [sflag:s23], $0x1  }
0xa4: {  	[sflag:s23] =	ssyncset.done $0x0  }
0xa5: {  	s25 =	simm.s32 $0x1B8E;
	s24 =	sld [smem:$0x3FFE];
	[sflag:s23] =	ssyncadd.s32 $0xFFFFFFFF  }
0xa6: {  	s26 =	simm.s32 $execute0_lowered;
	[smem:$0x3FD2] =	sst s25  }
0xa7: {  	s6 =	sshll.u32 s26, $0x1;
	_ =	strace $0x80000046;
	[dreg:$0x1] =	wrdreg $0xFFFFFFFF  }
0xa8: {  	s28 =	simm.s32 $_size_execute0_lowered;
	s4 =	sadd.s32 s4, s6;
	[dreg:$0x0] =	wrdreg $0x0  }
0xa9: {  	s6 =	sshll.u32 s28, $0x1;
	[dreg:$0x2] =	wrdreg s4  }
0xaa: {  	[dreg:$0x3] =	wrdreg s6  }
0xab: {  	[dreg:$0x4] =	wrdreg $0xC0  }
0xac: {  	_ =	task [dreg:s8], $0x5FFFF  }
0xad: {  	[dreg:$0x1] =	wrdreg $0xFFFFFFFF  }
0xae: {  	[dreg:$0x0] =	wrdreg $0x60  }
0xaf: {  	[dreg:$0x2] =	wrdreg s2  }
0xb0: {  	[dreg:$0x3] =	wrdreg s24  }
0xb1: {  	[dreg:$0x4] =	wrdreg s18  }
0xb2: {  	[dreg:$0x5] =	wrdreg $0x3800  }
0xb3: {  	[dreg:$0x6] =	wrdreg $0x9  }
0xb4: {  	_ =	task.clear_ibuf [dreg:s8], $0x7FFFF;
	_ =	strace $0x90000046  }
0xb5: {  	s29 =	simm.s32 $0x9;
	_ =	strace $0x80000048  }
0xb6: {  	_ =	swait.ge [sflag:s29], $0x1  }
0xb7: {  	[sflag:s29] =	ssyncadd.s32 $0xFFFFFFFF  }
0xb8: {  	_ =	strace $0x90000048  }
0xb9: {  	_ =	sfence  }
0xba: {  	s30 =	sld [smem:$0x0];
	_ =	sdelay $0x2  }
0xbb: {  	s31 =	sshll.u32 s1, $0xD;
	s1 =	sshrl.u32 s1, $0x2  }
0xbc: {  	s3 =	sand.u32 $0x4000, s31;
	s1 =	sadd.s32 s1, s30  }
0xbd: {  	s0 =	sor.u32 s3, s0;
	s1 =	sshll.u32 s1, $0x11  }
0xbe: {  	s0 =	sor.u32 s1, s0  }
0xbf: {  	s0 =	sadd.s32 $0x8F2B, s0  }
0xc0: {  	[sflag:s0] =	ssyncadd.remote.s32 $0x1  }
0xc1: {  	_ =	sfence.sel $0xFFFF  }
0xc2: {  	[dreg:$0x0] =	wrdreg $0xFFFFFFFF;
	(pc) =	sbr.abs _section_cstart, $3  }
0xc3: {  	[dreg:$0x1] =	wrdreg $0xFFFFFFFF  }
0xc4: {  	_ =	task.clear_ibuf [dreg:s8], $0x2FFFF;
	_ =	strace $0x9FFFFFFF  }
0xc5: {  	(tm) =	ssettm $0x7FFFFFFF  }
tec
execute0_lowered:
.L_overlay_start_1:
0x0: {  	(tag) =	ssettag $0x1  }
0x1: {  	s0 =	rddreg [dreg:$0x0]  }
0x2: {  	s2 =	rddreg [dreg:$0x1]  }
0x3: {  	s9 =	rddreg [dreg:$0x2]  }
0x4: {  	s1 =	rddreg [dreg:$0x3]  }
0x5: {  	s3 =	simm.s32 $0x0;
	s4 =	srdreg.scid;
	s17 =	stileid.u32  }
0x6: {  	s28 =	simm.s32 $0x280;
	s29 =	simm.s32 $0x5;
	s30 =	simm.s32 $0x6  }
0x7: {  	[smem:$0x7FF] =	sst s3;
	s7 =	sand.u32 $0x1, s4;
	s6 =	smul.u32 $0xA00, s17  }
0x8: {  	s2 =	sadd.s32 $0x1A00, s2;
	s20 =	sshll.u32 s17, $0x6;
	s11 =	sshrl.u32 s17, $0x3  }
0x9: {  	s15 =	sadd.s32 $0x20, s0;
	s12 =	sshll.u32 s17, $0x5;
	s22 =	smul.u32 $0x4E, s17  }
0xa: {  	s13 =	sshll.u32 s17, $0x7;
	_ =	strace $0x80000047;
	s10 =	smul.u32 $0x2800, s7  }
0xb: {  	s5 =	ssub.s32 $0x2, s7;
	[dreg:$0x5] =	wrdreg s2;
	s11 =	smul.u32 $0x1400, s11  }
0xc: {  	s8 =	sshll.u32 s7, $0x4;
	s14 =	smul.u32 $0x4E0, s7;
	s21 =	sand.u32 $0x380, s13  }
0xd: {  	s23 =	sadd.s32 s12, s0;
	s18 =	sshrl.u32 s5, $0x1;
	s25 =	sor.u32 s17, s8  }
0xe: {  	s19 =	sshrl.u32 s6, $0x2;
	s17 =	simm.s32 $0x7;
	s2 =	ssub.s32 s5, s18  }
0xf: {  	s16 =	sadd.s32 s19, s1;
	s8 =	smul.u32 $0x9C0, s25;
	s5 =	sor.u32 $0x1C07, s20  }
0x10: {  	s10 =	sadd.s32 s10, s11;
	s24 =	sadd.s32 s22, s14;
	s18 =	simm.s32 $0x100  }
0x11: {  	s19 =	simm.s32 $0x1;
	s20 =	simm.s32 $0x80;
	s22 =	simm.s32 $0x200  }
0x12: {  	p0 =	sgt.u32 s25, $0x3;
	s25 =	simm.s32 $0x4;
	s10 =	sor.u32 s21, s10  }
0x13: {  	s26 =	sshll.u32 s24, $0x5;
	s16 =	sshrl.u32 s16, $0x3;
	s21 =	simm.s32 $0x300  }
0x14: {  	s24 =	simm.s32 $0x180;
	s6 =	sadd.s32 s0, s8;
	s7 =	sadd.s32 s8, s15  }
.Ltmp0:
0x15: {  	s8 =	sadd.s32 $0x13800, s23;
	s10 =	sshrl.u32 s10, $0x3;
	(pc) =	sbr.rel .LBB2_1-.Ltmp0, $4  }
0x16: {  	s0 =	sadd.s32 s0, s26;
	s31 =	sadd.s32 s15, s26;
	s23 =	simm.s32 $0x2  }
0x17: {  	s26 =	simm.s32 $0x3;
	s9 =	sadd.s32 s9, s10;
	s10 =	smax.u32 s2, $0x1  }
0x18: {  	s11 =	sadd.s32 $0x40, s6;
	s12 =	sadd.s32 $0x60, s6;
	s13 =	sadd.s32 $0x80, s6  }
0x19: {  	v0 =	vimm.f32 $1.000000000e+00;
	s14 =	sadd.s32 $0xC0, s0;
	s15 =	sadd.s32 $0x80, s31;
	s0 =	simm.s32 $0x0  }
.LBB2_4:
0x1a: {  	_ =	swait.ge [sflag:s26], $0x100  }
0x1b: {  	[sflag:s26] =	ssyncset.done $0x0  }
0x1c: {  	[sflag:s26] =	ssyncadd.s32 $0xFFFFFF00  }
0x1d: {  	[spmem:s1] =	stream.indirect.scatter.add.f32 [tilespmem:s21], [sflag:$0x6], $0x1, s28, s20, $0xb8;
	[tilespmem:$0x600] =	vst v63  }
0x1e: {  	_ =	swait.ge [sflag:s29], $0x80  }
0x1f: {  	[sflag:s29] =	ssyncset.done $0x0  }
0x20: {  	[sflag:s29] =	ssyncadd.s32 $0xFFFFFF80  }
0x21: {  	_ =	swait.ge [sflag:s30], $0x80  }
0x22: {  	[sflag:s30] =	ssyncset.done $0x0  }
0x23: {  	s2 =	simm.s32 @!p0 $0x0;
	[sflag:s30] =	ssyncadd.s32 $0xFFFFFF80  }
0x24: {  	[tilespmem:s2], [sflag:$0x7] =	stream.linear.gather @!p0 [hbm4b:s8+s2], $0x100, $0x38;
	[tilespmem:$0x600] =	vst v63  }
0x25: {  	s2 =	simm.s32 @!p0 $0x7  }
0x26: {  	_ =	swait.ge @!p0 [sflag:s2], $0x100  }
0x27: {  	[sflag:s2] =	ssyncset.done @!p0 $0x0  }
0x28: {  	s31 =	simm.s32 @!p0 $0x80;
	s4 =	simm.s32 @!p0 $0x300;
	[sflag:s2] =	ssyncadd.s32 @!p0 $0xFFFFFF00  }
0x29: {  	[spmem:s1] =	stream.indirect.scatter.add.f32 @!p0 [tilespmem:s4], [sflag:$0x7], $0x1, s31, s31, $0xb8;
	[tilespmem:$0x600] =	vst v63  }
0x2a: {  	_ =	swait.ge @!p0 [sflag:s2], $0x80  }
0x2b: {  	s0 =	sadd.s32 $0x1, s0;
	[sflag:s2] =	ssyncset.done @!p0 $0x0  }
0x2c: {  	p1 =	sne.s32 s0, s10;
	[sflag:s2] =	ssyncadd.s32 @!p0 $0xFFFFFF80  }
.Ltmp1:
0x2d: {  	s31 =	simm.s32 $0x10;
	[bflag:$0x0] =	sbarrier.arrive $0xFFFF;
	(pc) =	sbr.rel @!p1 .LBB2_5-.Ltmp1, $4  }
0x2e: {  	[hbm:s9@s20], [sflag:s5] =	dma.strided [spmem:s16@s31], $0x50, s19, $0x10   }
0x2f: {  	_ =	swait.ge [sflag:s17], $0x50  }
0x30: {  	[sflag:s17] =	ssyncset.done $0x0  }
0x31: {  	[sflag:s17] =	ssyncadd.s32 $0xFFFFFFB0  }
.LBB2_1:
0x32: {  	s2 =	rddreg [dreg:$0x5]  }
0x33: {  	[spmem:s16], [sflag:s5] =	dma.local [hbm:s2], $0x50  }
0x34: {  	_ =	swait.ge [sflag:s17], $0x50  }
0x35: {  	[sflag:s17] =	ssyncset.done $0x0  }
0x36: {  	[sflag:s17] =	ssyncadd.s32 $0xFFFFFFB0  }
0x37: {  	[tilespmem:$0x300] =	vst v0  }
0x38: {  	[tilespmem:$0x310] =	vst v0  }
0x39: {  	[tilespmem:$0x320] =	vst v0  }
0x3a: {  	[tilespmem:$0x330] =	vst v0  }
0x3b: {  	[tilespmem:$0x340] =	vst v0  }
0x3c: {  	[tilespmem:$0x350] =	vst v0  }
0x3d: {  	[tilespmem:$0x360] =	vst v0  }
0x3e: {  	[tilespmem:$0x370] =	vst v0  }
0x3f: {  	[tilespmem:s3], [sflag:$0x1] =	stream.linear.gather [hbm4b:s6+s3], $0x100, $0x38;
	[tilespmem:$0x600] =	vst v63  }
0x40: {  	_ = 	snop  }
0x41: {  	[tilespmem:s18], [sflag:$0x2] =	stream.linear.gather [hbm4b:s7+s3], $0x100, $0x38;
	[tilespmem:$0x600] =	vst v63  }
0x42: {  	[bflag:$0x0] =	sbarrier.arrive $0xFFFF  }
0x43: {  	_ =	swait.ge [sflag:s19], $0x100  }
0x44: {  	[sflag:s19] =	ssyncset.done $0x0  }
0x45: {  	[sflag:s19] =	ssyncadd.s32 $0xFFFFFF00  }
0x46: {  	[spmem:s1] =	stream.indirect.scatter.add.f32 [tilespmem:s21], [sflag:$0x4], $0x1, s20, s20, $0xb8;
	[tilespmem:$0x600] =	vst v63  }
0x47: {  	_ = 	snop  }
0x48: {  	[tilespmem:s22], [sflag:$0x3] =	stream.linear.gather [hbm4b:s11+s3], $0x100, $0x38;
	[tilespmem:$0x600] =	vst v63  }
0x49: {  	_ =	swait.ge [sflag:s23], $0x100  }
0x4a: {  	[sflag:s23] =	ssyncset.done $0x0  }
0x4b: {  	[sflag:s23] =	ssyncadd.s32 $0xFFFFFF00  }
0x4c: {  	[spmem:s1] =	stream.indirect.scatter.add.f32 [tilespmem:s21], [sflag:$0x5], $0x1, s24, s20, $0xb8;
	[tilespmem:$0x600] =	vst v63  }
0x4d: {  	_ =	swait.ge [sflag:s25], $0x80  }
0x4e: {  	[sflag:s25] =	ssyncset.done $0x0  }
0x4f: {  	[sflag:s25] =	ssyncadd.s32 $0xFFFFFF80  }
0x50: {  	[tilespmem:s3], [sflag:$0x1] =	stream.linear.gather [hbm4b:s12+s3], $0x100, $0x38;
	[tilespmem:$0x600] =	vst v63  }
0x51: {  	_ =	swait.ge [sflag:s26], $0x100  }
0x52: {  	[sflag:s26] =	ssyncset.done $0x0  }
0x53: {  	[sflag:s26] =	ssyncadd.s32 $0xFFFFFF00  }
0x54: {  	[spmem:s1] =	stream.indirect.scatter.add.f32 [tilespmem:s21], [sflag:$0x6], $0x1, s28, s20, $0xb8;
	[tilespmem:$0x600] =	vst v63  }
0x55: {  	_ =	swait.ge [sflag:s29], $0x80  }
0x56: {  	[sflag:s29] =	ssyncset.done $0x0  }
0x57: {  	s2 =	simm.s32 $0x0;
	[sflag:s29] =	ssyncadd.s32 $0xFFFFFF80  }
0x58: {  	[tilespmem:s18], [sflag:$0x2] =	stream.linear.gather [hbm4b:s13+s3], $0x100, $0x38;
	[tilespmem:$0x600] =	vst v63  }
.LBB2_2:
0x59: {  	_ =	swait.ge [sflag:s19], $0x100  }
0x5a: {  	[sflag:s19] =	ssyncset.done $0x0  }
0x5b: {  	[sflag:s19] =	ssyncadd.s32 $0xFFFFFF00  }
0x5c: {  	[spmem:s1] =	stream.indirect.scatter.add.f32 [tilespmem:s21], [sflag:$0x4], $0x1, s20, s20, $0xb8;
	[tilespmem:$0x600] =	vst v63  }
0x5d: {  	_ =	swait.ge [sflag:s30], $0x80  }
0x5e: {  	[sflag:s30] =	ssyncset.done $0x0  }
0x5f: {  	s31 =	sadd.s32 s2, s15;
	[sflag:s30] =	ssyncadd.s32 $0xFFFFFF80  }
0x60: {  	[tilespmem:s22], [sflag:$0x3] =	stream.linear.gather [hbm4b:s31+s3], $0x100, $0x38;
	[tilespmem:$0x600] =	vst v63  }
0x61: {  	_ =	swait.ge [sflag:s23], $0x100  }
0x62: {  	p1 =	seq.s32 s2, $0x900;
	[sflag:s23] =	ssyncset.done $0x0  }
.Ltmp2:
0x63: {  	[sflag:s23] =	ssyncadd.s32 $0xFFFFFF00;
	(pc) =	sbr.rel @p1 .LBB2_4-.Ltmp2, $4  }
0x64: {  	[spmem:s1] =	stream.indirect.scatter.add.f32 [tilespmem:s21], [sflag:$0x5], $0x1, s24, s20, $0xb8;
	[tilespmem:$0x600] =	vst v63  }
0x65: {  	_ =	swait.ge [sflag:s25], $0x80  }
0x66: {  	[sflag:s25] =	ssyncset.done $0x0  }
0x67: {  	[sflag:s25] =	ssyncadd.s32 $0xFFFFFF80  }
0x68: {  	s31 =	sadd.s32 s2, s14  }
0x69: {  	[tilespmem:s3], [sflag:$0x1] =	stream.linear.gather [hbm4b:s31+s3], $0x100, $0x38;
	[tilespmem:$0x600] =	vst v63  }
0x6a: {  	_ =	swait.ge [sflag:s26], $0x100  }
0x6b: {  	[sflag:s26] =	ssyncset.done $0x0  }
0x6c: {  	[sflag:s26] =	ssyncadd.s32 $0xFFFFFF00  }
0x6d: {  	[spmem:s1] =	stream.indirect.scatter.add.f32 [tilespmem:s21], [sflag:$0x6], $0x1, s28, s20, $0xb8;
	[tilespmem:$0x600] =	vst v63  }
.Ltmp3:
0x6e: {  	_ = 	snop;
	(pc) =	sbr.rel .LBB2_2-.Ltmp3, $4  }
0x6f: {  	_ =	swait.ge [sflag:s29], $0x80  }
0x70: {  	[sflag:s29] =	ssyncset.done $0x0  }
0x71: {  	s2 =	sadd.s32 $0x60, s2;
	s31 =	sadd.s32 $0x20, s31;
	[sflag:s29] =	ssyncadd.s32 $0xFFFFFF80  }
0x72: {  	[tilespmem:s18], [sflag:$0x2] =	stream.linear.gather [hbm4b:s31+s3], $0x100, $0x38;
	[tilespmem:$0x600] =	vst v63  }
.LBB2_5:
0x73: {  	_ =	sfence.sel $0x180000  }
0x74: {  	[bflag:$0x0] =	sbarrier.arrive $0xFFFF  }
0x75: {  	_ =	strace $0x90000047  }
0x76: {  	s0 =	stileid.u32;
	[bflag:$0x2] =	sbarrier.arrive $0xFFFF  }
0x77: {  	p0 =	sne.s32 s0, $0x0;
	s0 =	rddreg [dreg:$0x4]  }
0x78: {  	s0 =	sadd.s32 @!p0 $0x100000, s0  }
0x79: {  	[sflag:s0] =	ssyncadd.tile.s32 @!p0 $0x1;
	_ =	shalt  }
.Lfunc_end2:
_tile_overlayer_lowered:
.L_overlay_start_2:
0x7a: {  	(tag) =	ssettag $0x2  }
0x7b: {  	s0 =	rddreg [dreg:$0x0];
	s2 =	stileid.u32  }
0x7c: {  	s1 =	rddreg [dreg:$0x1];
	p0 =	sne.s32 s2, $0x0  }
0x7d: {  	s3 =	rddreg [dreg:$0x2];
	[bflag:$0x3] =	sbarrier.arrive $0xFFFF;
	s2 =	simm.s32 @!p0 $0x1C07  }
0x7e: {  	[timem:s3], [sflag:s2] =	dma.local @!p0 [hbm:s0], s1  }
0x7f: {  	s0 =	simm.s32 @!p0 $0x7  }
0x80: {  	_ =	swait.ge @!p0 [sflag:s0], s1  }
0x81: {  	s1 =	ssub.s32 @!p0 $0x0, s1;
	[sflag:s0] =	ssyncset.done @!p0 $0x0  }
0x82: {  	[sflag:s0] =	ssyncadd.s32 @!p0 s1  }
0x83: {  	[bflag:$0x3] =	sbarrier.arrive $0xFFFF  }
0x84: {  	_ =	shalt  }

// kernel: kernel.13.cloned.1.call-start
scs
__scs_entry_jumppad:
0x0: {  	(pc) =	sbr.rel $0x88, $3  }
0x1: {  	(tag) =	ssettag $0x0;
	lr =	simm.s32 $0x1  }
0x2: {  	[smem:$0x3F9B] =	sst lr;
	_ =	strace $0xD0000000  }
0x3: {  	_ = 	snop  }
0x4: {  	_ = 	snop  }
0x5: {  	_ = 	snop  }
0x6: {  	_ = 	snop  }
0x7: {  	_ = 	snop  }
__scs_overlays_trampoline_lowered:
0x8: {  	[smem:$0x3FAA] =	sst s0  }
0x9: {  	[smem:$0x3FAB] =	sst s1  }
0xa: {  	[smem:$0x3FAC] =	sst s2  }
0xb: {  	[smem:$0x3FAD] =	sst s3  }
0xc: {  	[smem:$0x3FAE] =	sst s4  }
0xd: {  	[smem:$0x3FAF] =	sst s5  }
0xe: {  	[smem:$0x3FB0] =	sst s6  }
0xf: {  	[smem:$0x3FB1] =	sst s7  }
0x10: {  	[smem:$0x3FB2] =	sst s8  }
0x11: {  	[smem:$0x3FB3] =	sst s9;
	s0 =	simm.s32 @!p0 $0x0  }
0x12: {  	s1 =	sld [smem:$0x3F99];
	s0 =	simm.s32 @p0 $0x1  }
0x13: {  	[smem:$0x3FB4] =	sst s0;
	s0 =	simm.s32 @!p1 $0x0  }
0x14: {  	s2 =	sld [smem:$0x3F98];
	s0 =	simm.s32 @p1 $0x1  }
0x15: {  	[smem:$0x3FB5] =	sst s0;
	s0 =	simm.s32 @!p2 $0x0  }
0x16: {  	s3 =	sld [smem:$0x3FDB];
	s0 =	simm.s32 @p2 $0x1  }
0x17: {  	s4 =	simm.s32 $0x1BF5;
	[smem:$0x3FB7] =	sst s0  }
0x18: {  	s0 =	sld [smem:$0x3F9A];
	_ =	swait.ge [sflag:s4], $0x0  }
0x19: {  	s7 =	sld [smem:$0x3F9B]  }
0x1a: {  	s8 =	sadd.s32 $0xFFFFE003, lr  }
0x1b: {  	s9 =	sadd.s32 $0xFFFFFEF7, lr;
	s5 =	simm.s32 $0xFFFFFFFF;
	p2 =	slt.u32 s8, $0xFFFFF086  }
0x1c: {  	p1 =	slt.u32 s9, $0xF7A;
	s5 =	simm.s32 @!p2 $0x0  }
0x1d: {  	s5 =	simm.s32 @p1 $0x1;
	p0 =	seq.s32 s7, s2  }
0x1e: {  	s7 =	smul.u32 @!p0 $0xF7A, s2;
	p2 =	seq.s32 @!p0 s5, $0x0  }
0x1f: {  	s9 =	smul.u32 $0xF7A, s1;
	s8 =	simm.s32 @!p0 $0x1BF5;
	p2 =	por !p2, p0  }
0x20: {  	[sflag:s8] =	ssyncset.s32 @!p0 $0xFFFFF086;
	s6 =	sadd.s32 @!p0 s3, s7;
	s7 =	simm.s32 @!p0 $0x108  }
0x21: {  	s3 =	sadd.s32 s3, s9;
	s6 =	sadd.s32 @!p0 $0x88, s6;
	s7 =	simm.s32 @p2 $0x1082  }
0x22: {  	[simem:s7], [sflag:s8] =	dma.local @!p0 [hbm:s6], $0xF7A  }
0x23: {  	s9 =	sor.u32 $0xD0000000, s2;
	s6 =	simm.s32 $0x108;
	_ =	swait.ge @!p0 [sflag:s8], $0x0  }
0x24: {  	s3 =	sadd.s32 $0x88, s3;
	s6 =	simm.s32 @!p1 $0x1082;
	[sflag:s4] =	ssyncset.s32 $0xFFFFF086  }
0x25: {  	[simem:s6], [sflag:s4] =	dma.local [hbm:s3], $0xF7A  }
0x26: {  	[smem:$0x3F9B] =	sst s1;
	(tag) =	ssettag s2;
	_ =	strace s9  }
0x27: {  	s1 =	sld [smem:$0x3FAB]  }
0x28: {  	s2 =	sld [smem:$0x3FAC]  }
0x29: {  	s4 =	sld [smem:$0x3FAE]  }
0x2a: {  	p0 =	seq.s32 s5, $0x0;
	s5 =	sld [smem:$0x3FAF]  }
0x2b: {  	s6 =	sld [smem:$0x3FB0]  }
0x2c: {  	s7 =	sld [smem:$0x3FB1]  }
0x2d: {  	s3 =	simm.s32 $0x108;
	s8 =	sld [smem:$0x3FB2]  }
0x2e: {  	s3 =	simm.s32 @!p0 $0x1082;
	s9 =	sld [smem:$0x3FB3]  }
0x2f: {  	lr =	sadd.s32 s0, s3;
	s0 =	sld [smem:$0x3FAA]  }
0x30: {  	s3 =	sld [smem:$0x3FAD]  }
0x31: {  	[smem:$0x3FB6] =	sst s10  }
0x32: {  	s10 =	sld [smem:$0x3FB4];
	_ =	sdelay $0x3  }
0x33: {  	p0 =	seq.s32 s10, $0x1;
	s10 =	sld [smem:$0x3FB6];
	_ =	sdelay $0x3  }
0x34: {  	[smem:$0x3FB6] =	sst s10  }
0x35: {  	s10 =	sld [smem:$0x3FB5];
	_ =	sdelay $0x3  }
0x36: {  	p1 =	seq.s32 s10, $0x1;
	s10 =	sld [smem:$0x3FB6];
	_ =	sdelay $0x3  }
0x37: {  	[smem:$0x3FB6] =	sst s10  }
0x38: {  	s10 =	sld [smem:$0x3FB7]  }
0x39: {  	_ = 	snop;
	(pc) =	sbr.ind lr, $3  }
0x3a: {  	_ = 	snop  }
0x3b: {  	_ = 	snop  }
0x3c: {  	p2 =	seq.s32 s10, $0x1;
	s10 =	sld [smem:$0x3FB6]  }
0x3d: {  	_ =	shalt  }
0x3e: {  	_ =	shalt  }
0x3f: {  	_ =	shalt  }
0x40: {  	_ =	shalt  }
0x41: {  	_ =	shalt  }
0x42: {  	_ =	shalt  }
0x43: {  	_ =	shalt  }
0x44: {  	_ =	shalt  }
0x45: {  	_ =	shalt  }
0x46: {  	_ =	shalt  }
0x47: {  	_ =	shalt  }
0x48: {  	_ =	shalt  }
0x49: {  	_ =	shalt  }
0x4a: {  	_ =	shalt  }
0x4b: {  	_ =	shalt  }
0x4c: {  	_ =	shalt  }
0x4d: {  	_ =	shalt  }
0x4e: {  	_ =	shalt  }
0x4f: {  	_ =	shalt  }
0x50: {  	_ =	shalt  }
0x51: {  	_ =	shalt  }
0x52: {  	_ =	shalt  }
0x53: {  	_ =	shalt  }
0x54: {  	_ =	shalt  }
0x55: {  	_ =	shalt  }
0x56: {  	_ =	shalt  }
0x57: {  	_ =	shalt  }
0x58: {  	_ =	shalt  }
0x59: {  	_ =	shalt  }
0x5a: {  	_ =	shalt  }
0x5b: {  	_ =	shalt  }
0x5c: {  	_ =	shalt  }
0x5d: {  	_ =	shalt  }
0x5e: {  	_ =	shalt  }
0x5f: {  	_ =	shalt  }
0x60: {  	_ =	shalt  }
0x61: {  	_ =	shalt  }
0x62: {  	_ =	shalt  }
0x63: {  	_ =	shalt  }
0x64: {  	_ =	shalt  }
0x65: {  	_ =	shalt  }
0x66: {  	_ =	shalt  }
0x67: {  	_ =	shalt  }
0x68: {  	_ =	shalt  }
0x69: {  	_ =	shalt  }
0x6a: {  	_ =	shalt  }
0x6b: {  	_ =	shalt  }
0x6c: {  	_ =	shalt  }
0x6d: {  	_ =	shalt  }
0x6e: {  	_ =	shalt  }
0x6f: {  	_ =	shalt  }
0x70: {  	_ =	shalt  }
0x71: {  	_ =	shalt  }
0x72: {  	_ =	shalt  }
0x73: {  	_ =	shalt  }
0x74: {  	_ =	shalt  }
0x75: {  	_ =	shalt  }
0x76: {  	_ =	shalt  }
0x77: {  	_ =	shalt  }
0x78: {  	_ =	shalt  }
0x79: {  	_ =	shalt  }
0x7a: {  	_ =	shalt  }
0x7b: {  	_ =	shalt  }
0x7c: {  	_ =	shalt  }
0x7d: {  	_ =	shalt  }
0x7e: {  	_ =	shalt  }
0x7f: {  	_ =	shalt  }
0x80: {  	_ =	shalt  }
0x81: {  	_ =	shalt  }
0x82: {  	_ =	shalt  }
0x83: {  	_ =	shalt  }
0x84: {  	_ =	shalt  }
0x85: {  	_ =	shalt  }
0x86: {  	_ =	shalt  }
0x87: {  	_ =	shalt  }
.Lfunc_end0:
.L_simem_size_0:
called_computation.1_lowered:
.L_overlay_start_0:
0x88: {  	s2 =	sld [smem:$0x3FD9]  }
0x89: {  	s3 =	sld [smem:$0x3FFE];
	_ =	sdelay $0x1  }
0x8a: {  	s1 =	srdreg.scid  }
0x8b: {  	s0 =	sand.u32 $0x1, s1  }
0x8c: {  	s17 =	sshll.u32 s0, $0xA;
	s2 =	sadd.s32 s3, s2  }
0x8d: {  	s2 =	sadd.s32 s2, s17  }
0x8e: {  	[smem:$0x3FC2] =	sst s2  }
0x8f: {  	_ = 	snop  }
0x90: {  	s2 =	sld [smem:$0x3FD0];
	(tm) =	ssettm $0x1  }
0x91: {  	s18 =	sld [smem:$0x3FFB];
	_ =	sdelay $0x3  }
0x92: {  	_ =	strace s18  }
0x93: {  	s3 =	sld [smem:$0x3FFC];
	_ =	sdelay $0x3  }
0x94: {  	_ =	strace s3  }
0x95: {  	s3 =	sld [smem:$0x3FFD];
	_ =	sdelay $0x3  }
0x96: {  	_ =	strace s3  }
0x97: {  	_ =	strace $0x8FFFFFFF  }
0x98: {  	s19 =	sld [smem:$0x3FDB];
	_ =	sdelay $0x1  }
0x99: {  	s4 =	simm.s32 $_scs_section_size  }
0x9a: {  	s5 =	simm.s32 $_size__tile_overlayer_lowered;
	s6 =	simm.s32 $_tile_overlayer_lowered  }
0x9b: {  	s22 =	simm.s32 $0x1BFF;
	s21 =	sshll.u32 s6, $0x1;
	s3 =	sadd.s32 s4, s19  }
0x9c: {  	s7 =	simm.s32 $0x0;
	s20 =	sshll.u32 s5, $0x1;
	s5 =	sadd.s32 s21, s3  }
0x9d: {  	[timem:s7], [sflag:s22] =	dma.local [hbm:s5], s20  }
0x9e: {  	_ =	swait.ge [sflag:s22], s20  }
0x9f: {  	s4 =	ssub.s32 $0x0, s20;
	[sflag:s22] =	ssyncset.done $0x0  }
0xa0: {  	[sflag:s22] =	ssyncadd.s32 s4;
	_ =	sdelay $0x1  }
0xa1: {  	s23 =	simm.s32 $0x1B8B  }
0xa2: {  	_ =	swait.ge [sflag:s23], $0x1  }
0xa3: {  	[sflag:s23] =	ssyncset.done $0x0  }
0xa4: {  	s25 =	simm.s32 $0x1B8E;
	s24 =	sld [smem:$0x3FFE];
	[sflag:s23] =	ssyncadd.s32 $0xFFFFFFFF  }
0xa5: {  	s26 =	simm.s32 $execute0_lowered;
	[smem:$0x3FD2] =	sst s25  }
0xa6: {  	s5 =	sshll.u32 s26, $0x1;
	_ =	strace $0x80000049;
	[dreg:$0x1] =	wrdreg $0xFFFFFFFF  }
0xa7: {  	s28 =	simm.s32 $_size_execute0_lowered;
	s3 =	sadd.s32 s3, s5;
	[dreg:$0x0] =	wrdreg $0x0  }
0xa8: {  	s5 =	sshll.u32 s28, $0x1;
	[dreg:$0x2] =	wrdreg s3  }
0xa9: {  	[dreg:$0x3] =	wrdreg s5  }
0xaa: {  	[dreg:$0x4] =	wrdreg $0xC0  }
0xab: {  	_ =	task [dreg:s7], $0x5FFFF  }
0xac: {  	[dreg:$0x1] =	wrdreg $0xFFFFFFFF  }
0xad: {  	[dreg:$0x0] =	wrdreg $0x60  }
0xae: {  	[dreg:$0x2] =	wrdreg s2  }
0xaf: {  	[dreg:$0x3] =	wrdreg s24  }
0xb0: {  	[dreg:$0x4] =	wrdreg $0xA8000  }
0xb1: {  	[dreg:$0x5] =	wrdreg $0x9  }
0xb2: {  	_ =	task.clear_ibuf [dreg:s7], $0x6FFFF;
	_ =	strace $0x90000049  }
0xb3: {  	s29 =	simm.s32 $0x9;
	_ =	strace $0x8000004B  }
0xb4: {  	_ =	swait.ge [sflag:s29], $0x1  }
0xb5: {  	[sflag:s29] =	ssyncadd.s32 $0xFFFFFFFF  }
0xb6: {  	_ =	strace $0x9000004B  }
0xb7: {  	_ =	sfence  }
0xb8: {  	s30 =	sld [smem:$0x0];
	_ =	sdelay $0x2  }
0xb9: {  	s31 =	sshll.u32 s1, $0xD;
	s1 =	sshrl.u32 s1, $0x2  }
0xba: {  	s3 =	sand.u32 $0x4000, s31;
	s1 =	sadd.s32 s1, s30  }
0xbb: {  	s0 =	sor.u32 s3, s0;
	s1 =	sshll.u32 s1, $0x11  }
0xbc: {  	s0 =	sor.u32 s1, s0  }
0xbd: {  	s0 =	sadd.s32 $0x8F2B, s0  }
0xbe: {  	[sflag:s0] =	ssyncadd.remote.s32 $0x1  }
0xbf: {  	_ =	sfence.sel $0xFFFF  }
0xc0: {  	[dreg:$0x0] =	wrdreg $0xFFFFFFFF;
	(pc) =	sbr.abs _section_cstart, $3  }
0xc1: {  	[dreg:$0x1] =	wrdreg $0xFFFFFFFF  }
0xc2: {  	_ =	task.clear_ibuf [dreg:s7], $0x2FFFF;
	_ =	strace $0x9FFFFFFF  }
0xc3: {  	(tm) =	ssettm $0x7FFFFFFF  }
tec
execute0_lowered:
.L_overlay_start_1:
0x0: {  	(tag) =	ssettag $0x1  }
0x1: {  	s1 =	rddreg [dreg:$0x0]  }
0x2: {  	s0 =	rddreg [dreg:$0x1]  }
0x3: {  	s2 =	rddreg [dreg:$0x2]  }
0x4: {  	s3 =	srdreg.scid;
	s4 =	simm.s32 $0x0;
	s13 =	stileid.u32  }
0x5: {  	s28 =	simm.s32 $0x3000;
	s29 =	simm.s32 $0x3;
	s30 =	simm.s32 $0x5800  }
0x6: {  	s3 =	sand.u32 $0x1, s3;
	[smem:$0x7FF] =	sst s4;
	s6 =	smul.u32 $0x13C00, s13  }
0x7: {  	s8 =	sadd.s32 $0xBA00, s0;
	s9 =	sadd.s32 $0x1C00, s0;
	s10 =	smul.u32 $0x4F000, s13  }
0x8: {  	s7 =	sadd.s32 $0x15800, s0;
	s5 =	smul.u32 $0x13C000, s3;
	_ =	strace $0x8000004A  }
0x9: {  	[dreg:$0x4] =	wrdreg s7;
	s26 =	sshll.u32 s3, $0x4;
	s31 =	ssub.s32 $0x2, s3  }
0xa: {  	s3 =	smul.u32 $0x4E20, s3;
	s11 =	sshrl.u32 s31, $0x1;
	s10 =	sshrl.u32 s10, $0x2  }
0xb: {  	s5 =	sadd.s32 s6, s5;
	s6 =	sor.u32 s13, s26;
	s26 =	smul.u32 $0x4E2, s13  }
0xc: {  	s7 =	sadd.s32 s10, s2;
	s10 =	simm.s32 $0xE;
	s12 =	smul.u32 $0x2710, s6  }
0xd: {  	s5 =	sshrl.u32 s5, $0x3;
	s6 =	smul.u32 $0x4E2, s6;
	[dreg:$0x5] =	wrdreg s7  }
0xe: {  	s0 =	sadd.s32 s5, s0;
	s5 =	ssub.s32 s31, s11;
	s11 =	sshll.u32 s13, $0x6  }
0xf: {  	s31 =	sadd.s32 s3, s8;
	s3 =	sadd.s32 s3, s9;
	s13 =	simm.s32 $0x400  }
0x10: {  	s12 =	sshrl.u32 s12, $0x3;
	s15 =	sor.u32 $0x1C11, s11;
	s16 =	sadd.s32 s8, s6  }
0x11: {  	s6 =	sadd.s32 s9, s6;
	s0 =	sadd.s32 $0x18000, s0;
	[dreg:$0x7] =	wrdreg s16  }
0x12: {  	s5 =	smax.u32 s5, $0x1;
	s11 =	simm.s32 $0xC;
	[dreg:$0x8] =	wrdreg s6  }
0x13: {  	s14 =	sadd.s32 $0xA, s12;
	s19 =	sadd.s32 $0x14, s12;
	[dreg:$0x11] =	wrdreg s0  }
0x14: {  	s20 =	sadd.s32 $0x1E, s12;
	s24 =	sadd.s32 $0x4D8, s12;
	[dreg:$0x12] =	wrdreg s5  }
0x15: {  	s0 =	simm.s32 $0x50;
	[dreg:$0x6] =	wrdreg s15;
	s17 =	sadd.s32 s8, s14  }
0x16: {  	s5 =	simm.s32 $0x9;
	s18 =	sadd.s32 s9, s14;
	[dreg:$0x9] =	wrdreg s17  }
0x17: {  	s12 =	simm.s32 $0xF;
	s21 =	sadd.s32 s8, s19;
	[dreg:$0xa] =	wrdreg s18  }
0x18: {  	s6 =	sadd.s32 s9, s19;
	s22 =	sadd.s32 s8, s20;
	[dreg:$0xb] =	wrdreg s21  }
0x19: {  	s23 =	sadd.s32 s9, s20;
	s25 =	sadd.s32 s8, s24;
	[dreg:$0xc] =	wrdreg s6  }
.Ltmp0:
0x1a: {  	s20 =	sadd.s32 s26, s31;
	[dreg:$0xd] =	wrdreg s22;
	(pc) =	sbr.rel .LBB2_1-.Ltmp0, $4  }
0x1b: {  	s8 =	simm.s32 $0x8000;
	s14 =	simm.s32 $0x0;
	[dreg:$0xe] =	wrdreg s23  }
0x1c: {  	[dreg:$0xf] =	wrdreg s25;
	s6 =	sadd.s32 s9, s24;
	s21 =	sadd.s32 s26, s3  }
0x1d: {  	s22 =	simm.s32 $0x11;
	s3 =	simm.s32 $0x800;
	s25 =	simm.s32 $0x2  }
0x1e: {  	s9 =	simm.s32 $0xB;
	[dreg:$0x10] =	wrdreg s6;
	s6 =	simm.s32 $0x4  }
.LBB2_4:
0x1f: {  	_ =	swait.ge [sflag:s11], $0x2800  }
0x20: {  	[sflag:s11] =	ssyncset.done $0x0  }
0x21: {  	[sflag:s11] =	ssyncadd.s32 $0xFFFFD800  }
0x22: {  	[spmem:s2] =	stream.indirect.scatter.add.f32 [tilespmem:s8], [sflag:$0x10], $0x80, s18, s0, $0xb8;
	[tilespmem:$0x1E400] =	vst v63  }
0x23: {  	_ =	swait.ge [sflag:s12], $0x2800  }
0x24: {  	[sflag:s12] =	ssyncset.done $0x0  }
0x25: {  	s7 =	simm.s32 $0x10;
	[sflag:s12] =	ssyncadd.s32 $0xFFFFD800  }
0x26: {  	_ =	swait.ge [sflag:s7], $0x2800  }
0x27: {  	[sflag:s7] =	ssyncset.done $0x0  }
0x28: {  	s23 =	rddreg [dreg:$0xf];
	[sflag:s7] =	ssyncadd.s32 $0xFFFFD800  }
0x29: {  	[tilespmem:s4], [sflag:$0x11] =	stream.linear.gather [hbm4b:s23+s4], $0x50, $0x38;
	[tilespmem:$0x1E400] =	vst v63  }
0x2a: {  	_ =	swait.ge [sflag:s22], $0x50  }
0x2b: {  	[sflag:s22] =	ssyncset.done $0x0  }
0x2c: {  	s13 =	simm.s32 $0x400;
	s24 =	rddreg [dreg:$0x10];
	[sflag:s22] =	ssyncadd.s32 $0xFFFFFFB0  }
0x2d: {  	[tilespmem:s13], [sflag:$0x11] =	stream.linear.gather [hbm4b:s24+s4], $0x50, $0x38;
	[tilespmem:$0x1E400] =	vst v63  }
0x2e: {  	_ =	swait.ge [sflag:s22], $0x50  }
0x2f: {  	[sflag:s22] =	ssyncset.done $0x0  }
0x30: {  	[sflag:s22] =	ssyncadd.s32 $0xFFFFFFB0  }
0x31: {  	[tilespmem:s3], [sflag:$0x9] =	stream.indirect.gather [hbm4b:s1+s0], $0x80, s4, s0, $0xb8;
	[tilespmem:$0x1E400] =	vst v63  }
0x32: {  	_ =	swait.ge [sflag:s5], $0x2800  }
0x33: {  	[sflag:s5] =	ssyncset.done $0x0  }
0x34: {  	[sflag:s5] =	ssyncadd.s32 $0xFFFFD800  }
0x35: {  	[spmem:s2] =	stream.indirect.scatter.add.f32 [tilespmem:s3], [sflag:$0x11], $0x80, s13, s0, $0xb8;
	[tilespmem:$0x1E400] =	vst v63  }
0x36: {  	_ =	swait.ge [sflag:s22], $0x2800  }
0x37: {  	[sflag:s22] =	ssyncset.done $0x0  }
0x38: {  	[sflag:s22] =	ssyncadd.s32 $0xFFFFD800  }
0x39: {  	[bflag:$0x0] =	sbarrier.arrive $0xFFFF  }
0x3a: {  	s15 =	rddreg [dreg:$0x6]  }
0x3b: {  	s26 =	rddreg [dreg:$0x11]  }
0x3c: {  	s16 =	rddreg [dreg:$0x13]  }
0x3d: {  	[hbm:s26], [sflag:s15] =	dma.local [spmem:s16], $0x2780  }
0x3e: {  	_ =	swait.ge [sflag:s22], $0x2780  }
0x3f: {  	s14 =	sadd.s32 $0x1, s14;
	s31 =	rddreg [dreg:$0x12]  }
0x40: {  	p0 =	sne.s32 s14, s31  }
.Ltmp1:
0x41: {  	_ = 	snop;
	(pc) =	sbr.rel @!p0 .LBB2_5-.Ltmp1, $3  }
0x42: {  	_ =	sdelay $0x1  }
0x43: {  	[sflag:s22] =	ssyncset.done $0x0  }
0x44: {  	[sflag:s22] =	ssyncadd.s32 $0xFFFFD880  }
.LBB2_1:
0x45: {  	s7 =	rddreg [dreg:$0x5]  }
0x46: {  	s18 =	rddreg [dreg:$0x4];
	s16 =	sshrl.u32 s7, $0x3  }
0x47: {  	[dreg:$0x13] =	wrdreg s16  }
0x48: {  	[spmem:s16], [sflag:s15] =	dma.local [hbm:s18], $0x2780  }
0x49: {  	_ =	swait.ge [sflag:s22], $0x2780  }
0x4a: {  	[sflag:s22] =	ssyncset.done $0x0  }
0x4b: {  	s19 =	rddreg [dreg:$0x7];
	[sflag:s22] =	ssyncadd.s32 $0xFFFFD880  }
0x4c: {  	[tilespmem:s4], [sflag:$0x1] =	stream.linear.gather [hbm4b:s19+s4], $0x50, $0x38;
	[tilespmem:$0x1E400] =	vst v63  }
0x4d: {  	s23 =	rddreg [dreg:$0x8]  }
0x4e: {  	[tilespmem:s13], [sflag:$0x1] =	stream.linear.gather [hbm4b:s23+s4], $0x50, $0x38;
	[tilespmem:$0x1E400] =	vst v63  }
0x4f: {  	s24 =	rddreg [dreg:$0x9];
	s13 =	simm.s32 $0x80  }
0x50: {  	[tilespmem:s13], [sflag:$0x2] =	stream.linear.gather [hbm4b:s24+s4], $0x50, $0x38;
	[tilespmem:$0x1E400] =	vst v63  }
0x51: {  	s31 =	simm.s32 $0x480;
	s26 =	rddreg [dreg:$0xa]  }
0x52: {  	[tilespmem:s31], [sflag:$0x2] =	stream.linear.gather [hbm4b:s26+s4], $0x50, $0x38;
	[tilespmem:$0x1E400] =	vst v63  }
0x53: {  	s15 =	simm.s32 $0x100;
	s16 =	rddreg [dreg:$0xb]  }
0x54: {  	[tilespmem:s15], [sflag:$0x3] =	stream.linear.gather [hbm4b:s16+s4], $0x50, $0x38;
	[tilespmem:$0x1E400] =	vst v63  }
0x55: {  	s18 =	simm.s32 $0x500;
	s17 =	rddreg [dreg:$0xc]  }
0x56: {  	[tilespmem:s18], [sflag:$0x3] =	stream.linear.gather [hbm4b:s17+s4], $0x50, $0x38;
	[tilespmem:$0x1E400] =	vst v63  }
0x57: {  	s19 =	rddreg [dreg:$0xd];
	s23 =	simm.s32 $0x180  }
0x58: {  	[tilespmem:s23], [sflag:$0x4] =	stream.linear.gather [hbm4b:s19+s4], $0x50, $0x38;
	[tilespmem:$0x1E400] =	vst v63  }
0x59: {  	s24 =	rddreg [dreg:$0xe];
	s26 =	simm.s32 $0x580;
	s31 =	simm.s32 $0x1  }
0x5a: {  	[tilespmem:s26], [sflag:$0x4] =	stream.linear.gather [hbm4b:s24+s4], $0x50, $0x38;
	[tilespmem:$0x1E400] =	vst v63  }
0x5b: {  	_ =	swait.ge [sflag:s31], $0x50  }
0x5c: {  	[sflag:s31] =	ssyncset.done $0x0  }
0x5d: {  	[sflag:s31] =	ssyncadd.s32 $0xFFFFFFB0  }
0x5e: {  	_ =	swait.ge [sflag:s31], $0x50  }
0x5f: {  	[sflag:s31] =	ssyncset.done $0x0  }
0x60: {  	[sflag:s31] =	ssyncadd.s32 $0xFFFFFFB0  }
0x61: {  	[tilespmem:s3], [sflag:$0x9] =	stream.indirect.gather [hbm4b:s1+s0], $0x80, s4, s0, $0xb8;
	[tilespmem:$0x1E400] =	vst v63  }
0x62: {  	_ =	swait.ge [sflag:s25], $0x50  }
0x63: {  	[sflag:s25] =	ssyncset.done $0x0  }
0x64: {  	[sflag:s25] =	ssyncadd.s32 $0xFFFFFFB0  }
0x65: {  	_ =	swait.ge [sflag:s25], $0x50  }
0x66: {  	[sflag:s25] =	ssyncset.done $0x0  }
0x67: {  	[sflag:s25] =	ssyncadd.s32 $0xFFFFFFB0  }
0x68: {  	[tilespmem:s28], [sflag:$0xA] =	stream.indirect.gather [hbm4b:s1+s0], $0x80, s13, s0, $0xb8;
	[tilespmem:$0x1E400] =	vst v63  }
0x69: {  	_ =	swait.ge [sflag:s29], $0x50  }
0x6a: {  	[sflag:s29] =	ssyncset.done $0x0  }
0x6b: {  	[sflag:s29] =	ssyncadd.s32 $0xFFFFFFB0  }
0x6c: {  	_ =	swait.ge [sflag:s29], $0x50  }
0x6d: {  	[sflag:s29] =	ssyncset.done $0x0  }
0x6e: {  	[sflag:s29] =	ssyncadd.s32 $0xFFFFFFB0  }
0x6f: {  	[tilespmem:s30], [sflag:$0xB] =	stream.indirect.gather [hbm4b:s1+s0], $0x80, s15, s0, $0xb8;
	[tilespmem:$0x1E400] =	vst v63  }
0x70: {  	s16 =	simm.s32 $0x0;
	s17 =	simm.s32 $0x0;
	[bflag:$0x0] =	sbarrier.arrive $0xFFFF  }
.LBB2_2:
0x71: {  	_ =	swait.ge [sflag:s5], $0x2800  }
0x72: {  	s18 =	sand.u32 $0x200, s17;
	[sflag:s5] =	ssyncset.done $0x0  }
0x73: {  	p0 =	seq.s32 s16, $0x0;
	s19 =	sor.u32 $0x400, s18;
	[sflag:s5] =	ssyncadd.s32 $0xFFFFD800  }
0x74: {  	[spmem:s2] =	stream.indirect.scatter.add.f32 [tilespmem:s3], [sflag:$0xD], $0x80, s19, s0, $0xb8;
	[tilespmem:$0x1E400] =	vst v63  }
0x75: {  	s19 =	simm.s32 @!p0 $0x10  }
0x76: {  	_ =	swait.ge @!p0 [sflag:s19], $0x2800  }
0x77: {  	[sflag:s19] =	ssyncset.done @!p0 $0x0  }
0x78: {  	[sflag:s19] =	ssyncadd.s32 @!p0 $0xFFFFD800  }
0x79: {  	_ =	swait.ge [sflag:s6], $0x50  }
0x7a: {  	[sflag:s6] =	ssyncset.done $0x0  }
0x7b: {  	[sflag:s6] =	ssyncadd.s32 $0xFFFFFFB0  }
0x7c: {  	_ =	swait.ge [sflag:s6], $0x50  }
0x7d: {  	p0 =	seq.s32 s16, $0x4B0;
	[sflag:s6] =	ssyncset.done $0x0  }
0x7e: {  	s24 =	sor.u32 $0x180, s18;
	s19 =	simm.s32 @p0 $0xA;
	[sflag:s6] =	ssyncadd.s32 $0xFFFFFFB0  }
0x7f: {  	[tilespmem:s8], [sflag:$0xC] =	stream.indirect.gather [hbm4b:s1+s0], $0x80, s24, s0, $0xb8;
	[tilespmem:$0x1E400] =	vst v63  }
0x80: {  	_ =	swait.ge @p0 [sflag:s19], $0x2800  }
0x81: {  	s26 =	simm.s32 @p0 $0x50;
	[sflag:s19] =	ssyncset.done @p0 $0x0  }
0x82: {  	s23 =	simm.s32 @p0 $0x3000;
	[sflag:s19] =	ssyncadd.s32 @p0 $0xFFFFD800;
	s19 =	sadd.s32 @p0 $0x480, s18  }
0x83: {  	[spmem:s2] =	stream.indirect.scatter.add.f32 @p0 [tilespmem:s23], [sflag:$0xE], $0x80, s19, s26, $0xb8;
	[tilespmem:$0x1E400] =	vst v63  }
0x84: {  	s19 =	simm.s32 @p0 $0xD  }
0x85: {  	_ =	swait.ge @p0 [sflag:s19], $0x2800  }
0x86: {  	[sflag:s19] =	ssyncset.done @p0 $0x0  }
0x87: {  	s23 =	sadd.s32 @!p0 s16, s20;
	[sflag:s19] =	ssyncadd.s32 @p0 $0xFFFFD800;
	s19 =	sxor.u32 @!p0 $0xFFFFFFFF, s17  }
0x88: {  	s13 =	simm.s32 @!p0 $0x0;
	s26 =	sadd.s32 @!p0 $0x28, s23;
	s19 =	sand.u32 @!p0 $0x200, s19  }
0x89: {  	[tilespmem:s19], [sflag:$0x1] =	stream.linear.gather @!p0 [hbm4b:s26+s13], $0x50, $0x38;
	[tilespmem:$0x1E400] =	vst v63  }
0x8a: {  	s26 =	sadd.s32 @!p0 s16, s21  }
0x8b: {  	s7 =	sor.u32 @!p0 $0x400, s19;
	s31 =	sadd.s32 @!p0 $0x28, s26  }
0x8c: {  	[tilespmem:s7], [sflag:$0x1] =	stream.linear.gather @!p0 [hbm4b:s31+s13], $0x50, $0x38;
	[tilespmem:$0x1E400] =	vst v63  }
0x8d: {  	s7 =	simm.s32 @!p0 $0xA  }
0x8e: {  	_ =	swait.ge @!p0 [sflag:s7], $0x2800  }
0x8f: {  	s15 =	simm.s32 @!p0 $0x3000;
	[sflag:s7] =	ssyncset.done @!p0 $0x0  }
0x90: {  	s31 =	simm.s32 @!p0 $0x50;
	[sflag:s7] =	ssyncadd.s32 @!p0 $0xFFFFD800;
	s7 =	sadd.s32 @!p0 $0x480, s18  }
0x91: {  	[spmem:s2] =	stream.indirect.scatter.add.f32 @!p0 [tilespmem:s15], [sflag:$0xE], $0x80, s7, s31, $0xb8;
	[tilespmem:$0x1E400] =	vst v63  }
0x92: {  	s7 =	simm.s32 @!p0 $0xD  }
0x93: {  	_ =	swait.ge @!p0 [sflag:s7], $0x2800  }
0x94: {  	[sflag:s7] =	ssyncset.done @!p0 $0x0  }
0x95: {  	[sflag:s7] =	ssyncadd.s32 @!p0 $0xFFFFD800;
	s7 =	simm.s32 @!p0 $0x1  }
0x96: {  	_ =	swait.ge @!p0 [sflag:s7], $0x50  }
0x97: {  	[sflag:s7] =	ssyncset.done @!p0 $0x0  }
0x98: {  	[sflag:s7] =	ssyncadd.s32 @!p0 $0xFFFFFFB0  }
0x99: {  	_ =	swait.ge @!p0 [sflag:s7], $0x50  }
0x9a: {  	[sflag:s7] =	ssyncset.done @!p0 $0x0  }
0x9b: {  	[sflag:s7] =	ssyncadd.s32 @!p0 $0xFFFFFFB0;
	s7 =	simm.s32 @!p0 $0x800  }
0x9c: {  	[tilespmem:s7], [sflag:$0x9] =	stream.indirect.gather @!p0 [hbm4b:s1+s31], $0x80, s19, s31, $0xb8;
	[tilespmem:$0x1E400] =	vst v63  }
0x9d: {  	s7 =	sadd.s32 @!p0 $0x280, s17  }
0x9e: {  	s19 =	sand.u32 @!p0 $0x280, s7;
	s7 =	sadd.s32 @!p0 $0x32, s23  }
0x9f: {  	[tilespmem:s19], [sflag:$0x2] =	stream.linear.gather @!p0 [hbm4b:s7+s13], $0x50, $0x38;
	[tilespmem:$0x1E400] =	vst v63  }
0xa0: {  	s15 =	sadd.s32 @!p0 $0x32, s26;
	s7 =	sor.u32 @!p0 $0x400, s19  }
0xa1: {  	[tilespmem:s7], [sflag:$0x2] =	stream.linear.gather @!p0 [hbm4b:s15+s13], $0x50, $0x38;
	[tilespmem:$0x1E400] =	vst v63  }
0xa2: {  	_ =	swait.ge [sflag:s9], $0x2800  }
0xa3: {  	[sflag:s9] =	ssyncset.done $0x0  }
.Ltmp2:
0xa4: {  	s31 =	sadd.s32 $0x500, s18;
	[sflag:s9] =	ssyncadd.s32 $0xFFFFD800;
	(pc) =	sbr.rel @p0 .LBB2_4-.Ltmp2, $4  }
0xa5: {  	[spmem:s2] =	stream.indirect.scatter.add.f32 [tilespmem:s30], [sflag:$0xF], $0x80, s31, s0, $0xb8;
	[tilespmem:$0x1E400] =	vst v63  }
0xa6: {  	_ =	swait.ge [sflag:s10], $0x2800  }
0xa7: {  	[sflag:s10] =	ssyncset.done $0x0  }
0xa8: {  	s18 =	sor.u32 $0x400, s24;
	[sflag:s10] =	ssyncadd.s32 $0xFFFFD800  }
0xa9: {  	_ =	swait.ge [sflag:s25], $0x50  }
0xaa: {  	[sflag:s25] =	ssyncset.done $0x0  }
0xab: {  	[sflag:s25] =	ssyncadd.s32 $0xFFFFFFB0  }
0xac: {  	_ =	swait.ge [sflag:s25], $0x50  }
0xad: {  	s19 =	simm.s32 @p0 $0x280;
	[sflag:s25] =	ssyncset.done $0x0  }
0xae: {  	s7 =	sadd.s32 $0x300, s17;
	s13 =	sadd.s32 s16, s20;
	[sflag:s25] =	ssyncadd.s32 $0xFFFFFFB0  }
0xaf: {  	[tilespmem:s28], [sflag:$0xA] =	stream.indirect.gather [hbm4b:s1+s0], $0x80, s19, s0, $0xb8;
	[tilespmem:$0x1E400] =	vst v63  }
0xb0: {  	s31 =	sadd.s32 s16, s21;
	s7 =	sand.u32 $0x300, s7;
	s15 =	sadd.s32 $0x3C, s13  }
0xb1: {  	[tilespmem:s7], [sflag:$0x3] =	stream.linear.gather [hbm4b:s15+s4], $0x50, $0x38;
	[tilespmem:$0x1E400] =	vst v63  }
0xb2: {  	s23 =	sadd.s32 $0x3C, s31;
	s24 =	sor.u32 $0x400, s7  }
0xb3: {  	[tilespmem:s24], [sflag:$0x3] =	stream.linear.gather [hbm4b:s23+s4], $0x50, $0x38;
	[tilespmem:$0x1E400] =	vst v63  }
0xb4: {  	_ =	swait.ge [sflag:s11], $0x2800  }
0xb5: {  	[sflag:s11] =	ssyncset.done $0x0  }
0xb6: {  	[sflag:s11] =	ssyncadd.s32 $0xFFFFD800  }
0xb7: {  	[spmem:s2] =	stream.indirect.scatter.add.f32 [tilespmem:s8], [sflag:$0x10], $0x80, s18, s0, $0xb8;
	[tilespmem:$0x1E400] =	vst v63  }
0xb8: {  	_ =	swait.ge [sflag:s12], $0x2800  }
0xb9: {  	[sflag:s12] =	ssyncset.done $0x0  }
0xba: {  	[sflag:s12] =	ssyncadd.s32 $0xFFFFD800  }
0xbb: {  	_ =	swait.ge [sflag:s29], $0x50  }
0xbc: {  	[sflag:s29] =	ssyncset.done $0x0  }
0xbd: {  	[sflag:s29] =	ssyncadd.s32 $0xFFFFFFB0  }
0xbe: {  	_ =	swait.ge [sflag:s29], $0x50  }
0xbf: {  	[sflag:s29] =	ssyncset.done $0x0  }
0xc0: {  	[sflag:s29] =	ssyncadd.s32 $0xFFFFFFB0  }
0xc1: {  	[tilespmem:s30], [sflag:$0xB] =	stream.indirect.gather [hbm4b:s1+s0], $0x80, s7, s0, $0xb8;
	[tilespmem:$0x1E400] =	vst v63  }
.Ltmp3:
0xc2: {  	s26 =	sadd.s32 $0x380, s17;
	(pc) =	sbr.rel .LBB2_2-.Ltmp3, $4  }
0xc3: {  	s17 =	sadd.s32 $0x200, s17;
	s13 =	sadd.s32 $0x46, s13;
	s7 =	sand.u32 $0x380, s26  }
0xc4: {  	[tilespmem:s7], [sflag:$0x4] =	stream.linear.gather [hbm4b:s13+s4], $0x50, $0x38;
	[tilespmem:$0x1E400] =	vst v63  }
0xc5: {  	s16 =	sadd.s32 $0x28, s16;
	s31 =	sadd.s32 $0x46, s31;
	s7 =	sor.u32 $0x400, s7  }
0xc6: {  	[tilespmem:s7], [sflag:$0x4] =	stream.linear.gather [hbm4b:s31+s4], $0x50, $0x38;
	[tilespmem:$0x1E400] =	vst v63  }
.LBB2_5:
0xc7: {  	_ =	sfence.sel $0x180000  }
0xc8: {  	[bflag:$0x0] =	sbarrier.arrive $0xFFFF  }
0xc9: {  	_ =	strace $0x9000004A  }
0xca: {  	s0 =	stileid.u32;
	[bflag:$0x2] =	sbarrier.arrive $0xFFFF  }
0xcb: {  	p0 =	sne.s32 s0, $0x0;
	s0 =	rddreg [dreg:$0x3]  }
0xcc: {  	s0 =	sadd.s32 @!p0 $0x100000, s0  }
0xcd: {  	[sflag:s0] =	ssyncadd.tile.s32 @!p0 $0x1;
	_ =	shalt  }
.Lfunc_end2:
_tile_overlayer_lowered:
.L_overlay_start_2:
0xce: {  	(tag) =	ssettag $0x2  }
0xcf: {  	s0 =	rddreg [dreg:$0x0];
	s2 =	stileid.u32  }
0xd0: {  	s1 =	rddreg [dreg:$0x1];
	p0 =	sne.s32 s2, $0x0  }
0xd1: {  	s3 =	rddreg [dreg:$0x2];
	[bflag:$0x3] =	sbarrier.arrive $0xFFFF;
	s2 =	simm.s32 @!p0 $0x1C11  }
0xd2: {  	[timem:s3], [sflag:s2] =	dma.local @!p0 [hbm:s0], s1  }
0xd3: {  	s0 =	simm.s32 @!p0 $0x11  }
0xd4: {  	_ =	swait.ge @!p0 [sflag:s0], s1  }
0xd5: {  	s1 =	ssub.s32 @!p0 $0x0, s1;
	[sflag:s0] =	ssyncset.done @!p0 $0x0  }
0xd6: {  	[sflag:s0] =	ssyncadd.s32 @!p0 s1  }
0xd7: {  	[bflag:$0x3] =	sbarrier.arrive $0xFFFF  }
0xd8: {  	_ =	shalt  }

// kernel: kernel.16.cloned.1.call-start
scs
__scs_entry_jumppad:
0x0: {  	(pc) =	sbr.rel $0x88, $3  }
0x1: {  	(tag) =	ssettag $0x0;
	lr =	simm.s32 $0x1  }
0x2: {  	[smem:$0x3F9B] =	sst lr;
	_ =	strace $0xD0000000  }
0x3: {  	_ = 	snop  }
0x4: {  	_ = 	snop  }
0x5: {  	_ = 	snop  }
0x6: {  	_ = 	snop  }
0x7: {  	_ = 	snop  }
__scs_overlays_trampoline_lowered:
0x8: {  	[smem:$0x3FAA] =	sst s0  }
0x9: {  	[smem:$0x3FAB] =	sst s1  }
0xa: {  	[smem:$0x3FAC] =	sst s2  }
0xb: {  	[smem:$0x3FAD] =	sst s3  }
0xc: {  	[smem:$0x3FAE] =	sst s4  }
0xd: {  	[smem:$0x3FAF] =	sst s5  }
0xe: {  	[smem:$0x3FB0] =	sst s6  }
0xf: {  	[smem:$0x3FB1] =	sst s7  }
0x10: {  	[smem:$0x3FB2] =	sst s8  }
0x11: {  	[smem:$0x3FB3] =	sst s9;
	s0 =	simm.s32 @!p0 $0x0  }
0x12: {  	s1 =	sld [smem:$0x3F99];
	s0 =	simm.s32 @p0 $0x1  }
0x13: {  	[smem:$0x3FB4] =	sst s0;
	s0 =	simm.s32 @!p1 $0x0  }
0x14: {  	s2 =	sld [smem:$0x3F98];
	s0 =	simm.s32 @p1 $0x1  }
0x15: {  	[smem:$0x3FB5] =	sst s0;
	s0 =	simm.s32 @!p2 $0x0  }
0x16: {  	s3 =	sld [smem:$0x3FDB];
	s0 =	simm.s32 @p2 $0x1  }
0x17: {  	s4 =	simm.s32 $0x1BF5;
	[smem:$0x3FB7] =	sst s0  }
0x18: {  	s0 =	sld [smem:$0x3F9A];
	_ =	swait.ge [sflag:s4], $0x0  }
0x19: {  	s7 =	sld [smem:$0x3F9B]  }
0x1a: {  	s8 =	sadd.s32 $0xFFFFE003, lr  }
0x1b: {  	s9 =	sadd.s32 $0xFFFFFEF7, lr;
	s5 =	simm.s32 $0xFFFFFFFF;
	p2 =	slt.u32 s8, $0xFFFFF086  }
0x1c: {  	p1 =	slt.u32 s9, $0xF7A;
	s5 =	simm.s32 @!p2 $0x0  }
0x1d: {  	s5 =	simm.s32 @p1 $0x1;
	p0 =	seq.s32 s7, s2  }
0x1e: {  	s7 =	smul.u32 @!p0 $0xF7A, s2;
	p2 =	seq.s32 @!p0 s5, $0x0  }
0x1f: {  	s9 =	smul.u32 $0xF7A, s1;
	s8 =	simm.s32 @!p0 $0x1BF5;
	p2 =	por !p2, p0  }
0x20: {  	[sflag:s8] =	ssyncset.s32 @!p0 $0xFFFFF086;
	s6 =	sadd.s32 @!p0 s3, s7;
	s7 =	simm.s32 @!p0 $0x108  }
0x21: {  	s3 =	sadd.s32 s3, s9;
	s6 =	sadd.s32 @!p0 $0x88, s6;
	s7 =	simm.s32 @p2 $0x1082  }
0x22: {  	[simem:s7], [sflag:s8] =	dma.local @!p0 [hbm:s6], $0xF7A  }
0x23: {  	s9 =	sor.u32 $0xD0000000, s2;
	s6 =	simm.s32 $0x108;
	_ =	swait.ge @!p0 [sflag:s8], $0x0  }
0x24: {  	s3 =	sadd.s32 $0x88, s3;
	s6 =	simm.s32 @!p1 $0x1082;
	[sflag:s4] =	ssyncset.s32 $0xFFFFF086  }
0x25: {  	[simem:s6], [sflag:s4] =	dma.local [hbm:s3], $0xF7A  }
0x26: {  	[smem:$0x3F9B] =	sst s1;
	(tag) =	ssettag s2;
	_ =	strace s9  }
0x27: {  	s1 =	sld [smem:$0x3FAB]  }
0x28: {  	s2 =	sld [smem:$0x3FAC]  }
0x29: {  	s4 =	sld [smem:$0x3FAE]  }
0x2a: {  	p0 =	seq.s32 s5, $0x0;
	s5 =	sld [smem:$0x3FAF]  }
0x2b: {  	s6 =	sld [smem:$0x3FB0]  }
0x2c: {  	s7 =	sld [smem:$0x3FB1]  }
0x2d: {  	s3 =	simm.s32 $0x108;
	s8 =	sld [smem:$0x3FB2]  }
0x2e: {  	s3 =	simm.s32 @!p0 $0x1082;
	s9 =	sld [smem:$0x3FB3]  }
0x2f: {  	lr =	sadd.s32 s0, s3;
	s0 =	sld [smem:$0x3FAA]  }
0x30: {  	s3 =	sld [smem:$0x3FAD]  }
0x31: {  	[smem:$0x3FB6] =	sst s10  }
0x32: {  	s10 =	sld [smem:$0x3FB4];
	_ =	sdelay $0x3  }
0x33: {  	p0 =	seq.s32 s10, $0x1;
	s10 =	sld [smem:$0x3FB6];
	_ =	sdelay $0x3  }
0x34: {  	[smem:$0x3FB6] =	sst s10  }
0x35: {  	s10 =	sld [smem:$0x3FB5];
	_ =	sdelay $0x3  }
0x36: {  	p1 =	seq.s32 s10, $0x1;
	s10 =	sld [smem:$0x3FB6];
	_ =	sdelay $0x3  }
0x37: {  	[smem:$0x3FB6] =	sst s10  }
0x38: {  	s10 =	sld [smem:$0x3FB7]  }
0x39: {  	_ = 	snop;
	(pc) =	sbr.ind lr, $3  }
0x3a: {  	_ = 	snop  }
0x3b: {  	_ = 	snop  }
0x3c: {  	p2 =	seq.s32 s10, $0x1;
	s10 =	sld [smem:$0x3FB6]  }
0x3d: {  	_ =	shalt  }
0x3e: {  	_ =	shalt  }
0x3f: {  	_ =	shalt  }
0x40: {  	_ =	shalt  }
0x41: {  	_ =	shalt  }
0x42: {  	_ =	shalt  }
0x43: {  	_ =	shalt  }
0x44: {  	_ =	shalt  }
0x45: {  	_ =	shalt  }
0x46: {  	_ =	shalt  }
0x47: {  	_ =	shalt  }
0x48: {  	_ =	shalt  }
0x49: {  	_ =	shalt  }
0x4a: {  	_ =	shalt  }
0x4b: {  	_ =	shalt  }
0x4c: {  	_ =	shalt  }
0x4d: {  	_ =	shalt  }
0x4e: {  	_ =	shalt  }
0x4f: {  	_ =	shalt  }
0x50: {  	_ =	shalt  }
0x51: {  	_ =	shalt  }
0x52: {  	_ =	shalt  }
0x53: {  	_ =	shalt  }
0x54: {  	_ =	shalt  }
0x55: {  	_ =	shalt  }
0x56: {  	_ =	shalt  }
0x57: {  	_ =	shalt  }
0x58: {  	_ =	shalt  }
0x59: {  	_ =	shalt  }
0x5a: {  	_ =	shalt  }
0x5b: {  	_ =	shalt  }
0x5c: {  	_ =	shalt  }
0x5d: {  	_ =	shalt  }
0x5e: {  	_ =	shalt  }
0x5f: {  	_ =	shalt  }
0x60: {  	_ =	shalt  }
0x61: {  	_ =	shalt  }
0x62: {  	_ =	shalt  }
0x63: {  	_ =	shalt  }
0x64: {  	_ =	shalt  }
0x65: {  	_ =	shalt  }
0x66: {  	_ =	shalt  }
0x67: {  	_ =	shalt  }
0x68: {  	_ =	shalt  }
0x69: {  	_ =	shalt  }
0x6a: {  	_ =	shalt  }
0x6b: {  	_ =	shalt  }
0x6c: {  	_ =	shalt  }
0x6d: {  	_ =	shalt  }
0x6e: {  	_ =	shalt  }
0x6f: {  	_ =	shalt  }
0x70: {  	_ =	shalt  }
0x71: {  	_ =	shalt  }
0x72: {  	_ =	shalt  }
0x73: {  	_ =	shalt  }
0x74: {  	_ =	shalt  }
0x75: {  	_ =	shalt  }
0x76: {  	_ =	shalt  }
0x77: {  	_ =	shalt  }
0x78: {  	_ =	shalt  }
0x79: {  	_ =	shalt  }
0x7a: {  	_ =	shalt  }
0x7b: {  	_ =	shalt  }
0x7c: {  	_ =	shalt  }
0x7d: {  	_ =	shalt  }
0x7e: {  	_ =	shalt  }
0x7f: {  	_ =	shalt  }
0x80: {  	_ =	shalt  }
0x81: {  	_ =	shalt  }
0x82: {  	_ =	shalt  }
0x83: {  	_ =	shalt  }
0x84: {  	_ =	shalt  }
0x85: {  	_ =	shalt  }
0x86: {  	_ =	shalt  }
0x87: {  	_ =	shalt  }
.Lfunc_end0:
.L_simem_size_0:
called_computation.2_lowered:
.L_overlay_start_0:
0x88: {  	s2 =	sld [smem:$0x3FD9]  }
0x89: {  	s3 =	sld [smem:$0x3FFE];
	_ =	sdelay $0x1  }
0x8a: {  	s1 =	srdreg.scid  }
0x8b: {  	s0 =	sand.u32 $0x1, s1  }
0x8c: {  	s17 =	sshll.u32 s0, $0xA;
	s2 =	sadd.s32 s3, s2  }
0x8d: {  	s2 =	sadd.s32 s2, s17  }
0x8e: {  	[smem:$0x3FC2] =	sst s2  }
0x8f: {  	_ = 	snop  }
0x90: {  	s2 =	sld [smem:$0x3FD0];
	(tm) =	ssettm $0x1  }
0x91: {  	s18 =	sld [smem:$0x3FFB];
	_ =	sdelay $0x3  }
0x92: {  	_ =	strace s18  }
0x93: {  	s3 =	sld [smem:$0x3FFC];
	_ =	sdelay $0x3  }
0x94: {  	_ =	strace s3  }
0x95: {  	s3 =	sld [smem:$0x3FFD];
	_ =	sdelay $0x3  }
0x96: {  	_ =	strace s3  }
0x97: {  	_ =	strace $0x8FFFFFFF  }
0x98: {  	s19 =	sld [smem:$0x3FDB];
	_ =	sdelay $0x1  }
0x99: {  	s4 =	simm.s32 $_scs_section_size  }
0x9a: {  	s5 =	simm.s32 $_size__tile_overlayer_lowered;
	s6 =	simm.s32 $_tile_overlayer_lowered  }
0x9b: {  	s22 =	simm.s32 $0x1BFF;
	s21 =	sshll.u32 s6, $0x1;
	s3 =	sadd.s32 s4, s19  }
0x9c: {  	s7 =	simm.s32 $0x0;
	s20 =	sshll.u32 s5, $0x1;
	s5 =	sadd.s32 s21, s3  }
0x9d: {  	[timem:s7], [sflag:s22] =	dma.local [hbm:s5], s20  }
0x9e: {  	_ =	swait.ge [sflag:s22], s20  }
0x9f: {  	s4 =	ssub.s32 $0x0, s20;
	[sflag:s22] =	ssyncset.done $0x0  }
0xa0: {  	[sflag:s22] =	ssyncadd.s32 s4;
	_ =	sdelay $0x1  }
0xa1: {  	s23 =	simm.s32 $0x1B8B  }
0xa2: {  	_ =	swait.ge [sflag:s23], $0x1  }
0xa3: {  	[sflag:s23] =	ssyncset.done $0x0  }
0xa4: {  	s25 =	simm.s32 $0x1B8E;
	s24 =	sld [smem:$0x3FFE];
	[sflag:s23] =	ssyncadd.s32 $0xFFFFFFFF  }
0xa5: {  	s26 =	simm.s32 $execute0_lowered;
	[smem:$0x3FD2] =	sst s25  }
0xa6: {  	s5 =	sshll.u32 s26, $0x1;
	_ =	strace $0x8000004C;
	[dreg:$0x1] =	wrdreg $0xFFFFFFFF  }
0xa7: {  	s28 =	simm.s32 $_size_execute0_lowered;
	s3 =	sadd.s32 s3, s5;
	[dreg:$0x0] =	wrdreg $0x0  }
0xa8: {  	s5 =	sshll.u32 s28, $0x1;
	[dreg:$0x2] =	wrdreg s3  }
0xa9: {  	[dreg:$0x3] =	wrdreg s5  }
0xaa: {  	[dreg:$0x4] =	wrdreg $0xC0  }
0xab: {  	_ =	task [dreg:s7], $0x5FFFF  }
0xac: {  	[dreg:$0x1] =	wrdreg $0xFFFFFFFF  }
0xad: {  	[dreg:$0x0] =	wrdreg $0x60  }
0xae: {  	[dreg:$0x2] =	wrdreg s2  }
0xaf: {  	[dreg:$0x3] =	wrdreg s24  }
0xb0: {  	[dreg:$0x4] =	wrdreg $0xA8000  }
0xb1: {  	[dreg:$0x5] =	wrdreg $0x9  }
0xb2: {  	_ =	task.clear_ibuf [dreg:s7], $0x6FFFF;
	_ =	strace $0x9000004C  }
0xb3: {  	s29 =	simm.s32 $0x9;
	_ =	strace $0x8000004E  }
0xb4: {  	_ =	swait.ge [sflag:s29], $0x1  }
0xb5: {  	[sflag:s29] =	ssyncadd.s32 $0xFFFFFFFF  }
0xb6: {  	_ =	strace $0x9000004E  }
0xb7: {  	_ =	sfence  }
0xb8: {  	s30 =	sld [smem:$0x0];
	_ =	sdelay $0x2  }
0xb9: {  	s31 =	sshll.u32 s1, $0xD;
	s1 =	sshrl.u32 s1, $0x2  }
0xba: {  	s3 =	sand.u32 $0x4000, s31;
	s1 =	sadd.s32 s1, s30  }
0xbb: {  	s0 =	sor.u32 s3, s0;
	s1 =	sshll.u32 s1, $0x11  }
0xbc: {  	s0 =	sor.u32 s1, s0  }
0xbd: {  	s0 =	sadd.s32 $0x8F2B, s0  }
0xbe: {  	[sflag:s0] =	ssyncadd.remote.s32 $0x1  }
0xbf: {  	_ =	sfence.sel $0xFFFF  }
0xc0: {  	[dreg:$0x0] =	wrdreg $0xFFFFFFFF;
	(pc) =	sbr.abs _section_cstart, $3  }
0xc1: {  	[dreg:$0x1] =	wrdreg $0xFFFFFFFF  }
0xc2: {  	_ =	task.clear_ibuf [dreg:s7], $0x2FFFF;
	_ =	strace $0x9FFFFFFF  }
0xc3: {  	(tm) =	ssettm $0x7FFFFFFF  }
tec
execute0_lowered:
.L_overlay_start_1:
0x0: {  	(tag) =	ssettag $0x1  }
0x1: {  	s1 =	rddreg [dreg:$0x0]  }
0x2: {  	s0 =	rddreg [dreg:$0x1]  }
0x3: {  	s2 =	rddreg [dreg:$0x2]  }
0x4: {  	s3 =	srdreg.scid;
	s4 =	simm.s32 $0x0;
	s13 =	stileid.u32  }
0x5: {  	s28 =	simm.s32 $0x3000;
	s29 =	simm.s32 $0x3;
	s30 =	simm.s32 $0x5800  }
0x6: {  	s3 =	sand.u32 $0x1, s3;
	[smem:$0x7FF] =	sst s4;
	s6 =	smul.u32 $0x13C00, s13  }
0x7: {  	s8 =	sadd.s32 $0xBA00, s0;
	s9 =	sadd.s32 $0x1C00, s0;
	s10 =	smul.u32 $0x4F000, s13  }
0x8: {  	s7 =	sadd.s32 $0x15800, s0;
	s5 =	smul.u32 $0x13C000, s3;
	_ =	strace $0x8000004D  }
0x9: {  	[dreg:$0x4] =	wrdreg s7;
	s26 =	sshll.u32 s3, $0x4;
	s31 =	ssub.s32 $0x2, s3  }
0xa: {  	s3 =	smul.u32 $0x4E20, s3;
	s11 =	sshrl.u32 s31, $0x1;
	s10 =	sshrl.u32 s10, $0x2  }
0xb: {  	s5 =	sadd.s32 s6, s5;
	s6 =	sor.u32 s13, s26;
	s26 =	smul.u32 $0x4E2, s13  }
0xc: {  	s7 =	sadd.s32 s10, s2;
	s10 =	simm.s32 $0xE;
	s12 =	smul.u32 $0x2710, s6  }
0xd: {  	s5 =	sshrl.u32 s5, $0x3;
	s6 =	smul.u32 $0x4E2, s6;
	[dreg:$0x5] =	wrdreg s7  }
0xe: {  	s0 =	sadd.s32 s5, s0;
	s5 =	ssub.s32 s31, s11;
	s11 =	sshll.u32 s13, $0x6  }
0xf: {  	s31 =	sadd.s32 s3, s8;
	s3 =	sadd.s32 s3, s9;
	s13 =	simm.s32 $0x400  }
0x10: {  	s12 =	sshrl.u32 s12, $0x3;
	s15 =	sor.u32 $0x1C11, s11;
	s16 =	sadd.s32 s8, s6  }
0x11: {  	s6 =	sadd.s32 s9, s6;
	s0 =	sadd.s32 $0x18000, s0;
	[dreg:$0x7] =	wrdreg s16  }
0x12: {  	s5 =	smax.u32 s5, $0x1;
	s11 =	simm.s32 $0xC;
	[dreg:$0x8] =	wrdreg s6  }
0x13: {  	s14 =	sadd.s32 $0xA, s12;
	s19 =	sadd.s32 $0x14, s12;
	[dreg:$0x11] =	wrdreg s0  }
0x14: {  	s20 =	sadd.s32 $0x1E, s12;
	s24 =	sadd.s32 $0x4D8, s12;
	[dreg:$0x12] =	wrdreg s5  }
0x15: {  	s0 =	simm.s32 $0x50;
	[dreg:$0x6] =	wrdreg s15;
	s17 =	sadd.s32 s8, s14  }
0x16: {  	s5 =	simm.s32 $0x9;
	s18 =	sadd.s32 s9, s14;
	[dreg:$0x9] =	wrdreg s17  }
0x17: {  	s12 =	simm.s32 $0xF;
	s21 =	sadd.s32 s8, s19;
	[dreg:$0xa] =	wrdreg s18  }
0x18: {  	s6 =	sadd.s32 s9, s19;
	s22 =	sadd.s32 s8, s20;
	[dreg:$0xb] =	wrdreg s21  }
0x19: {  	s23 =	sadd.s32 s9, s20;
	s25 =	sadd.s32 s8, s24;
	[dreg:$0xc] =	wrdreg s6  }
.Ltmp0:
0x1a: {  	s20 =	sadd.s32 s26, s31;
	[dreg:$0xd] =	wrdreg s22;
	(pc) =	sbr.rel .LBB2_1-.Ltmp0, $4  }
0x1b: {  	s8 =	simm.s32 $0x8000;
	s14 =	simm.s32 $0x0;
	[dreg:$0xe] =	wrdreg s23  }
0x1c: {  	[dreg:$0xf] =	wrdreg s25;
	s6 =	sadd.s32 s9, s24;
	s21 =	sadd.s32 s26, s3  }
0x1d: {  	s22 =	simm.s32 $0x11;
	s3 =	simm.s32 $0x800;
	s25 =	simm.s32 $0x2  }
0x1e: {  	s9 =	simm.s32 $0xB;
	[dreg:$0x10] =	wrdreg s6;
	s6 =	simm.s32 $0x4  }
.LBB2_4:
0x1f: {  	_ =	swait.ge [sflag:s11], $0x2800  }
0x20: {  	[sflag:s11] =	ssyncset.done $0x0  }
0x21: {  	[sflag:s11] =	ssyncadd.s32 $0xFFFFD800  }
0x22: {  	[spmem:s2] =	stream.indirect.scatter.add.f32 [tilespmem:s8], [sflag:$0x10], $0x80, s18, s0, $0xb8;
	[tilespmem:$0x1E400] =	vst v63  }
0x23: {  	_ =	swait.ge [sflag:s12], $0x2800  }
0x24: {  	[sflag:s12] =	ssyncset.done $0x0  }
0x25: {  	s7 =	simm.s32 $0x10;
	[sflag:s12] =	ssyncadd.s32 $0xFFFFD800  }
0x26: {  	_ =	swait.ge [sflag:s7], $0x2800  }
0x27: {  	[sflag:s7] =	ssyncset.done $0x0  }
0x28: {  	s23 =	rddreg [dreg:$0xf];
	[sflag:s7] =	ssyncadd.s32 $0xFFFFD800  }
0x29: {  	[tilespmem:s4], [sflag:$0x11] =	stream.linear.gather [hbm4b:s23+s4], $0x50, $0x38;
	[tilespmem:$0x1E400] =	vst v63  }
0x2a: {  	_ =	swait.ge [sflag:s22], $0x50  }
0x2b: {  	[sflag:s22] =	ssyncset.done $0x0  }
0x2c: {  	s13 =	simm.s32 $0x400;
	s24 =	rddreg [dreg:$0x10];
	[sflag:s22] =	ssyncadd.s32 $0xFFFFFFB0  }
0x2d: {  	[tilespmem:s13], [sflag:$0x11] =	stream.linear.gather [hbm4b:s24+s4], $0x50, $0x38;
	[tilespmem:$0x1E400] =	vst v63  }
0x2e: {  	_ =	swait.ge [sflag:s22], $0x50  }
0x2f: {  	[sflag:s22] =	ssyncset.done $0x0  }
0x30: {  	[sflag:s22] =	ssyncadd.s32 $0xFFFFFFB0  }
0x31: {  	[tilespmem:s3], [sflag:$0x9] =	stream.indirect.gather [hbm4b:s1+s0], $0x80, s4, s0, $0xb8;
	[tilespmem:$0x1E400] =	vst v63  }
0x32: {  	_ =	swait.ge [sflag:s5], $0x2800  }
0x33: {  	[sflag:s5] =	ssyncset.done $0x0  }
0x34: {  	[sflag:s5] =	ssyncadd.s32 $0xFFFFD800  }
0x35: {  	[spmem:s2] =	stream.indirect.scatter.add.f32 [tilespmem:s3], [sflag:$0x11], $0x80, s13, s0, $0xb8;
	[tilespmem:$0x1E400] =	vst v63  }
0x36: {  	_ =	swait.ge [sflag:s22], $0x2800  }
0x37: {  	[sflag:s22] =	ssyncset.done $0x0  }
0x38: {  	[sflag:s22] =	ssyncadd.s32 $0xFFFFD800  }
0x39: {  	[bflag:$0x0] =	sbarrier.arrive $0xFFFF  }
0x3a: {  	s15 =	rddreg [dreg:$0x6]  }
0x3b: {  	s26 =	rddreg [dreg:$0x11]  }
0x3c: {  	s16 =	rddreg [dreg:$0x13]  }
0x3d: {  	[hbm:s26], [sflag:s15] =	dma.local [spmem:s16], $0x2780  }
0x3e: {  	_ =	swait.ge [sflag:s22], $0x2780  }
0x3f: {  	s14 =	sadd.s32 $0x1, s14;
	s31 =	rddreg [dreg:$0x12]  }
0x40: {  	p0 =	sne.s32 s14, s31  }
.Ltmp1:
0x41: {  	_ = 	snop;
	(pc) =	sbr.rel @!p0 .LBB2_5-.Ltmp1, $3  }
0x42: {  	_ =	sdelay $0x1  }
0x43: {  	[sflag:s22] =	ssyncset.done $0x0  }
0x44: {  	[sflag:s22] =	ssyncadd.s32 $0xFFFFD880  }
.LBB2_1:
0x45: {  	s7 =	rddreg [dreg:$0x5]  }
0x46: {  	s18 =	rddreg [dreg:$0x4];
	s16 =	sshrl.u32 s7, $0x3  }
0x47: {  	[dreg:$0x13] =	wrdreg s16  }
0x48: {  	[spmem:s16], [sflag:s15] =	dma.local [hbm:s18], $0x2780  }
0x49: {  	_ =	swait.ge [sflag:s22], $0x2780  }
0x4a: {  	[sflag:s22] =	ssyncset.done $0x0  }
0x4b: {  	s19 =	rddreg [dreg:$0x7];
	[sflag:s22] =	ssyncadd.s32 $0xFFFFD880  }
0x4c: {  	[tilespmem:s4], [sflag:$0x1] =	stream.linear.gather [hbm4b:s19+s4], $0x50, $0x38;
	[tilespmem:$0x1E400] =	vst v63  }
0x4d: {  	s23 =	rddreg [dreg:$0x8]  }
0x4e: {  	[tilespmem:s13], [sflag:$0x1] =	stream.linear.gather [hbm4b:s23+s4], $0x50, $0x38;
	[tilespmem:$0x1E400] =	vst v63  }
0x4f: {  	s24 =	rddreg [dreg:$0x9];
	s13 =	simm.s32 $0x80  }
0x50: {  	[tilespmem:s13], [sflag:$0x2] =	stream.linear.gather [hbm4b:s24+s4], $0x50, $0x38;
	[tilespmem:$0x1E400] =	vst v63  }
0x51: {  	s31 =	simm.s32 $0x480;
	s26 =	rddreg [dreg:$0xa]  }
0x52: {  	[tilespmem:s31], [sflag:$0x2] =	stream.linear.gather [hbm4b:s26+s4], $0x50, $0x38;
	[tilespmem:$0x1E400] =	vst v63  }
0x53: {  	s15 =	simm.s32 $0x100;
	s16 =	rddreg [dreg:$0xb]  }
0x54: {  	[tilespmem:s15], [sflag:$0x3] =	stream.linear.gather [hbm4b:s16+s4], $0x50, $0x38;
	[tilespmem:$0x1E400] =	vst v63  }
0x55: {  	s18 =	simm.s32 $0x500;
	s17 =	rddreg [dreg:$0xc]  }
0x56: {  	[tilespmem:s18], [sflag:$0x3] =	stream.linear.gather [hbm4b:s17+s4], $0x50, $0x38;
	[tilespmem:$0x1E400] =	vst v63  }
0x57: {  	s19 =	rddreg [dreg:$0xd];
	s23 =	simm.s32 $0x180  }
0x58: {  	[tilespmem:s23], [sflag:$0x4] =	stream.linear.gather [hbm4b:s19+s4], $0x50, $0x38;
	[tilespmem:$0x1E400] =	vst v63  }
0x59: {  	s24 =	rddreg [dreg:$0xe];
	s26 =	simm.s32 $0x580;
	s31 =	simm.s32 $0x1  }
0x5a: {  	[tilespmem:s26], [sflag:$0x4] =	stream.linear.gather [hbm4b:s24+s4], $0x50, $0x38;
	[tilespmem:$0x1E400] =	vst v63  }
0x5b: {  	_ =	swait.ge [sflag:s31], $0x50  }
0x5c: {  	[sflag:s31] =	ssyncset.done $0x0  }
0x5d: {  	[sflag:s31] =	ssyncadd.s32 $0xFFFFFFB0  }
0x5e: {  	_ =	swait.ge [sflag:s31], $0x50  }
0x5f: {  	[sflag:s31] =	ssyncset.done $0x0  }
0x60: {  	[sflag:s31] =	ssyncadd.s32 $0xFFFFFFB0  }
0x61: {  	[tilespmem:s3], [sflag:$0x9] =	stream.indirect.gather [hbm4b:s1+s0], $0x80, s4, s0, $0xb8;
	[tilespmem:$0x1E400] =	vst v63  }
0x62: {  	_ =	swait.ge [sflag:s25], $0x50  }
0x63: {  	[sflag:s25] =	ssyncset.done $0x0  }
0x64: {  	[sflag:s25] =	ssyncadd.s32 $0xFFFFFFB0  }
0x65: {  	_ =	swait.ge [sflag:s25], $0x50  }
0x66: {  	[sflag:s25] =	ssyncset.done $0x0  }
0x67: {  	[sflag:s25] =	ssyncadd.s32 $0xFFFFFFB0  }
0x68: {  	[tilespmem:s28], [sflag:$0xA] =	stream.indirect.gather [hbm4b:s1+s0], $0x80, s13, s0, $0xb8;
	[tilespmem:$0x1E400] =	vst v63  }
0x69: {  	_ =	swait.ge [sflag:s29], $0x50  }
0x6a: {  	[sflag:s29] =	ssyncset.done $0x0  }
0x6b: {  	[sflag:s29] =	ssyncadd.s32 $0xFFFFFFB0  }
0x6c: {  	_ =	swait.ge [sflag:s29], $0x50  }
0x6d: {  	[sflag:s29] =	ssyncset.done $0x0  }
0x6e: {  	[sflag:s29] =	ssyncadd.s32 $0xFFFFFFB0  }
0x6f: {  	[tilespmem:s30], [sflag:$0xB] =	stream.indirect.gather [hbm4b:s1+s0], $0x80, s15, s0, $0xb8;
	[tilespmem:$0x1E400] =	vst v63  }
0x70: {  	s16 =	simm.s32 $0x0;
	s17 =	simm.s32 $0x0;
	[bflag:$0x0] =	sbarrier.arrive $0xFFFF  }
.LBB2_2:
0x71: {  	_ =	swait.ge [sflag:s5], $0x2800  }
0x72: {  	s18 =	sand.u32 $0x200, s17;
	[sflag:s5] =	ssyncset.done $0x0  }
0x73: {  	p0 =	seq.s32 s16, $0x0;
	s19 =	sor.u32 $0x400, s18;
	[sflag:s5] =	ssyncadd.s32 $0xFFFFD800  }
0x74: {  	[spmem:s2] =	stream.indirect.scatter.add.f32 [tilespmem:s3], [sflag:$0xD], $0x80, s19, s0, $0xb8;
	[tilespmem:$0x1E400] =	vst v63  }
0x75: {  	s19 =	simm.s32 @!p0 $0x10  }
0x76: {  	_ =	swait.ge @!p0 [sflag:s19], $0x2800  }
0x77: {  	[sflag:s19] =	ssyncset.done @!p0 $0x0  }
0x78: {  	[sflag:s19] =	ssyncadd.s32 @!p0 $0xFFFFD800  }
0x79: {  	_ =	swait.ge [sflag:s6], $0x50  }
0x7a: {  	[sflag:s6] =	ssyncset.done $0x0  }
0x7b: {  	[sflag:s6] =	ssyncadd.s32 $0xFFFFFFB0  }
0x7c: {  	_ =	swait.ge [sflag:s6], $0x50  }
0x7d: {  	p0 =	seq.s32 s16, $0x4B0;
	[sflag:s6] =	ssyncset.done $0x0  }
0x7e: {  	s24 =	sor.u32 $0x180, s18;
	s19 =	simm.s32 @p0 $0xA;
	[sflag:s6] =	ssyncadd.s32 $0xFFFFFFB0  }
0x7f: {  	[tilespmem:s8], [sflag:$0xC] =	stream.indirect.gather [hbm4b:s1+s0], $0x80, s24, s0, $0xb8;
	[tilespmem:$0x1E400] =	vst v63  }
0x80: {  	_ =	swait.ge @p0 [sflag:s19], $0x2800  }
0x81: {  	s26 =	simm.s32 @p0 $0x50;
	[sflag:s19] =	ssyncset.done @p0 $0x0  }
0x82: {  	s23 =	simm.s32 @p0 $0x3000;
	[sflag:s19] =	ssyncadd.s32 @p0 $0xFFFFD800;
	s19 =	sadd.s32 @p0 $0x480, s18  }
0x83: {  	[spmem:s2] =	stream.indirect.scatter.add.f32 @p0 [tilespmem:s23], [sflag:$0xE], $0x80, s19, s26, $0xb8;
	[tilespmem:$0x1E400] =	vst v63  }
0x84: {  	s19 =	simm.s32 @p0 $0xD  }
0x85: {  	_ =	swait.ge @p0 [sflag:s19], $0x2800  }
0x86: {  	[sflag:s19] =	ssyncset.done @p0 $0x0  }
0x87: {  	s23 =	sadd.s32 @!p0 s16, s20;
	[sflag:s19] =	ssyncadd.s32 @p0 $0xFFFFD800;
	s19 =	sxor.u32 @!p0 $0xFFFFFFFF, s17  }
0x88: {  	s13 =	simm.s32 @!p0 $0x0;
	s26 =	sadd.s32 @!p0 $0x28, s23;
	s19 =	sand.u32 @!p0 $0x200, s19  }
0x89: {  	[tilespmem:s19], [sflag:$0x1] =	stream.linear.gather @!p0 [hbm4b:s26+s13], $0x50, $0x38;
	[tilespmem:$0x1E400] =	vst v63  }
0x8a: {  	s26 =	sadd.s32 @!p0 s16, s21  }
0x8b: {  	s7 =	sor.u32 @!p0 $0x400, s19;
	s31 =	sadd.s32 @!p0 $0x28, s26  }
0x8c: {  	[tilespmem:s7], [sflag:$0x1] =	stream.linear.gather @!p0 [hbm4b:s31+s13], $0x50, $0x38;
	[tilespmem:$0x1E400] =	vst v63  }
0x8d: {  	s7 =	simm.s32 @!p0 $0xA  }
0x8e: {  	_ =	swait.ge @!p0 [sflag:s7], $0x2800  }
0x8f: {  	s15 =	simm.s32 @!p0 $0x3000;
	[sflag:s7] =	ssyncset.done @!p0 $0x0  }
0x90: {  	s31 =	simm.s32 @!p0 $0x50;
	[sflag:s7] =	ssyncadd.s32 @!p0 $0xFFFFD800;
	s7 =	sadd.s32 @!p0 $0x480, s18  }
0x91: {  	[spmem:s2] =	stream.indirect.scatter.add.f32 @!p0 [tilespmem:s15], [sflag:$0xE], $0x80, s7, s31, $0xb8;
	[tilespmem:$0x1E400] =	vst v63  }
0x92: {  	s7 =	simm.s32 @!p0 $0xD  }
0x93: {  	_ =	swait.ge @!p0 [sflag:s7], $0x2800  }
0x94: {  	[sflag:s7] =	ssyncset.done @!p0 $0x0  }
0x95: {  	[sflag:s7] =	ssyncadd.s32 @!p0 $0xFFFFD800;
	s7 =	simm.s32 @!p0 $0x1  }
0x96: {  	_ =	swait.ge @!p0 [sflag:s7], $0x50  }
0x97: {  	[sflag:s7] =	ssyncset.done @!p0 $0x0  }
0x98: {  	[sflag:s7] =	ssyncadd.s32 @!p0 $0xFFFFFFB0  }
0x99: {  	_ =	swait.ge @!p0 [sflag:s7], $0x50  }
0x9a: {  	[sflag:s7] =	ssyncset.done @!p0 $0x0  }
0x9b: {  	[sflag:s7] =	ssyncadd.s32 @!p0 $0xFFFFFFB0;
	s7 =	simm.s32 @!p0 $0x800  }
0x9c: {  	[tilespmem:s7], [sflag:$0x9] =	stream.indirect.gather @!p0 [hbm4b:s1+s31], $0x80, s19, s31, $0xb8;
	[tilespmem:$0x1E400] =	vst v63  }
0x9d: {  	s7 =	sadd.s32 @!p0 $0x280, s17  }
0x9e: {  	s19 =	sand.u32 @!p0 $0x280, s7;
	s7 =	sadd.s32 @!p0 $0x32, s23  }
0x9f: {  	[tilespmem:s19], [sflag:$0x2] =	stream.linear.gather @!p0 [hbm4b:s7+s13], $0x50, $0x38;
	[tilespmem:$0x1E400] =	vst v63  }
0xa0: {  	s15 =	sadd.s32 @!p0 $0x32, s26;
	s7 =	sor.u32 @!p0 $0x400, s19  }
0xa1: {  	[tilespmem:s7], [sflag:$0x2] =	stream.linear.gather @!p0 [hbm4b:s15+s13], $0x50, $0x38;
	[tilespmem:$0x1E400] =	vst v63  }
0xa2: {  	_ =	swait.ge [sflag:s9], $0x2800  }
0xa3: {  	[sflag:s9] =	ssyncset.done $0x0  }
.Ltmp2:
0xa4: {  	s31 =	sadd.s32 $0x500, s18;
	[sflag:s9] =	ssyncadd.s32 $0xFFFFD800;
	(pc) =	sbr.rel @p0 .LBB2_4-.Ltmp2, $4  }
0xa5: {  	[spmem:s2] =	stream.indirect.scatter.add.f32 [tilespmem:s30], [sflag:$0xF], $0x80, s31, s0, $0xb8;
	[tilespmem:$0x1E400] =	vst v63  }
0xa6: {  	_ =	swait.ge [sflag:s10], $0x2800  }
0xa7: {  	[sflag:s10] =	ssyncset.done $0x0  }
0xa8: {  	s18 =	sor.u32 $0x400, s24;
	[sflag:s10] =	ssyncadd.s32 $0xFFFFD800  }
0xa9: {  	_ =	swait.ge [sflag:s25], $0x50  }
0xaa: {  	[sflag:s25] =	ssyncset.done $0x0  }
0xab: {  	[sflag:s25] =	ssyncadd.s32 $0xFFFFFFB0  }
0xac: {  	_ =	swait.ge [sflag:s25], $0x50  }
0xad: {  	s19 =	simm.s32 @p0 $0x280;
	[sflag:s25] =	ssyncset.done $0x0  }
0xae: {  	s7 =	sadd.s32 $0x300, s17;
	s13 =	sadd.s32 s16, s20;
	[sflag:s25] =	ssyncadd.s32 $0xFFFFFFB0  }
0xaf: {  	[tilespmem:s28], [sflag:$0xA] =	stream.indirect.gather [hbm4b:s1+s0], $0x80, s19, s0, $0xb8;
	[tilespmem:$0x1E400] =	vst v63  }
0xb0: {  	s31 =	sadd.s32 s16, s21;
	s7 =	sand.u32 $0x300, s7;
	s15 =	sadd.s32 $0x3C, s13  }
0xb1: {  	[tilespmem:s7], [sflag:$0x3] =	stream.linear.gather [hbm4b:s15+s4], $0x50, $0x38;
	[tilespmem:$0x1E400] =	vst v63  }
0xb2: {  	s23 =	sadd.s32 $0x3C, s31;
	s24 =	sor.u32 $0x400, s7  }
0xb3: {  	[tilespmem:s24], [sflag:$0x3] =	stream.linear.gather [hbm4b:s23+s4], $0x50, $0x38;
	[tilespmem:$0x1E400] =	vst v63  }
0xb4: {  	_ =	swait.ge [sflag:s11], $0x2800  }
0xb5: {  	[sflag:s11] =	ssyncset.done $0x0  }
0xb6: {  	[sflag:s11] =	ssyncadd.s32 $0xFFFFD800  }
0xb7: {  	[spmem:s2] =	stream.indirect.scatter.add.f32 [tilespmem:s8], [sflag:$0x10], $0x80, s18, s0, $0xb8;
	[tilespmem:$0x1E400] =	vst v63  }
0xb8: {  	_ =	swait.ge [sflag:s12], $0x2800  }
0xb9: {  	[sflag:s12] =	ssyncset.done $0x0  }
0xba: {  	[sflag:s12] =	ssyncadd.s32 $0xFFFFD800  }
0xbb: {  	_ =	swait.ge [sflag:s29], $0x50  }
0xbc: {  	[sflag:s29] =	ssyncset.done $0x0  }
0xbd: {  	[sflag:s29] =	ssyncadd.s32 $0xFFFFFFB0  }
0xbe: {  	_ =	swait.ge [sflag:s29], $0x50  }
0xbf: {  	[sflag:s29] =	ssyncset.done $0x0  }
0xc0: {  	[sflag:s29] =	ssyncadd.s32 $0xFFFFFFB0  }
0xc1: {  	[tilespmem:s30], [sflag:$0xB] =	stream.indirect.gather [hbm4b:s1+s0], $0x80, s7, s0, $0xb8;
	[tilespmem:$0x1E400] =	vst v63  }
.Ltmp3:
0xc2: {  	s26 =	sadd.s32 $0x380, s17;
	(pc) =	sbr.rel .LBB2_2-.Ltmp3, $4  }
0xc3: {  	s17 =	sadd.s32 $0x200, s17;
	s13 =	sadd.s32 $0x46, s13;
	s7 =	sand.u32 $0x380, s26  }
0xc4: {  	[tilespmem:s7], [sflag:$0x4] =	stream.linear.gather [hbm4b:s13+s4], $0x50, $0x38;
	[tilespmem:$0x1E400] =	vst v63  }
0xc5: {  	s16 =	sadd.s32 $0x28, s16;
	s31 =	sadd.s32 $0x46, s31;
	s7 =	sor.u32 $0x400, s7  }
0xc6: {  	[tilespmem:s7], [sflag:$0x4] =	stream.linear.gather [hbm4b:s31+s4], $0x50, $0x38;
	[tilespmem:$0x1E400] =	vst v63  }
.LBB2_5:
0xc7: {  	_ =	sfence.sel $0x180000  }
0xc8: {  	[bflag:$0x0] =	sbarrier.arrive $0xFFFF  }
0xc9: {  	_ =	strace $0x9000004D  }
0xca: {  	s0 =	stileid.u32;
	[bflag:$0x2] =	sbarrier.arrive $0xFFFF  }
0xcb: {  	p0 =	sne.s32 s0, $0x0;
	s0 =	rddreg [dreg:$0x3]  }
0xcc: {  	s0 =	sadd.s32 @!p0 $0x100000, s0  }
0xcd: {  	[sflag:s0] =	ssyncadd.tile.s32 @!p0 $0x1;
	_ =	shalt  }
.Lfunc_end2:
_tile_overlayer_lowered:
.L_overlay_start_2:
0xce: {  	(tag) =	ssettag $0x2  }
0xcf: {  	s0 =	rddreg [dreg:$0x0];
	s2 =	stileid.u32  }
0xd0: {  	s1 =	rddreg [dreg:$0x1];
	p0 =	sne.s32 s2, $0x0  }
0xd1: {  	s3 =	rddreg [dreg:$0x2];
	[bflag:$0x3] =	sbarrier.arrive $0xFFFF;
	s2 =	simm.s32 @!p0 $0x1C11  }
0xd2: {  	[timem:s3], [sflag:s2] =	dma.local @!p0 [hbm:s0], s1  }
0xd3: {  	s0 =	simm.s32 @!p0 $0x11  }
0xd4: {  	_ =	swait.ge @!p0 [sflag:s0], s1  }
0xd5: {  	s1 =	ssub.s32 @!p0 $0x0, s1;
	[sflag:s0] =	ssyncset.done @!p0 $0x0  }
0xd6: {  	[sflag:s0] =	ssyncadd.s32 @!p0 s1  }
0xd7: {  	[bflag:$0x3] =	sbarrier.arrive $0xFFFF  }
0xd8: {  	_ =	shalt  }

</sc_bundles>
